<compile_context>
chip_gen: v7x
topology: tpu7x:2x2x1
jax: 0.10.2.dev20260603
libtpu: 0.0.44.dev20260713+nightly
codegen_flags: <defaults>
</compile_context>

<pallas_src>
import functools
import math

import jax
import jax.numpy as jnp
from jax import lax
from jax.experimental import pallas as pl
from jax.experimental.pallas import tpu as pltpu
from jax.experimental.pallas import tpu_sc as plsc

R = 4096
S = 4096
DIM = 128
N_CORR = 16384
N_NOMATCH = 1024
N_GT = 16384
N_VOX = 4096
RS = R * S

_NC = 2
_NS = 16

_CORR_PER_TILE = N_CORR // _NS
_NM_PER_TILE = N_NOMATCH // _NS
_GT_PER_TILE = N_GT // _NS
_ZCHUNK = 32768
_ZPER_TILE = RS // _NS // _ZCHUNK
_ROWS = _CORR_PER_TILE // 128


def _sc_body(rci, sci, rnm, snm, gtk, gtv, m1, m2,
             zbuf, ia, ib, fidx, kf, vbuf, ones128, nmi, nmf, nmv, sem):
    c = lax.axis_index("c")
    s = lax.axis_index("s")

    zeros16 = jnp.zeros((16,), jnp.float32)
    ones16 = jnp.ones((16,), jnp.float32)

    def _fill_z(i, _):
        zbuf[pl.ds(i * 16, 16)] = zeros16
        return 0

    lax.fori_loop(0, _ZCHUNK // 16, _fill_z, 0)
    for j in range(8):
        ones128[pl.ds(j * 16, 16)] = ones16
    for j in range(4):
        nmv[pl.ds(j * 16, 16)] = ones16

    def _zero(out):
        base = s * (RS // _NS)
        for wave in range(_ZPER_TILE // 8):
            ds = []
            for b in range(8):
                w = wave * 8 + b
                ds.append(pltpu.async_copy(
                    zbuf, out.at[pl.ds(base + w * _ZCHUNK, _ZCHUNK)], sem))
            for d in ds:
                d.wait()

    @pl.when(c == 0)
    def _():
        _zero(m1)

    @pl.when(c == 1)
    def _():
        _zero(m2)

    plsc.subcore_barrier()

    @pl.when(c == 0)
    def _():
        base = s * _CORR_PER_TILE
        pltpu.sync_copy(rci.at[pl.ds(base, _CORR_PER_TILE)], ia)
        pltpu.sync_copy(sci.at[pl.ds(base, _CORR_PER_TILE)], ib)
        for r in range(_ROWS):
            for j in range(8):
                o = r * 128 + j * 16
                fidx[r, pl.ds(j * 16, 16)] = ia[pl.ds(o, 16)] * S + ib[pl.ds(o, 16)]
        ds = [pltpu.async_copy(ones128, m1.at[fidx.at[r]], sem)
              for r in range(_ROWS)]
        for d in ds:
            d.wait()
        nbase = s * _NM_PER_TILE
        pltpu.sync_copy(rnm.at[pl.ds(nbase, _NM_PER_TILE)], nmi)
        for j in range(_NM_PER_TILE // 16):
            nmf[pl.ds(j * 16, 16)] = nmi[pl.ds(j * 16, 16)] * S
        pltpu.sync_copy(snm.at[pl.ds(nbase, _NM_PER_TILE)], nmi)
        for j in range(_NM_PER_TILE // 16):
            nmf[pl.ds(j * 16, 16)] = nmf[pl.ds(j * 16, 16)] + nmi[pl.ds(j * 16, 16)]
        pltpu.async_copy(nmv, m1.at[nmf], sem).wait()

    @pl.when(c == 1)
    def _():
        base = s * _GT_PER_TILE
        ds = []
        for r in range(_ROWS):
            ds.append(pltpu.async_copy(
                gtk.at[pl.ds(base + r * 128, 128)], kf.at[r], sem))
            ds.append(pltpu.async_copy(
                gtv.at[pl.ds(base + r * 128, 128)], vbuf.at[r], sem))
        for d in ds:
            d.wait()
        ds = [pltpu.async_copy(vbuf.at[r], m2.at[kf.at[r]], sem)
              for r in range(_ROWS)]
        for d in ds:
            d.wait()


_sc_build = functools.partial(
    pl.kernel,
    out_type=(
        jax.ShapeDtypeStruct((RS,), jnp.float32),
        jax.ShapeDtypeStruct((RS,), jnp.float32),
    ),
    mesh=plsc.VectorSubcoreMesh(
        core_axis_name="c", subcore_axis_name="s",
        num_cores=_NC, num_subcores=_NS),
    scratch_types=[
        pltpu.VMEM((_ZCHUNK,), jnp.float32),
        pltpu.VMEM((_CORR_PER_TILE,), jnp.int32),
        pltpu.VMEM((_CORR_PER_TILE,), jnp.int32),
        pltpu.VMEM((_ROWS, 128), jnp.int32),
        pltpu.VMEM((_ROWS, 128), jnp.int32),
        pltpu.VMEM((_ROWS, 128), jnp.float32),
        pltpu.VMEM((128,), jnp.float32),
        pltpu.VMEM((_NM_PER_TILE,), jnp.int32),
        pltpu.VMEM((_NM_PER_TILE,), jnp.int32),
        pltpu.VMEM((_NM_PER_TILE,), jnp.float32),
        pltpu.SemaphoreType.DMA,
    ],
)(_sc_body)


def _emb_body(vox_ref, out_ref):
    part = DIM // 6
    scale = math.log(10000.0) / (part - 1)
    x = vox_ref[:, 0:1]
    y = vox_ref[:, 1:2]
    z = vox_ref[:, 2:3]
    d = lax.broadcasted_iota(jnp.int32, (N_VOX, DIM), 1)
    g = d // part
    j = d - g * part
    freq = jnp.exp(j.astype(jnp.float32) * (-scale))
    coord = jnp.where(g < 2, x, jnp.where(g < 4, y, z))
    t = coord * freq
    val = jnp.where(g % 2 == 0, jnp.sin(t), jnp.cos(t))
    out_ref[...] = jnp.where(d < 6 * part, val, 0.0)


_emb_build = pl.pallas_call(
    _emb_body,
    out_shape=jax.ShapeDtypeStruct((N_VOX, DIM), jnp.float32),
)


def kernel(ref_corr_indices, src_corr_indices, ref_no_match_indices,
           src_no_match_indices, gt_corr, gt_corr_score, voxels):
    rci = ref_corr_indices.astype(jnp.int32)
    sci = src_corr_indices.astype(jnp.int32)
    rnm = ref_no_match_indices.astype(jnp.int32)
    snm = src_no_match_indices.astype(jnp.int32)
    rows = gt_corr[:, 0].astype(jnp.int32)
    cols = gt_corr[:, 1].astype(jnp.int32)
    score = gt_corr_score.astype(jnp.float32)

    flat = rows * S + cols
    ks, vs = lax.sort((flat, score), num_keys=1, is_stable=False)
    n = N_GT
    pos = jnp.arange(n, dtype=jnp.int32)
    is_last = jnp.concatenate([ks[1:] != ks[:-1], jnp.array([True])])
    lastpos = jnp.flip(lax.cummin(jnp.flip(jnp.where(is_last, pos, n - 1))))
    wv = vs[lastpos]

    m1, m2 = _sc_build(rci, sci, rnm, snm, ks, wv)
    emb = _emb_build(voxels.reshape(N_VOX, 3).astype(jnp.float32))
    return (m1.reshape(R, S), m2.reshape(R, S), emb.reshape(1, N_VOX, DIM))

# --- scband reference (transcript-rebuilt; emitter-appended) ---
"""Pipeline reference for scband-cordi-41008347742230 (READ-ONLY COPY).

The authoritative reference and input builder live on the scoring server;
editing this copy changes nothing except your own understanding.
"""

import jax, jax.numpy as jnp
import numpy as np
import math

R = 4096
S = 4096
DIM = 128
N_CORR = 16384
N_NOMATCH = 1024
N_GT = 16384
N_VOX = 4096


def sinusoidal_3d(voxels, dim):
    part_dim = dim // 6
    scale = math.log(10000.0) / (part_dim - 1)
    freqs = jnp.exp(jnp.arange(part_dim, dtype=jnp.float32) * -scale)
    x = voxels[:, :, 0]
    y = voxels[:, :, 1]
    z = voxels[:, :, 2]
    x_emb = x[..., None] * freqs[None, None, :]
    y_emb = y[..., None] * freqs[None, None, :]
    z_emb = z[..., None] * freqs[None, None, :]
    emb = jnp.concatenate([jnp.sin(x_emb), jnp.cos(x_emb), jnp.sin(y_emb), jnp.cos(y_emb), jnp.sin(z_emb), jnp.cos(z_emb)], axis=-1)
    pad = jnp.zeros(emb.shape[:-1] + (dim - emb.shape[-1],), dtype=emb.dtype)
    emb = jnp.concatenate([emb, pad], axis=-1)
    return emb.astype(jnp.float32)


def setup_inputs(seed: int = 0):
    key = jax.random.key(seed)
    ks = jax.random.split(key, 7)
    ref_corr_indices = jax.random.randint(ks[0], (N_CORR,), 0, R)
    src_corr_indices = jax.random.randint(ks[1], (N_CORR,), 0, S)
    ref_no_match_indices = jax.random.randint(ks[2], (N_NOMATCH,), 0, R)
    src_no_match_indices = jax.random.randint(ks[3], (N_NOMATCH,), 0, S)
    gt_corr = jax.random.randint(ks[4], (N_GT, 2), 0, R)
    gt_corr_score = jax.random.uniform(ks[5], (N_GT,), dtype=jnp.float32)
    voxels = jax.random.normal(ks[6], (1, N_VOX, 3), dtype=jnp.float32) * 10.0
    return {
        "ref_corr_indices": ref_corr_indices,
        "src_corr_indices": src_corr_indices,
        "ref_no_match_indices": ref_no_match_indices,
        "src_no_match_indices": src_no_match_indices,
        "gt_corr": gt_corr,
        "gt_corr_score": gt_corr_score,
        "voxels": voxels,
    }


def reference(ref_corr_indices, src_corr_indices, ref_no_match_indices, src_no_match_indices, gt_corr, gt_corr_score, voxels):
    # scatter-overwrite core of Cordi.downsample: build correspondence matrices
    init_corr_matrix = jnp.zeros((R, S), dtype=jnp.float32)
    init_corr_matrix = init_corr_matrix.at[ref_corr_indices, src_corr_indices].set(1.0)
    init_corr_matrix = init_corr_matrix.at[ref_no_match_indices, src_no_match_indices].set(1.0)
    gt_corr_matrix = jnp.zeros((R, S), dtype=jnp.float32)
    gt_corr_matrix = gt_corr_matrix.at[gt_corr[:, 0], gt_corr[:, 1]].set(gt_corr_score)
    # voxel positional embedding (SinusoidalPositionEmbeddings3D)
    emb = sinusoidal_3d(voxels, DIM)
    return (init_corr_matrix, gt_corr_matrix, emb)

if __name__ == "__main__":
    import jax
    _d = setup_inputs()
    print(jax.jit(kernel)(*tuple(_d.values())))

</pallas_src>

<mosaic_0001>
#map = affine_map<(d0, d1) -> (0)>
module attributes {stable_mosaic.version = 14 : i64} {
  func.func @_sc_body(%arg0: i32, %arg1: i32, %arg2: memref<16384xi32, #tpu.memory_space<hbm>>, %arg3: memref<16384xi32, #tpu.memory_space<hbm>>, %arg4: memref<1024xi32, #tpu.memory_space<hbm>>, %arg5: memref<1024xi32, #tpu.memory_space<hbm>>, %arg6: memref<16384xi32, #tpu.memory_space<hbm>>, %arg7: memref<16384xf32, #tpu.memory_space<hbm>>, %arg8: memref<16777216xf32, #tpu.memory_space<hbm>>, %arg9: memref<16777216xf32, #tpu.memory_space<hbm>>, %arg10: memref<32768xf32, #tpu.memory_space<vmem>>, %arg11: memref<1024xi32, #tpu.memory_space<vmem>>, %arg12: memref<1024xi32, #tpu.memory_space<vmem>>, %arg13: memref<8x128xi32, #tpu.memory_space<vmem>>, %arg14: memref<8x128xi32, #tpu.memory_space<vmem>>, %arg15: memref<8x128xf32, #tpu.memory_space<vmem>>, %arg16: memref<128xf32, #tpu.memory_space<vmem>>, %arg17: memref<64xi32, #tpu.memory_space<vmem>>, %arg18: memref<64xi32, #tpu.memory_space<vmem>>, %arg19: memref<64xf32, #tpu.memory_space<vmem>>, %arg20: memref<!tpu.dma_semaphore, #tpu.memory_space<semaphore_mem>>) attributes {dimension_semantics = [#tpu.dimension_semantics<core_parallel>, #tpu.dimension_semantics<subcore_parallel>], iteration_bounds = array<i64: 2, 16>, scalar_prefetch = 0 : i64, scratch_operands = 11 : i64, tpu.core_type = #tpu.core_type<sc_vector_subcore>, window_params = [{transform_indices = #map}, {transform_indices = #map}, {transform_indices = #map}, {transform_indices = #map}, {transform_indices = #map}, {transform_indices = #map}, {transform_indices = #map}, {transform_indices = #map}]} {
    %broadcast_in_dim3A = arith.constant 0.000000e+00 : f32
    %broadcast_in_dim3A_0 = vector.broadcast %broadcast_in_dim3A : f32 to vector<16xf32>
    %broadcast_in_dim3A_1 = arith.constant 1.000000e+00 : f32
    %broadcast_in_dim3A_2 = vector.broadcast %broadcast_in_dim3A_1 : f32 to vector<16xf32>
    %scan3A = arith.constant 0 : i32
    %scan3A_3 = arith.constant 0 : i32
    %scan3A_4 = arith.constant 2048 : i32
    %scan3A_5 = arith.addi %scan3A_3, %scan3A_4 : i32
    %scan3A_6 = arith.constant 1 : i32
    %scan3A_7 = scf.for %scan3A_73 = %scan3A_3 to %scan3A_5 step %scan3A_6 iter_args(%scan3A_74 = %scan3A) -> (i32)  : i32 {
      %mul3A = arith.constant 16 : i32
      %mul3A_75 = arith.muli %scan3A_73, %mul3A : i32
      %swap3A_76 = arith.index_cast %mul3A_75 : i32 to index
      %swap3A_77 = tpu.vector_load %arg10[%swap3A_76] {strides = array<i32>} : memref<32768xf32, #tpu.memory_space<vmem>>, vector<16xf32>,
      %swap3A_78 = vector.shape_cast %swap3A_77 : vector<16xf32> to vector<16xf32>
      %swap3A_79 = vector.shape_cast %broadcast_in_dim3A_0 : vector<16xf32> to vector<16xf32>
      tpu.vector_store %arg10[%swap3A_76], %swap3A_79 {strides = array<i32>} : memref<32768xf32, #tpu.memory_space<vmem>>, vector<16xf32>,
      %scan3A_80 = arith.constant 0 : i32
      scf.yield %scan3A_80 : i32
    }
    %scan3A_8 = arith.constant 2048 : i32
    %swap3A = arith.constant 0 : index
    %swap3A_9 = tpu.vector_load %arg16[%swap3A] {strides = array<i32>} : memref<128xf32, #tpu.memory_space<vmem>>, vector<16xf32>,
    %swap3A_10 = vector.shape_cast %swap3A_9 : vector<16xf32> to vector<16xf32>
    %swap3A_11 = vector.shape_cast %broadcast_in_dim3A_2 : vector<16xf32> to vector<16xf32>
    tpu.vector_store %arg16[%swap3A], %swap3A_11 {strides = array<i32>} : memref<128xf32, #tpu.memory_space<vmem>>, vector<16xf32>,
    %swap3A_12 = arith.constant 16 : index
    %swap3A_13 = tpu.vector_load %arg16[%swap3A_12] {strides = array<i32>} : memref<128xf32, #tpu.memory_space<vmem>>, vector<16xf32>,
    %swap3A_14 = vector.shape_cast %swap3A_13 : vector<16xf32> to vector<16xf32>
    %swap3A_15 = vector.shape_cast %broadcast_in_dim3A_2 : vector<16xf32> to vector<16xf32>
    tpu.vector_store %arg16[%swap3A_12], %swap3A_15 {strides = array<i32>} : memref<128xf32, #tpu.memory_space<vmem>>, vector<16xf32>,
    %swap3A_16 = arith.constant 32 : index
    %swap3A_17 = tpu.vector_load %arg16[%swap3A_16] {strides = array<i32>} : memref<128xf32, #tpu.memory_space<vmem>>, vector<16xf32>,
    %swap3A_18 = vector.shape_cast %swap3A_17 : vector<16xf32> to vector<16xf32>
    %swap3A_19 = vector.shape_cast %broadcast_in_dim3A_2 : vector<16xf32> to vector<16xf32>
    tpu.vector_store %arg16[%swap3A_16], %swap3A_19 {strides = array<i32>} : memref<128xf32, #tpu.memory_space<vmem>>, vector<16xf32>,
    %swap3A_20 = arith.constant 48 : index
    %swap3A_21 = tpu.vector_load %arg16[%swap3A_20] {strides = array<i32>} : memref<128xf32, #tpu.memory_space<vmem>>, vector<16xf32>,
    %swap3A_22 = vector.shape_cast %swap3A_21 : vector<16xf32> to vector<16xf32>
    %swap3A_23 = vector.shape_cast %broadcast_in_dim3A_2 : vector<16xf32> to vector<16xf32>
    tpu.vector_store %arg16[%swap3A_20], %swap3A_23 {strides = array<i32>} : memref<128xf32, #tpu.memory_space<vmem>>, vector<16xf32>,
    %swap3A_24 = arith.constant 64 : index
    %swap3A_25 = tpu.vector_load %arg16[%swap3A_24] {strides = array<i32>} : memref<128xf32, #tpu.memory_space<vmem>>, vector<16xf32>,
    %swap3A_26 = vector.shape_cast %swap3A_25 : vector<16xf32> to vector<16xf32>
    %swap3A_27 = vector.shape_cast %broadcast_in_dim3A_2 : vector<16xf32> to vector<16xf32>
    tpu.vector_store %arg16[%swap3A_24], %swap3A_27 {strides = array<i32>} : memref<128xf32, #tpu.memory_space<vmem>>, vector<16xf32>,
    %swap3A_28 = arith.constant 80 : index
    %swap3A_29 = tpu.vector_load %arg16[%swap3A_28] {strides = array<i32>} : memref<128xf32, #tpu.memory_space<vmem>>, vector<16xf32>,
    %swap3A_30 = vector.shape_cast %swap3A_29 : vector<16xf32> to vector<16xf32>
    %swap3A_31 = vector.shape_cast %broadcast_in_dim3A_2 : vector<16xf32> to vector<16xf32>
    tpu.vector_store %arg16[%swap3A_28], %swap3A_31 {strides = array<i32>} : memref<128xf32, #tpu.memory_space<vmem>>, vector<16xf32>,
    %swap3A_32 = arith.constant 96 : index
    %swap3A_33 = tpu.vector_load %arg16[%swap3A_32] {strides = array<i32>} : memref<128xf32, #tpu.memory_space<vmem>>, vector<16xf32>,
    %swap3A_34 = vector.shape_cast %swap3A_33 : vector<16xf32> to vector<16xf32>
    %swap3A_35 = vector.shape_cast %broadcast_in_dim3A_2 : vector<16xf32> to vector<16xf32>
    tpu.vector_store %arg16[%swap3A_32], %swap3A_35 {strides = array<i32>} : memref<128xf32, #tpu.memory_space<vmem>>, vector<16xf32>,
    %swap3A_36 = arith.constant 112 : index
    %swap3A_37 = tpu.vector_load %arg16[%swap3A_36] {strides = array<i32>} : memref<128xf32, #tpu.memory_space<vmem>>, vector<16xf32>,
    %swap3A_38 = vector.shape_cast %swap3A_37 : vector<16xf32> to vector<16xf32>
    %swap3A_39 = vector.shape_cast %broadcast_in_dim3A_2 : vector<16xf32> to vector<16xf32>
    tpu.vector_store %arg16[%swap3A_36], %swap3A_39 {strides = array<i32>} : memref<128xf32, #tpu.memory_space<vmem>>, vector<16xf32>,
    %swap3A_40 = arith.constant 0 : index
    %swap3A_41 = tpu.vector_load %arg19[%swap3A_40] {strides = array<i32>} : memref<64xf32, #tpu.memory_space<vmem>>, vector<16xf32>,
    %swap3A_42 = vector.shape_cast %swap3A_41 : vector<16xf32> to vector<16xf32>
    %swap3A_43 = vector.shape_cast %broadcast_in_dim3A_2 : vector<16xf32> to vector<16xf32>
    tpu.vector_store %arg19[%swap3A_40], %swap3A_43 {strides = array<i32>} : memref<64xf32, #tpu.memory_space<vmem>>, vector<16xf32>,
    %swap3A_44 = arith.constant 16 : index
    %swap3A_45 = tpu.vector_load %arg19[%swap3A_44] {strides = array<i32>} : memref<64xf32, #tpu.memory_space<vmem>>, vector<16xf32>,
    %swap3A_46 = vector.shape_cast %swap3A_45 : vector<16xf32> to vector<16xf32>
    %swap3A_47 = vector.shape_cast %broadcast_in_dim3A_2 : vector<16xf32> to vector<16xf32>
    tpu.vector_store %arg19[%swap3A_44], %swap3A_47 {strides = array<i32>} : memref<64xf32, #tpu.memory_space<vmem>>, vector<16xf32>,
    %swap3A_48 = arith.constant 32 : index
    %swap3A_49 = tpu.vector_load %arg19[%swap3A_48] {strides = array<i32>} : memref<64xf32, #tpu.memory_space<vmem>>, vector<16xf32>,
    %swap3A_50 = vector.shape_cast %swap3A_49 : vector<16xf32> to vector<16xf32>
    %swap3A_51 = vector.shape_cast %broadcast_in_dim3A_2 : vector<16xf32> to vector<16xf32>
    tpu.vector_store %arg19[%swap3A_48], %swap3A_51 {strides = array<i32>} : memref<64xf32, #tpu.memory_space<vmem>>, vector<16xf32>,
    %swap3A_52 = arith.constant 48 : index
    %swap3A_53 = tpu.vector_load %arg19[%swap3A_52] {strides = array<i32>} : memref<64xf32, #tpu.memory_space<vmem>>, vector<16xf32>,
    %swap3A_54 = vector.shape_cast %swap3A_53 : vector<16xf32> to vector<16xf32>
    %swap3A_55 = vector.shape_cast %broadcast_in_dim3A_2 : vector<16xf32> to vector<16xf32>
    tpu.vector_store %arg19[%swap3A_52], %swap3A_55 {strides = array<i32>} : memref<64xf32, #tpu.memory_space<vmem>>, vector<16xf32>,
    %eq3A = arith.constant 0 : i32
    %eq3A_56 = arith.cmpi eq, %arg0, %eq3A : i32
    %convert_element_type3A = arith.extui %eq3A_56 : i1 to i32
    %cond3A = arith.constant 0 : i32
    %cond3A_57 = arith.cmpi ne, %convert_element_type3A, %cond3A : i32
    scf.if %cond3A_57 {
      %mul3A = arith.constant 1048576 : i32
      %mul3A_73 = arith.muli %arg1, %mul3A : i32
      %add3A = arith.constant 0 : i32
      %add3A_74 = arith.addi %mul3A_73, %add3A : i32
      %dma_start3A = tpu.memref_slice %arg8[%add3A_74] : memref<16777216xf32, #tpu.memory_space<hbm>> -> memref<32768xf32, #tpu.memory_space<hbm>>
      %dma_start3A_75 = tpu.memref_slice %arg8[%add3A_74] : memref<16777216xf32, #tpu.memory_space<hbm>> -> memref<32768xf32, #tpu.memory_space<hbm>>
      tpu.enqueue_dma source(%arg10 : memref<32768xf32, #tpu.memory_space<vmem>>) target(%dma_start3A_75 : memref<32768xf32, #tpu.memory_space<hbm>>) target_semaphore(%arg20 : memref<!tpu.dma_semaphore, #tpu.memory_space<semaphore_mem>>)
      %add3A_76 = arith.constant 32768 : i32
      %add3A_77 = arith.addi %mul3A_73, %add3A_76 : i32
      %dma_start3A_78 = tpu.memref_slice %arg8[%add3A_77] : memref<16777216xf32, #tpu.memory_space<hbm>> -> memref<32768xf32, #tpu.memory_space<hbm>>
      %dma_start3A_79 = tpu.memref_slice %arg8[%add3A_77] : memref<16777216xf32, #tpu.memory_space<hbm>> -> memref<32768xf32, #tpu.memory_space<hbm>>
      tpu.enqueue_dma source(%arg10 : memref<32768xf32, #tpu.memory_space<vmem>>) target(%dma_start3A_79 : memref<32768xf32, #tpu.memory_space<hbm>>) target_semaphore(%arg20 : memref<!tpu.dma_semaphore, #tpu.memory_space<semaphore_mem>>)
      %add3A_80 = arith.constant 65536 : i32
      %add3A_81 = arith.addi %mul3A_73, %add3A_80 : i32
      %dma_start3A_82 = tpu.memref_slice %arg8[%add3A_81] : memref<16777216xf32, #tpu.memory_space<hbm>> -> memref<32768xf32, #tpu.memory_space<hbm>>
      %dma_start3A_83 = tpu.memref_slice %arg8[%add3A_81] : memref<16777216xf32, #tpu.memory_space<hbm>> -> memref<32768xf32, #tpu.memory_space<hbm>>
      tpu.enqueue_dma source(%arg10 : memref<32768xf32, #tpu.memory_space<vmem>>) target(%dma_start3A_83 : memref<32768xf32, #tpu.memory_space<hbm>>) target_semaphore(%arg20 : memref<!tpu.dma_semaphore, #tpu.memory_space<semaphore_mem>>)
      %add3A_84 = arith.constant 98304 : i32
      %add3A_85 = arith.addi %mul3A_73, %add3A_84 : i32
      %dma_start3A_86 = tpu.memref_slice %arg8[%add3A_85] : memref<16777216xf32, #tpu.memory_space<hbm>> -> memref<32768xf32, #tpu.memory_space<hbm>>
      %dma_start3A_87 = tpu.memref_slice %arg8[%add3A_85] : memref<16777216xf32, #tpu.memory_space<hbm>> -> memref<32768xf32, #tpu.memory_space<hbm>>
      tpu.enqueue_dma source(%arg10 : memref<32768xf32, #tpu.memory_space<vmem>>) target(%dma_start3A_87 : memref<32768xf32, #tpu.memory_space<hbm>>) target_semaphore(%arg20 : memref<!tpu.dma_semaphore, #tpu.memory_space<semaphore_mem>>)
      %add3A_88 = arith.constant 131072 : i32
      %add3A_89 = arith.addi %mul3A_73, %add3A_88 : i32
      %dma_start3A_90 = tpu.memref_slice %arg8[%add3A_89] : memref<16777216xf32, #tpu.memory_space<hbm>> -> memref<32768xf32, #tpu.memory_space<hbm>>
      %dma_start3A_91 = tpu.memref_slice %arg8[%add3A_89] : memref<16777216xf32, #tpu.memory_space<hbm>> -> memref<32768xf32, #tpu.memory_space<hbm>>
      tpu.enqueue_dma source(%arg10 : memref<32768xf32, #tpu.memory_space<vmem>>) target(%dma_start3A_91 : memref<32768xf32, #tpu.memory_space<hbm>>) target_semaphore(%arg20 : memref<!tpu.dma_semaphore, #tpu.memory_space<semaphore_mem>>)
      %add3A_92 = arith.constant 163840 : i32
      %add3A_93 = arith.addi %mul3A_73, %add3A_92 : i32
      %dma_start3A_94 = tpu.memref_slice %arg8[%add3A_93] : memref<16777216xf32, #tpu.memory_space<hbm>> -> memref<32768xf32, #tpu.memory_space<hbm>>
      %dma_start3A_95 = tpu.memref_slice %arg8[%add3A_93] : memref<16777216xf32, #tpu.memory_space<hbm>> -> memref<32768xf32, #tpu.memory_space<hbm>>
      tpu.enqueue_dma source(%arg10 : memref<32768xf32, #tpu.memory_space<vmem>>) target(%dma_start3A_95 : memref<32768xf32, #tpu.memory_space<hbm>>) target_semaphore(%arg20 : memref<!tpu.dma_semaphore, #tpu.memory_space<semaphore_mem>>)
      %add3A_96 = arith.constant 196608 : i32
      %add3A_97 = arith.addi %mul3A_73, %add3A_96 : i32
      %dma_start3A_98 = tpu.memref_slice %arg8[%add3A_97] : memref<16777216xf32, #tpu.memory_space<hbm>> -> memref<32768xf32, #tpu.memory_space<hbm>>
      %dma_start3A_99 = tpu.memref_slice %arg8[%add3A_97] : memref<16777216xf32, #tpu.memory_space<hbm>> -> memref<32768xf32, #tpu.memory_space<hbm>>
      tpu.enqueue_dma source(%arg10 : memref<32768xf32, #tpu.memory_space<vmem>>) target(%dma_start3A_99 : memref<32768xf32, #tpu.memory_space<hbm>>) target_semaphore(%arg20 : memref<!tpu.dma_semaphore, #tpu.memory_space<semaphore_mem>>)
      %add3A_100 = arith.constant 229376 : i32
      %add3A_101 = arith.addi %mul3A_73, %add3A_100 : i32
      %dma_start3A_102 = tpu.memref_slice %arg8[%add3A_101] : memref<16777216xf32, #tpu.memory_space<hbm>> -> memref<32768xf32, #tpu.memory_space<hbm>>
      %dma_start3A_103 = tpu.memref_slice %arg8[%add3A_101] : memref<16777216xf32, #tpu.memory_space<hbm>> -> memref<32768xf32, #tpu.memory_space<hbm>>
      tpu.enqueue_dma source(%arg10 : memref<32768xf32, #tpu.memory_space<vmem>>) target(%dma_start3A_103 : memref<32768xf32, #tpu.memory_space<hbm>>) target_semaphore(%arg20 : memref<!tpu.dma_semaphore, #tpu.memory_space<semaphore_mem>>)
      %dma_wait3A = tpu.memref_slice %arg8[%add3A_74] : memref<16777216xf32, #tpu.memory_space<hbm>> -> memref<32768xf32, #tpu.memory_space<hbm>>
      %dma_wait3A_104 = tpu.memref_slice %arg8[%add3A_74] : memref<16777216xf32, #tpu.memory_space<hbm>> -> memref<32768xf32, #tpu.memory_space<hbm>>
      tpu.wait_dma2 semaphore(%arg20 : memref<!tpu.dma_semaphore, #tpu.memory_space<semaphore_mem>>) src(%arg10 : memref<32768xf32, #tpu.memory_space<vmem>>) dst(%dma_wait3A_104 : memref<32768xf32, #tpu.memory_space<hbm>>)
      %dma_wait3A_105 = tpu.memref_slice %arg8[%add3A_77] : memref<16777216xf32, #tpu.memory_space<hbm>> -> memref<32768xf32, #tpu.memory_space<hbm>>
      %dma_wait3A_106 = tpu.memref_slice %arg8[%add3A_77] : memref<16777216xf32, #tpu.memory_space<hbm>> -> memref<32768xf32, #tpu.memory_space<hbm>>
      tpu.wait_dma2 semaphore(%arg20 : memref<!tpu.dma_semaphore, #tpu.memory_space<semaphore_mem>>) src(%arg10 : memref<32768xf32, #tpu.memory_space<vmem>>) dst(%dma_wait3A_106 : memref<32768xf32, #tpu.memory_space<hbm>>)
      %dma_wait3A_107 = tpu.memref_slice %arg8[%add3A_81] : memref<16777216xf32, #tpu.memory_space<hbm>> -> memref<32768xf32, #tpu.memory_space<hbm>>
      %dma_wait3A_108 = tpu.memref_slice %arg8[%add3A_81] : memref<16777216xf32, #tpu.memory_space<hbm>> -> memref<32768xf32, #tpu.memory_space<hbm>>
      tpu.wait_dma2 semaphore(%arg20 : memref<!tpu.dma_semaphore, #tpu.memory_space<semaphore_mem>>) src(%arg10 : memref<32768xf32, #tpu.memory_space<vmem>>) dst(%dma_wait3A_108 : memref<32768xf32, #tpu.memory_space<hbm>>)
      %dma_wait3A_109 = tpu.memref_slice %arg8[%add3A_85] : memref<16777216xf32, #tpu.memory_space<hbm>> -> memref<32768xf32, #tpu.memory_space<hbm>>
      %dma_wait3A_110 = tpu.memref_slice %arg8[%add3A_85] : memref<16777216xf32, #tpu.memory_space<hbm>> -> memref<32768xf32, #tpu.memory_space<hbm>>
      tpu.wait_dma2 semaphore(%arg20 : memref<!tpu.dma_semaphore, #tpu.memory_space<semaphore_mem>>) src(%arg10 : memref<32768xf32, #tpu.memory_space<vmem>>) dst(%dma_wait3A_110 : memref<32768xf32, #tpu.memory_space<hbm>>)
      %dma_wait3A_111 = tpu.memref_slice %arg8[%add3A_89] : memref<16777216xf32, #tpu.memory_space<hbm>> -> memref<32768xf32, #tpu.memory_space<hbm>>
      %dma_wait3A_112 = tpu.memref_slice %arg8[%add3A_89] : memref<16777216xf32, #tpu.memory_space<hbm>> -> memref<32768xf32, #tpu.memory_space<hbm>>
      tpu.wait_dma2 semaphore(%arg20 : memref<!tpu.dma_semaphore, #tpu.memory_space<semaphore_mem>>) src(%arg10 : memref<32768xf32, #tpu.memory_space<vmem>>) dst(%dma_wait3A_112 : memref<32768xf32, #tpu.memory_space<hbm>>)
      %dma_wait3A_113 = tpu.memref_slice %arg8[%add3A_93] : memref<16777216xf32, #tpu.memory_space<hbm>> -> memref<32768xf32, #tpu.memory_space<hbm>>
      %dma_wait3A_114 = tpu.memref_slice %arg8[%add3A_93] : memref<16777216xf32, #tpu.memory_space<hbm>> -> memref<32768xf32, #tpu.memory_space<hbm>>
      tpu.wait_dma2 semaphore(%arg20 : memref<!tpu.dma_semaphore, #tpu.memory_space<semaphore_mem>>) src(%arg10 : memref<32768xf32, #tpu.memory_space<vmem>>) dst(%dma_wait3A_114 : memref<32768xf32, #tpu.memory_space<hbm>>)
      %dma_wait3A_115 = tpu.memref_slice %arg8[%add3A_97] : memref<16777216xf32, #tpu.memory_space<hbm>> -> memref<32768xf32, #tpu.memory_space<hbm>>
      %dma_wait3A_116 = tpu.memref_slice %arg8[%add3A_97] : memref<16777216xf32, #tpu.memory_space<hbm>> -> memref<32768xf32, #tpu.memory_space<hbm>>
      tpu.wait_dma2 semaphore(%arg20 : memref<!tpu.dma_semaphore, #tpu.memory_space<semaphore_mem>>) src(%arg10 : memref<32768xf32, #tpu.memory_space<vmem>>) dst(%dma_wait3A_116 : memref<32768xf32, #tpu.memory_space<hbm>>)
      %dma_wait3A_117 = tpu.memref_slice %arg8[%add3A_101] : memref<16777216xf32, #tpu.memory_space<hbm>> -> memref<32768xf32, #tpu.memory_space<hbm>>
      %dma_wait3A_118 = tpu.memref_slice %arg8[%add3A_101] : memref<16777216xf32, #tpu.memory_space<hbm>> -> memref<32768xf32, #tpu.memory_space<hbm>>
      tpu.wait_dma2 semaphore(%arg20 : memref<!tpu.dma_semaphore, #tpu.memory_space<semaphore_mem>>) src(%arg10 : memref<32768xf32, #tpu.memory_space<vmem>>) dst(%dma_wait3A_118 : memref<32768xf32, #tpu.memory_space<hbm>>)
      %add3A_119 = arith.constant 262144 : i32
      %add3A_120 = arith.addi %mul3A_73, %add3A_119 : i32
      %dma_start3A_121 = tpu.memref_slice %arg8[%add3A_120] : memref<16777216xf32, #tpu.memory_space<hbm>> -> memref<32768xf32, #tpu.memory_space<hbm>>
      %dma_start3A_122 = tpu.memref_slice %arg8[%add3A_120] : memref<16777216xf32, #tpu.memory_space<hbm>> -> memref<32768xf32, #tpu.memory_space<hbm>>
      tpu.enqueue_dma source(%arg10 : memref<32768xf32, #tpu.memory_space<vmem>>) target(%dma_start3A_122 : memref<32768xf32, #tpu.memory_space<hbm>>) target_semaphore(%arg20 : memref<!tpu.dma_semaphore, #tpu.memory_space<semaphore_mem>>)
      %add3A_123 = arith.constant 294912 : i32
      %add3A_124 = arith.addi %mul3A_73, %add3A_123 : i32
      %dma_start3A_125 = tpu.memref_slice %arg8[%add3A_124] : memref<16777216xf32, #tpu.memory_space<hbm>> -> memref<32768xf32, #tpu.memory_space<hbm>>
      %dma_start3A_126 = tpu.memref_slice %arg8[%add3A_124] : memref<16777216xf32, #tpu.memory_space<hbm>> -> memref<32768xf32, #tpu.memory_space<hbm>>
      tpu.enqueue_dma source(%arg10 : memref<32768xf32, #tpu.memory_space<vmem>>) target(%dma_start3A_126 : memref<32768xf32, #tpu.memory_space<hbm>>) target_semaphore(%arg20 : memref<!tpu.dma_semaphore, #tpu.memory_space<semaphore_mem>>)
      %add3A_127 = arith.constant 327680 : i32
      %add3A_128 = arith.addi %mul3A_73, %add3A_127 : i32
      %dma_start3A_129 = tpu.memref_slice %arg8[%add3A_128] : memref<16777216xf32, #tpu.memory_space<hbm>> -> memref<32768xf32, #tpu.memory_space<hbm>>
      %dma_start3A_130 = tpu.memref_slice %arg8[%add3A_128] : memref<16777216xf32, #tpu.memory_space<hbm>> -> memref<32768xf32, #tpu.memory_space<hbm>>
      tpu.enqueue_dma source(%arg10 : memref<32768xf32, #tpu.memory_space<vmem>>) target(%dma_start3A_130 : memref<32768xf32, #tpu.memory_space<hbm>>) target_semaphore(%arg20 : memref<!tpu.dma_semaphore, #tpu.memory_space<semaphore_mem>>)
      %add3A_131 = arith.constant 360448 : i32
      %add3A_132 = arith.addi %mul3A_73, %add3A_131 : i32
      %dma_start3A_133 = tpu.memref_slice %arg8[%add3A_132] : memref<16777216xf32, #tpu.memory_space<hbm>> -> memref<32768xf32, #tpu.memory_space<hbm>>
      %dma_start3A_134 = tpu.memref_slice %arg8[%add3A_132] : memref<16777216xf32, #tpu.memory_space<hbm>> -> memref<32768xf32, #tpu.memory_space<hbm>>
      tpu.enqueue_dma source(%arg10 : memref<32768xf32, #tpu.memory_space<vmem>>) target(%dma_start3A_134 : memref<32768xf32, #tpu.memory_space<hbm>>) target_semaphore(%arg20 : memref<!tpu.dma_semaphore, #tpu.memory_space<semaphore_mem>>)
      %add3A_135 = arith.constant 393216 : i32
      %add3A_136 = arith.addi %mul3A_73, %add3A_135 : i32
      %dma_start3A_137 = tpu.memref_slice %arg8[%add3A_136] : memref<16777216xf32, #tpu.memory_space<hbm>> -> memref<32768xf32, #tpu.memory_space<hbm>>
      %dma_start3A_138 = tpu.memref_slice %arg8[%add3A_136] : memref<16777216xf32, #tpu.memory_space<hbm>> -> memref<32768xf32, #tpu.memory_space<hbm>>
      tpu.enqueue_dma source(%arg10 : memref<32768xf32, #tpu.memory_space<vmem>>) target(%dma_start3A_138 : memref<32768xf32, #tpu.memory_space<hbm>>) target_semaphore(%arg20 : memref<!tpu.dma_semaphore, #tpu.memory_space<semaphore_mem>>)
      %add3A_139 = arith.constant 425984 : i32
      %add3A_140 = arith.addi %mul3A_73, %add3A_139 : i32
      %dma_start3A_141 = tpu.memref_slice %arg8[%add3A_140] : memref<16777216xf32, #tpu.memory_space<hbm>> -> memref<32768xf32, #tpu.memory_space<hbm>>
      %dma_start3A_142 = tpu.memref_slice %arg8[%add3A_140] : memref<16777216xf32, #tpu.memory_space<hbm>> -> memref<32768xf32, #tpu.memory_space<hbm>>
      tpu.enqueue_dma source(%arg10 : memref<32768xf32, #tpu.memory_space<vmem>>) target(%dma_start3A_142 : memref<32768xf32, #tpu.memory_space<hbm>>) target_semaphore(%arg20 : memref<!tpu.dma_semaphore, #tpu.memory_space<semaphore_mem>>)
      %add3A_143 = arith.constant 458752 : i32
      %add3A_144 = arith.addi %mul3A_73, %add3A_143 : i32
      %dma_start3A_145 = tpu.memref_slice %arg8[%add3A_144] : memref<16777216xf32, #tpu.memory_space<hbm>> -> memref<32768xf32, #tpu.memory_space<hbm>>
      %dma_start3A_146 = tpu.memref_slice %arg8[%add3A_144] : memref<16777216xf32, #tpu.memory_space<hbm>> -> memref<32768xf32, #tpu.memory_space<hbm>>
      tpu.enqueue_dma source(%arg10 : memref<32768xf32, #tpu.memory_space<vmem>>) target(%dma_start3A_146 : memref<32768xf32, #tpu.memory_space<hbm>>) target_semaphore(%arg20 : memref<!tpu.dma_semaphore, #tpu.memory_space<semaphore_mem>>)
      %add3A_147 = arith.constant 491520 : i32
      %add3A_148 = arith.addi %mul3A_73, %add3A_147 : i32
      %dma_start3A_149 = tpu.memref_slice %arg8[%add3A_148] : memref<16777216xf32, #tpu.memory_space<hbm>> -> memref<32768xf32, #tpu.memory_space<hbm>>
      %dma_start3A_150 = tpu.memref_slice %arg8[%add3A_148] : memref<16777216xf32, #tpu.memory_space<hbm>> -> memref<32768xf32, #tpu.memory_space<hbm>>
      tpu.enqueue_dma source(%arg10 : memref<32768xf32, #tpu.memory_space<vmem>>) target(%dma_start3A_150 : memref<32768xf32, #tpu.memory_space<hbm>>) target_semaphore(%arg20 : memref<!tpu.dma_semaphore, #tpu.memory_space<semaphore_mem>>)
      %dma_wait3A_151 = tpu.memref_slice %arg8[%add3A_120] : memref<16777216xf32, #tpu.memory_space<hbm>> -> memref<32768xf32, #tpu.memory_space<hbm>>
      %dma_wait3A_152 = tpu.memref_slice %arg8[%add3A_120] : memref<16777216xf32, #tpu.memory_space<hbm>> -> memref<32768xf32, #tpu.memory_space<hbm>>
      tpu.wait_dma2 semaphore(%arg20 : memref<!tpu.dma_semaphore, #tpu.memory_space<semaphore_mem>>) src(%arg10 : memref<32768xf32, #tpu.memory_space<vmem>>) dst(%dma_wait3A_152 : memref<32768xf32, #tpu.memory_space<hbm>>)
      %dma_wait3A_153 = tpu.memref_slice %arg8[%add3A_124] : memref<16777216xf32, #tpu.memory_space<hbm>> -> memref<32768xf32, #tpu.memory_space<hbm>>
      %dma_wait3A_154 = tpu.memref_slice %arg8[%add3A_124] : memref<16777216xf32, #tpu.memory_space<hbm>> -> memref<32768xf32, #tpu.memory_space<hbm>>
      tpu.wait_dma2 semaphore(%arg20 : memref<!tpu.dma_semaphore, #tpu.memory_space<semaphore_mem>>) src(%arg10 : memref<32768xf32, #tpu.memory_space<vmem>>) dst(%dma_wait3A_154 : memref<32768xf32, #tpu.memory_space<hbm>>)
      %dma_wait3A_155 = tpu.memref_slice %arg8[%add3A_128] : memref<16777216xf32, #tpu.memory_space<hbm>> -> memref<32768xf32, #tpu.memory_space<hbm>>
      %dma_wait3A_156 = tpu.memref_slice %arg8[%add3A_128] : memref<16777216xf32, #tpu.memory_space<hbm>> -> memref<32768xf32, #tpu.memory_space<hbm>>
      tpu.wait_dma2 semaphore(%arg20 : memref<!tpu.dma_semaphore, #tpu.memory_space<semaphore_mem>>) src(%arg10 : memref<32768xf32, #tpu.memory_space<vmem>>) dst(%dma_wait3A_156 : memref<32768xf32, #tpu.memory_space<hbm>>)
      %dma_wait3A_157 = tpu.memref_slice %arg8[%add3A_132] : memref<16777216xf32, #tpu.memory_space<hbm>> -> memref<32768xf32, #tpu.memory_space<hbm>>
      %dma_wait3A_158 = tpu.memref_slice %arg8[%add3A_132] : memref<16777216xf32, #tpu.memory_space<hbm>> -> memref<32768xf32, #tpu.memory_space<hbm>>
      tpu.wait_dma2 semaphore(%arg20 : memref<!tpu.dma_semaphore, #tpu.memory_space<semaphore_mem>>) src(%arg10 : memref<32768xf32, #tpu.memory_space<vmem>>) dst(%dma_wait3A_158 : memref<32768xf32, #tpu.memory_space<hbm>>)
      %dma_wait3A_159 = tpu.memref_slice %arg8[%add3A_136] : memref<16777216xf32, #tpu.memory_space<hbm>> -> memref<32768xf32, #tpu.memory_space<hbm>>
      %dma_wait3A_160 = tpu.memref_slice %arg8[%add3A_136] : memref<16777216xf32, #tpu.memory_space<hbm>> -> memref<32768xf32, #tpu.memory_space<hbm>>
      tpu.wait_dma2 semaphore(%arg20 : memref<!tpu.dma_semaphore, #tpu.memory_space<semaphore_mem>>) src(%arg10 : memref<32768xf32, #tpu.memory_space<vmem>>) dst(%dma_wait3A_160 : memref<32768xf32, #tpu.memory_space<hbm>>)
      %dma_wait3A_161 = tpu.memref_slice %arg8[%add3A_140] : memref<16777216xf32, #tpu.memory_space<hbm>> -> memref<32768xf32, #tpu.memory_space<hbm>>
      %dma_wait3A_162 = tpu.memref_slice %arg8[%add3A_140] : memref<16777216xf32, #tpu.memory_space<hbm>> -> memref<32768xf32, #tpu.memory_space<hbm>>
      tpu.wait_dma2 semaphore(%arg20 : memref<!tpu.dma_semaphore, #tpu.memory_space<semaphore_mem>>) src(%arg10 : memref<32768xf32, #tpu.memory_space<vmem>>) dst(%dma_wait3A_162 : memref<32768xf32, #tpu.memory_space<hbm>>)
      %dma_wait3A_163 = tpu.memref_slice %arg8[%add3A_144] : memref<16777216xf32, #tpu.memory_space<hbm>> -> memref<32768xf32, #tpu.memory_space<hbm>>
      %dma_wait3A_164 = tpu.memref_slice %arg8[%add3A_144] : memref<16777216xf32, #tpu.memory_space<hbm>> -> memref<32768xf32, #tpu.memory_space<hbm>>
      tpu.wait_dma2 semaphore(%arg20 : memref<!tpu.dma_semaphore, #tpu.memory_space<semaphore_mem>>) src(%arg10 : memref<32768xf32, #tpu.memory_space<vmem>>) dst(%dma_wait3A_164 : memref<32768xf32, #tpu.memory_space<hbm>>)
      %dma_wait3A_165 = tpu.memref_slice %arg8[%add3A_148] : memref<16777216xf32, #tpu.memory_space<hbm>> -> memref<32768xf32, #tpu.memory_space<hbm>>
      %dma_wait3A_166 = tpu.memref_slice %arg8[%add3A_148] : memref<16777216xf32, #tpu.memory_space<hbm>> -> memref<32768xf32, #tpu.memory_space<hbm>>
      tpu.wait_dma2 semaphore(%arg20 : memref<!tpu.dma_semaphore, #tpu.memory_space<semaphore_mem>>) src(%arg10 : memref<32768xf32, #tpu.memory_space<vmem>>) dst(%dma_wait3A_166 : memref<32768xf32, #tpu.memory_space<hbm>>)
      %add3A_167 = arith.constant 524288 : i32
      %add3A_168 = arith.addi %mul3A_73, %add3A_167 : i32
      %dma_start3A_169 = tpu.memref_slice %arg8[%add3A_168] : memref<16777216xf32, #tpu.memory_space<hbm>> -> memref<32768xf32, #tpu.memory_space<hbm>>
      %dma_start3A_170 = tpu.memref_slice %arg8[%add3A_168] : memref<16777216xf32, #tpu.memory_space<hbm>> -> memref<32768xf32, #tpu.memory_space<hbm>>
      tpu.enqueue_dma source(%arg10 : memref<32768xf32, #tpu.memory_space<vmem>>) target(%dma_start3A_170 : memref<32768xf32, #tpu.memory_space<hbm>>) target_semaphore(%arg20 : memref<!tpu.dma_semaphore, #tpu.memory_space<semaphore_mem>>)
      %add3A_171 = arith.constant 557056 : i32
      %add3A_172 = arith.addi %mul3A_73, %add3A_171 : i32
      %dma_start3A_173 = tpu.memref_slice %arg8[%add3A_172] : memref<16777216xf32, #tpu.memory_space<hbm>> -> memref<32768xf32, #tpu.memory_space<hbm>>
      %dma_start3A_174 = tpu.memref_slice %arg8[%add3A_172] : memref<16777216xf32, #tpu.memory_space<hbm>> -> memref<32768xf32, #tpu.memory_space<hbm>>
      tpu.enqueue_dma source(%arg10 : memref<32768xf32, #tpu.memory_space<vmem>>) target(%dma_start3A_174 : memref<32768xf32, #tpu.memory_space<hbm>>) target_semaphore(%arg20 : memref<!tpu.dma_semaphore, #tpu.memory_space<semaphore_mem>>)
      %add3A_175 = arith.constant 589824 : i32
      %add3A_176 = arith.addi %mul3A_73, %add3A_175 : i32
      %dma_start3A_177 = tpu.memref_slice %arg8[%add3A_176] : memref<16777216xf32, #tpu.memory_space<hbm>> -> memref<32768xf32, #tpu.memory_space<hbm>>
      %dma_start3A_178 = tpu.memref_slice %arg8[%add3A_176] : memref<16777216xf32, #tpu.memory_space<hbm>> -> memref<32768xf32, #tpu.memory_space<hbm>>
      tpu.enqueue_dma source(%arg10 : memref<32768xf32, #tpu.memory_space<vmem>>) target(%dma_start3A_178 : memref<32768xf32, #tpu.memory_space<hbm>>) target_semaphore(%arg20 : memref<!tpu.dma_semaphore, #tpu.memory_space<semaphore_mem>>)
      %add3A_179 = arith.constant 622592 : i32
      %add3A_180 = arith.addi %mul3A_73, %add3A_179 : i32
      %dma_start3A_181 = tpu.memref_slice %arg8[%add3A_180] : memref<16777216xf32, #tpu.memory_space<hbm>> -> memref<32768xf32, #tpu.memory_space<hbm>>
      %dma_start3A_182 = tpu.memref_slice %arg8[%add3A_180] : memref<16777216xf32, #tpu.memory_space<hbm>> -> memref<32768xf32, #tpu.memory_space<hbm>>
      tpu.enqueue_dma source(%arg10 : memref<32768xf32, #tpu.memory_space<vmem>>) target(%dma_start3A_182 : memref<32768xf32, #tpu.memory_space<hbm>>) target_semaphore(%arg20 : memref<!tpu.dma_semaphore, #tpu.memory_space<semaphore_mem>>)
      %add3A_183 = arith.constant 655360 : i32
      %add3A_184 = arith.addi %mul3A_73, %add3A_183 : i32
      %dma_start3A_185 = tpu.memref_slice %arg8[%add3A_184] : memref<16777216xf32, #tpu.memory_space<hbm>> -> memref<32768xf32, #tpu.memory_space<hbm>>
      %dma_start3A_186 = tpu.memref_slice %arg8[%add3A_184] : memref<16777216xf32, #tpu.memory_space<hbm>> -> memref<32768xf32, #tpu.memory_space<hbm>>
      tpu.enqueue_dma source(%arg10 : memref<32768xf32, #tpu.memory_space<vmem>>) target(%dma_start3A_186 : memref<32768xf32, #tpu.memory_space<hbm>>) target_semaphore(%arg20 : memref<!tpu.dma_semaphore, #tpu.memory_space<semaphore_mem>>)
      %add3A_187 = arith.constant 688128 : i32
      %add3A_188 = arith.addi %mul3A_73, %add3A_187 : i32
      %dma_start3A_189 = tpu.memref_slice %arg8[%add3A_188] : memref<16777216xf32, #tpu.memory_space<hbm>> -> memref<32768xf32, #tpu.memory_space<hbm>>
      %dma_start3A_190 = tpu.memref_slice %arg8[%add3A_188] : memref<16777216xf32, #tpu.memory_space<hbm>> -> memref<32768xf32, #tpu.memory_space<hbm>>
      tpu.enqueue_dma source(%arg10 : memref<32768xf32, #tpu.memory_space<vmem>>) target(%dma_start3A_190 : memref<32768xf32, #tpu.memory_space<hbm>>) target_semaphore(%arg20 : memref<!tpu.dma_semaphore, #tpu.memory_space<semaphore_mem>>)
      %add3A_191 = arith.constant 720896 : i32
      %add3A_192 = arith.addi %mul3A_73, %add3A_191 : i32
      %dma_start3A_193 = tpu.memref_slice %arg8[%add3A_192] : memref<16777216xf32, #tpu.memory_space<hbm>> -> memref<32768xf32, #tpu.memory_space<hbm>>
      %dma_start3A_194 = tpu.memref_slice %arg8[%add3A_192] : memref<16777216xf32, #tpu.memory_space<hbm>> -> memref<32768xf32, #tpu.memory_space<hbm>>
      tpu.enqueue_dma source(%arg10 : memref<32768xf32, #tpu.memory_space<vmem>>) target(%dma_start3A_194 : memref<32768xf32, #tpu.memory_space<hbm>>) target_semaphore(%arg20 : memref<!tpu.dma_semaphore, #tpu.memory_space<semaphore_mem>>)
      %add3A_195 = arith.constant 753664 : i32
      %add3A_196 = arith.addi %mul3A_73, %add3A_195 : i32
      %dma_start3A_197 = tpu.memref_slice %arg8[%add3A_196] : memref<16777216xf32, #tpu.memory_space<hbm>> -> memref<32768xf32, #tpu.memory_space<hbm>>
      %dma_start3A_198 = tpu.memref_slice %arg8[%add3A_196] : memref<16777216xf32, #tpu.memory_space<hbm>> -> memref<32768xf32, #tpu.memory_space<hbm>>
      tpu.enqueue_dma source(%arg10 : memref<32768xf32, #tpu.memory_space<vmem>>) target(%dma_start3A_198 : memref<32768xf32, #tpu.memory_space<hbm>>) target_semaphore(%arg20 : memref<!tpu.dma_semaphore, #tpu.memory_space<semaphore_mem>>)
      %dma_wait3A_199 = tpu.memref_slice %arg8[%add3A_168] : memref<16777216xf32, #tpu.memory_space<hbm>> -> memref<32768xf32, #tpu.memory_space<hbm>>
      %dma_wait3A_200 = tpu.memref_slice %arg8[%add3A_168] : memref<16777216xf32, #tpu.memory_space<hbm>> -> memref<32768xf32, #tpu.memory_space<hbm>>
      tpu.wait_dma2 semaphore(%arg20 : memref<!tpu.dma_semaphore, #tpu.memory_space<semaphore_mem>>) src(%arg10 : memref<32768xf32, #tpu.memory_space<vmem>>) dst(%dma_wait3A_200 : memref<32768xf32, #tpu.memory_space<hbm>>)
      %dma_wait3A_201 = tpu.memref_slice %arg8[%add3A_172] : memref<16777216xf32, #tpu.memory_space<hbm>> -> memref<32768xf32, #tpu.memory_space<hbm>>
      %dma_wait3A_202 = tpu.memref_slice %arg8[%add3A_172] : memref<16777216xf32, #tpu.memory_space<hbm>> -> memref<32768xf32, #tpu.memory_space<hbm>>
      tpu.wait_dma2 semaphore(%arg20 : memref<!tpu.dma_semaphore, #tpu.memory_space<semaphore_mem>>) src(%arg10 : memref<32768xf32, #tpu.memory_space<vmem>>) dst(%dma_wait3A_202 : memref<32768xf32, #tpu.memory_space<hbm>>)
      %dma_wait3A_203 = tpu.memref_slice %arg8[%add3A_176] : memref<16777216xf32, #tpu.memory_space<hbm>> -> memref<32768xf32, #tpu.memory_space<hbm>>
      %dma_wait3A_204 = tpu.memref_slice %arg8[%add3A_176] : memref<16777216xf32, #tpu.memory_space<hbm>> -> memref<32768xf32, #tpu.memory_space<hbm>>
      tpu.wait_dma2 semaphore(%arg20 : memref<!tpu.dma_semaphore, #tpu.memory_space<semaphore_mem>>) src(%arg10 : memref<32768xf32, #tpu.memory_space<vmem>>) dst(%dma_wait3A_204 : memref<32768xf32, #tpu.memory_space<hbm>>)
      %dma_wait3A_205 = tpu.memref_slice %arg8[%add3A_180] : memref<16777216xf32, #tpu.memory_space<hbm>> -> memref<32768xf32, #tpu.memory_space<hbm>>
      %dma_wait3A_206 = tpu.memref_slice %arg8[%add3A_180] : memref<16777216xf32, #tpu.memory_space<hbm>> -> memref<32768xf32, #tpu.memory_space<hbm>>
      tpu.wait_dma2 semaphore(%arg20 : memref<!tpu.dma_semaphore, #tpu.memory_space<semaphore_mem>>) src(%arg10 : memref<32768xf32, #tpu.memory_space<vmem>>) dst(%dma_wait3A_206 : memref<32768xf32, #tpu.memory_space<hbm>>)
      %dma_wait3A_207 = tpu.memref_slice %arg8[%add3A_184] : memref<16777216xf32, #tpu.memory_space<hbm>> -> memref<32768xf32, #tpu.memory_space<hbm>>
      %dma_wait3A_208 = tpu.memref_slice %arg8[%add3A_184] : memref<16777216xf32, #tpu.memory_space<hbm>> -> memref<32768xf32, #tpu.memory_space<hbm>>
      tpu.wait_dma2 semaphore(%arg20 : memref<!tpu.dma_semaphore, #tpu.memory_space<semaphore_mem>>) src(%arg10 : memref<32768xf32, #tpu.memory_space<vmem>>) dst(%dma_wait3A_208 : memref<32768xf32, #tpu.memory_space<hbm>>)
      %dma_wait3A_209 = tpu.memref_slice %arg8[%add3A_188] : memref<16777216xf32, #tpu.memory_space<hbm>> -> memref<32768xf32, #tpu.memory_space<hbm>>
      %dma_wait3A_210 = tpu.memref_slice %arg8[%add3A_188] : memref<16777216xf32, #tpu.memory_space<hbm>> -> memref<32768xf32, #tpu.memory_space<hbm>>
      tpu.wait_dma2 semaphore(%arg20 : memref<!tpu.dma_semaphore, #tpu.memory_space<semaphore_mem>>) src(%arg10 : memref<32768xf32, #tpu.memory_space<vmem>>) dst(%dma_wait3A_210 : memref<32768xf32, #tpu.memory_space<hbm>>)
      %dma_wait3A_211 = tpu.memref_slice %arg8[%add3A_192] : memref<16777216xf32, #tpu.memory_space<hbm>> -> memref<32768xf32, #tpu.memory_space<hbm>>
      %dma_wait3A_212 = tpu.memref_slice %arg8[%add3A_192] : memref<16777216xf32, #tpu.memory_space<hbm>> -> memref<32768xf32, #tpu.memory_space<hbm>>
      tpu.wait_dma2 semaphore(%arg20 : memref<!tpu.dma_semaphore, #tpu.memory_space<semaphore_mem>>) src(%arg10 : memref<32768xf32, #tpu.memory_space<vmem>>) dst(%dma_wait3A_212 : memref<32768xf32, #tpu.memory_space<hbm>>)
      %dma_wait3A_213 = tpu.memref_slice %arg8[%add3A_196] : memref<16777216xf32, #tpu.memory_space<hbm>> -> memref<32768xf32, #tpu.memory_space<hbm>>
      %dma_wait3A_214 = tpu.memref_slice %arg8[%add3A_196] : memref<16777216xf32, #tpu.memory_space<hbm>> -> memref<32768xf32, #tpu.memory_space<hbm>>
      tpu.wait_dma2 semaphore(%arg20 : memref<!tpu.dma_semaphore, #tpu.memory_space<semaphore_mem>>) src(%arg10 : memref<32768xf32, #tpu.memory_space<vmem>>) dst(%dma_wait3A_214 : memref<32768xf32, #tpu.memory_space<hbm>>)
      %add3A_215 = arith.constant 786432 : i32
      %add3A_216 = arith.addi %mul3A_73, %add3A_215 : i32
      %dma_start3A_217 = tpu.memref_slice %arg8[%add3A_216] : memref<16777216xf32, #tpu.memory_space<hbm>> -> memref<32768xf32, #tpu.memory_space<hbm>>
      %dma_start3A_218 = tpu.memref_slice %arg8[%add3A_216] : memref<16777216xf32, #tpu.memory_space<hbm>> -> memref<32768xf32, #tpu.memory_space<hbm>>
      tpu.enqueue_dma source(%arg10 : memref<32768xf32, #tpu.memory_space<vmem>>) target(%dma_start3A_218 : memref<32768xf32, #tpu.memory_space<hbm>>) target_semaphore(%arg20 : memref<!tpu.dma_semaphore, #tpu.memory_space<semaphore_mem>>)
      %add3A_219 = arith.constant 819200 : i32
      %add3A_220 = arith.addi %mul3A_73, %add3A_219 : i32
      %dma_start3A_221 = tpu.memref_slice %arg8[%add3A_220] : memref<16777216xf32, #tpu.memory_space<hbm>> -> memref<32768xf32, #tpu.memory_space<hbm>>
      %dma_start3A_222 = tpu.memref_slice %arg8[%add3A_220] : memref<16777216xf32, #tpu.memory_space<hbm>> -> memref<32768xf32, #tpu.memory_space<hbm>>
      tpu.enqueue_dma source(%arg10 : memref<32768xf32, #tpu.memory_space<vmem>>) target(%dma_start3A_222 : memref<32768xf32, #tpu.memory_space<hbm>>) target_semaphore(%arg20 : memref<!tpu.dma_semaphore, #tpu.memory_space<semaphore_mem>>)
      %add3A_223 = arith.constant 851968 : i32
      %add3A_224 = arith.addi %mul3A_73, %add3A_223 : i32
      %dma_start3A_225 = tpu.memref_slice %arg8[%add3A_224] : memref<16777216xf32, #tpu.memory_space<hbm>> -> memref<32768xf32, #tpu.memory_space<hbm>>
      %dma_start3A_226 = tpu.memref_slice %arg8[%add3A_224] : memref<16777216xf32, #tpu.memory_space<hbm>> -> memref<32768xf32, #tpu.memory_space<hbm>>
      tpu.enqueue_dma source(%arg10 : memref<32768xf32, #tpu.memory_space<vmem>>) target(%dma_start3A_226 : memref<32768xf32, #tpu.memory_space<hbm>>) target_semaphore(%arg20 : memref<!tpu.dma_semaphore, #tpu.memory_space<semaphore_mem>>)
      %add3A_227 = arith.constant 884736 : i32
      %add3A_228 = arith.addi %mul3A_73, %add3A_227 : i32
      %dma_start3A_229 = tpu.memref_slice %arg8[%add3A_228] : memref<16777216xf32, #tpu.memory_space<hbm>> -> memref<32768xf32, #tpu.memory_space<hbm>>
      %dma_start3A_230 = tpu.memref_slice %arg8[%add3A_228] : memref<16777216xf32, #tpu.memory_space<hbm>> -> memref<32768xf32, #tpu.memory_space<hbm>>
      tpu.enqueue_dma source(%arg10 : memref<32768xf32, #tpu.memory_space<vmem>>) target(%dma_start3A_230 : memref<32768xf32, #tpu.memory_space<hbm>>) target_semaphore(%arg20 : memref<!tpu.dma_semaphore, #tpu.memory_space<semaphore_mem>>)
      %add3A_231 = arith.constant 917504 : i32
      %add3A_232 = arith.addi %mul3A_73, %add3A_231 : i32
      %dma_start3A_233 = tpu.memref_slice %arg8[%add3A_232] : memref<16777216xf32, #tpu.memory_space<hbm>> -> memref<32768xf32, #tpu.memory_space<hbm>>
      %dma_start3A_234 = tpu.memref_slice %arg8[%add3A_232] : memref<16777216xf32, #tpu.memory_space<hbm>> -> memref<32768xf32, #tpu.memory_space<hbm>>
      tpu.enqueue_dma source(%arg10 : memref<32768xf32, #tpu.memory_space<vmem>>) target(%dma_start3A_234 : memref<32768xf32, #tpu.memory_space<hbm>>) target_semaphore(%arg20 : memref<!tpu.dma_semaphore, #tpu.memory_space<semaphore_mem>>)
      %add3A_235 = arith.constant 950272 : i32
      %add3A_236 = arith.addi %mul3A_73, %add3A_235 : i32
      %dma_start3A_237 = tpu.memref_slice %arg8[%add3A_236] : memref<16777216xf32, #tpu.memory_space<hbm>> -> memref<32768xf32, #tpu.memory_space<hbm>>
      %dma_start3A_238 = tpu.memref_slice %arg8[%add3A_236] : memref<16777216xf32, #tpu.memory_space<hbm>> -> memref<32768xf32, #tpu.memory_space<hbm>>
      tpu.enqueue_dma source(%arg10 : memref<32768xf32, #tpu.memory_space<vmem>>) target(%dma_start3A_238 : memref<32768xf32, #tpu.memory_space<hbm>>) target_semaphore(%arg20 : memref<!tpu.dma_semaphore, #tpu.memory_space<semaphore_mem>>)
      %add3A_239 = arith.constant 983040 : i32
      %add3A_240 = arith.addi %mul3A_73, %add3A_239 : i32
      %dma_start3A_241 = tpu.memref_slice %arg8[%add3A_240] : memref<16777216xf32, #tpu.memory_space<hbm>> -> memref<32768xf32, #tpu.memory_space<hbm>>
      %dma_start3A_242 = tpu.memref_slice %arg8[%add3A_240] : memref<16777216xf32, #tpu.memory_space<hbm>> -> memref<32768xf32, #tpu.memory_space<hbm>>
      tpu.enqueue_dma source(%arg10 : memref<32768xf32, #tpu.memory_space<vmem>>) target(%dma_start3A_242 : memref<32768xf32, #tpu.memory_space<hbm>>) target_semaphore(%arg20 : memref<!tpu.dma_semaphore, #tpu.memory_space<semaphore_mem>>)
      %add3A_243 = arith.constant 1015808 : i32
      %add3A_244 = arith.addi %mul3A_73, %add3A_243 : i32
      %dma_start3A_245 = tpu.memref_slice %arg8[%add3A_244] : memref<16777216xf32, #tpu.memory_space<hbm>> -> memref<32768xf32, #tpu.memory_space<hbm>>
      %dma_start3A_246 = tpu.memref_slice %arg8[%add3A_244] : memref<16777216xf32, #tpu.memory_space<hbm>> -> memref<32768xf32, #tpu.memory_space<hbm>>
      tpu.enqueue_dma source(%arg10 : memref<32768xf32, #tpu.memory_space<vmem>>) target(%dma_start3A_246 : memref<32768xf32, #tpu.memory_space<hbm>>) target_semaphore(%arg20 : memref<!tpu.dma_semaphore, #tpu.memory_space<semaphore_mem>>)
      %dma_wait3A_247 = tpu.memref_slice %arg8[%add3A_216] : memref<16777216xf32, #tpu.memory_space<hbm>> -> memref<32768xf32, #tpu.memory_space<hbm>>
      %dma_wait3A_248 = tpu.memref_slice %arg8[%add3A_216] : memref<16777216xf32, #tpu.memory_space<hbm>> -> memref<32768xf32, #tpu.memory_space<hbm>>
      tpu.wait_dma2 semaphore(%arg20 : memref<!tpu.dma_semaphore, #tpu.memory_space<semaphore_mem>>) src(%arg10 : memref<32768xf32, #tpu.memory_space<vmem>>) dst(%dma_wait3A_248 : memref<32768xf32, #tpu.memory_space<hbm>>)
      %dma_wait3A_249 = tpu.memref_slice %arg8[%add3A_220] : memref<16777216xf32, #tpu.memory_space<hbm>> -> memref<32768xf32, #tpu.memory_space<hbm>>
      %dma_wait3A_250 = tpu.memref_slice %arg8[%add3A_220] : memref<16777216xf32, #tpu.memory_space<hbm>> -> memref<32768xf32, #tpu.memory_space<hbm>>
      tpu.wait_dma2 semaphore(%arg20 : memref<!tpu.dma_semaphore, #tpu.memory_space<semaphore_mem>>) src(%arg10 : memref<32768xf32, #tpu.memory_space<vmem>>) dst(%dma_wait3A_250 : memref<32768xf32, #tpu.memory_space<hbm>>)
      %dma_wait3A_251 = tpu.memref_slice %arg8[%add3A_224] : memref<16777216xf32, #tpu.memory_space<hbm>> -> memref<32768xf32, #tpu.memory_space<hbm>>
      %dma_wait3A_252 = tpu.memref_slice %arg8[%add3A_224] : memref<16777216xf32, #tpu.memory_space<hbm>> -> memref<32768xf32, #tpu.memory_space<hbm>>
      tpu.wait_dma2 semaphore(%arg20 : memref<!tpu.dma_semaphore, #tpu.memory_space<semaphore_mem>>) src(%arg10 : memref<32768xf32, #tpu.memory_space<vmem>>) dst(%dma_wait3A_252 : memref<32768xf32, #tpu.memory_space<hbm>>)
      %dma_wait3A_253 = tpu.memref_slice %arg8[%add3A_228] : memref<16777216xf32, #tpu.memory_space<hbm>> -> memref<32768xf32, #tpu.memory_space<hbm>>
      %dma_wait3A_254 = tpu.memref_slice %arg8[%add3A_228] : memref<16777216xf32, #tpu.memory_space<hbm>> -> memref<32768xf32, #tpu.memory_space<hbm>>
      tpu.wait_dma2 semaphore(%arg20 : memref<!tpu.dma_semaphore, #tpu.memory_space<semaphore_mem>>) src(%arg10 : memref<32768xf32, #tpu.memory_space<vmem>>) dst(%dma_wait3A_254 : memref<32768xf32, #tpu.memory_space<hbm>>)
      %dma_wait3A_255 = tpu.memref_slice %arg8[%add3A_232] : memref<16777216xf32, #tpu.memory_space<hbm>> -> memref<32768xf32, #tpu.memory_space<hbm>>
      %dma_wait3A_256 = tpu.memref_slice %arg8[%add3A_232] : memref<16777216xf32, #tpu.memory_space<hbm>> -> memref<32768xf32, #tpu.memory_space<hbm>>
      tpu.wait_dma2 semaphore(%arg20 : memref<!tpu.dma_semaphore, #tpu.memory_space<semaphore_mem>>) src(%arg10 : memref<32768xf32, #tpu.memory_space<vmem>>) dst(%dma_wait3A_256 : memref<32768xf32, #tpu.memory_space<hbm>>)
      %dma_wait3A_257 = tpu.memref_slice %arg8[%add3A_236] : memref<16777216xf32, #tpu.memory_space<hbm>> -> memref<32768xf32, #tpu.memory_space<hbm>>
      %dma_wait3A_258 = tpu.memref_slice %arg8[%add3A_236] : memref<16777216xf32, #tpu.memory_space<hbm>> -> memref<32768xf32, #tpu.memory_space<hbm>>
      tpu.wait_dma2 semaphore(%arg20 : memref<!tpu.dma_semaphore, #tpu.memory_space<semaphore_mem>>) src(%arg10 : memref<32768xf32, #tpu.memory_space<vmem>>) dst(%dma_wait3A_258 : memref<32768xf32, #tpu.memory_space<hbm>>)
      %dma_wait3A_259 = tpu.memref_slice %arg8[%add3A_240] : memref<16777216xf32, #tpu.memory_space<hbm>> -> memref<32768xf32, #tpu.memory_space<hbm>>
      %dma_wait3A_260 = tpu.memref_slice %arg8[%add3A_240] : memref<16777216xf32, #tpu.memory_space<hbm>> -> memref<32768xf32, #tpu.memory_space<hbm>>
      tpu.wait_dma2 semaphore(%arg20 : memref<!tpu.dma_semaphore, #tpu.memory_space<semaphore_mem>>) src(%arg10 : memref<32768xf32, #tpu.memory_space<vmem>>) dst(%dma_wait3A_260 : memref<32768xf32, #tpu.memory_space<hbm>>)
      %dma_wait3A_261 = tpu.memref_slice %arg8[%add3A_244] : memref<16777216xf32, #tpu.memory_space<hbm>> -> memref<32768xf32, #tpu.memory_space<hbm>>
      %dma_wait3A_262 = tpu.memref_slice %arg8[%add3A_244] : memref<16777216xf32, #tpu.memory_space<hbm>> -> memref<32768xf32, #tpu.memory_space<hbm>>
      tpu.wait_dma2 semaphore(%arg20 : memref<!tpu.dma_semaphore, #tpu.memory_space<semaphore_mem>>) src(%arg10 : memref<32768xf32, #tpu.memory_space<vmem>>) dst(%dma_wait3A_262 : memref<32768xf32, #tpu.memory_space<hbm>>)
    } else {
    }
    %eq3A_58 = arith.constant 1 : i32
    %eq3A_59 = arith.cmpi eq, %arg0, %eq3A_58 : i32
    %convert_element_type3A_60 = arith.extui %eq3A_59 : i1 to i32
    %cond3A_61 = arith.constant 0 : i32
    %cond3A_62 = arith.cmpi ne, %convert_element_type3A_60, %cond3A_61 : i32
    scf.if %cond3A_62 {
      %mul3A = arith.constant 1048576 : i32
      %mul3A_73 = arith.muli %arg1, %mul3A : i32
      %add3A = arith.constant 0 : i32
      %add3A_74 = arith.addi %mul3A_73, %add3A : i32
      %dma_start3A = tpu.memref_slice %arg9[%add3A_74] : memref<16777216xf32, #tpu.memory_space<hbm>> -> memref<32768xf32, #tpu.memory_space<hbm>>
      %dma_start3A_75 = tpu.memref_slice %arg9[%add3A_74] : memref<16777216xf32, #tpu.memory_space<hbm>> -> memref<32768xf32, #tpu.memory_space<hbm>>
      tpu.enqueue_dma source(%arg10 : memref<32768xf32, #tpu.memory_space<vmem>>) target(%dma_start3A_75 : memref<32768xf32, #tpu.memory_space<hbm>>) target_semaphore(%arg20 : memref<!tpu.dma_semaphore, #tpu.memory_space<semaphore_mem>>)
      %add3A_76 = arith.constant 32768 : i32
      %add3A_77 = arith.addi %mul3A_73, %add3A_76 : i32
      %dma_start3A_78 = tpu.memref_slice %arg9[%add3A_77] : memref<16777216xf32, #tpu.memory_space<hbm>> -> memref<32768xf32, #tpu.memory_space<hbm>>
      %dma_start3A_79 = tpu.memref_slice %arg9[%add3A_77] : memref<16777216xf32, #tpu.memory_space<hbm>> -> memref<32768xf32, #tpu.memory_space<hbm>>
      tpu.enqueue_dma source(%arg10 : memref<32768xf32, #tpu.memory_space<vmem>>) target(%dma_start3A_79 : memref<32768xf32, #tpu.memory_space<hbm>>) target_semaphore(%arg20 : memref<!tpu.dma_semaphore, #tpu.memory_space<semaphore_mem>>)
      %add3A_80 = arith.constant 65536 : i32
      %add3A_81 = arith.addi %mul3A_73, %add3A_80 : i32
      %dma_start3A_82 = tpu.memref_slice %arg9[%add3A_81] : memref<16777216xf32, #tpu.memory_space<hbm>> -> memref<32768xf32, #tpu.memory_space<hbm>>
      %dma_start3A_83 = tpu.memref_slice %arg9[%add3A_81] : memref<16777216xf32, #tpu.memory_space<hbm>> -> memref<32768xf32, #tpu.memory_space<hbm>>
      tpu.enqueue_dma source(%arg10 : memref<32768xf32, #tpu.memory_space<vmem>>) target(%dma_start3A_83 : memref<32768xf32, #tpu.memory_space<hbm>>) target_semaphore(%arg20 : memref<!tpu.dma_semaphore, #tpu.memory_space<semaphore_mem>>)
      %add3A_84 = arith.constant 98304 : i32
      %add3A_85 = arith.addi %mul3A_73, %add3A_84 : i32
      %dma_start3A_86 = tpu.memref_slice %arg9[%add3A_85] : memref<16777216xf32, #tpu.memory_space<hbm>> -> memref<32768xf32, #tpu.memory_space<hbm>>
      %dma_start3A_87 = tpu.memref_slice %arg9[%add3A_85] : memref<16777216xf32, #tpu.memory_space<hbm>> -> memref<32768xf32, #tpu.memory_space<hbm>>
      tpu.enqueue_dma source(%arg10 : memref<32768xf32, #tpu.memory_space<vmem>>) target(%dma_start3A_87 : memref<32768xf32, #tpu.memory_space<hbm>>) target_semaphore(%arg20 : memref<!tpu.dma_semaphore, #tpu.memory_space<semaphore_mem>>)
      %add3A_88 = arith.constant 131072 : i32
      %add3A_89 = arith.addi %mul3A_73, %add3A_88 : i32
      %dma_start3A_90 = tpu.memref_slice %arg9[%add3A_89] : memref<16777216xf32, #tpu.memory_space<hbm>> -> memref<32768xf32, #tpu.memory_space<hbm>>
      %dma_start3A_91 = tpu.memref_slice %arg9[%add3A_89] : memref<16777216xf32, #tpu.memory_space<hbm>> -> memref<32768xf32, #tpu.memory_space<hbm>>
      tpu.enqueue_dma source(%arg10 : memref<32768xf32, #tpu.memory_space<vmem>>) target(%dma_start3A_91 : memref<32768xf32, #tpu.memory_space<hbm>>) target_semaphore(%arg20 : memref<!tpu.dma_semaphore, #tpu.memory_space<semaphore_mem>>)
      %add3A_92 = arith.constant 163840 : i32
      %add3A_93 = arith.addi %mul3A_73, %add3A_92 : i32
      %dma_start3A_94 = tpu.memref_slice %arg9[%add3A_93] : memref<16777216xf32, #tpu.memory_space<hbm>> -> memref<32768xf32, #tpu.memory_space<hbm>>
      %dma_start3A_95 = tpu.memref_slice %arg9[%add3A_93] : memref<16777216xf32, #tpu.memory_space<hbm>> -> memref<32768xf32, #tpu.memory_space<hbm>>
      tpu.enqueue_dma source(%arg10 : memref<32768xf32, #tpu.memory_space<vmem>>) target(%dma_start3A_95 : memref<32768xf32, #tpu.memory_space<hbm>>) target_semaphore(%arg20 : memref<!tpu.dma_semaphore, #tpu.memory_space<semaphore_mem>>)
      %add3A_96 = arith.constant 196608 : i32
      %add3A_97 = arith.addi %mul3A_73, %add3A_96 : i32
      %dma_start3A_98 = tpu.memref_slice %arg9[%add3A_97] : memref<16777216xf32, #tpu.memory_space<hbm>> -> memref<32768xf32, #tpu.memory_space<hbm>>
      %dma_start3A_99 = tpu.memref_slice %arg9[%add3A_97] : memref<16777216xf32, #tpu.memory_space<hbm>> -> memref<32768xf32, #tpu.memory_space<hbm>>
      tpu.enqueue_dma source(%arg10 : memref<32768xf32, #tpu.memory_space<vmem>>) target(%dma_start3A_99 : memref<32768xf32, #tpu.memory_space<hbm>>) target_semaphore(%arg20 : memref<!tpu.dma_semaphore, #tpu.memory_space<semaphore_mem>>)
      %add3A_100 = arith.constant 229376 : i32
      %add3A_101 = arith.addi %mul3A_73, %add3A_100 : i32
      %dma_start3A_102 = tpu.memref_slice %arg9[%add3A_101] : memref<16777216xf32, #tpu.memory_space<hbm>> -> memref<32768xf32, #tpu.memory_space<hbm>>
      %dma_start3A_103 = tpu.memref_slice %arg9[%add3A_101] : memref<16777216xf32, #tpu.memory_space<hbm>> -> memref<32768xf32, #tpu.memory_space<hbm>>
      tpu.enqueue_dma source(%arg10 : memref<32768xf32, #tpu.memory_space<vmem>>) target(%dma_start3A_103 : memref<32768xf32, #tpu.memory_space<hbm>>) target_semaphore(%arg20 : memref<!tpu.dma_semaphore, #tpu.memory_space<semaphore_mem>>)
      %dma_wait3A = tpu.memref_slice %arg9[%add3A_74] : memref<16777216xf32, #tpu.memory_space<hbm>> -> memref<32768xf32, #tpu.memory_space<hbm>>
      %dma_wait3A_104 = tpu.memref_slice %arg9[%add3A_74] : memref<16777216xf32, #tpu.memory_space<hbm>> -> memref<32768xf32, #tpu.memory_space<hbm>>
      tpu.wait_dma2 semaphore(%arg20 : memref<!tpu.dma_semaphore, #tpu.memory_space<semaphore_mem>>) src(%arg10 : memref<32768xf32, #tpu.memory_space<vmem>>) dst(%dma_wait3A_104 : memref<32768xf32, #tpu.memory_space<hbm>>)
      %dma_wait3A_105 = tpu.memref_slice %arg9[%add3A_77] : memref<16777216xf32, #tpu.memory_space<hbm>> -> memref<32768xf32, #tpu.memory_space<hbm>>
      %dma_wait3A_106 = tpu.memref_slice %arg9[%add3A_77] : memref<16777216xf32, #tpu.memory_space<hbm>> -> memref<32768xf32, #tpu.memory_space<hbm>>
      tpu.wait_dma2 semaphore(%arg20 : memref<!tpu.dma_semaphore, #tpu.memory_space<semaphore_mem>>) src(%arg10 : memref<32768xf32, #tpu.memory_space<vmem>>) dst(%dma_wait3A_106 : memref<32768xf32, #tpu.memory_space<hbm>>)
      %dma_wait3A_107 = tpu.memref_slice %arg9[%add3A_81] : memref<16777216xf32, #tpu.memory_space<hbm>> -> memref<32768xf32, #tpu.memory_space<hbm>>
      %dma_wait3A_108 = tpu.memref_slice %arg9[%add3A_81] : memref<16777216xf32, #tpu.memory_space<hbm>> -> memref<32768xf32, #tpu.memory_space<hbm>>
      tpu.wait_dma2 semaphore(%arg20 : memref<!tpu.dma_semaphore, #tpu.memory_space<semaphore_mem>>) src(%arg10 : memref<32768xf32, #tpu.memory_space<vmem>>) dst(%dma_wait3A_108 : memref<32768xf32, #tpu.memory_space<hbm>>)
      %dma_wait3A_109 = tpu.memref_slice %arg9[%add3A_85] : memref<16777216xf32, #tpu.memory_space<hbm>> -> memref<32768xf32, #tpu.memory_space<hbm>>
      %dma_wait3A_110 = tpu.memref_slice %arg9[%add3A_85] : memref<16777216xf32, #tpu.memory_space<hbm>> -> memref<32768xf32, #tpu.memory_space<hbm>>
      tpu.wait_dma2 semaphore(%arg20 : memref<!tpu.dma_semaphore, #tpu.memory_space<semaphore_mem>>) src(%arg10 : memref<32768xf32, #tpu.memory_space<vmem>>) dst(%dma_wait3A_110 : memref<32768xf32, #tpu.memory_space<hbm>>)
      %dma_wait3A_111 = tpu.memref_slice %arg9[%add3A_89] : memref<16777216xf32, #tpu.memory_space<hbm>> -> memref<32768xf32, #tpu.memory_space<hbm>>
      %dma_wait3A_112 = tpu.memref_slice %arg9[%add3A_89] : memref<16777216xf32, #tpu.memory_space<hbm>> -> memref<32768xf32, #tpu.memory_space<hbm>>
      tpu.wait_dma2 semaphore(%arg20 : memref<!tpu.dma_semaphore, #tpu.memory_space<semaphore_mem>>) src(%arg10 : memref<32768xf32, #tpu.memory_space<vmem>>) dst(%dma_wait3A_112 : memref<32768xf32, #tpu.memory_space<hbm>>)
      %dma_wait3A_113 = tpu.memref_slice %arg9[%add3A_93] : memref<16777216xf32, #tpu.memory_space<hbm>> -> memref<32768xf32, #tpu.memory_space<hbm>>
      %dma_wait3A_114 = tpu.memref_slice %arg9[%add3A_93] : memref<16777216xf32, #tpu.memory_space<hbm>> -> memref<32768xf32, #tpu.memory_space<hbm>>
      tpu.wait_dma2 semaphore(%arg20 : memref<!tpu.dma_semaphore, #tpu.memory_space<semaphore_mem>>) src(%arg10 : memref<32768xf32, #tpu.memory_space<vmem>>) dst(%dma_wait3A_114 : memref<32768xf32, #tpu.memory_space<hbm>>)
      %dma_wait3A_115 = tpu.memref_slice %arg9[%add3A_97] : memref<16777216xf32, #tpu.memory_space<hbm>> -> memref<32768xf32, #tpu.memory_space<hbm>>
      %dma_wait3A_116 = tpu.memref_slice %arg9[%add3A_97] : memref<16777216xf32, #tpu.memory_space<hbm>> -> memref<32768xf32, #tpu.memory_space<hbm>>
      tpu.wait_dma2 semaphore(%arg20 : memref<!tpu.dma_semaphore, #tpu.memory_space<semaphore_mem>>) src(%arg10 : memref<32768xf32, #tpu.memory_space<vmem>>) dst(%dma_wait3A_116 : memref<32768xf32, #tpu.memory_space<hbm>>)
      %dma_wait3A_117 = tpu.memref_slice %arg9[%add3A_101] : memref<16777216xf32, #tpu.memory_space<hbm>> -> memref<32768xf32, #tpu.memory_space<hbm>>
      %dma_wait3A_118 = tpu.memref_slice %arg9[%add3A_101] : memref<16777216xf32, #tpu.memory_space<hbm>> -> memref<32768xf32, #tpu.memory_space<hbm>>
      tpu.wait_dma2 semaphore(%arg20 : memref<!tpu.dma_semaphore, #tpu.memory_space<semaphore_mem>>) src(%arg10 : memref<32768xf32, #tpu.memory_space<vmem>>) dst(%dma_wait3A_118 : memref<32768xf32, #tpu.memory_space<hbm>>)
      %add3A_119 = arith.constant 262144 : i32
      %add3A_120 = arith.addi %mul3A_73, %add3A_119 : i32
      %dma_start3A_121 = tpu.memref_slice %arg9[%add3A_120] : memref<16777216xf32, #tpu.memory_space<hbm>> -> memref<32768xf32, #tpu.memory_space<hbm>>
      %dma_start3A_122 = tpu.memref_slice %arg9[%add3A_120] : memref<16777216xf32, #tpu.memory_space<hbm>> -> memref<32768xf32, #tpu.memory_space<hbm>>
      tpu.enqueue_dma source(%arg10 : memref<32768xf32, #tpu.memory_space<vmem>>) target(%dma_start3A_122 : memref<32768xf32, #tpu.memory_space<hbm>>) target_semaphore(%arg20 : memref<!tpu.dma_semaphore, #tpu.memory_space<semaphore_mem>>)
      %add3A_123 = arith.constant 294912 : i32
      %add3A_124 = arith.addi %mul3A_73, %add3A_123 : i32
      %dma_start3A_125 = tpu.memref_slice %arg9[%add3A_124] : memref<16777216xf32, #tpu.memory_space<hbm>> -> memref<32768xf32, #tpu.memory_space<hbm>>
      %dma_start3A_126 = tpu.memref_slice %arg9[%add3A_124] : memref<16777216xf32, #tpu.memory_space<hbm>> -> memref<32768xf32, #tpu.memory_space<hbm>>
      tpu.enqueue_dma source(%arg10 : memref<32768xf32, #tpu.memory_space<vmem>>) target(%dma_start3A_126 : memref<32768xf32, #tpu.memory_space<hbm>>) target_semaphore(%arg20 : memref<!tpu.dma_semaphore, #tpu.memory_space<semaphore_mem>>)
      %add3A_127 = arith.constant 327680 : i32
      %add3A_128 = arith.addi %mul3A_73, %add3A_127 : i32
      %dma_start3A_129 = tpu.memref_slice %arg9[%add3A_128] : memref<16777216xf32, #tpu.memory_space<hbm>> -> memref<32768xf32, #tpu.memory_space<hbm>>
      %dma_start3A_130 = tpu.memref_slice %arg9[%add3A_128] : memref<16777216xf32, #tpu.memory_space<hbm>> -> memref<32768xf32, #tpu.memory_space<hbm>>
      tpu.enqueue_dma source(%arg10 : memref<32768xf32, #tpu.memory_space<vmem>>) target(%dma_start3A_130 : memref<32768xf32, #tpu.memory_space<hbm>>) target_semaphore(%arg20 : memref<!tpu.dma_semaphore, #tpu.memory_space<semaphore_mem>>)
      %add3A_131 = arith.constant 360448 : i32
      %add3A_132 = arith.addi %mul3A_73, %add3A_131 : i32
      %dma_start3A_133 = tpu.memref_slice %arg9[%add3A_132] : memref<16777216xf32, #tpu.memory_space<hbm>> -> memref<32768xf32, #tpu.memory_space<hbm>>
      %dma_start3A_134 = tpu.memref_slice %arg9[%add3A_132] : memref<16777216xf32, #tpu.memory_space<hbm>> -> memref<32768xf32, #tpu.memory_space<hbm>>
      tpu.enqueue_dma source(%arg10 : memref<32768xf32, #tpu.memory_space<vmem>>) target(%dma_start3A_134 : memref<32768xf32, #tpu.memory_space<hbm>>) target_semaphore(%arg20 : memref<!tpu.dma_semaphore, #tpu.memory_space<semaphore_mem>>)
      %add3A_135 = arith.constant 393216 : i32
      %add3A_136 = arith.addi %mul3A_73, %add3A_135 : i32
      %dma_start3A_137 = tpu.memref_slice %arg9[%add3A_136] : memref<16777216xf32, #tpu.memory_space<hbm>> -> memref<32768xf32, #tpu.memory_space<hbm>>
      %dma_start3A_138 = tpu.memref_slice %arg9[%add3A_136] : memref<16777216xf32, #tpu.memory_space<hbm>> -> memref<32768xf32, #tpu.memory_space<hbm>>
      tpu.enqueue_dma source(%arg10 : memref<32768xf32, #tpu.memory_space<vmem>>) target(%dma_start3A_138 : memref<32768xf32, #tpu.memory_space<hbm>>) target_semaphore(%arg20 : memref<!tpu.dma_semaphore, #tpu.memory_space<semaphore_mem>>)
      %add3A_139 = arith.constant 425984 : i32
      %add3A_140 = arith.addi %mul3A_73, %add3A_139 : i32
      %dma_start3A_141 = tpu.memref_slice %arg9[%add3A_140] : memref<16777216xf32, #tpu.memory_space<hbm>> -> memref<32768xf32, #tpu.memory_space<hbm>>
      %dma_start3A_142 = tpu.memref_slice %arg9[%add3A_140] : memref<16777216xf32, #tpu.memory_space<hbm>> -> memref<32768xf32, #tpu.memory_space<hbm>>
      tpu.enqueue_dma source(%arg10 : memref<32768xf32, #tpu.memory_space<vmem>>) target(%dma_start3A_142 : memref<32768xf32, #tpu.memory_space<hbm>>) target_semaphore(%arg20 : memref<!tpu.dma_semaphore, #tpu.memory_space<semaphore_mem>>)
      %add3A_143 = arith.constant 458752 : i32
      %add3A_144 = arith.addi %mul3A_73, %add3A_143 : i32
      %dma_start3A_145 = tpu.memref_slice %arg9[%add3A_144] : memref<16777216xf32, #tpu.memory_space<hbm>> -> memref<32768xf32, #tpu.memory_space<hbm>>
      %dma_start3A_146 = tpu.memref_slice %arg9[%add3A_144] : memref<16777216xf32, #tpu.memory_space<hbm>> -> memref<32768xf32, #tpu.memory_space<hbm>>
      tpu.enqueue_dma source(%arg10 : memref<32768xf32, #tpu.memory_space<vmem>>) target(%dma_start3A_146 : memref<32768xf32, #tpu.memory_space<hbm>>) target_semaphore(%arg20 : memref<!tpu.dma_semaphore, #tpu.memory_space<semaphore_mem>>)
      %add3A_147 = arith.constant 491520 : i32
      %add3A_148 = arith.addi %mul3A_73, %add3A_147 : i32
      %dma_start3A_149 = tpu.memref_slice %arg9[%add3A_148] : memref<16777216xf32, #tpu.memory_space<hbm>> -> memref<32768xf32, #tpu.memory_space<hbm>>
      %dma_start3A_150 = tpu.memref_slice %arg9[%add3A_148] : memref<16777216xf32, #tpu.memory_space<hbm>> -> memref<32768xf32, #tpu.memory_space<hbm>>
      tpu.enqueue_dma source(%arg10 : memref<32768xf32, #tpu.memory_space<vmem>>) target(%dma_start3A_150 : memref<32768xf32, #tpu.memory_space<hbm>>) target_semaphore(%arg20 : memref<!tpu.dma_semaphore, #tpu.memory_space<semaphore_mem>>)
      %dma_wait3A_151 = tpu.memref_slice %arg9[%add3A_120] : memref<16777216xf32, #tpu.memory_space<hbm>> -> memref<32768xf32, #tpu.memory_space<hbm>>
      %dma_wait3A_152 = tpu.memref_slice %arg9[%add3A_120] : memref<16777216xf32, #tpu.memory_space<hbm>> -> memref<32768xf32, #tpu.memory_space<hbm>>
      tpu.wait_dma2 semaphore(%arg20 : memref<!tpu.dma_semaphore, #tpu.memory_space<semaphore_mem>>) src(%arg10 : memref<32768xf32, #tpu.memory_space<vmem>>) dst(%dma_wait3A_152 : memref<32768xf32, #tpu.memory_space<hbm>>)
      %dma_wait3A_153 = tpu.memref_slice %arg9[%add3A_124] : memref<16777216xf32, #tpu.memory_space<hbm>> -> memref<32768xf32, #tpu.memory_space<hbm>>
      %dma_wait3A_154 = tpu.memref_slice %arg9[%add3A_124] : memref<16777216xf32, #tpu.memory_space<hbm>> -> memref<32768xf32, #tpu.memory_space<hbm>>
      tpu.wait_dma2 semaphore(%arg20 : memref<!tpu.dma_semaphore, #tpu.memory_space<semaphore_mem>>) src(%arg10 : memref<32768xf32, #tpu.memory_space<vmem>>) dst(%dma_wait3A_154 : memref<32768xf32, #tpu.memory_space<hbm>>)
      %dma_wait3A_155 = tpu.memref_slice %arg9[%add3A_128] : memref<16777216xf32, #tpu.memory_space<hbm>> -> memref<32768xf32, #tpu.memory_space<hbm>>
      %dma_wait3A_156 = tpu.memref_slice %arg9[%add3A_128] : memref<16777216xf32, #tpu.memory_space<hbm>> -> memref<32768xf32, #tpu.memory_space<hbm>>
      tpu.wait_dma2 semaphore(%arg20 : memref<!tpu.dma_semaphore, #tpu.memory_space<semaphore_mem>>) src(%arg10 : memref<32768xf32, #tpu.memory_space<vmem>>) dst(%dma_wait3A_156 : memref<32768xf32, #tpu.memory_space<hbm>>)
      %dma_wait3A_157 = tpu.memref_slice %arg9[%add3A_132] : memref<16777216xf32, #tpu.memory_space<hbm>> -> memref<32768xf32, #tpu.memory_space<hbm>>
      %dma_wait3A_158 = tpu.memref_slice %arg9[%add3A_132] : memref<16777216xf32, #tpu.memory_space<hbm>> -> memref<32768xf32, #tpu.memory_space<hbm>>
      tpu.wait_dma2 semaphore(%arg20 : memref<!tpu.dma_semaphore, #tpu.memory_space<semaphore_mem>>) src(%arg10 : memref<32768xf32, #tpu.memory_space<vmem>>) dst(%dma_wait3A_158 : memref<32768xf32, #tpu.memory_space<hbm>>)
      %dma_wait3A_159 = tpu.memref_slice %arg9[%add3A_136] : memref<16777216xf32, #tpu.memory_space<hbm>> -> memref<32768xf32, #tpu.memory_space<hbm>>
      %dma_wait3A_160 = tpu.memref_slice %arg9[%add3A_136] : memref<16777216xf32, #tpu.memory_space<hbm>> -> memref<32768xf32, #tpu.memory_space<hbm>>
      tpu.wait_dma2 semaphore(%arg20 : memref<!tpu.dma_semaphore, #tpu.memory_space<semaphore_mem>>) src(%arg10 : memref<32768xf32, #tpu.memory_space<vmem>>) dst(%dma_wait3A_160 : memref<32768xf32, #tpu.memory_space<hbm>>)
      %dma_wait3A_161 = tpu.memref_slice %arg9[%add3A_140] : memref<16777216xf32, #tpu.memory_space<hbm>> -> memref<32768xf32, #tpu.memory_space<hbm>>
      %dma_wait3A_162 = tpu.memref_slice %arg9[%add3A_140] : memref<16777216xf32, #tpu.memory_space<hbm>> -> memref<32768xf32, #tpu.memory_space<hbm>>
      tpu.wait_dma2 semaphore(%arg20 : memref<!tpu.dma_semaphore, #tpu.memory_space<semaphore_mem>>) src(%arg10 : memref<32768xf32, #tpu.memory_space<vmem>>) dst(%dma_wait3A_162 : memref<32768xf32, #tpu.memory_space<hbm>>)
      %dma_wait3A_163 = tpu.memref_slice %arg9[%add3A_144] : memref<16777216xf32, #tpu.memory_space<hbm>> -> memref<32768xf32, #tpu.memory_space<hbm>>
      %dma_wait3A_164 = tpu.memref_slice %arg9[%add3A_144] : memref<16777216xf32, #tpu.memory_space<hbm>> -> memref<32768xf32, #tpu.memory_space<hbm>>
      tpu.wait_dma2 semaphore(%arg20 : memref<!tpu.dma_semaphore, #tpu.memory_space<semaphore_mem>>) src(%arg10 : memref<32768xf32, #tpu.memory_space<vmem>>) dst(%dma_wait3A_164 : memref<32768xf32, #tpu.memory_space<hbm>>)
      %dma_wait3A_165 = tpu.memref_slice %arg9[%add3A_148] : memref<16777216xf32, #tpu.memory_space<hbm>> -> memref<32768xf32, #tpu.memory_space<hbm>>
      %dma_wait3A_166 = tpu.memref_slice %arg9[%add3A_148] : memref<16777216xf32, #tpu.memory_space<hbm>> -> memref<32768xf32, #tpu.memory_space<hbm>>
      tpu.wait_dma2 semaphore(%arg20 : memref<!tpu.dma_semaphore, #tpu.memory_space<semaphore_mem>>) src(%arg10 : memref<32768xf32, #tpu.memory_space<vmem>>) dst(%dma_wait3A_166 : memref<32768xf32, #tpu.memory_space<hbm>>)
      %add3A_167 = arith.constant 524288 : i32
      %add3A_168 = arith.addi %mul3A_73, %add3A_167 : i32
      %dma_start3A_169 = tpu.memref_slice %arg9[%add3A_168] : memref<16777216xf32, #tpu.memory_space<hbm>> -> memref<32768xf32, #tpu.memory_space<hbm>>
      %dma_start3A_170 = tpu.memref_slice %arg9[%add3A_168] : memref<16777216xf32, #tpu.memory_space<hbm>> -> memref<32768xf32, #tpu.memory_space<hbm>>
      tpu.enqueue_dma source(%arg10 : memref<32768xf32, #tpu.memory_space<vmem>>) target(%dma_start3A_170 : memref<32768xf32, #tpu.memory_space<hbm>>) target_semaphore(%arg20 : memref<!tpu.dma_semaphore, #tpu.memory_space<semaphore_mem>>)
      %add3A_171 = arith.constant 557056 : i32
      %add3A_172 = arith.addi %mul3A_73, %add3A_171 : i32
      %dma_start3A_173 = tpu.memref_slice %arg9[%add3A_172] : memref<16777216xf32, #tpu.memory_space<hbm>> -> memref<32768xf32, #tpu.memory_space<hbm>>
      %dma_start3A_174 = tpu.memref_slice %arg9[%add3A_172] : memref<16777216xf32, #tpu.memory_space<hbm>> -> memref<32768xf32, #tpu.memory_space<hbm>>
      tpu.enqueue_dma source(%arg10 : memref<32768xf32, #tpu.memory_space<vmem>>) target(%dma_start3A_174 : memref<32768xf32, #tpu.memory_space<hbm>>) target_semaphore(%arg20 : memref<!tpu.dma_semaphore, #tpu.memory_space<semaphore_mem>>)
      %add3A_175 = arith.constant 589824 : i32
      %add3A_176 = arith.addi %mul3A_73, %add3A_175 : i32
      %dma_start3A_177 = tpu.memref_slice %arg9[%add3A_176] : memref<16777216xf32, #tpu.memory_space<hbm>> -> memref<32768xf32, #tpu.memory_space<hbm>>
      %dma_start3A_178 = tpu.memref_slice %arg9[%add3A_176] : memref<16777216xf32, #tpu.memory_space<hbm>> -> memref<32768xf32, #tpu.memory_space<hbm>>
      tpu.enqueue_dma source(%arg10 : memref<32768xf32, #tpu.memory_space<vmem>>) target(%dma_start3A_178 : memref<32768xf32, #tpu.memory_space<hbm>>) target_semaphore(%arg20 : memref<!tpu.dma_semaphore, #tpu.memory_space<semaphore_mem>>)
      %add3A_179 = arith.constant 622592 : i32
      %add3A_180 = arith.addi %mul3A_73, %add3A_179 : i32
      %dma_start3A_181 = tpu.memref_slice %arg9[%add3A_180] : memref<16777216xf32, #tpu.memory_space<hbm>> -> memref<32768xf32, #tpu.memory_space<hbm>>
      %dma_start3A_182 = tpu.memref_slice %arg9[%add3A_180] : memref<16777216xf32, #tpu.memory_space<hbm>> -> memref<32768xf32, #tpu.memory_space<hbm>>
      tpu.enqueue_dma source(%arg10 : memref<32768xf32, #tpu.memory_space<vmem>>) target(%dma_start3A_182 : memref<32768xf32, #tpu.memory_space<hbm>>) target_semaphore(%arg20 : memref<!tpu.dma_semaphore, #tpu.memory_space<semaphore_mem>>)
      %add3A_183 = arith.constant 655360 : i32
      %add3A_184 = arith.addi %mul3A_73, %add3A_183 : i32
      %dma_start3A_185 = tpu.memref_slice %arg9[%add3A_184] : memref<16777216xf32, #tpu.memory_space<hbm>> -> memref<32768xf32, #tpu.memory_space<hbm>>
      %dma_start3A_186 = tpu.memref_slice %arg9[%add3A_184] : memref<16777216xf32, #tpu.memory_space<hbm>> -> memref<32768xf32, #tpu.memory_space<hbm>>
      tpu.enqueue_dma source(%arg10 : memref<32768xf32, #tpu.memory_space<vmem>>) target(%dma_start3A_186 : memref<32768xf32, #tpu.memory_space<hbm>>) target_semaphore(%arg20 : memref<!tpu.dma_semaphore, #tpu.memory_space<semaphore_mem>>)
      %add3A_187 = arith.constant 688128 : i32
      %add3A_188 = arith.addi %mul3A_73, %add3A_187 : i32
      %dma_start3A_189 = tpu.memref_slice %arg9[%add3A_188] : memref<16777216xf32, #tpu.memory_space<hbm>> -> memref<32768xf32, #tpu.memory_space<hbm>>
      %dma_start3A_190 = tpu.memref_slice %arg9[%add3A_188] : memref<16777216xf32, #tpu.memory_space<hbm>> -> memref<32768xf32, #tpu.memory_space<hbm>>
      tpu.enqueue_dma source(%arg10 : memref<32768xf32, #tpu.memory_space<vmem>>) target(%dma_start3A_190 : memref<32768xf32, #tpu.memory_space<hbm>>) target_semaphore(%arg20 : memref<!tpu.dma_semaphore, #tpu.memory_space<semaphore_mem>>)
      %add3A_191 = arith.constant 720896 : i32
      %add3A_192 = arith.addi %mul3A_73, %add3A_191 : i32
      %dma_start3A_193 = tpu.memref_slice %arg9[%add3A_192] : memref<16777216xf32, #tpu.memory_space<hbm>> -> memref<32768xf32, #tpu.memory_space<hbm>>
      %dma_start3A_194 = tpu.memref_slice %arg9[%add3A_192] : memref<16777216xf32, #tpu.memory_space<hbm>> -> memref<32768xf32, #tpu.memory_space<hbm>>
      tpu.enqueue_dma source(%arg10 : memref<32768xf32, #tpu.memory_space<vmem>>) target(%dma_start3A_194 : memref<32768xf32, #tpu.memory_space<hbm>>) target_semaphore(%arg20 : memref<!tpu.dma_semaphore, #tpu.memory_space<semaphore_mem>>)
      %add3A_195 = arith.constant 753664 : i32
      %add3A_196 = arith.addi %mul3A_73, %add3A_195 : i32
      %dma_start3A_197 = tpu.memref_slice %arg9[%add3A_196] : memref<16777216xf32, #tpu.memory_space<hbm>> -> memref<32768xf32, #tpu.memory_space<hbm>>
      %dma_start3A_198 = tpu.memref_slice %arg9[%add3A_196] : memref<16777216xf32, #tpu.memory_space<hbm>> -> memref<32768xf32, #tpu.memory_space<hbm>>
      tpu.enqueue_dma source(%arg10 : memref<32768xf32, #tpu.memory_space<vmem>>) target(%dma_start3A_198 : memref<32768xf32, #tpu.memory_space<hbm>>) target_semaphore(%arg20 : memref<!tpu.dma_semaphore, #tpu.memory_space<semaphore_mem>>)
      %dma_wait3A_199 = tpu.memref_slice %arg9[%add3A_168] : memref<16777216xf32, #tpu.memory_space<hbm>> -> memref<32768xf32, #tpu.memory_space<hbm>>
      %dma_wait3A_200 = tpu.memref_slice %arg9[%add3A_168] : memref<16777216xf32, #tpu.memory_space<hbm>> -> memref<32768xf32, #tpu.memory_space<hbm>>
      tpu.wait_dma2 semaphore(%arg20 : memref<!tpu.dma_semaphore, #tpu.memory_space<semaphore_mem>>) src(%arg10 : memref<32768xf32, #tpu.memory_space<vmem>>) dst(%dma_wait3A_200 : memref<32768xf32, #tpu.memory_space<hbm>>)
      %dma_wait3A_201 = tpu.memref_slice %arg9[%add3A_172] : memref<16777216xf32, #tpu.memory_space<hbm>> -> memref<32768xf32, #tpu.memory_space<hbm>>
      %dma_wait3A_202 = tpu.memref_slice %arg9[%add3A_172] : memref<16777216xf32, #tpu.memory_space<hbm>> -> memref<32768xf32, #tpu.memory_space<hbm>>
      tpu.wait_dma2 semaphore(%arg20 : memref<!tpu.dma_semaphore, #tpu.memory_space<semaphore_mem>>) src(%arg10 : memref<32768xf32, #tpu.memory_space<vmem>>) dst(%dma_wait3A_202 : memref<32768xf32, #tpu.memory_space<hbm>>)
      %dma_wait3A_203 = tpu.memref_slice %arg9[%add3A_176] : memref<16777216xf32, #tpu.memory_space<hbm>> -> memref<32768xf32, #tpu.memory_space<hbm>>
      %dma_wait3A_204 = tpu.memref_slice %arg9[%add3A_176] : memref<16777216xf32, #tpu.memory_space<hbm>> -> memref<32768xf32, #tpu.memory_space<hbm>>
      tpu.wait_dma2 semaphore(%arg20 : memref<!tpu.dma_semaphore, #tpu.memory_space<semaphore_mem>>) src(%arg10 : memref<32768xf32, #tpu.memory_space<vmem>>) dst(%dma_wait3A_204 : memref<32768xf32, #tpu.memory_space<hbm>>)
      %dma_wait3A_205 = tpu.memref_slice %arg9[%add3A_180] : memref<16777216xf32, #tpu.memory_space<hbm>> -> memref<32768xf32, #tpu.memory_space<hbm>>
      %dma_wait3A_206 = tpu.memref_slice %arg9[%add3A_180] : memref<16777216xf32, #tpu.memory_space<hbm>> -> memref<32768xf32, #tpu.memory_space<hbm>>
      tpu.wait_dma2 semaphore(%arg20 : memref<!tpu.dma_semaphore, #tpu.memory_space<semaphore_mem>>) src(%arg10 : memref<32768xf32, #tpu.memory_space<vmem>>) dst(%dma_wait3A_206 : memref<32768xf32, #tpu.memory_space<hbm>>)
      %dma_wait3A_207 = tpu.memref_slice %arg9[%add3A_184] : memref<16777216xf32, #tpu.memory_space<hbm>> -> memref<32768xf32, #tpu.memory_space<hbm>>
      %dma_wait3A_208 = tpu.memref_slice %arg9[%add3A_184] : memref<16777216xf32, #tpu.memory_space<hbm>> -> memref<32768xf32, #tpu.memory_space<hbm>>
      tpu.wait_dma2 semaphore(%arg20 : memref<!tpu.dma_semaphore, #tpu.memory_space<semaphore_mem>>) src(%arg10 : memref<32768xf32, #tpu.memory_space<vmem>>) dst(%dma_wait3A_208 : memref<32768xf32, #tpu.memory_space<hbm>>)
      %dma_wait3A_209 = tpu.memref_slice %arg9[%add3A_188] : memref<16777216xf32, #tpu.memory_space<hbm>> -> memref<32768xf32, #tpu.memory_space<hbm>>
      %dma_wait3A_210 = tpu.memref_slice %arg9[%add3A_188] : memref<16777216xf32, #tpu.memory_space<hbm>> -> memref<32768xf32, #tpu.memory_space<hbm>>
      tpu.wait_dma2 semaphore(%arg20 : memref<!tpu.dma_semaphore, #tpu.memory_space<semaphore_mem>>) src(%arg10 : memref<32768xf32, #tpu.memory_space<vmem>>) dst(%dma_wait3A_210 : memref<32768xf32, #tpu.memory_space<hbm>>)
      %dma_wait3A_211 = tpu.memref_slice %arg9[%add3A_192] : memref<16777216xf32, #tpu.memory_space<hbm>> -> memref<32768xf32, #tpu.memory_space<hbm>>
      %dma_wait3A_212 = tpu.memref_slice %arg9[%add3A_192] : memref<16777216xf32, #tpu.memory_space<hbm>> -> memref<32768xf32, #tpu.memory_space<hbm>>
      tpu.wait_dma2 semaphore(%arg20 : memref<!tpu.dma_semaphore, #tpu.memory_space<semaphore_mem>>) src(%arg10 : memref<32768xf32, #tpu.memory_space<vmem>>) dst(%dma_wait3A_212 : memref<32768xf32, #tpu.memory_space<hbm>>)
      %dma_wait3A_213 = tpu.memref_slice %arg9[%add3A_196] : memref<16777216xf32, #tpu.memory_space<hbm>> -> memref<32768xf32, #tpu.memory_space<hbm>>
      %dma_wait3A_214 = tpu.memref_slice %arg9[%add3A_196] : memref<16777216xf32, #tpu.memory_space<hbm>> -> memref<32768xf32, #tpu.memory_space<hbm>>
      tpu.wait_dma2 semaphore(%arg20 : memref<!tpu.dma_semaphore, #tpu.memory_space<semaphore_mem>>) src(%arg10 : memref<32768xf32, #tpu.memory_space<vmem>>) dst(%dma_wait3A_214 : memref<32768xf32, #tpu.memory_space<hbm>>)
      %add3A_215 = arith.constant 786432 : i32
      %add3A_216 = arith.addi %mul3A_73, %add3A_215 : i32
      %dma_start3A_217 = tpu.memref_slice %arg9[%add3A_216] : memref<16777216xf32, #tpu.memory_space<hbm>> -> memref<32768xf32, #tpu.memory_space<hbm>>
      %dma_start3A_218 = tpu.memref_slice %arg9[%add3A_216] : memref<16777216xf32, #tpu.memory_space<hbm>> -> memref<32768xf32, #tpu.memory_space<hbm>>
      tpu.enqueue_dma source(%arg10 : memref<32768xf32, #tpu.memory_space<vmem>>) target(%dma_start3A_218 : memref<32768xf32, #tpu.memory_space<hbm>>) target_semaphore(%arg20 : memref<!tpu.dma_semaphore, #tpu.memory_space<semaphore_mem>>)
      %add3A_219 = arith.constant 819200 : i32
      %add3A_220 = arith.addi %mul3A_73, %add3A_219 : i32
      %dma_start3A_221 = tpu.memref_slice %arg9[%add3A_220] : memref<16777216xf32, #tpu.memory_space<hbm>> -> memref<32768xf32, #tpu.memory_space<hbm>>
      %dma_start3A_222 = tpu.memref_slice %arg9[%add3A_220] : memref<16777216xf32, #tpu.memory_space<hbm>> -> memref<32768xf32, #tpu.memory_space<hbm>>
      tpu.enqueue_dma source(%arg10 : memref<32768xf32, #tpu.memory_space<vmem>>) target(%dma_start3A_222 : memref<32768xf32, #tpu.memory_space<hbm>>) target_semaphore(%arg20 : memref<!tpu.dma_semaphore, #tpu.memory_space<semaphore_mem>>)
      %add3A_223 = arith.constant 851968 : i32
      %add3A_224 = arith.addi %mul3A_73, %add3A_223 : i32
      %dma_start3A_225 = tpu.memref_slice %arg9[%add3A_224] : memref<16777216xf32, #tpu.memory_space<hbm>> -> memref<32768xf32, #tpu.memory_space<hbm>>
      %dma_start3A_226 = tpu.memref_slice %arg9[%add3A_224] : memref<16777216xf32, #tpu.memory_space<hbm>> -> memref<32768xf32, #tpu.memory_space<hbm>>
      tpu.enqueue_dma source(%arg10 : memref<32768xf32, #tpu.memory_space<vmem>>) target(%dma_start3A_226 : memref<32768xf32, #tpu.memory_space<hbm>>) target_semaphore(%arg20 : memref<!tpu.dma_semaphore, #tpu.memory_space<semaphore_mem>>)
      %add3A_227 = arith.constant 884736 : i32
      %add3A_228 = arith.addi %mul3A_73, %add3A_227 : i32
      %dma_start3A_229 = tpu.memref_slice %arg9[%add3A_228] : memref<16777216xf32, #tpu.memory_space<hbm>> -> memref<32768xf32, #tpu.memory_space<hbm>>
      %dma_start3A_230 = tpu.memref_slice %arg9[%add3A_228] : memref<16777216xf32, #tpu.memory_space<hbm>> -> memref<32768xf32, #tpu.memory_space<hbm>>
      tpu.enqueue_dma source(%arg10 : memref<32768xf32, #tpu.memory_space<vmem>>) target(%dma_start3A_230 : memref<32768xf32, #tpu.memory_space<hbm>>) target_semaphore(%arg20 : memref<!tpu.dma_semaphore, #tpu.memory_space<semaphore_mem>>)
      %add3A_231 = arith.constant 917504 : i32
      %add3A_232 = arith.addi %mul3A_73, %add3A_231 : i32
      %dma_start3A_233 = tpu.memref_slice %arg9[%add3A_232] : memref<16777216xf32, #tpu.memory_space<hbm>> -> memref<32768xf32, #tpu.memory_space<hbm>>
      %dma_start3A_234 = tpu.memref_slice %arg9[%add3A_232] : memref<16777216xf32, #tpu.memory_space<hbm>> -> memref<32768xf32, #tpu.memory_space<hbm>>
      tpu.enqueue_dma source(%arg10 : memref<32768xf32, #tpu.memory_space<vmem>>) target(%dma_start3A_234 : memref<32768xf32, #tpu.memory_space<hbm>>) target_semaphore(%arg20 : memref<!tpu.dma_semaphore, #tpu.memory_space<semaphore_mem>>)
      %add3A_235 = arith.constant 950272 : i32
      %add3A_236 = arith.addi %mul3A_73, %add3A_235 : i32
      %dma_start3A_237 = tpu.memref_slice %arg9[%add3A_236] : memref<16777216xf32, #tpu.memory_space<hbm>> -> memref<32768xf32, #tpu.memory_space<hbm>>
      %dma_start3A_238 = tpu.memref_slice %arg9[%add3A_236] : memref<16777216xf32, #tpu.memory_space<hbm>> -> memref<32768xf32, #tpu.memory_space<hbm>>
      tpu.enqueue_dma source(%arg10 : memref<32768xf32, #tpu.memory_space<vmem>>) target(%dma_start3A_238 : memref<32768xf32, #tpu.memory_space<hbm>>) target_semaphore(%arg20 : memref<!tpu.dma_semaphore, #tpu.memory_space<semaphore_mem>>)
      %add3A_239 = arith.constant 983040 : i32
      %add3A_240 = arith.addi %mul3A_73, %add3A_239 : i32
      %dma_start3A_241 = tpu.memref_slice %arg9[%add3A_240] : memref<16777216xf32, #tpu.memory_space<hbm>> -> memref<32768xf32, #tpu.memory_space<hbm>>
      %dma_start3A_242 = tpu.memref_slice %arg9[%add3A_240] : memref<16777216xf32, #tpu.memory_space<hbm>> -> memref<32768xf32, #tpu.memory_space<hbm>>
      tpu.enqueue_dma source(%arg10 : memref<32768xf32, #tpu.memory_space<vmem>>) target(%dma_start3A_242 : memref<32768xf32, #tpu.memory_space<hbm>>) target_semaphore(%arg20 : memref<!tpu.dma_semaphore, #tpu.memory_space<semaphore_mem>>)
      %add3A_243 = arith.constant 1015808 : i32
      %add3A_244 = arith.addi %mul3A_73, %add3A_243 : i32
      %dma_start3A_245 = tpu.memref_slice %arg9[%add3A_244] : memref<16777216xf32, #tpu.memory_space<hbm>> -> memref<32768xf32, #tpu.memory_space<hbm>>
      %dma_start3A_246 = tpu.memref_slice %arg9[%add3A_244] : memref<16777216xf32, #tpu.memory_space<hbm>> -> memref<32768xf32, #tpu.memory_space<hbm>>
      tpu.enqueue_dma source(%arg10 : memref<32768xf32, #tpu.memory_space<vmem>>) target(%dma_start3A_246 : memref<32768xf32, #tpu.memory_space<hbm>>) target_semaphore(%arg20 : memref<!tpu.dma_semaphore, #tpu.memory_space<semaphore_mem>>)
      %dma_wait3A_247 = tpu.memref_slice %arg9[%add3A_216] : memref<16777216xf32, #tpu.memory_space<hbm>> -> memref<32768xf32, #tpu.memory_space<hbm>>
      %dma_wait3A_248 = tpu.memref_slice %arg9[%add3A_216] : memref<16777216xf32, #tpu.memory_space<hbm>> -> memref<32768xf32, #tpu.memory_space<hbm>>
      tpu.wait_dma2 semaphore(%arg20 : memref<!tpu.dma_semaphore, #tpu.memory_space<semaphore_mem>>) src(%arg10 : memref<32768xf32, #tpu.memory_space<vmem>>) dst(%dma_wait3A_248 : memref<32768xf32, #tpu.memory_space<hbm>>)
      %dma_wait3A_249 = tpu.memref_slice %arg9[%add3A_220] : memref<16777216xf32, #tpu.memory_space<hbm>> -> memref<32768xf32, #tpu.memory_space<hbm>>
      %dma_wait3A_250 = tpu.memref_slice %arg9[%add3A_220] : memref<16777216xf32, #tpu.memory_space<hbm>> -> memref<32768xf32, #tpu.memory_space<hbm>>
      tpu.wait_dma2 semaphore(%arg20 : memref<!tpu.dma_semaphore, #tpu.memory_space<semaphore_mem>>) src(%arg10 : memref<32768xf32, #tpu.memory_space<vmem>>) dst(%dma_wait3A_250 : memref<32768xf32, #tpu.memory_space<hbm>>)
      %dma_wait3A_251 = tpu.memref_slice %arg9[%add3A_224] : memref<16777216xf32, #tpu.memory_space<hbm>> -> memref<32768xf32, #tpu.memory_space<hbm>>
      %dma_wait3A_252 = tpu.memref_slice %arg9[%add3A_224] : memref<16777216xf32, #tpu.memory_space<hbm>> -> memref<32768xf32, #tpu.memory_space<hbm>>
      tpu.wait_dma2 semaphore(%arg20 : memref<!tpu.dma_semaphore, #tpu.memory_space<semaphore_mem>>) src(%arg10 : memref<32768xf32, #tpu.memory_space<vmem>>) dst(%dma_wait3A_252 : memref<32768xf32, #tpu.memory_space<hbm>>)
      %dma_wait3A_253 = tpu.memref_slice %arg9[%add3A_228] : memref<16777216xf32, #tpu.memory_space<hbm>> -> memref<32768xf32, #tpu.memory_space<hbm>>
      %dma_wait3A_254 = tpu.memref_slice %arg9[%add3A_228] : memref<16777216xf32, #tpu.memory_space<hbm>> -> memref<32768xf32, #tpu.memory_space<hbm>>
      tpu.wait_dma2 semaphore(%arg20 : memref<!tpu.dma_semaphore, #tpu.memory_space<semaphore_mem>>) src(%arg10 : memref<32768xf32, #tpu.memory_space<vmem>>) dst(%dma_wait3A_254 : memref<32768xf32, #tpu.memory_space<hbm>>)
      %dma_wait3A_255 = tpu.memref_slice %arg9[%add3A_232] : memref<16777216xf32, #tpu.memory_space<hbm>> -> memref<32768xf32, #tpu.memory_space<hbm>>
      %dma_wait3A_256 = tpu.memref_slice %arg9[%add3A_232] : memref<16777216xf32, #tpu.memory_space<hbm>> -> memref<32768xf32, #tpu.memory_space<hbm>>
      tpu.wait_dma2 semaphore(%arg20 : memref<!tpu.dma_semaphore, #tpu.memory_space<semaphore_mem>>) src(%arg10 : memref<32768xf32, #tpu.memory_space<vmem>>) dst(%dma_wait3A_256 : memref<32768xf32, #tpu.memory_space<hbm>>)
      %dma_wait3A_257 = tpu.memref_slice %arg9[%add3A_236] : memref<16777216xf32, #tpu.memory_space<hbm>> -> memref<32768xf32, #tpu.memory_space<hbm>>
      %dma_wait3A_258 = tpu.memref_slice %arg9[%add3A_236] : memref<16777216xf32, #tpu.memory_space<hbm>> -> memref<32768xf32, #tpu.memory_space<hbm>>
      tpu.wait_dma2 semaphore(%arg20 : memref<!tpu.dma_semaphore, #tpu.memory_space<semaphore_mem>>) src(%arg10 : memref<32768xf32, #tpu.memory_space<vmem>>) dst(%dma_wait3A_258 : memref<32768xf32, #tpu.memory_space<hbm>>)
      %dma_wait3A_259 = tpu.memref_slice %arg9[%add3A_240] : memref<16777216xf32, #tpu.memory_space<hbm>> -> memref<32768xf32, #tpu.memory_space<hbm>>
      %dma_wait3A_260 = tpu.memref_slice %arg9[%add3A_240] : memref<16777216xf32, #tpu.memory_space<hbm>> -> memref<32768xf32, #tpu.memory_space<hbm>>
      tpu.wait_dma2 semaphore(%arg20 : memref<!tpu.dma_semaphore, #tpu.memory_space<semaphore_mem>>) src(%arg10 : memref<32768xf32, #tpu.memory_space<vmem>>) dst(%dma_wait3A_260 : memref<32768xf32, #tpu.memory_space<hbm>>)
      %dma_wait3A_261 = tpu.memref_slice %arg9[%add3A_244] : memref<16777216xf32, #tpu.memory_space<hbm>> -> memref<32768xf32, #tpu.memory_space<hbm>>
      %dma_wait3A_262 = tpu.memref_slice %arg9[%add3A_244] : memref<16777216xf32, #tpu.memory_space<hbm>> -> memref<32768xf32, #tpu.memory_space<hbm>>
      tpu.wait_dma2 semaphore(%arg20 : memref<!tpu.dma_semaphore, #tpu.memory_space<semaphore_mem>>) src(%arg10 : memref<32768xf32, #tpu.memory_space<vmem>>) dst(%dma_wait3A_262 : memref<32768xf32, #tpu.memory_space<hbm>>)
    } else {
    }
    %barrier3A = arith.constant 0 : index
    tpu.barrier barrier_id(%barrier3A)
    %eq3A_63 = arith.constant 0 : i32
    %eq3A_64 = arith.cmpi eq, %arg0, %eq3A_63 : i32
    %convert_element_type3A_65 = arith.extui %eq3A_64 : i1 to i32
    %cond3A_66 = arith.constant 0 : i32
    %cond3A_67 = arith.cmpi ne, %convert_element_type3A_65, %cond3A_66 : i32
    scf.if %cond3A_67 {
      %mul3A = arith.constant 1024 : i32
      %mul3A_73 = arith.muli %arg1, %mul3A : i32
      "tpu.region"() ({
        %run_scoped3A = tpu.sem_alloc : memref<!tpu.dma_semaphore, #tpu.memory_space<semaphore_mem>>
        %dma_start3A_1280 = tpu.memref_slice %arg2[%mul3A_73] : memref<16384xi32, #tpu.memory_space<hbm>> -> memref<1024xi32, #tpu.memory_space<hbm>>
        %dma_start3A_1281 = tpu.memref_slice %arg2[%mul3A_73] : memref<16384xi32, #tpu.memory_space<hbm>> -> memref<1024xi32, #tpu.memory_space<hbm>>
        tpu.enqueue_dma source(%dma_start3A_1281 : memref<1024xi32, #tpu.memory_space<hbm>>) target(%arg11 : memref<1024xi32, #tpu.memory_space<vmem>>) target_semaphore(%run_scoped3A : memref<!tpu.dma_semaphore, #tpu.memory_space<semaphore_mem>>)
        %dma_wait3A_1282 = tpu.memref_slice %arg2[%mul3A_73] : memref<16384xi32, #tpu.memory_space<hbm>> -> memref<1024xi32, #tpu.memory_space<hbm>>
        %dma_wait3A_1283 = tpu.memref_slice %arg2[%mul3A_73] : memref<16384xi32, #tpu.memory_space<hbm>> -> memref<1024xi32, #tpu.memory_space<hbm>>
        tpu.wait_dma2 semaphore(%run_scoped3A : memref<!tpu.dma_semaphore, #tpu.memory_space<semaphore_mem>>) src(%dma_wait3A_1283 : memref<1024xi32, #tpu.memory_space<hbm>>) dst(%arg11 : memref<1024xi32, #tpu.memory_space<vmem>>)
        tpu.yield
      }) : () -> ()
      "tpu.region"() ({
        %run_scoped3A = tpu.sem_alloc : memref<!tpu.dma_semaphore, #tpu.memory_space<semaphore_mem>>
        %dma_start3A_1280 = tpu.memref_slice %arg3[%mul3A_73] : memref<16384xi32, #tpu.memory_space<hbm>> -> memref<1024xi32, #tpu.memory_space<hbm>>
        %dma_start3A_1281 = tpu.memref_slice %arg3[%mul3A_73] : memref<16384xi32, #tpu.memory_space<hbm>> -> memref<1024xi32, #tpu.memory_space<hbm>>
        tpu.enqueue_dma source(%dma_start3A_1281 : memref<1024xi32, #tpu.memory_space<hbm>>) target(%arg12 : memref<1024xi32, #tpu.memory_space<vmem>>) target_semaphore(%run_scoped3A : memref<!tpu.dma_semaphore, #tpu.memory_space<semaphore_mem>>)
        %dma_wait3A_1282 = tpu.memref_slice %arg3[%mul3A_73] : memref<16384xi32, #tpu.memory_space<hbm>> -> memref<1024xi32, #tpu.memory_space<hbm>>
        %dma_wait3A_1283 = tpu.memref_slice %arg3[%mul3A_73] : memref<16384xi32, #tpu.memory_space<hbm>> -> memref<1024xi32, #tpu.memory_space<hbm>>
        tpu.wait_dma2 semaphore(%run_scoped3A : memref<!tpu.dma_semaphore, #tpu.memory_space<semaphore_mem>>) src(%dma_wait3A_1283 : memref<1024xi32, #tpu.memory_space<hbm>>) dst(%arg12 : memref<1024xi32, #tpu.memory_space<vmem>>)
        tpu.yield
      }) : () -> ()
      %get3A = arith.constant 0 : index
      %get3A_74 = tpu.vector_load %arg11[%get3A] {strides = array<i32>} : memref<1024xi32, #tpu.memory_space<vmem>>, vector<16xi32>,
      %get3A_75 = vector.shape_cast %get3A_74 : vector<16xi32> to vector<16xi32>
      %mul3A_76 = arith.constant 4096 : i32
      %mul3A_77 = vector.broadcast %mul3A_76 : i32 to vector<16xi32>
      %mul3A_78 = arith.muli %get3A_75, %mul3A_77 : vector<16xi32>
      %get3A_79 = arith.constant 0 : index
      %get3A_80 = tpu.vector_load %arg12[%get3A_79] {strides = array<i32>} : memref<1024xi32, #tpu.memory_space<vmem>>, vector<16xi32>,
      %get3A_81 = vector.shape_cast %get3A_80 : vector<16xi32> to vector<16xi32>
      %add3A = arith.addi %mul3A_78, %get3A_81 : vector<16xi32>
      %swap3A_82 = arith.constant 0 : i32
      %swap3A_83 = arith.index_cast %swap3A_82 : i32 to index
      %swap3A_84 = arith.constant 0 : index
      %swap3A_85 = tpu.vector_load %arg13[%swap3A_83, %swap3A_84] {strides = array<i32>} : memref<8x128xi32, #tpu.memory_space<vmem>>, vector<1x16xi32>,
      %swap3A_86 = vector.shape_cast %swap3A_85 : vector<1x16xi32> to vector<16xi32>
      %swap3A_87 = vector.shape_cast %add3A : vector<16xi32> to vector<1x16xi32>
      tpu.vector_store %arg13[%swap3A_83, %swap3A_84], %swap3A_87 {strides = array<i32>} : memref<8x128xi32, #tpu.memory_space<vmem>>, vector<1x16xi32>,
      %get3A_88 = arith.constant 16 : index
      %get3A_89 = tpu.vector_load %arg11[%get3A_88] {strides = array<i32>} : memref<1024xi32, #tpu.memory_space<vmem>>, vector<16xi32>,
      %get3A_90 = vector.shape_cast %get3A_89 : vector<16xi32> to vector<16xi32>
      %mul3A_91 = arith.constant 4096 : i32
      %mul3A_92 = vector.broadcast %mul3A_91 : i32 to vector<16xi32>
      %mul3A_93 = arith.muli %get3A_90, %mul3A_92 : vector<16xi32>
      %get3A_94 = arith.constant 16 : index
      %get3A_95 = tpu.vector_load %arg12[%get3A_94] {strides = array<i32>} : memref<1024xi32, #tpu.memory_space<vmem>>, vector<16xi32>,
      %get3A_96 = vector.shape_cast %get3A_95 : vector<16xi32> to vector<16xi32>
      %add3A_97 = arith.addi %mul3A_93, %get3A_96 : vector<16xi32>
      %swap3A_98 = arith.constant 0 : i32
      %swap3A_99 = arith.index_cast %swap3A_98 : i32 to index
      %swap3A_100 = arith.constant 16 : index
      %swap3A_101 = tpu.vector_load %arg13[%swap3A_99, %swap3A_100] {strides = array<i32>} : memref<8x128xi32, #tpu.memory_space<vmem>>, vector<1x16xi32>,
      %swap3A_102 = vector.shape_cast %swap3A_101 : vector<1x16xi32> to vector<16xi32>
      %swap3A_103 = vector.shape_cast %add3A_97 : vector<16xi32> to vector<1x16xi32>
      tpu.vector_store %arg13[%swap3A_99, %swap3A_100], %swap3A_103 {strides = array<i32>} : memref<8x128xi32, #tpu.memory_space<vmem>>, vector<1x16xi32>,
      %get3A_104 = arith.constant 32 : index
      %get3A_105 = tpu.vector_load %arg11[%get3A_104] {strides = array<i32>} : memref<1024xi32, #tpu.memory_space<vmem>>, vector<16xi32>,
      %get3A_106 = vector.shape_cast %get3A_105 : vector<16xi32> to vector<16xi32>
      %mul3A_107 = arith.constant 4096 : i32
      %mul3A_108 = vector.broadcast %mul3A_107 : i32 to vector<16xi32>
      %mul3A_109 = arith.muli %get3A_106, %mul3A_108 : vector<16xi32>
      %get3A_110 = arith.constant 32 : index
      %get3A_111 = tpu.vector_load %arg12[%get3A_110] {strides = array<i32>} : memref<1024xi32, #tpu.memory_space<vmem>>, vector<16xi32>,
      %get3A_112 = vector.shape_cast %get3A_111 : vector<16xi32> to vector<16xi32>
      %add3A_113 = arith.addi %mul3A_109, %get3A_112 : vector<16xi32>
      %swap3A_114 = arith.constant 0 : i32
      %swap3A_115 = arith.index_cast %swap3A_114 : i32 to index
      %swap3A_116 = arith.constant 32 : index
      %swap3A_117 = tpu.vector_load %arg13[%swap3A_115, %swap3A_116] {strides = array<i32>} : memref<8x128xi32, #tpu.memory_space<vmem>>, vector<1x16xi32>,
      %swap3A_118 = vector.shape_cast %swap3A_117 : vector<1x16xi32> to vector<16xi32>
      %swap3A_119 = vector.shape_cast %add3A_113 : vector<16xi32> to vector<1x16xi32>
      tpu.vector_store %arg13[%swap3A_115, %swap3A_116], %swap3A_119 {strides = array<i32>} : memref<8x128xi32, #tpu.memory_space<vmem>>, vector<1x16xi32>,
      %get3A_120 = arith.constant 48 : index
      %get3A_121 = tpu.vector_load %arg11[%get3A_120] {strides = array<i32>} : memref<1024xi32, #tpu.memory_space<vmem>>, vector<16xi32>,
      %get3A_122 = vector.shape_cast %get3A_121 : vector<16xi32> to vector<16xi32>
      %mul3A_123 = arith.constant 4096 : i32
      %mul3A_124 = vector.broadcast %mul3A_123 : i32 to vector<16xi32>
      %mul3A_125 = arith.muli %get3A_122, %mul3A_124 : vector<16xi32>
      %get3A_126 = arith.constant 48 : index
      %get3A_127 = tpu.vector_load %arg12[%get3A_126] {strides = array<i32>} : memref<1024xi32, #tpu.memory_space<vmem>>, vector<16xi32>,
      %get3A_128 = vector.shape_cast %get3A_127 : vector<16xi32> to vector<16xi32>
      %add3A_129 = arith.addi %mul3A_125, %get3A_128 : vector<16xi32>
      %swap3A_130 = arith.constant 0 : i32
      %swap3A_131 = arith.index_cast %swap3A_130 : i32 to index
      %swap3A_132 = arith.constant 48 : index
      %swap3A_133 = tpu.vector_load %arg13[%swap3A_131, %swap3A_132] {strides = array<i32>} : memref<8x128xi32, #tpu.memory_space<vmem>>, vector<1x16xi32>,
      %swap3A_134 = vector.shape_cast %swap3A_133 : vector<1x16xi32> to vector<16xi32>
      %swap3A_135 = vector.shape_cast %add3A_129 : vector<16xi32> to vector<1x16xi32>
      tpu.vector_store %arg13[%swap3A_131, %swap3A_132], %swap3A_135 {strides = array<i32>} : memref<8x128xi32, #tpu.memory_space<vmem>>, vector<1x16xi32>,
      %get3A_136 = arith.constant 64 : index
      %get3A_137 = tpu.vector_load %arg11[%get3A_136] {strides = array<i32>} : memref<1024xi32, #tpu.memory_space<vmem>>, vector<16xi32>,
      %get3A_138 = vector.shape_cast %get3A_137 : vector<16xi32> to vector<16xi32>
      %mul3A_139 = arith.constant 4096 : i32
      %mul3A_140 = vector.broadcast %mul3A_139 : i32 to vector<16xi32>
      %mul3A_141 = arith.muli %get3A_138, %mul3A_140 : vector<16xi32>
      %get3A_142 = arith.constant 64 : index
      %get3A_143 = tpu.vector_load %arg12[%get3A_142] {strides = array<i32>} : memref<1024xi32, #tpu.memory_space<vmem>>, vector<16xi32>,
      %get3A_144 = vector.shape_cast %get3A_143 : vector<16xi32> to vector<16xi32>
      %add3A_145 = arith.addi %mul3A_141, %get3A_144 : vector<16xi32>
      %swap3A_146 = arith.constant 0 : i32
      %swap3A_147 = arith.index_cast %swap3A_146 : i32 to index
      %swap3A_148 = arith.constant 64 : index
      %swap3A_149 = tpu.vector_load %arg13[%swap3A_147, %swap3A_148] {strides = array<i32>} : memref<8x128xi32, #tpu.memory_space<vmem>>, vector<1x16xi32>,
      %swap3A_150 = vector.shape_cast %swap3A_149 : vector<1x16xi32> to vector<16xi32>
      %swap3A_151 = vector.shape_cast %add3A_145 : vector<16xi32> to vector<1x16xi32>
      tpu.vector_store %arg13[%swap3A_147, %swap3A_148], %swap3A_151 {strides = array<i32>} : memref<8x128xi32, #tpu.memory_space<vmem>>, vector<1x16xi32>,
      %get3A_152 = arith.constant 80 : index
      %get3A_153 = tpu.vector_load %arg11[%get3A_152] {strides = array<i32>} : memref<1024xi32, #tpu.memory_space<vmem>>, vector<16xi32>,
      %get3A_154 = vector.shape_cast %get3A_153 : vector<16xi32> to vector<16xi32>
      %mul3A_155 = arith.constant 4096 : i32
      %mul3A_156 = vector.broadcast %mul3A_155 : i32 to vector<16xi32>
      %mul3A_157 = arith.muli %get3A_154, %mul3A_156 : vector<16xi32>
      %get3A_158 = arith.constant 80 : index
      %get3A_159 = tpu.vector_load %arg12[%get3A_158] {strides = array<i32>} : memref<1024xi32, #tpu.memory_space<vmem>>, vector<16xi32>,
      %get3A_160 = vector.shape_cast %get3A_159 : vector<16xi32> to vector<16xi32>
      %add3A_161 = arith.addi %mul3A_157, %get3A_160 : vector<16xi32>
      %swap3A_162 = arith.constant 0 : i32
      %swap3A_163 = arith.index_cast %swap3A_162 : i32 to index
      %swap3A_164 = arith.constant 80 : index
      %swap3A_165 = tpu.vector_load %arg13[%swap3A_163, %swap3A_164] {strides = array<i32>} : memref<8x128xi32, #tpu.memory_space<vmem>>, vector<1x16xi32>,
      %swap3A_166 = vector.shape_cast %swap3A_165 : vector<1x16xi32> to vector<16xi32>
      %swap3A_167 = vector.shape_cast %add3A_161 : vector<16xi32> to vector<1x16xi32>
      tpu.vector_store %arg13[%swap3A_163, %swap3A_164], %swap3A_167 {strides = array<i32>} : memref<8x128xi32, #tpu.memory_space<vmem>>, vector<1x16xi32>,
      %get3A_168 = arith.constant 96 : index
      %get3A_169 = tpu.vector_load %arg11[%get3A_168] {strides = array<i32>} : memref<1024xi32, #tpu.memory_space<vmem>>, vector<16xi32>,
      %get3A_170 = vector.shape_cast %get3A_169 : vector<16xi32> to vector<16xi32>
      %mul3A_171 = arith.constant 4096 : i32
      %mul3A_172 = vector.broadcast %mul3A_171 : i32 to vector<16xi32>
      %mul3A_173 = arith.muli %get3A_170, %mul3A_172 : vector<16xi32>
      %get3A_174 = arith.constant 96 : index
      %get3A_175 = tpu.vector_load %arg12[%get3A_174] {strides = array<i32>} : memref<1024xi32, #tpu.memory_space<vmem>>, vector<16xi32>,
      %get3A_176 = vector.shape_cast %get3A_175 : vector<16xi32> to vector<16xi32>
      %add3A_177 = arith.addi %mul3A_173, %get3A_176 : vector<16xi32>
      %swap3A_178 = arith.constant 0 : i32
      %swap3A_179 = arith.index_cast %swap3A_178 : i32 to index
      %swap3A_180 = arith.constant 96 : index
      %swap3A_181 = tpu.vector_load %arg13[%swap3A_179, %swap3A_180] {strides = array<i32>} : memref<8x128xi32, #tpu.memory_space<vmem>>, vector<1x16xi32>,
      %swap3A_182 = vector.shape_cast %swap3A_181 : vector<1x16xi32> to vector<16xi32>
      %swap3A_183 = vector.shape_cast %add3A_177 : vector<16xi32> to vector<1x16xi32>
      tpu.vector_store %arg13[%swap3A_179, %swap3A_180], %swap3A_183 {strides = array<i32>} : memref<8x128xi32, #tpu.memory_space<vmem>>, vector<1x16xi32>,
      %get3A_184 = arith.constant 112 : index
      %get3A_185 = tpu.vector_load %arg11[%get3A_184] {strides = array<i32>} : memref<1024xi32, #tpu.memory_space<vmem>>, vector<16xi32>,
      %get3A_186 = vector.shape_cast %get3A_185 : vector<16xi32> to vector<16xi32>
      %mul3A_187 = arith.constant 4096 : i32
      %mul3A_188 = vector.broadcast %mul3A_187 : i32 to vector<16xi32>
      %mul3A_189 = arith.muli %get3A_186, %mul3A_188 : vector<16xi32>
      %get3A_190 = arith.constant 112 : index
      %get3A_191 = tpu.vector_load %arg12[%get3A_190] {strides = array<i32>} : memref<1024xi32, #tpu.memory_space<vmem>>, vector<16xi32>,
      %get3A_192 = vector.shape_cast %get3A_191 : vector<16xi32> to vector<16xi32>
      %add3A_193 = arith.addi %mul3A_189, %get3A_192 : vector<16xi32>
      %swap3A_194 = arith.constant 0 : i32
      %swap3A_195 = arith.index_cast %swap3A_194 : i32 to index
      %swap3A_196 = arith.constant 112 : index
      %swap3A_197 = tpu.vector_load %arg13[%swap3A_195, %swap3A_196] {strides = array<i32>} : memref<8x128xi32, #tpu.memory_space<vmem>>, vector<1x16xi32>,
      %swap3A_198 = vector.shape_cast %swap3A_197 : vector<1x16xi32> to vector<16xi32>
      %swap3A_199 = vector.shape_cast %add3A_193 : vector<16xi32> to vector<1x16xi32>
      tpu.vector_store %arg13[%swap3A_195, %swap3A_196], %swap3A_199 {strides = array<i32>} : memref<8x128xi32, #tpu.memory_space<vmem>>, vector<1x16xi32>,
      %get3A_200 = arith.constant 128 : index
      %get3A_201 = tpu.vector_load %arg11[%get3A_200] {strides = array<i32>} : memref<1024xi32, #tpu.memory_space<vmem>>, vector<16xi32>,
      %get3A_202 = vector.shape_cast %get3A_201 : vector<16xi32> to vector<16xi32>
      %mul3A_203 = arith.constant 4096 : i32
      %mul3A_204 = vector.broadcast %mul3A_203 : i32 to vector<16xi32>
      %mul3A_205 = arith.muli %get3A_202, %mul3A_204 : vector<16xi32>
      %get3A_206 = arith.constant 128 : index
      %get3A_207 = tpu.vector_load %arg12[%get3A_206] {strides = array<i32>} : memref<1024xi32, #tpu.memory_space<vmem>>, vector<16xi32>,
      %get3A_208 = vector.shape_cast %get3A_207 : vector<16xi32> to vector<16xi32>
      %add3A_209 = arith.addi %mul3A_205, %get3A_208 : vector<16xi32>
      %swap3A_210 = arith.constant 1 : i32
      %swap3A_211 = arith.index_cast %swap3A_210 : i32 to index
      %swap3A_212 = arith.constant 0 : index
      %swap3A_213 = tpu.vector_load %arg13[%swap3A_211, %swap3A_212] {strides = array<i32>} : memref<8x128xi32, #tpu.memory_space<vmem>>, vector<1x16xi32>,
      %swap3A_214 = vector.shape_cast %swap3A_213 : vector<1x16xi32> to vector<16xi32>
      %swap3A_215 = vector.shape_cast %add3A_209 : vector<16xi32> to vector<1x16xi32>
      tpu.vector_store %arg13[%swap3A_211, %swap3A_212], %swap3A_215 {strides = array<i32>} : memref<8x128xi32, #tpu.memory_space<vmem>>, vector<1x16xi32>,
      %get3A_216 = arith.constant 144 : index
      %get3A_217 = tpu.vector_load %arg11[%get3A_216] {strides = array<i32>} : memref<1024xi32, #tpu.memory_space<vmem>>, vector<16xi32>,
      %get3A_218 = vector.shape_cast %get3A_217 : vector<16xi32> to vector<16xi32>
      %mul3A_219 = arith.constant 4096 : i32
      %mul3A_220 = vector.broadcast %mul3A_219 : i32 to vector<16xi32>
      %mul3A_221 = arith.muli %get3A_218, %mul3A_220 : vector<16xi32>
      %get3A_222 = arith.constant 144 : index
      %get3A_223 = tpu.vector_load %arg12[%get3A_222] {strides = array<i32>} : memref<1024xi32, #tpu.memory_space<vmem>>, vector<16xi32>,
      %get3A_224 = vector.shape_cast %get3A_223 : vector<16xi32> to vector<16xi32>
      %add3A_225 = arith.addi %mul3A_221, %get3A_224 : vector<16xi32>
      %swap3A_226 = arith.constant 1 : i32
      %swap3A_227 = arith.index_cast %swap3A_226 : i32 to index
      %swap3A_228 = arith.constant 16 : index
      %swap3A_229 = tpu.vector_load %arg13[%swap3A_227, %swap3A_228] {strides = array<i32>} : memref<8x128xi32, #tpu.memory_space<vmem>>, vector<1x16xi32>,
      %swap3A_230 = vector.shape_cast %swap3A_229 : vector<1x16xi32> to vector<16xi32>
      %swap3A_231 = vector.shape_cast %add3A_225 : vector<16xi32> to vector<1x16xi32>
      tpu.vector_store %arg13[%swap3A_227, %swap3A_228], %swap3A_231 {strides = array<i32>} : memref<8x128xi32, #tpu.memory_space<vmem>>, vector<1x16xi32>,
      %get3A_232 = arith.constant 160 : index
      %get3A_233 = tpu.vector_load %arg11[%get3A_232] {strides = array<i32>} : memref<1024xi32, #tpu.memory_space<vmem>>, vector<16xi32>,
      %get3A_234 = vector.shape_cast %get3A_233 : vector<16xi32> to vector<16xi32>
      %mul3A_235 = arith.constant 4096 : i32
      %mul3A_236 = vector.broadcast %mul3A_235 : i32 to vector<16xi32>
      %mul3A_237 = arith.muli %get3A_234, %mul3A_236 : vector<16xi32>
      %get3A_238 = arith.constant 160 : index
      %get3A_239 = tpu.vector_load %arg12[%get3A_238] {strides = array<i32>} : memref<1024xi32, #tpu.memory_space<vmem>>, vector<16xi32>,
      %get3A_240 = vector.shape_cast %get3A_239 : vector<16xi32> to vector<16xi32>
      %add3A_241 = arith.addi %mul3A_237, %get3A_240 : vector<16xi32>
      %swap3A_242 = arith.constant 1 : i32
      %swap3A_243 = arith.index_cast %swap3A_242 : i32 to index
      %swap3A_244 = arith.constant 32 : index
      %swap3A_245 = tpu.vector_load %arg13[%swap3A_243, %swap3A_244] {strides = array<i32>} : memref<8x128xi32, #tpu.memory_space<vmem>>, vector<1x16xi32>,
      %swap3A_246 = vector.shape_cast %swap3A_245 : vector<1x16xi32> to vector<16xi32>
      %swap3A_247 = vector.shape_cast %add3A_241 : vector<16xi32> to vector<1x16xi32>
      tpu.vector_store %arg13[%swap3A_243, %swap3A_244], %swap3A_247 {strides = array<i32>} : memref<8x128xi32, #tpu.memory_space<vmem>>, vector<1x16xi32>,
      %get3A_248 = arith.constant 176 : index
      %get3A_249 = tpu.vector_load %arg11[%get3A_248] {strides = array<i32>} : memref<1024xi32, #tpu.memory_space<vmem>>, vector<16xi32>,
      %get3A_250 = vector.shape_cast %get3A_249 : vector<16xi32> to vector<16xi32>
      %mul3A_251 = arith.constant 4096 : i32
      %mul3A_252 = vector.broadcast %mul3A_251 : i32 to vector<16xi32>
      %mul3A_253 = arith.muli %get3A_250, %mul3A_252 : vector<16xi32>
      %get3A_254 = arith.constant 176 : index
      %get3A_255 = tpu.vector_load %arg12[%get3A_254] {strides = array<i32>} : memref<1024xi32, #tpu.memory_space<vmem>>, vector<16xi32>,
      %get3A_256 = vector.shape_cast %get3A_255 : vector<16xi32> to vector<16xi32>
      %add3A_257 = arith.addi %mul3A_253, %get3A_256 : vector<16xi32>
      %swap3A_258 = arith.constant 1 : i32
      %swap3A_259 = arith.index_cast %swap3A_258 : i32 to index
      %swap3A_260 = arith.constant 48 : index
      %swap3A_261 = tpu.vector_load %arg13[%swap3A_259, %swap3A_260] {strides = array<i32>} : memref<8x128xi32, #tpu.memory_space<vmem>>, vector<1x16xi32>,
      %swap3A_262 = vector.shape_cast %swap3A_261 : vector<1x16xi32> to vector<16xi32>
      %swap3A_263 = vector.shape_cast %add3A_257 : vector<16xi32> to vector<1x16xi32>
      tpu.vector_store %arg13[%swap3A_259, %swap3A_260], %swap3A_263 {strides = array<i32>} : memref<8x128xi32, #tpu.memory_space<vmem>>, vector<1x16xi32>,
      %get3A_264 = arith.constant 192 : index
      %get3A_265 = tpu.vector_load %arg11[%get3A_264] {strides = array<i32>} : memref<1024xi32, #tpu.memory_space<vmem>>, vector<16xi32>,
      %get3A_266 = vector.shape_cast %get3A_265 : vector<16xi32> to vector<16xi32>
      %mul3A_267 = arith.constant 4096 : i32
      %mul3A_268 = vector.broadcast %mul3A_267 : i32 to vector<16xi32>
      %mul3A_269 = arith.muli %get3A_266, %mul3A_268 : vector<16xi32>
      %get3A_270 = arith.constant 192 : index
      %get3A_271 = tpu.vector_load %arg12[%get3A_270] {strides = array<i32>} : memref<1024xi32, #tpu.memory_space<vmem>>, vector<16xi32>,
      %get3A_272 = vector.shape_cast %get3A_271 : vector<16xi32> to vector<16xi32>
      %add3A_273 = arith.addi %mul3A_269, %get3A_272 : vector<16xi32>
      %swap3A_274 = arith.constant 1 : i32
      %swap3A_275 = arith.index_cast %swap3A_274 : i32 to index
      %swap3A_276 = arith.constant 64 : index
      %swap3A_277 = tpu.vector_load %arg13[%swap3A_275, %swap3A_276] {strides = array<i32>} : memref<8x128xi32, #tpu.memory_space<vmem>>, vector<1x16xi32>,
      %swap3A_278 = vector.shape_cast %swap3A_277 : vector<1x16xi32> to vector<16xi32>
      %swap3A_279 = vector.shape_cast %add3A_273 : vector<16xi32> to vector<1x16xi32>
      tpu.vector_store %arg13[%swap3A_275, %swap3A_276], %swap3A_279 {strides = array<i32>} : memref<8x128xi32, #tpu.memory_space<vmem>>, vector<1x16xi32>,
      %get3A_280 = arith.constant 208 : index
      %get3A_281 = tpu.vector_load %arg11[%get3A_280] {strides = array<i32>} : memref<1024xi32, #tpu.memory_space<vmem>>, vector<16xi32>,
      %get3A_282 = vector.shape_cast %get3A_281 : vector<16xi32> to vector<16xi32>
      %mul3A_283 = arith.constant 4096 : i32
      %mul3A_284 = vector.broadcast %mul3A_283 : i32 to vector<16xi32>
      %mul3A_285 = arith.muli %get3A_282, %mul3A_284 : vector<16xi32>
      %get3A_286 = arith.constant 208 : index
      %get3A_287 = tpu.vector_load %arg12[%get3A_286] {strides = array<i32>} : memref<1024xi32, #tpu.memory_space<vmem>>, vector<16xi32>,
      %get3A_288 = vector.shape_cast %get3A_287 : vector<16xi32> to vector<16xi32>
      %add3A_289 = arith.addi %mul3A_285, %get3A_288 : vector<16xi32>
      %swap3A_290 = arith.constant 1 : i32
      %swap3A_291 = arith.index_cast %swap3A_290 : i32 to index
      %swap3A_292 = arith.constant 80 : index
      %swap3A_293 = tpu.vector_load %arg13[%swap3A_291, %swap3A_292] {strides = array<i32>} : memref<8x128xi32, #tpu.memory_space<vmem>>, vector<1x16xi32>,
      %swap3A_294 = vector.shape_cast %swap3A_293 : vector<1x16xi32> to vector<16xi32>
      %swap3A_295 = vector.shape_cast %add3A_289 : vector<16xi32> to vector<1x16xi32>
      tpu.vector_store %arg13[%swap3A_291, %swap3A_292], %swap3A_295 {strides = array<i32>} : memref<8x128xi32, #tpu.memory_space<vmem>>, vector<1x16xi32>,
      %get3A_296 = arith.constant 224 : index
      %get3A_297 = tpu.vector_load %arg11[%get3A_296] {strides = array<i32>} : memref<1024xi32, #tpu.memory_space<vmem>>, vector<16xi32>,
      %get3A_298 = vector.shape_cast %get3A_297 : vector<16xi32> to vector<16xi32>
      %mul3A_299 = arith.constant 4096 : i32
      %mul3A_300 = vector.broadcast %mul3A_299 : i32 to vector<16xi32>
      %mul3A_301 = arith.muli %get3A_298, %mul3A_300 : vector<16xi32>
      %get3A_302 = arith.constant 224 : index
      %get3A_303 = tpu.vector_load %arg12[%get3A_302] {strides = array<i32>} : memref<1024xi32, #tpu.memory_space<vmem>>, vector<16xi32>,
      %get3A_304 = vector.shape_cast %get3A_303 : vector<16xi32> to vector<16xi32>
      %add3A_305 = arith.addi %mul3A_301, %get3A_304 : vector<16xi32>
      %swap3A_306 = arith.constant 1 : i32
      %swap3A_307 = arith.index_cast %swap3A_306 : i32 to index
      %swap3A_308 = arith.constant 96 : index
      %swap3A_309 = tpu.vector_load %arg13[%swap3A_307, %swap3A_308] {strides = array<i32>} : memref<8x128xi32, #tpu.memory_space<vmem>>, vector<1x16xi32>,
      %swap3A_310 = vector.shape_cast %swap3A_309 : vector<1x16xi32> to vector<16xi32>
      %swap3A_311 = vector.shape_cast %add3A_305 : vector<16xi32> to vector<1x16xi32>
      tpu.vector_store %arg13[%swap3A_307, %swap3A_308], %swap3A_311 {strides = array<i32>} : memref<8x128xi32, #tpu.memory_space<vmem>>, vector<1x16xi32>,
      %get3A_312 = arith.constant 240 : index
      %get3A_313 = tpu.vector_load %arg11[%get3A_312] {strides = array<i32>} : memref<1024xi32, #tpu.memory_space<vmem>>, vector<16xi32>,
      %get3A_314 = vector.shape_cast %get3A_313 : vector<16xi32> to vector<16xi32>
      %mul3A_315 = arith.constant 4096 : i32
      %mul3A_316 = vector.broadcast %mul3A_315 : i32 to vector<16xi32>
      %mul3A_317 = arith.muli %get3A_314, %mul3A_316 : vector<16xi32>
      %get3A_318 = arith.constant 240 : index
      %get3A_319 = tpu.vector_load %arg12[%get3A_318] {strides = array<i32>} : memref<1024xi32, #tpu.memory_space<vmem>>, vector<16xi32>,
      %get3A_320 = vector.shape_cast %get3A_319 : vector<16xi32> to vector<16xi32>
      %add3A_321 = arith.addi %mul3A_317, %get3A_320 : vector<16xi32>
      %swap3A_322 = arith.constant 1 : i32
      %swap3A_323 = arith.index_cast %swap3A_322 : i32 to index
      %swap3A_324 = arith.constant 112 : index
      %swap3A_325 = tpu.vector_load %arg13[%swap3A_323, %swap3A_324] {strides = array<i32>} : memref<8x128xi32, #tpu.memory_space<vmem>>, vector<1x16xi32>,
      %swap3A_326 = vector.shape_cast %swap3A_325 : vector<1x16xi32> to vector<16xi32>
      %swap3A_327 = vector.shape_cast %add3A_321 : vector<16xi32> to vector<1x16xi32>
      tpu.vector_store %arg13[%swap3A_323, %swap3A_324], %swap3A_327 {strides = array<i32>} : memref<8x128xi32, #tpu.memory_space<vmem>>, vector<1x16xi32>,
      %get3A_328 = arith.constant 256 : index
      %get3A_329 = tpu.vector_load %arg11[%get3A_328] {strides = array<i32>} : memref<1024xi32, #tpu.memory_space<vmem>>, vector<16xi32>,
      %get3A_330 = vector.shape_cast %get3A_329 : vector<16xi32> to vector<16xi32>
      %mul3A_331 = arith.constant 4096 : i32
      %mul3A_332 = vector.broadcast %mul3A_331 : i32 to vector<16xi32>
      %mul3A_333 = arith.muli %get3A_330, %mul3A_332 : vector<16xi32>
      %get3A_334 = arith.constant 256 : index
      %get3A_335 = tpu.vector_load %arg12[%get3A_334] {strides = array<i32>} : memref<1024xi32, #tpu.memory_space<vmem>>, vector<16xi32>,
      %get3A_336 = vector.shape_cast %get3A_335 : vector<16xi32> to vector<16xi32>
      %add3A_337 = arith.addi %mul3A_333, %get3A_336 : vector<16xi32>
      %swap3A_338 = arith.constant 2 : i32
      %swap3A_339 = arith.index_cast %swap3A_338 : i32 to index
      %swap3A_340 = arith.constant 0 : index
      %swap3A_341 = tpu.vector_load %arg13[%swap3A_339, %swap3A_340] {strides = array<i32>} : memref<8x128xi32, #tpu.memory_space<vmem>>, vector<1x16xi32>,
      %swap3A_342 = vector.shape_cast %swap3A_341 : vector<1x16xi32> to vector<16xi32>
      %swap3A_343 = vector.shape_cast %add3A_337 : vector<16xi32> to vector<1x16xi32>
      tpu.vector_store %arg13[%swap3A_339, %swap3A_340], %swap3A_343 {strides = array<i32>} : memref<8x128xi32, #tpu.memory_space<vmem>>, vector<1x16xi32>,
      %get3A_344 = arith.constant 272 : index
      %get3A_345 = tpu.vector_load %arg11[%get3A_344] {strides = array<i32>} : memref<1024xi32, #tpu.memory_space<vmem>>, vector<16xi32>,
      %get3A_346 = vector.shape_cast %get3A_345 : vector<16xi32> to vector<16xi32>
      %mul3A_347 = arith.constant 4096 : i32
      %mul3A_348 = vector.broadcast %mul3A_347 : i32 to vector<16xi32>
      %mul3A_349 = arith.muli %get3A_346, %mul3A_348 : vector<16xi32>
      %get3A_350 = arith.constant 272 : index
      %get3A_351 = tpu.vector_load %arg12[%get3A_350] {strides = array<i32>} : memref<1024xi32, #tpu.memory_space<vmem>>, vector<16xi32>,
      %get3A_352 = vector.shape_cast %get3A_351 : vector<16xi32> to vector<16xi32>
      %add3A_353 = arith.addi %mul3A_349, %get3A_352 : vector<16xi32>
      %swap3A_354 = arith.constant 2 : i32
      %swap3A_355 = arith.index_cast %swap3A_354 : i32 to index
      %swap3A_356 = arith.constant 16 : index
      %swap3A_357 = tpu.vector_load %arg13[%swap3A_355, %swap3A_356] {strides = array<i32>} : memref<8x128xi32, #tpu.memory_space<vmem>>, vector<1x16xi32>,
      %swap3A_358 = vector.shape_cast %swap3A_357 : vector<1x16xi32> to vector<16xi32>
      %swap3A_359 = vector.shape_cast %add3A_353 : vector<16xi32> to vector<1x16xi32>
      tpu.vector_store %arg13[%swap3A_355, %swap3A_356], %swap3A_359 {strides = array<i32>} : memref<8x128xi32, #tpu.memory_space<vmem>>, vector<1x16xi32>,
      %get3A_360 = arith.constant 288 : index
      %get3A_361 = tpu.vector_load %arg11[%get3A_360] {strides = array<i32>} : memref<1024xi32, #tpu.memory_space<vmem>>, vector<16xi32>,
      %get3A_362 = vector.shape_cast %get3A_361 : vector<16xi32> to vector<16xi32>
      %mul3A_363 = arith.constant 4096 : i32
      %mul3A_364 = vector.broadcast %mul3A_363 : i32 to vector<16xi32>
      %mul3A_365 = arith.muli %get3A_362, %mul3A_364 : vector<16xi32>
      %get3A_366 = arith.constant 288 : index
      %get3A_367 = tpu.vector_load %arg12[%get3A_366] {strides = array<i32>} : memref<1024xi32, #tpu.memory_space<vmem>>, vector<16xi32>,
      %get3A_368 = vector.shape_cast %get3A_367 : vector<16xi32> to vector<16xi32>
      %add3A_369 = arith.addi %mul3A_365, %get3A_368 : vector<16xi32>
      %swap3A_370 = arith.constant 2 : i32
      %swap3A_371 = arith.index_cast %swap3A_370 : i32 to index
      %swap3A_372 = arith.constant 32 : index
      %swap3A_373 = tpu.vector_load %arg13[%swap3A_371, %swap3A_372] {strides = array<i32>} : memref<8x128xi32, #tpu.memory_space<vmem>>, vector<1x16xi32>,
      %swap3A_374 = vector.shape_cast %swap3A_373 : vector<1x16xi32> to vector<16xi32>
      %swap3A_375 = vector.shape_cast %add3A_369 : vector<16xi32> to vector<1x16xi32>
      tpu.vector_store %arg13[%swap3A_371, %swap3A_372], %swap3A_375 {strides = array<i32>} : memref<8x128xi32, #tpu.memory_space<vmem>>, vector<1x16xi32>,
      %get3A_376 = arith.constant 304 : index
      %get3A_377 = tpu.vector_load %arg11[%get3A_376] {strides = array<i32>} : memref<1024xi32, #tpu.memory_space<vmem>>, vector<16xi32>,
      %get3A_378 = vector.shape_cast %get3A_377 : vector<16xi32> to vector<16xi32>
      %mul3A_379 = arith.constant 4096 : i32
      %mul3A_380 = vector.broadcast %mul3A_379 : i32 to vector<16xi32>
      %mul3A_381 = arith.muli %get3A_378, %mul3A_380 : vector<16xi32>
      %get3A_382 = arith.constant 304 : index
      %get3A_383 = tpu.vector_load %arg12[%get3A_382] {strides = array<i32>} : memref<1024xi32, #tpu.memory_space<vmem>>, vector<16xi32>,
      %get3A_384 = vector.shape_cast %get3A_383 : vector<16xi32> to vector<16xi32>
      %add3A_385 = arith.addi %mul3A_381, %get3A_384 : vector<16xi32>
      %swap3A_386 = arith.constant 2 : i32
      %swap3A_387 = arith.index_cast %swap3A_386 : i32 to index
      %swap3A_388 = arith.constant 48 : index
      %swap3A_389 = tpu.vector_load %arg13[%swap3A_387, %swap3A_388] {strides = array<i32>} : memref<8x128xi32, #tpu.memory_space<vmem>>, vector<1x16xi32>,
      %swap3A_390 = vector.shape_cast %swap3A_389 : vector<1x16xi32> to vector<16xi32>
      %swap3A_391 = vector.shape_cast %add3A_385 : vector<16xi32> to vector<1x16xi32>
      tpu.vector_store %arg13[%swap3A_387, %swap3A_388], %swap3A_391 {strides = array<i32>} : memref<8x128xi32, #tpu.memory_space<vmem>>, vector<1x16xi32>,
      %get3A_392 = arith.constant 320 : index
      %get3A_393 = tpu.vector_load %arg11[%get3A_392] {strides = array<i32>} : memref<1024xi32, #tpu.memory_space<vmem>>, vector<16xi32>,
      %get3A_394 = vector.shape_cast %get3A_393 : vector<16xi32> to vector<16xi32>
      %mul3A_395 = arith.constant 4096 : i32
      %mul3A_396 = vector.broadcast %mul3A_395 : i32 to vector<16xi32>
      %mul3A_397 = arith.muli %get3A_394, %mul3A_396 : vector<16xi32>
      %get3A_398 = arith.constant 320 : index
      %get3A_399 = tpu.vector_load %arg12[%get3A_398] {strides = array<i32>} : memref<1024xi32, #tpu.memory_space<vmem>>, vector<16xi32>,
      %get3A_400 = vector.shape_cast %get3A_399 : vector<16xi32> to vector<16xi32>
      %add3A_401 = arith.addi %mul3A_397, %get3A_400 : vector<16xi32>
      %swap3A_402 = arith.constant 2 : i32
      %swap3A_403 = arith.index_cast %swap3A_402 : i32 to index
      %swap3A_404 = arith.constant 64 : index
      %swap3A_405 = tpu.vector_load %arg13[%swap3A_403, %swap3A_404] {strides = array<i32>} : memref<8x128xi32, #tpu.memory_space<vmem>>, vector<1x16xi32>,
      %swap3A_406 = vector.shape_cast %swap3A_405 : vector<1x16xi32> to vector<16xi32>
      %swap3A_407 = vector.shape_cast %add3A_401 : vector<16xi32> to vector<1x16xi32>
      tpu.vector_store %arg13[%swap3A_403, %swap3A_404], %swap3A_407 {strides = array<i32>} : memref<8x128xi32, #tpu.memory_space<vmem>>, vector<1x16xi32>,
      %get3A_408 = arith.constant 336 : index
      %get3A_409 = tpu.vector_load %arg11[%get3A_408] {strides = array<i32>} : memref<1024xi32, #tpu.memory_space<vmem>>, vector<16xi32>,
      %get3A_410 = vector.shape_cast %get3A_409 : vector<16xi32> to vector<16xi32>
      %mul3A_411 = arith.constant 4096 : i32
      %mul3A_412 = vector.broadcast %mul3A_411 : i32 to vector<16xi32>
      %mul3A_413 = arith.muli %get3A_410, %mul3A_412 : vector<16xi32>
      %get3A_414 = arith.constant 336 : index
      %get3A_415 = tpu.vector_load %arg12[%get3A_414] {strides = array<i32>} : memref<1024xi32, #tpu.memory_space<vmem>>, vector<16xi32>,
      %get3A_416 = vector.shape_cast %get3A_415 : vector<16xi32> to vector<16xi32>
      %add3A_417 = arith.addi %mul3A_413, %get3A_416 : vector<16xi32>
      %swap3A_418 = arith.constant 2 : i32
      %swap3A_419 = arith.index_cast %swap3A_418 : i32 to index
      %swap3A_420 = arith.constant 80 : index
      %swap3A_421 = tpu.vector_load %arg13[%swap3A_419, %swap3A_420] {strides = array<i32>} : memref<8x128xi32, #tpu.memory_space<vmem>>, vector<1x16xi32>,
      %swap3A_422 = vector.shape_cast %swap3A_421 : vector<1x16xi32> to vector<16xi32>
      %swap3A_423 = vector.shape_cast %add3A_417 : vector<16xi32> to vector<1x16xi32>
      tpu.vector_store %arg13[%swap3A_419, %swap3A_420], %swap3A_423 {strides = array<i32>} : memref<8x128xi32, #tpu.memory_space<vmem>>, vector<1x16xi32>,
      %get3A_424 = arith.constant 352 : index
      %get3A_425 = tpu.vector_load %arg11[%get3A_424] {strides = array<i32>} : memref<1024xi32, #tpu.memory_space<vmem>>, vector<16xi32>,
      %get3A_426 = vector.shape_cast %get3A_425 : vector<16xi32> to vector<16xi32>
      %mul3A_427 = arith.constant 4096 : i32
      %mul3A_428 = vector.broadcast %mul3A_427 : i32 to vector<16xi32>
      %mul3A_429 = arith.muli %get3A_426, %mul3A_428 : vector<16xi32>
      %get3A_430 = arith.constant 352 : index
      %get3A_431 = tpu.vector_load %arg12[%get3A_430] {strides = array<i32>} : memref<1024xi32, #tpu.memory_space<vmem>>, vector<16xi32>,
      %get3A_432 = vector.shape_cast %get3A_431 : vector<16xi32> to vector<16xi32>
      %add3A_433 = arith.addi %mul3A_429, %get3A_432 : vector<16xi32>
      %swap3A_434 = arith.constant 2 : i32
      %swap3A_435 = arith.index_cast %swap3A_434 : i32 to index
      %swap3A_436 = arith.constant 96 : index
      %swap3A_437 = tpu.vector_load %arg13[%swap3A_435, %swap3A_436] {strides = array<i32>} : memref<8x128xi32, #tpu.memory_space<vmem>>, vector<1x16xi32>,
      %swap3A_438 = vector.shape_cast %swap3A_437 : vector<1x16xi32> to vector<16xi32>
      %swap3A_439 = vector.shape_cast %add3A_433 : vector<16xi32> to vector<1x16xi32>
      tpu.vector_store %arg13[%swap3A_435, %swap3A_436], %swap3A_439 {strides = array<i32>} : memref<8x128xi32, #tpu.memory_space<vmem>>, vector<1x16xi32>,
      %get3A_440 = arith.constant 368 : index
      %get3A_441 = tpu.vector_load %arg11[%get3A_440] {strides = array<i32>} : memref<1024xi32, #tpu.memory_space<vmem>>, vector<16xi32>,
      %get3A_442 = vector.shape_cast %get3A_441 : vector<16xi32> to vector<16xi32>
      %mul3A_443 = arith.constant 4096 : i32
      %mul3A_444 = vector.broadcast %mul3A_443 : i32 to vector<16xi32>
      %mul3A_445 = arith.muli %get3A_442, %mul3A_444 : vector<16xi32>
      %get3A_446 = arith.constant 368 : index
      %get3A_447 = tpu.vector_load %arg12[%get3A_446] {strides = array<i32>} : memref<1024xi32, #tpu.memory_space<vmem>>, vector<16xi32>,
      %get3A_448 = vector.shape_cast %get3A_447 : vector<16xi32> to vector<16xi32>
      %add3A_449 = arith.addi %mul3A_445, %get3A_448 : vector<16xi32>
      %swap3A_450 = arith.constant 2 : i32
      %swap3A_451 = arith.index_cast %swap3A_450 : i32 to index
      %swap3A_452 = arith.constant 112 : index
      %swap3A_453 = tpu.vector_load %arg13[%swap3A_451, %swap3A_452] {strides = array<i32>} : memref<8x128xi32, #tpu.memory_space<vmem>>, vector<1x16xi32>,
      %swap3A_454 = vector.shape_cast %swap3A_453 : vector<1x16xi32> to vector<16xi32>
      %swap3A_455 = vector.shape_cast %add3A_449 : vector<16xi32> to vector<1x16xi32>
      tpu.vector_store %arg13[%swap3A_451, %swap3A_452], %swap3A_455 {strides = array<i32>} : memref<8x128xi32, #tpu.memory_space<vmem>>, vector<1x16xi32>,
      %get3A_456 = arith.constant 384 : index
      %get3A_457 = tpu.vector_load %arg11[%get3A_456] {strides = array<i32>} : memref<1024xi32, #tpu.memory_space<vmem>>, vector<16xi32>,
      %get3A_458 = vector.shape_cast %get3A_457 : vector<16xi32> to vector<16xi32>
      %mul3A_459 = arith.constant 4096 : i32
      %mul3A_460 = vector.broadcast %mul3A_459 : i32 to vector<16xi32>
      %mul3A_461 = arith.muli %get3A_458, %mul3A_460 : vector<16xi32>
      %get3A_462 = arith.constant 384 : index
      %get3A_463 = tpu.vector_load %arg12[%get3A_462] {strides = array<i32>} : memref<1024xi32, #tpu.memory_space<vmem>>, vector<16xi32>,
      %get3A_464 = vector.shape_cast %get3A_463 : vector<16xi32> to vector<16xi32>
      %add3A_465 = arith.addi %mul3A_461, %get3A_464 : vector<16xi32>
      %swap3A_466 = arith.constant 3 : i32
      %swap3A_467 = arith.index_cast %swap3A_466 : i32 to index
      %swap3A_468 = arith.constant 0 : index
      %swap3A_469 = tpu.vector_load %arg13[%swap3A_467, %swap3A_468] {strides = array<i32>} : memref<8x128xi32, #tpu.memory_space<vmem>>, vector<1x16xi32>,
      %swap3A_470 = vector.shape_cast %swap3A_469 : vector<1x16xi32> to vector<16xi32>
      %swap3A_471 = vector.shape_cast %add3A_465 : vector<16xi32> to vector<1x16xi32>
      tpu.vector_store %arg13[%swap3A_467, %swap3A_468], %swap3A_471 {strides = array<i32>} : memref<8x128xi32, #tpu.memory_space<vmem>>, vector<1x16xi32>,
      %get3A_472 = arith.constant 400 : index
      %get3A_473 = tpu.vector_load %arg11[%get3A_472] {strides = array<i32>} : memref<1024xi32, #tpu.memory_space<vmem>>, vector<16xi32>,
      %get3A_474 = vector.shape_cast %get3A_473 : vector<16xi32> to vector<16xi32>
      %mul3A_475 = arith.constant 4096 : i32
      %mul3A_476 = vector.broadcast %mul3A_475 : i32 to vector<16xi32>
      %mul3A_477 = arith.muli %get3A_474, %mul3A_476 : vector<16xi32>
      %get3A_478 = arith.constant 400 : index
      %get3A_479 = tpu.vector_load %arg12[%get3A_478] {strides = array<i32>} : memref<1024xi32, #tpu.memory_space<vmem>>, vector<16xi32>,
      %get3A_480 = vector.shape_cast %get3A_479 : vector<16xi32> to vector<16xi32>
      %add3A_481 = arith.addi %mul3A_477, %get3A_480 : vector<16xi32>
      %swap3A_482 = arith.constant 3 : i32
      %swap3A_483 = arith.index_cast %swap3A_482 : i32 to index
      %swap3A_484 = arith.constant 16 : index
      %swap3A_485 = tpu.vector_load %arg13[%swap3A_483, %swap3A_484] {strides = array<i32>} : memref<8x128xi32, #tpu.memory_space<vmem>>, vector<1x16xi32>,
      %swap3A_486 = vector.shape_cast %swap3A_485 : vector<1x16xi32> to vector<16xi32>
      %swap3A_487 = vector.shape_cast %add3A_481 : vector<16xi32> to vector<1x16xi32>
      tpu.vector_store %arg13[%swap3A_483, %swap3A_484], %swap3A_487 {strides = array<i32>} : memref<8x128xi32, #tpu.memory_space<vmem>>, vector<1x16xi32>,
      %get3A_488 = arith.constant 416 : index
      %get3A_489 = tpu.vector_load %arg11[%get3A_488] {strides = array<i32>} : memref<1024xi32, #tpu.memory_space<vmem>>, vector<16xi32>,
      %get3A_490 = vector.shape_cast %get3A_489 : vector<16xi32> to vector<16xi32>
      %mul3A_491 = arith.constant 4096 : i32
      %mul3A_492 = vector.broadcast %mul3A_491 : i32 to vector<16xi32>
      %mul3A_493 = arith.muli %get3A_490, %mul3A_492 : vector<16xi32>
      %get3A_494 = arith.constant 416 : index
      %get3A_495 = tpu.vector_load %arg12[%get3A_494] {strides = array<i32>} : memref<1024xi32, #tpu.memory_space<vmem>>, vector<16xi32>,
      %get3A_496 = vector.shape_cast %get3A_495 : vector<16xi32> to vector<16xi32>
      %add3A_497 = arith.addi %mul3A_493, %get3A_496 : vector<16xi32>
      %swap3A_498 = arith.constant 3 : i32
      %swap3A_499 = arith.index_cast %swap3A_498 : i32 to index
      %swap3A_500 = arith.constant 32 : index
      %swap3A_501 = tpu.vector_load %arg13[%swap3A_499, %swap3A_500] {strides = array<i32>} : memref<8x128xi32, #tpu.memory_space<vmem>>, vector<1x16xi32>,
      %swap3A_502 = vector.shape_cast %swap3A_501 : vector<1x16xi32> to vector<16xi32>
      %swap3A_503 = vector.shape_cast %add3A_497 : vector<16xi32> to vector<1x16xi32>
      tpu.vector_store %arg13[%swap3A_499, %swap3A_500], %swap3A_503 {strides = array<i32>} : memref<8x128xi32, #tpu.memory_space<vmem>>, vector<1x16xi32>,
      %get3A_504 = arith.constant 432 : index
      %get3A_505 = tpu.vector_load %arg11[%get3A_504] {strides = array<i32>} : memref<1024xi32, #tpu.memory_space<vmem>>, vector<16xi32>,
      %get3A_506 = vector.shape_cast %get3A_505 : vector<16xi32> to vector<16xi32>
      %mul3A_507 = arith.constant 4096 : i32
      %mul3A_508 = vector.broadcast %mul3A_507 : i32 to vector<16xi32>
      %mul3A_509 = arith.muli %get3A_506, %mul3A_508 : vector<16xi32>
      %get3A_510 = arith.constant 432 : index
      %get3A_511 = tpu.vector_load %arg12[%get3A_510] {strides = array<i32>} : memref<1024xi32, #tpu.memory_space<vmem>>, vector<16xi32>,
      %get3A_512 = vector.shape_cast %get3A_511 : vector<16xi32> to vector<16xi32>
      %add3A_513 = arith.addi %mul3A_509, %get3A_512 : vector<16xi32>
      %swap3A_514 = arith.constant 3 : i32
      %swap3A_515 = arith.index_cast %swap3A_514 : i32 to index
      %swap3A_516 = arith.constant 48 : index
      %swap3A_517 = tpu.vector_load %arg13[%swap3A_515, %swap3A_516] {strides = array<i32>} : memref<8x128xi32, #tpu.memory_space<vmem>>, vector<1x16xi32>,
      %swap3A_518 = vector.shape_cast %swap3A_517 : vector<1x16xi32> to vector<16xi32>
      %swap3A_519 = vector.shape_cast %add3A_513 : vector<16xi32> to vector<1x16xi32>
      tpu.vector_store %arg13[%swap3A_515, %swap3A_516], %swap3A_519 {strides = array<i32>} : memref<8x128xi32, #tpu.memory_space<vmem>>, vector<1x16xi32>,
      %get3A_520 = arith.constant 448 : index
      %get3A_521 = tpu.vector_load %arg11[%get3A_520] {strides = array<i32>} : memref<1024xi32, #tpu.memory_space<vmem>>, vector<16xi32>,
      %get3A_522 = vector.shape_cast %get3A_521 : vector<16xi32> to vector<16xi32>
      %mul3A_523 = arith.constant 4096 : i32
      %mul3A_524 = vector.broadcast %mul3A_523 : i32 to vector<16xi32>
      %mul3A_525 = arith.muli %get3A_522, %mul3A_524 : vector<16xi32>
      %get3A_526 = arith.constant 448 : index
      %get3A_527 = tpu.vector_load %arg12[%get3A_526] {strides = array<i32>} : memref<1024xi32, #tpu.memory_space<vmem>>, vector<16xi32>,
      %get3A_528 = vector.shape_cast %get3A_527 : vector<16xi32> to vector<16xi32>
      %add3A_529 = arith.addi %mul3A_525, %get3A_528 : vector<16xi32>
      %swap3A_530 = arith.constant 3 : i32
      %swap3A_531 = arith.index_cast %swap3A_530 : i32 to index
      %swap3A_532 = arith.constant 64 : index
      %swap3A_533 = tpu.vector_load %arg13[%swap3A_531, %swap3A_532] {strides = array<i32>} : memref<8x128xi32, #tpu.memory_space<vmem>>, vector<1x16xi32>,
      %swap3A_534 = vector.shape_cast %swap3A_533 : vector<1x16xi32> to vector<16xi32>
      %swap3A_535 = vector.shape_cast %add3A_529 : vector<16xi32> to vector<1x16xi32>
      tpu.vector_store %arg13[%swap3A_531, %swap3A_532], %swap3A_535 {strides = array<i32>} : memref<8x128xi32, #tpu.memory_space<vmem>>, vector<1x16xi32>,
      %get3A_536 = arith.constant 464 : index
      %get3A_537 = tpu.vector_load %arg11[%get3A_536] {strides = array<i32>} : memref<1024xi32, #tpu.memory_space<vmem>>, vector<16xi32>,
      %get3A_538 = vector.shape_cast %get3A_537 : vector<16xi32> to vector<16xi32>
      %mul3A_539 = arith.constant 4096 : i32
      %mul3A_540 = vector.broadcast %mul3A_539 : i32 to vector<16xi32>
      %mul3A_541 = arith.muli %get3A_538, %mul3A_540 : vector<16xi32>
      %get3A_542 = arith.constant 464 : index
      %get3A_543 = tpu.vector_load %arg12[%get3A_542] {strides = array<i32>} : memref<1024xi32, #tpu.memory_space<vmem>>, vector<16xi32>,
      %get3A_544 = vector.shape_cast %get3A_543 : vector<16xi32> to vector<16xi32>
      %add3A_545 = arith.addi %mul3A_541, %get3A_544 : vector<16xi32>
      %swap3A_546 = arith.constant 3 : i32
      %swap3A_547 = arith.index_cast %swap3A_546 : i32 to index
      %swap3A_548 = arith.constant 80 : index
      %swap3A_549 = tpu.vector_load %arg13[%swap3A_547, %swap3A_548] {strides = array<i32>} : memref<8x128xi32, #tpu.memory_space<vmem>>, vector<1x16xi32>,
      %swap3A_550 = vector.shape_cast %swap3A_549 : vector<1x16xi32> to vector<16xi32>
      %swap3A_551 = vector.shape_cast %add3A_545 : vector<16xi32> to vector<1x16xi32>
      tpu.vector_store %arg13[%swap3A_547, %swap3A_548], %swap3A_551 {strides = array<i32>} : memref<8x128xi32, #tpu.memory_space<vmem>>, vector<1x16xi32>,
      %get3A_552 = arith.constant 480 : index
      %get3A_553 = tpu.vector_load %arg11[%get3A_552] {strides = array<i32>} : memref<1024xi32, #tpu.memory_space<vmem>>, vector<16xi32>,
      %get3A_554 = vector.shape_cast %get3A_553 : vector<16xi32> to vector<16xi32>
      %mul3A_555 = arith.constant 4096 : i32
      %mul3A_556 = vector.broadcast %mul3A_555 : i32 to vector<16xi32>
      %mul3A_557 = arith.muli %get3A_554, %mul3A_556 : vector<16xi32>
      %get3A_558 = arith.constant 480 : index
      %get3A_559 = tpu.vector_load %arg12[%get3A_558] {strides = array<i32>} : memref<1024xi32, #tpu.memory_space<vmem>>, vector<16xi32>,
      %get3A_560 = vector.shape_cast %get3A_559 : vector<16xi32> to vector<16xi32>
      %add3A_561 = arith.addi %mul3A_557, %get3A_560 : vector<16xi32>
      %swap3A_562 = arith.constant 3 : i32
      %swap3A_563 = arith.index_cast %swap3A_562 : i32 to index
      %swap3A_564 = arith.constant 96 : index
      %swap3A_565 = tpu.vector_load %arg13[%swap3A_563, %swap3A_564] {strides = array<i32>} : memref<8x128xi32, #tpu.memory_space<vmem>>, vector<1x16xi32>,
      %swap3A_566 = vector.shape_cast %swap3A_565 : vector<1x16xi32> to vector<16xi32>
      %swap3A_567 = vector.shape_cast %add3A_561 : vector<16xi32> to vector<1x16xi32>
      tpu.vector_store %arg13[%swap3A_563, %swap3A_564], %swap3A_567 {strides = array<i32>} : memref<8x128xi32, #tpu.memory_space<vmem>>, vector<1x16xi32>,
      %get3A_568 = arith.constant 496 : index
      %get3A_569 = tpu.vector_load %arg11[%get3A_568] {strides = array<i32>} : memref<1024xi32, #tpu.memory_space<vmem>>, vector<16xi32>,
      %get3A_570 = vector.shape_cast %get3A_569 : vector<16xi32> to vector<16xi32>
      %mul3A_571 = arith.constant 4096 : i32
      %mul3A_572 = vector.broadcast %mul3A_571 : i32 to vector<16xi32>
      %mul3A_573 = arith.muli %get3A_570, %mul3A_572 : vector<16xi32>
      %get3A_574 = arith.constant 496 : index
      %get3A_575 = tpu.vector_load %arg12[%get3A_574] {strides = array<i32>} : memref<1024xi32, #tpu.memory_space<vmem>>, vector<16xi32>,
      %get3A_576 = vector.shape_cast %get3A_575 : vector<16xi32> to vector<16xi32>
      %add3A_577 = arith.addi %mul3A_573, %get3A_576 : vector<16xi32>
      %swap3A_578 = arith.constant 3 : i32
      %swap3A_579 = arith.index_cast %swap3A_578 : i32 to index
      %swap3A_580 = arith.constant 112 : index
      %swap3A_581 = tpu.vector_load %arg13[%swap3A_579, %swap3A_580] {strides = array<i32>} : memref<8x128xi32, #tpu.memory_space<vmem>>, vector<1x16xi32>,
      %swap3A_582 = vector.shape_cast %swap3A_581 : vector<1x16xi32> to vector<16xi32>
      %swap3A_583 = vector.shape_cast %add3A_577 : vector<16xi32> to vector<1x16xi32>
      tpu.vector_store %arg13[%swap3A_579, %swap3A_580], %swap3A_583 {strides = array<i32>} : memref<8x128xi32, #tpu.memory_space<vmem>>, vector<1x16xi32>,
      %get3A_584 = arith.constant 512 : index
      %get3A_585 = tpu.vector_load %arg11[%get3A_584] {strides = array<i32>} : memref<1024xi32, #tpu.memory_space<vmem>>, vector<16xi32>,
      %get3A_586 = vector.shape_cast %get3A_585 : vector<16xi32> to vector<16xi32>
      %mul3A_587 = arith.constant 4096 : i32
      %mul3A_588 = vector.broadcast %mul3A_587 : i32 to vector<16xi32>
      %mul3A_589 = arith.muli %get3A_586, %mul3A_588 : vector<16xi32>
      %get3A_590 = arith.constant 512 : index
      %get3A_591 = tpu.vector_load %arg12[%get3A_590] {strides = array<i32>} : memref<1024xi32, #tpu.memory_space<vmem>>, vector<16xi32>,
      %get3A_592 = vector.shape_cast %get3A_591 : vector<16xi32> to vector<16xi32>
      %add3A_593 = arith.addi %mul3A_589, %get3A_592 : vector<16xi32>
      %swap3A_594 = arith.constant 4 : i32
      %swap3A_595 = arith.index_cast %swap3A_594 : i32 to index
      %swap3A_596 = arith.constant 0 : index
      %swap3A_597 = tpu.vector_load %arg13[%swap3A_595, %swap3A_596] {strides = array<i32>} : memref<8x128xi32, #tpu.memory_space<vmem>>, vector<1x16xi32>,
      %swap3A_598 = vector.shape_cast %swap3A_597 : vector<1x16xi32> to vector<16xi32>
      %swap3A_599 = vector.shape_cast %add3A_593 : vector<16xi32> to vector<1x16xi32>
      tpu.vector_store %arg13[%swap3A_595, %swap3A_596], %swap3A_599 {strides = array<i32>} : memref<8x128xi32, #tpu.memory_space<vmem>>, vector<1x16xi32>,
      %get3A_600 = arith.constant 528 : index
      %get3A_601 = tpu.vector_load %arg11[%get3A_600] {strides = array<i32>} : memref<1024xi32, #tpu.memory_space<vmem>>, vector<16xi32>,
      %get3A_602 = vector.shape_cast %get3A_601 : vector<16xi32> to vector<16xi32>
      %mul3A_603 = arith.constant 4096 : i32
      %mul3A_604 = vector.broadcast %mul3A_603 : i32 to vector<16xi32>
      %mul3A_605 = arith.muli %get3A_602, %mul3A_604 : vector<16xi32>
      %get3A_606 = arith.constant 528 : index
      %get3A_607 = tpu.vector_load %arg12[%get3A_606] {strides = array<i32>} : memref<1024xi32, #tpu.memory_space<vmem>>, vector<16xi32>,
      %get3A_608 = vector.shape_cast %get3A_607 : vector<16xi32> to vector<16xi32>
      %add3A_609 = arith.addi %mul3A_605, %get3A_608 : vector<16xi32>
      %swap3A_610 = arith.constant 4 : i32
      %swap3A_611 = arith.index_cast %swap3A_610 : i32 to index
      %swap3A_612 = arith.constant 16 : index
      %swap3A_613 = tpu.vector_load %arg13[%swap3A_611, %swap3A_612] {strides = array<i32>} : memref<8x128xi32, #tpu.memory_space<vmem>>, vector<1x16xi32>,
      %swap3A_614 = vector.shape_cast %swap3A_613 : vector<1x16xi32> to vector<16xi32>
      %swap3A_615 = vector.shape_cast %add3A_609 : vector<16xi32> to vector<1x16xi32>
      tpu.vector_store %arg13[%swap3A_611, %swap3A_612], %swap3A_615 {strides = array<i32>} : memref<8x128xi32, #tpu.memory_space<vmem>>, vector<1x16xi32>,
      %get3A_616 = arith.constant 544 : index
      %get3A_617 = tpu.vector_load %arg11[%get3A_616] {strides = array<i32>} : memref<1024xi32, #tpu.memory_space<vmem>>, vector<16xi32>,
      %get3A_618 = vector.shape_cast %get3A_617 : vector<16xi32> to vector<16xi32>
      %mul3A_619 = arith.constant 4096 : i32
      %mul3A_620 = vector.broadcast %mul3A_619 : i32 to vector<16xi32>
      %mul3A_621 = arith.muli %get3A_618, %mul3A_620 : vector<16xi32>
      %get3A_622 = arith.constant 544 : index
      %get3A_623 = tpu.vector_load %arg12[%get3A_622] {strides = array<i32>} : memref<1024xi32, #tpu.memory_space<vmem>>, vector<16xi32>,
      %get3A_624 = vector.shape_cast %get3A_623 : vector<16xi32> to vector<16xi32>
      %add3A_625 = arith.addi %mul3A_621, %get3A_624 : vector<16xi32>
      %swap3A_626 = arith.constant 4 : i32
      %swap3A_627 = arith.index_cast %swap3A_626 : i32 to index
      %swap3A_628 = arith.constant 32 : index
      %swap3A_629 = tpu.vector_load %arg13[%swap3A_627, %swap3A_628] {strides = array<i32>} : memref<8x128xi32, #tpu.memory_space<vmem>>, vector<1x16xi32>,
      %swap3A_630 = vector.shape_cast %swap3A_629 : vector<1x16xi32> to vector<16xi32>
      %swap3A_631 = vector.shape_cast %add3A_625 : vector<16xi32> to vector<1x16xi32>
      tpu.vector_store %arg13[%swap3A_627, %swap3A_628], %swap3A_631 {strides = array<i32>} : memref<8x128xi32, #tpu.memory_space<vmem>>, vector<1x16xi32>,
      %get3A_632 = arith.constant 560 : index
      %get3A_633 = tpu.vector_load %arg11[%get3A_632] {strides = array<i32>} : memref<1024xi32, #tpu.memory_space<vmem>>, vector<16xi32>,
      %get3A_634 = vector.shape_cast %get3A_633 : vector<16xi32> to vector<16xi32>
      %mul3A_635 = arith.constant 4096 : i32
      %mul3A_636 = vector.broadcast %mul3A_635 : i32 to vector<16xi32>
      %mul3A_637 = arith.muli %get3A_634, %mul3A_636 : vector<16xi32>
      %get3A_638 = arith.constant 560 : index
      %get3A_639 = tpu.vector_load %arg12[%get3A_638] {strides = array<i32>} : memref<1024xi32, #tpu.memory_space<vmem>>, vector<16xi32>,
      %get3A_640 = vector.shape_cast %get3A_639 : vector<16xi32> to vector<16xi32>
      %add3A_641 = arith.addi %mul3A_637, %get3A_640 : vector<16xi32>
      %swap3A_642 = arith.constant 4 : i32
      %swap3A_643 = arith.index_cast %swap3A_642 : i32 to index
      %swap3A_644 = arith.constant 48 : index
      %swap3A_645 = tpu.vector_load %arg13[%swap3A_643, %swap3A_644] {strides = array<i32>} : memref<8x128xi32, #tpu.memory_space<vmem>>, vector<1x16xi32>,
      %swap3A_646 = vector.shape_cast %swap3A_645 : vector<1x16xi32> to vector<16xi32>
      %swap3A_647 = vector.shape_cast %add3A_641 : vector<16xi32> to vector<1x16xi32>
      tpu.vector_store %arg13[%swap3A_643, %swap3A_644], %swap3A_647 {strides = array<i32>} : memref<8x128xi32, #tpu.memory_space<vmem>>, vector<1x16xi32>,
      %get3A_648 = arith.constant 576 : index
      %get3A_649 = tpu.vector_load %arg11[%get3A_648] {strides = array<i32>} : memref<1024xi32, #tpu.memory_space<vmem>>, vector<16xi32>,
      %get3A_650 = vector.shape_cast %get3A_649 : vector<16xi32> to vector<16xi32>
      %mul3A_651 = arith.constant 4096 : i32
      %mul3A_652 = vector.broadcast %mul3A_651 : i32 to vector<16xi32>
      %mul3A_653 = arith.muli %get3A_650, %mul3A_652 : vector<16xi32>
      %get3A_654 = arith.constant 576 : index
      %get3A_655 = tpu.vector_load %arg12[%get3A_654] {strides = array<i32>} : memref<1024xi32, #tpu.memory_space<vmem>>, vector<16xi32>,
      %get3A_656 = vector.shape_cast %get3A_655 : vector<16xi32> to vector<16xi32>
      %add3A_657 = arith.addi %mul3A_653, %get3A_656 : vector<16xi32>
      %swap3A_658 = arith.constant 4 : i32
      %swap3A_659 = arith.index_cast %swap3A_658 : i32 to index
      %swap3A_660 = arith.constant 64 : index
      %swap3A_661 = tpu.vector_load %arg13[%swap3A_659, %swap3A_660] {strides = array<i32>} : memref<8x128xi32, #tpu.memory_space<vmem>>, vector<1x16xi32>,
      %swap3A_662 = vector.shape_cast %swap3A_661 : vector<1x16xi32> to vector<16xi32>
      %swap3A_663 = vector.shape_cast %add3A_657 : vector<16xi32> to vector<1x16xi32>
      tpu.vector_store %arg13[%swap3A_659, %swap3A_660], %swap3A_663 {strides = array<i32>} : memref<8x128xi32, #tpu.memory_space<vmem>>, vector<1x16xi32>,
      %get3A_664 = arith.constant 592 : index
      %get3A_665 = tpu.vector_load %arg11[%get3A_664] {strides = array<i32>} : memref<1024xi32, #tpu.memory_space<vmem>>, vector<16xi32>,
      %get3A_666 = vector.shape_cast %get3A_665 : vector<16xi32> to vector<16xi32>
      %mul3A_667 = arith.constant 4096 : i32
      %mul3A_668 = vector.broadcast %mul3A_667 : i32 to vector<16xi32>
      %mul3A_669 = arith.muli %get3A_666, %mul3A_668 : vector<16xi32>
      %get3A_670 = arith.constant 592 : index
      %get3A_671 = tpu.vector_load %arg12[%get3A_670] {strides = array<i32>} : memref<1024xi32, #tpu.memory_space<vmem>>, vector<16xi32>,
      %get3A_672 = vector.shape_cast %get3A_671 : vector<16xi32> to vector<16xi32>
      %add3A_673 = arith.addi %mul3A_669, %get3A_672 : vector<16xi32>
      %swap3A_674 = arith.constant 4 : i32
      %swap3A_675 = arith.index_cast %swap3A_674 : i32 to index
      %swap3A_676 = arith.constant 80 : index
      %swap3A_677 = tpu.vector_load %arg13[%swap3A_675, %swap3A_676] {strides = array<i32>} : memref<8x128xi32, #tpu.memory_space<vmem>>, vector<1x16xi32>,
      %swap3A_678 = vector.shape_cast %swap3A_677 : vector<1x16xi32> to vector<16xi32>
      %swap3A_679 = vector.shape_cast %add3A_673 : vector<16xi32> to vector<1x16xi32>
      tpu.vector_store %arg13[%swap3A_675, %swap3A_676], %swap3A_679 {strides = array<i32>} : memref<8x128xi32, #tpu.memory_space<vmem>>, vector<1x16xi32>,
      %get3A_680 = arith.constant 608 : index
      %get3A_681 = tpu.vector_load %arg11[%get3A_680] {strides = array<i32>} : memref<1024xi32, #tpu.memory_space<vmem>>, vector<16xi32>,
      %get3A_682 = vector.shape_cast %get3A_681 : vector<16xi32> to vector<16xi32>
      %mul3A_683 = arith.constant 4096 : i32
      %mul3A_684 = vector.broadcast %mul3A_683 : i32 to vector<16xi32>
      %mul3A_685 = arith.muli %get3A_682, %mul3A_684 : vector<16xi32>
      %get3A_686 = arith.constant 608 : index
      %get3A_687 = tpu.vector_load %arg12[%get3A_686] {strides = array<i32>} : memref<1024xi32, #tpu.memory_space<vmem>>, vector<16xi32>,
      %get3A_688 = vector.shape_cast %get3A_687 : vector<16xi32> to vector<16xi32>
      %add3A_689 = arith.addi %mul3A_685, %get3A_688 : vector<16xi32>
      %swap3A_690 = arith.constant 4 : i32
      %swap3A_691 = arith.index_cast %swap3A_690 : i32 to index
      %swap3A_692 = arith.constant 96 : index
      %swap3A_693 = tpu.vector_load %arg13[%swap3A_691, %swap3A_692] {strides = array<i32>} : memref<8x128xi32, #tpu.memory_space<vmem>>, vector<1x16xi32>,
      %swap3A_694 = vector.shape_cast %swap3A_693 : vector<1x16xi32> to vector<16xi32>
      %swap3A_695 = vector.shape_cast %add3A_689 : vector<16xi32> to vector<1x16xi32>
      tpu.vector_store %arg13[%swap3A_691, %swap3A_692], %swap3A_695 {strides = array<i32>} : memref<8x128xi32, #tpu.memory_space<vmem>>, vector<1x16xi32>,
      %get3A_696 = arith.constant 624 : index
      %get3A_697 = tpu.vector_load %arg11[%get3A_696] {strides = array<i32>} : memref<1024xi32, #tpu.memory_space<vmem>>, vector<16xi32>,
      %get3A_698 = vector.shape_cast %get3A_697 : vector<16xi32> to vector<16xi32>
      %mul3A_699 = arith.constant 4096 : i32
      %mul3A_700 = vector.broadcast %mul3A_699 : i32 to vector<16xi32>
      %mul3A_701 = arith.muli %get3A_698, %mul3A_700 : vector<16xi32>
      %get3A_702 = arith.constant 624 : index
      %get3A_703 = tpu.vector_load %arg12[%get3A_702] {strides = array<i32>} : memref<1024xi32, #tpu.memory_space<vmem>>, vector<16xi32>,
      %get3A_704 = vector.shape_cast %get3A_703 : vector<16xi32> to vector<16xi32>
      %add3A_705 = arith.addi %mul3A_701, %get3A_704 : vector<16xi32>
      %swap3A_706 = arith.constant 4 : i32
      %swap3A_707 = arith.index_cast %swap3A_706 : i32 to index
      %swap3A_708 = arith.constant 112 : index
      %swap3A_709 = tpu.vector_load %arg13[%swap3A_707, %swap3A_708] {strides = array<i32>} : memref<8x128xi32, #tpu.memory_space<vmem>>, vector<1x16xi32>,
      %swap3A_710 = vector.shape_cast %swap3A_709 : vector<1x16xi32> to vector<16xi32>
      %swap3A_711 = vector.shape_cast %add3A_705 : vector<16xi32> to vector<1x16xi32>
      tpu.vector_store %arg13[%swap3A_707, %swap3A_708], %swap3A_711 {strides = array<i32>} : memref<8x128xi32, #tpu.memory_space<vmem>>, vector<1x16xi32>,
      %get3A_712 = arith.constant 640 : index
      %get3A_713 = tpu.vector_load %arg11[%get3A_712] {strides = array<i32>} : memref<1024xi32, #tpu.memory_space<vmem>>, vector<16xi32>,
      %get3A_714 = vector.shape_cast %get3A_713 : vector<16xi32> to vector<16xi32>
      %mul3A_715 = arith.constant 4096 : i32
      %mul3A_716 = vector.broadcast %mul3A_715 : i32 to vector<16xi32>
      %mul3A_717 = arith.muli %get3A_714, %mul3A_716 : vector<16xi32>
      %get3A_718 = arith.constant 640 : index
      %get3A_719 = tpu.vector_load %arg12[%get3A_718] {strides = array<i32>} : memref<1024xi32, #tpu.memory_space<vmem>>, vector<16xi32>,
      %get3A_720 = vector.shape_cast %get3A_719 : vector<16xi32> to vector<16xi32>
      %add3A_721 = arith.addi %mul3A_717, %get3A_720 : vector<16xi32>
      %swap3A_722 = arith.constant 5 : i32
      %swap3A_723 = arith.index_cast %swap3A_722 : i32 to index
      %swap3A_724 = arith.constant 0 : index
      %swap3A_725 = tpu.vector_load %arg13[%swap3A_723, %swap3A_724] {strides = array<i32>} : memref<8x128xi32, #tpu.memory_space<vmem>>, vector<1x16xi32>,
      %swap3A_726 = vector.shape_cast %swap3A_725 : vector<1x16xi32> to vector<16xi32>
      %swap3A_727 = vector.shape_cast %add3A_721 : vector<16xi32> to vector<1x16xi32>
      tpu.vector_store %arg13[%swap3A_723, %swap3A_724], %swap3A_727 {strides = array<i32>} : memref<8x128xi32, #tpu.memory_space<vmem>>, vector<1x16xi32>,
      %get3A_728 = arith.constant 656 : index
      %get3A_729 = tpu.vector_load %arg11[%get3A_728] {strides = array<i32>} : memref<1024xi32, #tpu.memory_space<vmem>>, vector<16xi32>,
      %get3A_730 = vector.shape_cast %get3A_729 : vector<16xi32> to vector<16xi32>
      %mul3A_731 = arith.constant 4096 : i32
      %mul3A_732 = vector.broadcast %mul3A_731 : i32 to vector<16xi32>
      %mul3A_733 = arith.muli %get3A_730, %mul3A_732 : vector<16xi32>
      %get3A_734 = arith.constant 656 : index
      %get3A_735 = tpu.vector_load %arg12[%get3A_734] {strides = array<i32>} : memref<1024xi32, #tpu.memory_space<vmem>>, vector<16xi32>,
      %get3A_736 = vector.shape_cast %get3A_735 : vector<16xi32> to vector<16xi32>
      %add3A_737 = arith.addi %mul3A_733, %get3A_736 : vector<16xi32>
      %swap3A_738 = arith.constant 5 : i32
      %swap3A_739 = arith.index_cast %swap3A_738 : i32 to index
      %swap3A_740 = arith.constant 16 : index
      %swap3A_741 = tpu.vector_load %arg13[%swap3A_739, %swap3A_740] {strides = array<i32>} : memref<8x128xi32, #tpu.memory_space<vmem>>, vector<1x16xi32>,
      %swap3A_742 = vector.shape_cast %swap3A_741 : vector<1x16xi32> to vector<16xi32>
      %swap3A_743 = vector.shape_cast %add3A_737 : vector<16xi32> to vector<1x16xi32>
      tpu.vector_store %arg13[%swap3A_739, %swap3A_740], %swap3A_743 {strides = array<i32>} : memref<8x128xi32, #tpu.memory_space<vmem>>, vector<1x16xi32>,
      %get3A_744 = arith.constant 672 : index
      %get3A_745 = tpu.vector_load %arg11[%get3A_744] {strides = array<i32>} : memref<1024xi32, #tpu.memory_space<vmem>>, vector<16xi32>,
      %get3A_746 = vector.shape_cast %get3A_745 : vector<16xi32> to vector<16xi32>
      %mul3A_747 = arith.constant 4096 : i32
      %mul3A_748 = vector.broadcast %mul3A_747 : i32 to vector<16xi32>
      %mul3A_749 = arith.muli %get3A_746, %mul3A_748 : vector<16xi32>
      %get3A_750 = arith.constant 672 : index
      %get3A_751 = tpu.vector_load %arg12[%get3A_750] {strides = array<i32>} : memref<1024xi32, #tpu.memory_space<vmem>>, vector<16xi32>,
      %get3A_752 = vector.shape_cast %get3A_751 : vector<16xi32> to vector<16xi32>
      %add3A_753 = arith.addi %mul3A_749, %get3A_752 : vector<16xi32>
      %swap3A_754 = arith.constant 5 : i32
      %swap3A_755 = arith.index_cast %swap3A_754 : i32 to index
      %swap3A_756 = arith.constant 32 : index
      %swap3A_757 = tpu.vector_load %arg13[%swap3A_755, %swap3A_756] {strides = array<i32>} : memref<8x128xi32, #tpu.memory_space<vmem>>, vector<1x16xi32>,
      %swap3A_758 = vector.shape_cast %swap3A_757 : vector<1x16xi32> to vector<16xi32>
      %swap3A_759 = vector.shape_cast %add3A_753 : vector<16xi32> to vector<1x16xi32>
      tpu.vector_store %arg13[%swap3A_755, %swap3A_756], %swap3A_759 {strides = array<i32>} : memref<8x128xi32, #tpu.memory_space<vmem>>, vector<1x16xi32>,
      %get3A_760 = arith.constant 688 : index
      %get3A_761 = tpu.vector_load %arg11[%get3A_760] {strides = array<i32>} : memref<1024xi32, #tpu.memory_space<vmem>>, vector<16xi32>,
      %get3A_762 = vector.shape_cast %get3A_761 : vector<16xi32> to vector<16xi32>
      %mul3A_763 = arith.constant 4096 : i32
      %mul3A_764 = vector.broadcast %mul3A_763 : i32 to vector<16xi32>
      %mul3A_765 = arith.muli %get3A_762, %mul3A_764 : vector<16xi32>
      %get3A_766 = arith.constant 688 : index
      %get3A_767 = tpu.vector_load %arg12[%get3A_766] {strides = array<i32>} : memref<1024xi32, #tpu.memory_space<vmem>>, vector<16xi32>,
      %get3A_768 = vector.shape_cast %get3A_767 : vector<16xi32> to vector<16xi32>
      %add3A_769 = arith.addi %mul3A_765, %get3A_768 : vector<16xi32>
      %swap3A_770 = arith.constant 5 : i32
      %swap3A_771 = arith.index_cast %swap3A_770 : i32 to index
      %swap3A_772 = arith.constant 48 : index
      %swap3A_773 = tpu.vector_load %arg13[%swap3A_771, %swap3A_772] {strides = array<i32>} : memref<8x128xi32, #tpu.memory_space<vmem>>, vector<1x16xi32>,
      %swap3A_774 = vector.shape_cast %swap3A_773 : vector<1x16xi32> to vector<16xi32>
      %swap3A_775 = vector.shape_cast %add3A_769 : vector<16xi32> to vector<1x16xi32>
      tpu.vector_store %arg13[%swap3A_771, %swap3A_772], %swap3A_775 {strides = array<i32>} : memref<8x128xi32, #tpu.memory_space<vmem>>, vector<1x16xi32>,
      %get3A_776 = arith.constant 704 : index
      %get3A_777 = tpu.vector_load %arg11[%get3A_776] {strides = array<i32>} : memref<1024xi32, #tpu.memory_space<vmem>>, vector<16xi32>,
      %get3A_778 = vector.shape_cast %get3A_777 : vector<16xi32> to vector<16xi32>
      %mul3A_779 = arith.constant 4096 : i32
      %mul3A_780 = vector.broadcast %mul3A_779 : i32 to vector<16xi32>
      %mul3A_781 = arith.muli %get3A_778, %mul3A_780 : vector<16xi32>
      %get3A_782 = arith.constant 704 : index
      %get3A_783 = tpu.vector_load %arg12[%get3A_782] {strides = array<i32>} : memref<1024xi32, #tpu.memory_space<vmem>>, vector<16xi32>,
      %get3A_784 = vector.shape_cast %get3A_783 : vector<16xi32> to vector<16xi32>
      %add3A_785 = arith.addi %mul3A_781, %get3A_784 : vector<16xi32>
      %swap3A_786 = arith.constant 5 : i32
      %swap3A_787 = arith.index_cast %swap3A_786 : i32 to index
      %swap3A_788 = arith.constant 64 : index
      %swap3A_789 = tpu.vector_load %arg13[%swap3A_787, %swap3A_788] {strides = array<i32>} : memref<8x128xi32, #tpu.memory_space<vmem>>, vector<1x16xi32>,
      %swap3A_790 = vector.shape_cast %swap3A_789 : vector<1x16xi32> to vector<16xi32>
      %swap3A_791 = vector.shape_cast %add3A_785 : vector<16xi32> to vector<1x16xi32>
      tpu.vector_store %arg13[%swap3A_787, %swap3A_788], %swap3A_791 {strides = array<i32>} : memref<8x128xi32, #tpu.memory_space<vmem>>, vector<1x16xi32>,
      %get3A_792 = arith.constant 720 : index
      %get3A_793 = tpu.vector_load %arg11[%get3A_792] {strides = array<i32>} : memref<1024xi32, #tpu.memory_space<vmem>>, vector<16xi32>,
      %get3A_794 = vector.shape_cast %get3A_793 : vector<16xi32> to vector<16xi32>
      %mul3A_795 = arith.constant 4096 : i32
      %mul3A_796 = vector.broadcast %mul3A_795 : i32 to vector<16xi32>
      %mul3A_797 = arith.muli %get3A_794, %mul3A_796 : vector<16xi32>
      %get3A_798 = arith.constant 720 : index
      %get3A_799 = tpu.vector_load %arg12[%get3A_798] {strides = array<i32>} : memref<1024xi32, #tpu.memory_space<vmem>>, vector<16xi32>,
      %get3A_800 = vector.shape_cast %get3A_799 : vector<16xi32> to vector<16xi32>
      %add3A_801 = arith.addi %mul3A_797, %get3A_800 : vector<16xi32>
      %swap3A_802 = arith.constant 5 : i32
      %swap3A_803 = arith.index_cast %swap3A_802 : i32 to index
      %swap3A_804 = arith.constant 80 : index
      %swap3A_805 = tpu.vector_load %arg13[%swap3A_803, %swap3A_804] {strides = array<i32>} : memref<8x128xi32, #tpu.memory_space<vmem>>, vector<1x16xi32>,
      %swap3A_806 = vector.shape_cast %swap3A_805 : vector<1x16xi32> to vector<16xi32>
      %swap3A_807 = vector.shape_cast %add3A_801 : vector<16xi32> to vector<1x16xi32>
      tpu.vector_store %arg13[%swap3A_803, %swap3A_804], %swap3A_807 {strides = array<i32>} : memref<8x128xi32, #tpu.memory_space<vmem>>, vector<1x16xi32>,
      %get3A_808 = arith.constant 736 : index
      %get3A_809 = tpu.vector_load %arg11[%get3A_808] {strides = array<i32>} : memref<1024xi32, #tpu.memory_space<vmem>>, vector<16xi32>,
      %get3A_810 = vector.shape_cast %get3A_809 : vector<16xi32> to vector<16xi32>
      %mul3A_811 = arith.constant 4096 : i32
      %mul3A_812 = vector.broadcast %mul3A_811 : i32 to vector<16xi32>
      %mul3A_813 = arith.muli %get3A_810, %mul3A_812 : vector<16xi32>
      %get3A_814 = arith.constant 736 : index
      %get3A_815 = tpu.vector_load %arg12[%get3A_814] {strides = array<i32>} : memref<1024xi32, #tpu.memory_space<vmem>>, vector<16xi32>,
      %get3A_816 = vector.shape_cast %get3A_815 : vector<16xi32> to vector<16xi32>
      %add3A_817 = arith.addi %mul3A_813, %get3A_816 : vector<16xi32>
      %swap3A_818 = arith.constant 5 : i32
      %swap3A_819 = arith.index_cast %swap3A_818 : i32 to index
      %swap3A_820 = arith.constant 96 : index
      %swap3A_821 = tpu.vector_load %arg13[%swap3A_819, %swap3A_820] {strides = array<i32>} : memref<8x128xi32, #tpu.memory_space<vmem>>, vector<1x16xi32>,
      %swap3A_822 = vector.shape_cast %swap3A_821 : vector<1x16xi32> to vector<16xi32>
      %swap3A_823 = vector.shape_cast %add3A_817 : vector<16xi32> to vector<1x16xi32>
      tpu.vector_store %arg13[%swap3A_819, %swap3A_820], %swap3A_823 {strides = array<i32>} : memref<8x128xi32, #tpu.memory_space<vmem>>, vector<1x16xi32>,
      %get3A_824 = arith.constant 752 : index
      %get3A_825 = tpu.vector_load %arg11[%get3A_824] {strides = array<i32>} : memref<1024xi32, #tpu.memory_space<vmem>>, vector<16xi32>,
      %get3A_826 = vector.shape_cast %get3A_825 : vector<16xi32> to vector<16xi32>
      %mul3A_827 = arith.constant 4096 : i32
      %mul3A_828 = vector.broadcast %mul3A_827 : i32 to vector<16xi32>
      %mul3A_829 = arith.muli %get3A_826, %mul3A_828 : vector<16xi32>
      %get3A_830 = arith.constant 752 : index
      %get3A_831 = tpu.vector_load %arg12[%get3A_830] {strides = array<i32>} : memref<1024xi32, #tpu.memory_space<vmem>>, vector<16xi32>,
      %get3A_832 = vector.shape_cast %get3A_831 : vector<16xi32> to vector<16xi32>
      %add3A_833 = arith.addi %mul3A_829, %get3A_832 : vector<16xi32>
      %swap3A_834 = arith.constant 5 : i32
      %swap3A_835 = arith.index_cast %swap3A_834 : i32 to index
      %swap3A_836 = arith.constant 112 : index
      %swap3A_837 = tpu.vector_load %arg13[%swap3A_835, %swap3A_836] {strides = array<i32>} : memref<8x128xi32, #tpu.memory_space<vmem>>, vector<1x16xi32>,
      %swap3A_838 = vector.shape_cast %swap3A_837 : vector<1x16xi32> to vector<16xi32>
      %swap3A_839 = vector.shape_cast %add3A_833 : vector<16xi32> to vector<1x16xi32>
      tpu.vector_store %arg13[%swap3A_835, %swap3A_836], %swap3A_839 {strides = array<i32>} : memref<8x128xi32, #tpu.memory_space<vmem>>, vector<1x16xi32>,
      %get3A_840 = arith.constant 768 : index
      %get3A_841 = tpu.vector_load %arg11[%get3A_840] {strides = array<i32>} : memref<1024xi32, #tpu.memory_space<vmem>>, vector<16xi32>,
      %get3A_842 = vector.shape_cast %get3A_841 : vector<16xi32> to vector<16xi32>
      %mul3A_843 = arith.constant 4096 : i32
      %mul3A_844 = vector.broadcast %mul3A_843 : i32 to vector<16xi32>
      %mul3A_845 = arith.muli %get3A_842, %mul3A_844 : vector<16xi32>
      %get3A_846 = arith.constant 768 : index
      %get3A_847 = tpu.vector_load %arg12[%get3A_846] {strides = array<i32>} : memref<1024xi32, #tpu.memory_space<vmem>>, vector<16xi32>,
      %get3A_848 = vector.shape_cast %get3A_847 : vector<16xi32> to vector<16xi32>
      %add3A_849 = arith.addi %mul3A_845, %get3A_848 : vector<16xi32>
      %swap3A_850 = arith.constant 6 : i32
      %swap3A_851 = arith.index_cast %swap3A_850 : i32 to index
      %swap3A_852 = arith.constant 0 : index
      %swap3A_853 = tpu.vector_load %arg13[%swap3A_851, %swap3A_852] {strides = array<i32>} : memref<8x128xi32, #tpu.memory_space<vmem>>, vector<1x16xi32>,
      %swap3A_854 = vector.shape_cast %swap3A_853 : vector<1x16xi32> to vector<16xi32>
      %swap3A_855 = vector.shape_cast %add3A_849 : vector<16xi32> to vector<1x16xi32>
      tpu.vector_store %arg13[%swap3A_851, %swap3A_852], %swap3A_855 {strides = array<i32>} : memref<8x128xi32, #tpu.memory_space<vmem>>, vector<1x16xi32>,
      %get3A_856 = arith.constant 784 : index
      %get3A_857 = tpu.vector_load %arg11[%get3A_856] {strides = array<i32>} : memref<1024xi32, #tpu.memory_space<vmem>>, vector<16xi32>,
      %get3A_858 = vector.shape_cast %get3A_857 : vector<16xi32> to vector<16xi32>
      %mul3A_859 = arith.constant 4096 : i32
      %mul3A_860 = vector.broadcast %mul3A_859 : i32 to vector<16xi32>
      %mul3A_861 = arith.muli %get3A_858, %mul3A_860 : vector<16xi32>
      %get3A_862 = arith.constant 784 : index
      %get3A_863 = tpu.vector_load %arg12[%get3A_862] {strides = array<i32>} : memref<1024xi32, #tpu.memory_space<vmem>>, vector<16xi32>,
      %get3A_864 = vector.shape_cast %get3A_863 : vector<16xi32> to vector<16xi32>
      %add3A_865 = arith.addi %mul3A_861, %get3A_864 : vector<16xi32>
      %swap3A_866 = arith.constant 6 : i32
      %swap3A_867 = arith.index_cast %swap3A_866 : i32 to index
      %swap3A_868 = arith.constant 16 : index
      %swap3A_869 = tpu.vector_load %arg13[%swap3A_867, %swap3A_868] {strides = array<i32>} : memref<8x128xi32, #tpu.memory_space<vmem>>, vector<1x16xi32>,
      %swap3A_870 = vector.shape_cast %swap3A_869 : vector<1x16xi32> to vector<16xi32>
      %swap3A_871 = vector.shape_cast %add3A_865 : vector<16xi32> to vector<1x16xi32>
      tpu.vector_store %arg13[%swap3A_867, %swap3A_868], %swap3A_871 {strides = array<i32>} : memref<8x128xi32, #tpu.memory_space<vmem>>, vector<1x16xi32>,
      %get3A_872 = arith.constant 800 : index
      %get3A_873 = tpu.vector_load %arg11[%get3A_872] {strides = array<i32>} : memref<1024xi32, #tpu.memory_space<vmem>>, vector<16xi32>,
      %get3A_874 = vector.shape_cast %get3A_873 : vector<16xi32> to vector<16xi32>
      %mul3A_875 = arith.constant 4096 : i32
      %mul3A_876 = vector.broadcast %mul3A_875 : i32 to vector<16xi32>
      %mul3A_877 = arith.muli %get3A_874, %mul3A_876 : vector<16xi32>
      %get3A_878 = arith.constant 800 : index
      %get3A_879 = tpu.vector_load %arg12[%get3A_878] {strides = array<i32>} : memref<1024xi32, #tpu.memory_space<vmem>>, vector<16xi32>,
      %get3A_880 = vector.shape_cast %get3A_879 : vector<16xi32> to vector<16xi32>
      %add3A_881 = arith.addi %mul3A_877, %get3A_880 : vector<16xi32>
      %swap3A_882 = arith.constant 6 : i32
      %swap3A_883 = arith.index_cast %swap3A_882 : i32 to index
      %swap3A_884 = arith.constant 32 : index
      %swap3A_885 = tpu.vector_load %arg13[%swap3A_883, %swap3A_884] {strides = array<i32>} : memref<8x128xi32, #tpu.memory_space<vmem>>, vector<1x16xi32>,
      %swap3A_886 = vector.shape_cast %swap3A_885 : vector<1x16xi32> to vector<16xi32>
      %swap3A_887 = vector.shape_cast %add3A_881 : vector<16xi32> to vector<1x16xi32>
      tpu.vector_store %arg13[%swap3A_883, %swap3A_884], %swap3A_887 {strides = array<i32>} : memref<8x128xi32, #tpu.memory_space<vmem>>, vector<1x16xi32>,
      %get3A_888 = arith.constant 816 : index
      %get3A_889 = tpu.vector_load %arg11[%get3A_888] {strides = array<i32>} : memref<1024xi32, #tpu.memory_space<vmem>>, vector<16xi32>,
      %get3A_890 = vector.shape_cast %get3A_889 : vector<16xi32> to vector<16xi32>
      %mul3A_891 = arith.constant 4096 : i32
      %mul3A_892 = vector.broadcast %mul3A_891 : i32 to vector<16xi32>
      %mul3A_893 = arith.muli %get3A_890, %mul3A_892 : vector<16xi32>
      %get3A_894 = arith.constant 816 : index
      %get3A_895 = tpu.vector_load %arg12[%get3A_894] {strides = array<i32>} : memref<1024xi32, #tpu.memory_space<vmem>>, vector<16xi32>,
      %get3A_896 = vector.shape_cast %get3A_895 : vector<16xi32> to vector<16xi32>
      %add3A_897 = arith.addi %mul3A_893, %get3A_896 : vector<16xi32>
      %swap3A_898 = arith.constant 6 : i32
      %swap3A_899 = arith.index_cast %swap3A_898 : i32 to index
      %swap3A_900 = arith.constant 48 : index
      %swap3A_901 = tpu.vector_load %arg13[%swap3A_899, %swap3A_900] {strides = array<i32>} : memref<8x128xi32, #tpu.memory_space<vmem>>, vector<1x16xi32>,
      %swap3A_902 = vector.shape_cast %swap3A_901 : vector<1x16xi32> to vector<16xi32>
      %swap3A_903 = vector.shape_cast %add3A_897 : vector<16xi32> to vector<1x16xi32>
      tpu.vector_store %arg13[%swap3A_899, %swap3A_900], %swap3A_903 {strides = array<i32>} : memref<8x128xi32, #tpu.memory_space<vmem>>, vector<1x16xi32>,
      %get3A_904 = arith.constant 832 : index
      %get3A_905 = tpu.vector_load %arg11[%get3A_904] {strides = array<i32>} : memref<1024xi32, #tpu.memory_space<vmem>>, vector<16xi32>,
      %get3A_906 = vector.shape_cast %get3A_905 : vector<16xi32> to vector<16xi32>
      %mul3A_907 = arith.constant 4096 : i32
      %mul3A_908 = vector.broadcast %mul3A_907 : i32 to vector<16xi32>
      %mul3A_909 = arith.muli %get3A_906, %mul3A_908 : vector<16xi32>
      %get3A_910 = arith.constant 832 : index
      %get3A_911 = tpu.vector_load %arg12[%get3A_910] {strides = array<i32>} : memref<1024xi32, #tpu.memory_space<vmem>>, vector<16xi32>,
      %get3A_912 = vector.shape_cast %get3A_911 : vector<16xi32> to vector<16xi32>
      %add3A_913 = arith.addi %mul3A_909, %get3A_912 : vector<16xi32>
      %swap3A_914 = arith.constant 6 : i32
      %swap3A_915 = arith.index_cast %swap3A_914 : i32 to index
      %swap3A_916 = arith.constant 64 : index
      %swap3A_917 = tpu.vector_load %arg13[%swap3A_915, %swap3A_916] {strides = array<i32>} : memref<8x128xi32, #tpu.memory_space<vmem>>, vector<1x16xi32>,
      %swap3A_918 = vector.shape_cast %swap3A_917 : vector<1x16xi32> to vector<16xi32>
      %swap3A_919 = vector.shape_cast %add3A_913 : vector<16xi32> to vector<1x16xi32>
      tpu.vector_store %arg13[%swap3A_915, %swap3A_916], %swap3A_919 {strides = array<i32>} : memref<8x128xi32, #tpu.memory_space<vmem>>, vector<1x16xi32>,
      %get3A_920 = arith.constant 848 : index
      %get3A_921 = tpu.vector_load %arg11[%get3A_920] {strides = array<i32>} : memref<1024xi32, #tpu.memory_space<vmem>>, vector<16xi32>,
      %get3A_922 = vector.shape_cast %get3A_921 : vector<16xi32> to vector<16xi32>
      %mul3A_923 = arith.constant 4096 : i32
      %mul3A_924 = vector.broadcast %mul3A_923 : i32 to vector<16xi32>
      %mul3A_925 = arith.muli %get3A_922, %mul3A_924 : vector<16xi32>
      %get3A_926 = arith.constant 848 : index
      %get3A_927 = tpu.vector_load %arg12[%get3A_926] {strides = array<i32>} : memref<1024xi32, #tpu.memory_space<vmem>>, vector<16xi32>,
      %get3A_928 = vector.shape_cast %get3A_927 : vector<16xi32> to vector<16xi32>
      %add3A_929 = arith.addi %mul3A_925, %get3A_928 : vector<16xi32>
      %swap3A_930 = arith.constant 6 : i32
      %swap3A_931 = arith.index_cast %swap3A_930 : i32 to index
      %swap3A_932 = arith.constant 80 : index
      %swap3A_933 = tpu.vector_load %arg13[%swap3A_931, %swap3A_932] {strides = array<i32>} : memref<8x128xi32, #tpu.memory_space<vmem>>, vector<1x16xi32>,
      %swap3A_934 = vector.shape_cast %swap3A_933 : vector<1x16xi32> to vector<16xi32>
      %swap3A_935 = vector.shape_cast %add3A_929 : vector<16xi32> to vector<1x16xi32>
      tpu.vector_store %arg13[%swap3A_931, %swap3A_932], %swap3A_935 {strides = array<i32>} : memref<8x128xi32, #tpu.memory_space<vmem>>, vector<1x16xi32>,
      %get3A_936 = arith.constant 864 : index
      %get3A_937 = tpu.vector_load %arg11[%get3A_936] {strides = array<i32>} : memref<1024xi32, #tpu.memory_space<vmem>>, vector<16xi32>,
      %get3A_938 = vector.shape_cast %get3A_937 : vector<16xi32> to vector<16xi32>
      %mul3A_939 = arith.constant 4096 : i32
      %mul3A_940 = vector.broadcast %mul3A_939 : i32 to vector<16xi32>
      %mul3A_941 = arith.muli %get3A_938, %mul3A_940 : vector<16xi32>
      %get3A_942 = arith.constant 864 : index
      %get3A_943 = tpu.vector_load %arg12[%get3A_942] {strides = array<i32>} : memref<1024xi32, #tpu.memory_space<vmem>>, vector<16xi32>,
      %get3A_944 = vector.shape_cast %get3A_943 : vector<16xi32> to vector<16xi32>
      %add3A_945 = arith.addi %mul3A_941, %get3A_944 : vector<16xi32>
      %swap3A_946 = arith.constant 6 : i32
      %swap3A_947 = arith.index_cast %swap3A_946 : i32 to index
      %swap3A_948 = arith.constant 96 : index
      %swap3A_949 = tpu.vector_load %arg13[%swap3A_947, %swap3A_948] {strides = array<i32>} : memref<8x128xi32, #tpu.memory_space<vmem>>, vector<1x16xi32>,
      %swap3A_950 = vector.shape_cast %swap3A_949 : vector<1x16xi32> to vector<16xi32>
      %swap3A_951 = vector.shape_cast %add3A_945 : vector<16xi32> to vector<1x16xi32>
      tpu.vector_store %arg13[%swap3A_947, %swap3A_948], %swap3A_951 {strides = array<i32>} : memref<8x128xi32, #tpu.memory_space<vmem>>, vector<1x16xi32>,
      %get3A_952 = arith.constant 880 : index
      %get3A_953 = tpu.vector_load %arg11[%get3A_952] {strides = array<i32>} : memref<1024xi32, #tpu.memory_space<vmem>>, vector<16xi32>,
      %get3A_954 = vector.shape_cast %get3A_953 : vector<16xi32> to vector<16xi32>
      %mul3A_955 = arith.constant 4096 : i32
      %mul3A_956 = vector.broadcast %mul3A_955 : i32 to vector<16xi32>
      %mul3A_957 = arith.muli %get3A_954, %mul3A_956 : vector<16xi32>
      %get3A_958 = arith.constant 880 : index
      %get3A_959 = tpu.vector_load %arg12[%get3A_958] {strides = array<i32>} : memref<1024xi32, #tpu.memory_space<vmem>>, vector<16xi32>,
      %get3A_960 = vector.shape_cast %get3A_959 : vector<16xi32> to vector<16xi32>
      %add3A_961 = arith.addi %mul3A_957, %get3A_960 : vector<16xi32>
      %swap3A_962 = arith.constant 6 : i32
      %swap3A_963 = arith.index_cast %swap3A_962 : i32 to index
      %swap3A_964 = arith.constant 112 : index
      %swap3A_965 = tpu.vector_load %arg13[%swap3A_963, %swap3A_964] {strides = array<i32>} : memref<8x128xi32, #tpu.memory_space<vmem>>, vector<1x16xi32>,
      %swap3A_966 = vector.shape_cast %swap3A_965 : vector<1x16xi32> to vector<16xi32>
      %swap3A_967 = vector.shape_cast %add3A_961 : vector<16xi32> to vector<1x16xi32>
      tpu.vector_store %arg13[%swap3A_963, %swap3A_964], %swap3A_967 {strides = array<i32>} : memref<8x128xi32, #tpu.memory_space<vmem>>, vector<1x16xi32>,
      %get3A_968 = arith.constant 896 : index
      %get3A_969 = tpu.vector_load %arg11[%get3A_968] {strides = array<i32>} : memref<1024xi32, #tpu.memory_space<vmem>>, vector<16xi32>,
      %get3A_970 = vector.shape_cast %get3A_969 : vector<16xi32> to vector<16xi32>
      %mul3A_971 = arith.constant 4096 : i32
      %mul3A_972 = vector.broadcast %mul3A_971 : i32 to vector<16xi32>
      %mul3A_973 = arith.muli %get3A_970, %mul3A_972 : vector<16xi32>
      %get3A_974 = arith.constant 896 : index
      %get3A_975 = tpu.vector_load %arg12[%get3A_974] {strides = array<i32>} : memref<1024xi32, #tpu.memory_space<vmem>>, vector<16xi32>,
      %get3A_976 = vector.shape_cast %get3A_975 : vector<16xi32> to vector<16xi32>
      %add3A_977 = arith.addi %mul3A_973, %get3A_976 : vector<16xi32>
      %swap3A_978 = arith.constant 7 : i32
      %swap3A_979 = arith.index_cast %swap3A_978 : i32 to index
      %swap3A_980 = arith.constant 0 : index
      %swap3A_981 = tpu.vector_load %arg13[%swap3A_979, %swap3A_980] {strides = array<i32>} : memref<8x128xi32, #tpu.memory_space<vmem>>, vector<1x16xi32>,
      %swap3A_982 = vector.shape_cast %swap3A_981 : vector<1x16xi32> to vector<16xi32>
      %swap3A_983 = vector.shape_cast %add3A_977 : vector<16xi32> to vector<1x16xi32>
      tpu.vector_store %arg13[%swap3A_979, %swap3A_980], %swap3A_983 {strides = array<i32>} : memref<8x128xi32, #tpu.memory_space<vmem>>, vector<1x16xi32>,
      %get3A_984 = arith.constant 912 : index
      %get3A_985 = tpu.vector_load %arg11[%get3A_984] {strides = array<i32>} : memref<1024xi32, #tpu.memory_space<vmem>>, vector<16xi32>,
      %get3A_986 = vector.shape_cast %get3A_985 : vector<16xi32> to vector<16xi32>
      %mul3A_987 = arith.constant 4096 : i32
      %mul3A_988 = vector.broadcast %mul3A_987 : i32 to vector<16xi32>
      %mul3A_989 = arith.muli %get3A_986, %mul3A_988 : vector<16xi32>
      %get3A_990 = arith.constant 912 : index
      %get3A_991 = tpu.vector_load %arg12[%get3A_990] {strides = array<i32>} : memref<1024xi32, #tpu.memory_space<vmem>>, vector<16xi32>,
      %get3A_992 = vector.shape_cast %get3A_991 : vector<16xi32> to vector<16xi32>
      %add3A_993 = arith.addi %mul3A_989, %get3A_992 : vector<16xi32>
      %swap3A_994 = arith.constant 7 : i32
      %swap3A_995 = arith.index_cast %swap3A_994 : i32 to index
      %swap3A_996 = arith.constant 16 : index
      %swap3A_997 = tpu.vector_load %arg13[%swap3A_995, %swap3A_996] {strides = array<i32>} : memref<8x128xi32, #tpu.memory_space<vmem>>, vector<1x16xi32>,
      %swap3A_998 = vector.shape_cast %swap3A_997 : vector<1x16xi32> to vector<16xi32>
      %swap3A_999 = vector.shape_cast %add3A_993 : vector<16xi32> to vector<1x16xi32>
      tpu.vector_store %arg13[%swap3A_995, %swap3A_996], %swap3A_999 {strides = array<i32>} : memref<8x128xi32, #tpu.memory_space<vmem>>, vector<1x16xi32>,
      %get3A_1000 = arith.constant 928 : index
      %get3A_1001 = tpu.vector_load %arg11[%get3A_1000] {strides = array<i32>} : memref<1024xi32, #tpu.memory_space<vmem>>, vector<16xi32>,
      %get3A_1002 = vector.shape_cast %get3A_1001 : vector<16xi32> to vector<16xi32>
      %mul3A_1003 = arith.constant 4096 : i32
      %mul3A_1004 = vector.broadcast %mul3A_1003 : i32 to vector<16xi32>
      %mul3A_1005 = arith.muli %get3A_1002, %mul3A_1004 : vector<16xi32>
      %get3A_1006 = arith.constant 928 : index
      %get3A_1007 = tpu.vector_load %arg12[%get3A_1006] {strides = array<i32>} : memref<1024xi32, #tpu.memory_space<vmem>>, vector<16xi32>,
      %get3A_1008 = vector.shape_cast %get3A_1007 : vector<16xi32> to vector<16xi32>
      %add3A_1009 = arith.addi %mul3A_1005, %get3A_1008 : vector<16xi32>
      %swap3A_1010 = arith.constant 7 : i32
      %swap3A_1011 = arith.index_cast %swap3A_1010 : i32 to index
      %swap3A_1012 = arith.constant 32 : index
      %swap3A_1013 = tpu.vector_load %arg13[%swap3A_1011, %swap3A_1012] {strides = array<i32>} : memref<8x128xi32, #tpu.memory_space<vmem>>, vector<1x16xi32>,
      %swap3A_1014 = vector.shape_cast %swap3A_1013 : vector<1x16xi32> to vector<16xi32>
      %swap3A_1015 = vector.shape_cast %add3A_1009 : vector<16xi32> to vector<1x16xi32>
      tpu.vector_store %arg13[%swap3A_1011, %swap3A_1012], %swap3A_1015 {strides = array<i32>} : memref<8x128xi32, #tpu.memory_space<vmem>>, vector<1x16xi32>,
      %get3A_1016 = arith.constant 944 : index
      %get3A_1017 = tpu.vector_load %arg11[%get3A_1016] {strides = array<i32>} : memref<1024xi32, #tpu.memory_space<vmem>>, vector<16xi32>,
      %get3A_1018 = vector.shape_cast %get3A_1017 : vector<16xi32> to vector<16xi32>
      %mul3A_1019 = arith.constant 4096 : i32
      %mul3A_1020 = vector.broadcast %mul3A_1019 : i32 to vector<16xi32>
      %mul3A_1021 = arith.muli %get3A_1018, %mul3A_1020 : vector<16xi32>
      %get3A_1022 = arith.constant 944 : index
      %get3A_1023 = tpu.vector_load %arg12[%get3A_1022] {strides = array<i32>} : memref<1024xi32, #tpu.memory_space<vmem>>, vector<16xi32>,
      %get3A_1024 = vector.shape_cast %get3A_1023 : vector<16xi32> to vector<16xi32>
      %add3A_1025 = arith.addi %mul3A_1021, %get3A_1024 : vector<16xi32>
      %swap3A_1026 = arith.constant 7 : i32
      %swap3A_1027 = arith.index_cast %swap3A_1026 : i32 to index
      %swap3A_1028 = arith.constant 48 : index
      %swap3A_1029 = tpu.vector_load %arg13[%swap3A_1027, %swap3A_1028] {strides = array<i32>} : memref<8x128xi32, #tpu.memory_space<vmem>>, vector<1x16xi32>,
      %swap3A_1030 = vector.shape_cast %swap3A_1029 : vector<1x16xi32> to vector<16xi32>
      %swap3A_1031 = vector.shape_cast %add3A_1025 : vector<16xi32> to vector<1x16xi32>
      tpu.vector_store %arg13[%swap3A_1027, %swap3A_1028], %swap3A_1031 {strides = array<i32>} : memref<8x128xi32, #tpu.memory_space<vmem>>, vector<1x16xi32>,
      %get3A_1032 = arith.constant 960 : index
      %get3A_1033 = tpu.vector_load %arg11[%get3A_1032] {strides = array<i32>} : memref<1024xi32, #tpu.memory_space<vmem>>, vector<16xi32>,
      %get3A_1034 = vector.shape_cast %get3A_1033 : vector<16xi32> to vector<16xi32>
      %mul3A_1035 = arith.constant 4096 : i32
      %mul3A_1036 = vector.broadcast %mul3A_1035 : i32 to vector<16xi32>
      %mul3A_1037 = arith.muli %get3A_1034, %mul3A_1036 : vector<16xi32>
      %get3A_1038 = arith.constant 960 : index
      %get3A_1039 = tpu.vector_load %arg12[%get3A_1038] {strides = array<i32>} : memref<1024xi32, #tpu.memory_space<vmem>>, vector<16xi32>,
      %get3A_1040 = vector.shape_cast %get3A_1039 : vector<16xi32> to vector<16xi32>
      %add3A_1041 = arith.addi %mul3A_1037, %get3A_1040 : vector<16xi32>
      %swap3A_1042 = arith.constant 7 : i32
      %swap3A_1043 = arith.index_cast %swap3A_1042 : i32 to index
      %swap3A_1044 = arith.constant 64 : index
      %swap3A_1045 = tpu.vector_load %arg13[%swap3A_1043, %swap3A_1044] {strides = array<i32>} : memref<8x128xi32, #tpu.memory_space<vmem>>, vector<1x16xi32>,
      %swap3A_1046 = vector.shape_cast %swap3A_1045 : vector<1x16xi32> to vector<16xi32>
      %swap3A_1047 = vector.shape_cast %add3A_1041 : vector<16xi32> to vector<1x16xi32>
      tpu.vector_store %arg13[%swap3A_1043, %swap3A_1044], %swap3A_1047 {strides = array<i32>} : memref<8x128xi32, #tpu.memory_space<vmem>>, vector<1x16xi32>,
      %get3A_1048 = arith.constant 976 : index
      %get3A_1049 = tpu.vector_load %arg11[%get3A_1048] {strides = array<i32>} : memref<1024xi32, #tpu.memory_space<vmem>>, vector<16xi32>,
      %get3A_1050 = vector.shape_cast %get3A_1049 : vector<16xi32> to vector<16xi32>
      %mul3A_1051 = arith.constant 4096 : i32
      %mul3A_1052 = vector.broadcast %mul3A_1051 : i32 to vector<16xi32>
      %mul3A_1053 = arith.muli %get3A_1050, %mul3A_1052 : vector<16xi32>
      %get3A_1054 = arith.constant 976 : index
      %get3A_1055 = tpu.vector_load %arg12[%get3A_1054] {strides = array<i32>} : memref<1024xi32, #tpu.memory_space<vmem>>, vector<16xi32>,
      %get3A_1056 = vector.shape_cast %get3A_1055 : vector<16xi32> to vector<16xi32>
      %add3A_1057 = arith.addi %mul3A_1053, %get3A_1056 : vector<16xi32>
      %swap3A_1058 = arith.constant 7 : i32
      %swap3A_1059 = arith.index_cast %swap3A_1058 : i32 to index
      %swap3A_1060 = arith.constant 80 : index
      %swap3A_1061 = tpu.vector_load %arg13[%swap3A_1059, %swap3A_1060] {strides = array<i32>} : memref<8x128xi32, #tpu.memory_space<vmem>>, vector<1x16xi32>,
      %swap3A_1062 = vector.shape_cast %swap3A_1061 : vector<1x16xi32> to vector<16xi32>
      %swap3A_1063 = vector.shape_cast %add3A_1057 : vector<16xi32> to vector<1x16xi32>
      tpu.vector_store %arg13[%swap3A_1059, %swap3A_1060], %swap3A_1063 {strides = array<i32>} : memref<8x128xi32, #tpu.memory_space<vmem>>, vector<1x16xi32>,
      %get3A_1064 = arith.constant 992 : index
      %get3A_1065 = tpu.vector_load %arg11[%get3A_1064] {strides = array<i32>} : memref<1024xi32, #tpu.memory_space<vmem>>, vector<16xi32>,
      %get3A_1066 = vector.shape_cast %get3A_1065 : vector<16xi32> to vector<16xi32>
      %mul3A_1067 = arith.constant 4096 : i32
      %mul3A_1068 = vector.broadcast %mul3A_1067 : i32 to vector<16xi32>
      %mul3A_1069 = arith.muli %get3A_1066, %mul3A_1068 : vector<16xi32>
      %get3A_1070 = arith.constant 992 : index
      %get3A_1071 = tpu.vector_load %arg12[%get3A_1070] {strides = array<i32>} : memref<1024xi32, #tpu.memory_space<vmem>>, vector<16xi32>,
      %get3A_1072 = vector.shape_cast %get3A_1071 : vector<16xi32> to vector<16xi32>
      %add3A_1073 = arith.addi %mul3A_1069, %get3A_1072 : vector<16xi32>
      %swap3A_1074 = arith.constant 7 : i32
      %swap3A_1075 = arith.index_cast %swap3A_1074 : i32 to index
      %swap3A_1076 = arith.constant 96 : index
      %swap3A_1077 = tpu.vector_load %arg13[%swap3A_1075, %swap3A_1076] {strides = array<i32>} : memref<8x128xi32, #tpu.memory_space<vmem>>, vector<1x16xi32>,
      %swap3A_1078 = vector.shape_cast %swap3A_1077 : vector<1x16xi32> to vector<16xi32>
      %swap3A_1079 = vector.shape_cast %add3A_1073 : vector<16xi32> to vector<1x16xi32>
      tpu.vector_store %arg13[%swap3A_1075, %swap3A_1076], %swap3A_1079 {strides = array<i32>} : memref<8x128xi32, #tpu.memory_space<vmem>>, vector<1x16xi32>,
      %get3A_1080 = arith.constant 1008 : index
      %get3A_1081 = tpu.vector_load %arg11[%get3A_1080] {strides = array<i32>} : memref<1024xi32, #tpu.memory_space<vmem>>, vector<16xi32>,
      %get3A_1082 = vector.shape_cast %get3A_1081 : vector<16xi32> to vector<16xi32>
      %mul3A_1083 = arith.constant 4096 : i32
      %mul3A_1084 = vector.broadcast %mul3A_1083 : i32 to vector<16xi32>
      %mul3A_1085 = arith.muli %get3A_1082, %mul3A_1084 : vector<16xi32>
      %get3A_1086 = arith.constant 1008 : index
      %get3A_1087 = tpu.vector_load %arg12[%get3A_1086] {strides = array<i32>} : memref<1024xi32, #tpu.memory_space<vmem>>, vector<16xi32>,
      %get3A_1088 = vector.shape_cast %get3A_1087 : vector<16xi32> to vector<16xi32>
      %add3A_1089 = arith.addi %mul3A_1085, %get3A_1088 : vector<16xi32>
      %swap3A_1090 = arith.constant 7 : i32
      %swap3A_1091 = arith.index_cast %swap3A_1090 : i32 to index
      %swap3A_1092 = arith.constant 112 : index
      %swap3A_1093 = tpu.vector_load %arg13[%swap3A_1091, %swap3A_1092] {strides = array<i32>} : memref<8x128xi32, #tpu.memory_space<vmem>>, vector<1x16xi32>,
      %swap3A_1094 = vector.shape_cast %swap3A_1093 : vector<1x16xi32> to vector<16xi32>
      %swap3A_1095 = vector.shape_cast %add3A_1089 : vector<16xi32> to vector<1x16xi32>
      tpu.vector_store %arg13[%swap3A_1091, %swap3A_1092], %swap3A_1095 {strides = array<i32>} : memref<8x128xi32, #tpu.memory_space<vmem>>, vector<1x16xi32>,
      %dma_start3A = arith.constant 0 : i32
      %dma_start3A_1096 = arith.constant 0 : i32
      %dma_start3A_1097 = tpu.memref_slice %arg13[%dma_start3A, %dma_start3A_1096] : memref<8x128xi32, #tpu.memory_space<vmem>> -> memref<1x128xi32, #tpu.memory_space<vmem>>
      %dma_start3A_1098 = tpu.memref_squeeze %dma_start3A_1097 : memref<1x128xi32, #tpu.memory_space<vmem>> -> memref<128xi32, #tpu.memory_space<vmem>>
      %dma_start3A_1099 = arith.constant 0 : i32
      %dma_start3A_1100 = tpu.memref_slice %arg8[%dma_start3A_1099] : memref<16777216xf32, #tpu.memory_space<hbm>> -> memref<16777216xf32, #tpu.memory_space<hbm>>
      tpu.enqueue_indirect_dma source(%arg16 : memref<128xf32, #tpu.memory_space<vmem>>) target(%dma_start3A_1100 : memref<16777216xf32, #tpu.memory_space<hbm>>) offsets(%dma_start3A_1098 : memref<128xi32, #tpu.memory_space<vmem>>) semaphore(%arg20 : memref<!tpu.dma_semaphore, #tpu.memory_space<semaphore_mem>>)
      %dma_start3A_1101 = arith.constant 1 : i32
      %dma_start3A_1102 = arith.constant 0 : i32
      %dma_start3A_1103 = tpu.memref_slice %arg13[%dma_start3A_1101, %dma_start3A_1102] : memref<8x128xi32, #tpu.memory_space<vmem>> -> memref<1x128xi32, #tpu.memory_space<vmem>>
      %dma_start3A_1104 = tpu.memref_squeeze %dma_start3A_1103 : memref<1x128xi32, #tpu.memory_space<vmem>> -> memref<128xi32, #tpu.memory_space<vmem>>
      %dma_start3A_1105 = arith.constant 0 : i32
      %dma_start3A_1106 = tpu.memref_slice %arg8[%dma_start3A_1105] : memref<16777216xf32, #tpu.memory_space<hbm>> -> memref<16777216xf32, #tpu.memory_space<hbm>>
      tpu.enqueue_indirect_dma source(%arg16 : memref<128xf32, #tpu.memory_space<vmem>>) target(%dma_start3A_1106 : memref<16777216xf32, #tpu.memory_space<hbm>>) offsets(%dma_start3A_1104 : memref<128xi32, #tpu.memory_space<vmem>>) semaphore(%arg20 : memref<!tpu.dma_semaphore, #tpu.memory_space<semaphore_mem>>)
      %dma_start3A_1107 = arith.constant 2 : i32
      %dma_start3A_1108 = arith.constant 0 : i32
      %dma_start3A_1109 = tpu.memref_slice %arg13[%dma_start3A_1107, %dma_start3A_1108] : memref<8x128xi32, #tpu.memory_space<vmem>> -> memref<1x128xi32, #tpu.memory_space<vmem>>
      %dma_start3A_1110 = tpu.memref_squeeze %dma_start3A_1109 : memref<1x128xi32, #tpu.memory_space<vmem>> -> memref<128xi32, #tpu.memory_space<vmem>>
      %dma_start3A_1111 = arith.constant 0 : i32
      %dma_start3A_1112 = tpu.memref_slice %arg8[%dma_start3A_1111] : memref<16777216xf32, #tpu.memory_space<hbm>> -> memref<16777216xf32, #tpu.memory_space<hbm>>
      tpu.enqueue_indirect_dma source(%arg16 : memref<128xf32, #tpu.memory_space<vmem>>) target(%dma_start3A_1112 : memref<16777216xf32, #tpu.memory_space<hbm>>) offsets(%dma_start3A_1110 : memref<128xi32, #tpu.memory_space<vmem>>) semaphore(%arg20 : memref<!tpu.dma_semaphore, #tpu.memory_space<semaphore_mem>>)
      %dma_start3A_1113 = arith.constant 3 : i32
      %dma_start3A_1114 = arith.constant 0 : i32
      %dma_start3A_1115 = tpu.memref_slice %arg13[%dma_start3A_1113, %dma_start3A_1114] : memref<8x128xi32, #tpu.memory_space<vmem>> -> memref<1x128xi32, #tpu.memory_space<vmem>>
      %dma_start3A_1116 = tpu.memref_squeeze %dma_start3A_1115 : memref<1x128xi32, #tpu.memory_space<vmem>> -> memref<128xi32, #tpu.memory_space<vmem>>
      %dma_start3A_1117 = arith.constant 0 : i32
      %dma_start3A_1118 = tpu.memref_slice %arg8[%dma_start3A_1117] : memref<16777216xf32, #tpu.memory_space<hbm>> -> memref<16777216xf32, #tpu.memory_space<hbm>>
      tpu.enqueue_indirect_dma source(%arg16 : memref<128xf32, #tpu.memory_space<vmem>>) target(%dma_start3A_1118 : memref<16777216xf32, #tpu.memory_space<hbm>>) offsets(%dma_start3A_1116 : memref<128xi32, #tpu.memory_space<vmem>>) semaphore(%arg20 : memref<!tpu.dma_semaphore, #tpu.memory_space<semaphore_mem>>)
      %dma_start3A_1119 = arith.constant 4 : i32
      %dma_start3A_1120 = arith.constant 0 : i32
      %dma_start3A_1121 = tpu.memref_slice %arg13[%dma_start3A_1119, %dma_start3A_1120] : memref<8x128xi32, #tpu.memory_space<vmem>> -> memref<1x128xi32, #tpu.memory_space<vmem>>
      %dma_start3A_1122 = tpu.memref_squeeze %dma_start3A_1121 : memref<1x128xi32, #tpu.memory_space<vmem>> -> memref<128xi32, #tpu.memory_space<vmem>>
      %dma_start3A_1123 = arith.constant 0 : i32
      %dma_start3A_1124 = tpu.memref_slice %arg8[%dma_start3A_1123] : memref<16777216xf32, #tpu.memory_space<hbm>> -> memref<16777216xf32, #tpu.memory_space<hbm>>
      tpu.enqueue_indirect_dma source(%arg16 : memref<128xf32, #tpu.memory_space<vmem>>) target(%dma_start3A_1124 : memref<16777216xf32, #tpu.memory_space<hbm>>) offsets(%dma_start3A_1122 : memref<128xi32, #tpu.memory_space<vmem>>) semaphore(%arg20 : memref<!tpu.dma_semaphore, #tpu.memory_space<semaphore_mem>>)
      %dma_start3A_1125 = arith.constant 5 : i32
      %dma_start3A_1126 = arith.constant 0 : i32
      %dma_start3A_1127 = tpu.memref_slice %arg13[%dma_start3A_1125, %dma_start3A_1126] : memref<8x128xi32, #tpu.memory_space<vmem>> -> memref<1x128xi32, #tpu.memory_space<vmem>>
      %dma_start3A_1128 = tpu.memref_squeeze %dma_start3A_1127 : memref<1x128xi32, #tpu.memory_space<vmem>> -> memref<128xi32, #tpu.memory_space<vmem>>
      %dma_start3A_1129 = arith.constant 0 : i32
      %dma_start3A_1130 = tpu.memref_slice %arg8[%dma_start3A_1129] : memref<16777216xf32, #tpu.memory_space<hbm>> -> memref<16777216xf32, #tpu.memory_space<hbm>>
      tpu.enqueue_indirect_dma source(%arg16 : memref<128xf32, #tpu.memory_space<vmem>>) target(%dma_start3A_1130 : memref<16777216xf32, #tpu.memory_space<hbm>>) offsets(%dma_start3A_1128 : memref<128xi32, #tpu.memory_space<vmem>>) semaphore(%arg20 : memref<!tpu.dma_semaphore, #tpu.memory_space<semaphore_mem>>)
      %dma_start3A_1131 = arith.constant 6 : i32
      %dma_start3A_1132 = arith.constant 0 : i32
      %dma_start3A_1133 = tpu.memref_slice %arg13[%dma_start3A_1131, %dma_start3A_1132] : memref<8x128xi32, #tpu.memory_space<vmem>> -> memref<1x128xi32, #tpu.memory_space<vmem>>
      %dma_start3A_1134 = tpu.memref_squeeze %dma_start3A_1133 : memref<1x128xi32, #tpu.memory_space<vmem>> -> memref<128xi32, #tpu.memory_space<vmem>>
      %dma_start3A_1135 = arith.constant 0 : i32
      %dma_start3A_1136 = tpu.memref_slice %arg8[%dma_start3A_1135] : memref<16777216xf32, #tpu.memory_space<hbm>> -> memref<16777216xf32, #tpu.memory_space<hbm>>
      tpu.enqueue_indirect_dma source(%arg16 : memref<128xf32, #tpu.memory_space<vmem>>) target(%dma_start3A_1136 : memref<16777216xf32, #tpu.memory_space<hbm>>) offsets(%dma_start3A_1134 : memref<128xi32, #tpu.memory_space<vmem>>) semaphore(%arg20 : memref<!tpu.dma_semaphore, #tpu.memory_space<semaphore_mem>>)
      %dma_start3A_1137 = arith.constant 7 : i32
      %dma_start3A_1138 = arith.constant 0 : i32
      %dma_start3A_1139 = tpu.memref_slice %arg13[%dma_start3A_1137, %dma_start3A_1138] : memref<8x128xi32, #tpu.memory_space<vmem>> -> memref<1x128xi32, #tpu.memory_space<vmem>>
      %dma_start3A_1140 = tpu.memref_squeeze %dma_start3A_1139 : memref<1x128xi32, #tpu.memory_space<vmem>> -> memref<128xi32, #tpu.memory_space<vmem>>
      %dma_start3A_1141 = arith.constant 0 : i32
      %dma_start3A_1142 = tpu.memref_slice %arg8[%dma_start3A_1141] : memref<16777216xf32, #tpu.memory_space<hbm>> -> memref<16777216xf32, #tpu.memory_space<hbm>>
      tpu.enqueue_indirect_dma source(%arg16 : memref<128xf32, #tpu.memory_space<vmem>>) target(%dma_start3A_1142 : memref<16777216xf32, #tpu.memory_space<hbm>>) offsets(%dma_start3A_1140 : memref<128xi32, #tpu.memory_space<vmem>>) semaphore(%arg20 : memref<!tpu.dma_semaphore, #tpu.memory_space<semaphore_mem>>)
      %dma_wait3A = arith.constant 0 : i32
      %dma_wait3A_1143 = arith.constant 0 : i32
      %dma_wait3A_1144 = tpu.memref_slice %arg13[%dma_wait3A, %dma_wait3A_1143] : memref<8x128xi32, #tpu.memory_space<vmem>> -> memref<1x128xi32, #tpu.memory_space<vmem>>
      %dma_wait3A_1145 = tpu.memref_squeeze %dma_wait3A_1144 : memref<1x128xi32, #tpu.memory_space<vmem>> -> memref<128xi32, #tpu.memory_space<vmem>>
      %dma_wait3A_1146 = arith.constant 0 : i32
      %dma_wait3A_1147 = tpu.memref_slice %arg8[%dma_wait3A_1146] : memref<16777216xf32, #tpu.memory_space<hbm>> -> memref<16777216xf32, #tpu.memory_space<hbm>>
      tpu.wait_indirect_dma semaphore(%arg20 : memref<!tpu.dma_semaphore, #tpu.memory_space<semaphore_mem>>) src(%arg16 : memref<128xf32, #tpu.memory_space<vmem>>) dst(%dma_wait3A_1147 : memref<16777216xf32, #tpu.memory_space<hbm>>)
      %dma_wait3A_1148 = arith.constant 1 : i32
      %dma_wait3A_1149 = arith.constant 0 : i32
      %dma_wait3A_1150 = tpu.memref_slice %arg13[%dma_wait3A_1148, %dma_wait3A_1149] : memref<8x128xi32, #tpu.memory_space<vmem>> -> memref<1x128xi32, #tpu.memory_space<vmem>>
      %dma_wait3A_1151 = tpu.memref_squeeze %dma_wait3A_1150 : memref<1x128xi32, #tpu.memory_space<vmem>> -> memref<128xi32, #tpu.memory_space<vmem>>
      %dma_wait3A_1152 = arith.constant 0 : i32
      %dma_wait3A_1153 = tpu.memref_slice %arg8[%dma_wait3A_1152] : memref<16777216xf32, #tpu.memory_space<hbm>> -> memref<16777216xf32, #tpu.memory_space<hbm>>
      tpu.wait_indirect_dma semaphore(%arg20 : memref<!tpu.dma_semaphore, #tpu.memory_space<semaphore_mem>>) src(%arg16 : memref<128xf32, #tpu.memory_space<vmem>>) dst(%dma_wait3A_1153 : memref<16777216xf32, #tpu.memory_space<hbm>>)
      %dma_wait3A_1154 = arith.constant 2 : i32
      %dma_wait3A_1155 = arith.constant 0 : i32
      %dma_wait3A_1156 = tpu.memref_slice %arg13[%dma_wait3A_1154, %dma_wait3A_1155] : memref<8x128xi32, #tpu.memory_space<vmem>> -> memref<1x128xi32, #tpu.memory_space<vmem>>
      %dma_wait3A_1157 = tpu.memref_squeeze %dma_wait3A_1156 : memref<1x128xi32, #tpu.memory_space<vmem>> -> memref<128xi32, #tpu.memory_space<vmem>>
      %dma_wait3A_1158 = arith.constant 0 : i32
      %dma_wait3A_1159 = tpu.memref_slice %arg8[%dma_wait3A_1158] : memref<16777216xf32, #tpu.memory_space<hbm>> -> memref<16777216xf32, #tpu.memory_space<hbm>>
      tpu.wait_indirect_dma semaphore(%arg20 : memref<!tpu.dma_semaphore, #tpu.memory_space<semaphore_mem>>) src(%arg16 : memref<128xf32, #tpu.memory_space<vmem>>) dst(%dma_wait3A_1159 : memref<16777216xf32, #tpu.memory_space<hbm>>)
      %dma_wait3A_1160 = arith.constant 3 : i32
      %dma_wait3A_1161 = arith.constant 0 : i32
      %dma_wait3A_1162 = tpu.memref_slice %arg13[%dma_wait3A_1160, %dma_wait3A_1161] : memref<8x128xi32, #tpu.memory_space<vmem>> -> memref<1x128xi32, #tpu.memory_space<vmem>>
      %dma_wait3A_1163 = tpu.memref_squeeze %dma_wait3A_1162 : memref<1x128xi32, #tpu.memory_space<vmem>> -> memref<128xi32, #tpu.memory_space<vmem>>
      %dma_wait3A_1164 = arith.constant 0 : i32
      %dma_wait3A_1165 = tpu.memref_slice %arg8[%dma_wait3A_1164] : memref<16777216xf32, #tpu.memory_space<hbm>> -> memref<16777216xf32, #tpu.memory_space<hbm>>
      tpu.wait_indirect_dma semaphore(%arg20 : memref<!tpu.dma_semaphore, #tpu.memory_space<semaphore_mem>>) src(%arg16 : memref<128xf32, #tpu.memory_space<vmem>>) dst(%dma_wait3A_1165 : memref<16777216xf32, #tpu.memory_space<hbm>>)
      %dma_wait3A_1166 = arith.constant 4 : i32
      %dma_wait3A_1167 = arith.constant 0 : i32
      %dma_wait3A_1168 = tpu.memref_slice %arg13[%dma_wait3A_1166, %dma_wait3A_1167] : memref<8x128xi32, #tpu.memory_space<vmem>> -> memref<1x128xi32, #tpu.memory_space<vmem>>
      %dma_wait3A_1169 = tpu.memref_squeeze %dma_wait3A_1168 : memref<1x128xi32, #tpu.memory_space<vmem>> -> memref<128xi32, #tpu.memory_space<vmem>>
      %dma_wait3A_1170 = arith.constant 0 : i32
      %dma_wait3A_1171 = tpu.memref_slice %arg8[%dma_wait3A_1170] : memref<16777216xf32, #tpu.memory_space<hbm>> -> memref<16777216xf32, #tpu.memory_space<hbm>>
      tpu.wait_indirect_dma semaphore(%arg20 : memref<!tpu.dma_semaphore, #tpu.memory_space<semaphore_mem>>) src(%arg16 : memref<128xf32, #tpu.memory_space<vmem>>) dst(%dma_wait3A_1171 : memref<16777216xf32, #tpu.memory_space<hbm>>)
      %dma_wait3A_1172 = arith.constant 5 : i32
      %dma_wait3A_1173 = arith.constant 0 : i32
      %dma_wait3A_1174 = tpu.memref_slice %arg13[%dma_wait3A_1172, %dma_wait3A_1173] : memref<8x128xi32, #tpu.memory_space<vmem>> -> memref<1x128xi32, #tpu.memory_space<vmem>>
      %dma_wait3A_1175 = tpu.memref_squeeze %dma_wait3A_1174 : memref<1x128xi32, #tpu.memory_space<vmem>> -> memref<128xi32, #tpu.memory_space<vmem>>
      %dma_wait3A_1176 = arith.constant 0 : i32
      %dma_wait3A_1177 = tpu.memref_slice %arg8[%dma_wait3A_1176] : memref<16777216xf32, #tpu.memory_space<hbm>> -> memref<16777216xf32, #tpu.memory_space<hbm>>
      tpu.wait_indirect_dma semaphore(%arg20 : memref<!tpu.dma_semaphore, #tpu.memory_space<semaphore_mem>>) src(%arg16 : memref<128xf32, #tpu.memory_space<vmem>>) dst(%dma_wait3A_1177 : memref<16777216xf32, #tpu.memory_space<hbm>>)
      %dma_wait3A_1178 = arith.constant 6 : i32
      %dma_wait3A_1179 = arith.constant 0 : i32
      %dma_wait3A_1180 = tpu.memref_slice %arg13[%dma_wait3A_1178, %dma_wait3A_1179] : memref<8x128xi32, #tpu.memory_space<vmem>> -> memref<1x128xi32, #tpu.memory_space<vmem>>
      %dma_wait3A_1181 = tpu.memref_squeeze %dma_wait3A_1180 : memref<1x128xi32, #tpu.memory_space<vmem>> -> memref<128xi32, #tpu.memory_space<vmem>>
      %dma_wait3A_1182 = arith.constant 0 : i32
      %dma_wait3A_1183 = tpu.memref_slice %arg8[%dma_wait3A_1182] : memref<16777216xf32, #tpu.memory_space<hbm>> -> memref<16777216xf32, #tpu.memory_space<hbm>>
      tpu.wait_indirect_dma semaphore(%arg20 : memref<!tpu.dma_semaphore, #tpu.memory_space<semaphore_mem>>) src(%arg16 : memref<128xf32, #tpu.memory_space<vmem>>) dst(%dma_wait3A_1183 : memref<16777216xf32, #tpu.memory_space<hbm>>)
      %dma_wait3A_1184 = arith.constant 7 : i32
      %dma_wait3A_1185 = arith.constant 0 : i32
      %dma_wait3A_1186 = tpu.memref_slice %arg13[%dma_wait3A_1184, %dma_wait3A_1185] : memref<8x128xi32, #tpu.memory_space<vmem>> -> memref<1x128xi32, #tpu.memory_space<vmem>>
      %dma_wait3A_1187 = tpu.memref_squeeze %dma_wait3A_1186 : memref<1x128xi32, #tpu.memory_space<vmem>> -> memref<128xi32, #tpu.memory_space<vmem>>
      %dma_wait3A_1188 = arith.constant 0 : i32
      %dma_wait3A_1189 = tpu.memref_slice %arg8[%dma_wait3A_1188] : memref<16777216xf32, #tpu.memory_space<hbm>> -> memref<16777216xf32, #tpu.memory_space<hbm>>
      tpu.wait_indirect_dma semaphore(%arg20 : memref<!tpu.dma_semaphore, #tpu.memory_space<semaphore_mem>>) src(%arg16 : memref<128xf32, #tpu.memory_space<vmem>>) dst(%dma_wait3A_1189 : memref<16777216xf32, #tpu.memory_space<hbm>>)
      %mul3A_1190 = arith.constant 64 : i32
      %mul3A_1191 = arith.muli %arg1, %mul3A_1190 : i32
      "tpu.region"() ({
        %run_scoped3A = tpu.sem_alloc : memref<!tpu.dma_semaphore, #tpu.memory_space<semaphore_mem>>
        %dma_start3A_1280 = tpu.memref_slice %arg4[%mul3A_1191] : memref<1024xi32, #tpu.memory_space<hbm>> -> memref<64xi32, #tpu.memory_space<hbm>>
        %dma_start3A_1281 = tpu.memref_slice %arg4[%mul3A_1191] : memref<1024xi32, #tpu.memory_space<hbm>> -> memref<64xi32, #tpu.memory_space<hbm>>
        tpu.enqueue_dma source(%dma_start3A_1281 : memref<64xi32, #tpu.memory_space<hbm>>) target(%arg17 : memref<64xi32, #tpu.memory_space<vmem>>) target_semaphore(%run_scoped3A : memref<!tpu.dma_semaphore, #tpu.memory_space<semaphore_mem>>)
        %dma_wait3A_1282 = tpu.memref_slice %arg4[%mul3A_1191] : memref<1024xi32, #tpu.memory_space<hbm>> -> memref<64xi32, #tpu.memory_space<hbm>>
        %dma_wait3A_1283 = tpu.memref_slice %arg4[%mul3A_1191] : memref<1024xi32, #tpu.memory_space<hbm>> -> memref<64xi32, #tpu.memory_space<hbm>>
        tpu.wait_dma2 semaphore(%run_scoped3A : memref<!tpu.dma_semaphore, #tpu.memory_space<semaphore_mem>>) src(%dma_wait3A_1283 : memref<64xi32, #tpu.memory_space<hbm>>) dst(%arg17 : memref<64xi32, #tpu.memory_space<vmem>>)
        tpu.yield
      }) : () -> ()
      %get3A_1192 = arith.constant 0 : index
      %get3A_1193 = tpu.vector_load %arg17[%get3A_1192] {strides = array<i32>} : memref<64xi32, #tpu.memory_space<vmem>>, vector<16xi32>,
      %get3A_1194 = vector.shape_cast %get3A_1193 : vector<16xi32> to vector<16xi32>
      %mul3A_1195 = arith.constant 4096 : i32
      %mul3A_1196 = vector.broadcast %mul3A_1195 : i32 to vector<16xi32>
      %mul3A_1197 = arith.muli %get3A_1194, %mul3A_1196 : vector<16xi32>
      %swap3A_1198 = arith.constant 0 : index
      %swap3A_1199 = tpu.vector_load %arg18[%swap3A_1198] {strides = array<i32>} : memref<64xi32, #tpu.memory_space<vmem>>, vector<16xi32>,
      %swap3A_1200 = vector.shape_cast %swap3A_1199 : vector<16xi32> to vector<16xi32>
      %swap3A_1201 = vector.shape_cast %mul3A_1197 : vector<16xi32> to vector<16xi32>
      tpu.vector_store %arg18[%swap3A_1198], %swap3A_1201 {strides = array<i32>} : memref<64xi32, #tpu.memory_space<vmem>>, vector<16xi32>,
      %get3A_1202 = arith.constant 16 : index
      %get3A_1203 = tpu.vector_load %arg17[%get3A_1202] {strides = array<i32>} : memref<64xi32, #tpu.memory_space<vmem>>, vector<16xi32>,
      %get3A_1204 = vector.shape_cast %get3A_1203 : vector<16xi32> to vector<16xi32>
      %mul3A_1205 = arith.constant 4096 : i32
      %mul3A_1206 = vector.broadcast %mul3A_1205 : i32 to vector<16xi32>
      %mul3A_1207 = arith.muli %get3A_1204, %mul3A_1206 : vector<16xi32>
      %swap3A_1208 = arith.constant 16 : index
      %swap3A_1209 = tpu.vector_load %arg18[%swap3A_1208] {strides = array<i32>} : memref<64xi32, #tpu.memory_space<vmem>>, vector<16xi32>,
      %swap3A_1210 = vector.shape_cast %swap3A_1209 : vector<16xi32> to vector<16xi32>
      %swap3A_1211 = vector.shape_cast %mul3A_1207 : vector<16xi32> to vector<16xi32>
      tpu.vector_store %arg18[%swap3A_1208], %swap3A_1211 {strides = array<i32>} : memref<64xi32, #tpu.memory_space<vmem>>, vector<16xi32>,
      %get3A_1212 = arith.constant 32 : index
      %get3A_1213 = tpu.vector_load %arg17[%get3A_1212] {strides = array<i32>} : memref<64xi32, #tpu.memory_space<vmem>>, vector<16xi32>,
      %get3A_1214 = vector.shape_cast %get3A_1213 : vector<16xi32> to vector<16xi32>
      %mul3A_1215 = arith.constant 4096 : i32
      %mul3A_1216 = vector.broadcast %mul3A_1215 : i32 to vector<16xi32>
      %mul3A_1217 = arith.muli %get3A_1214, %mul3A_1216 : vector<16xi32>
      %swap3A_1218 = arith.constant 32 : index
      %swap3A_1219 = tpu.vector_load %arg18[%swap3A_1218] {strides = array<i32>} : memref<64xi32, #tpu.memory_space<vmem>>, vector<16xi32>,
      %swap3A_1220 = vector.shape_cast %swap3A_1219 : vector<16xi32> to vector<16xi32>
      %swap3A_1221 = vector.shape_cast %mul3A_1217 : vector<16xi32> to vector<16xi32>
      tpu.vector_store %arg18[%swap3A_1218], %swap3A_1221 {strides = array<i32>} : memref<64xi32, #tpu.memory_space<vmem>>, vector<16xi32>,
      %get3A_1222 = arith.constant 48 : index
      %get3A_1223 = tpu.vector_load %arg17[%get3A_1222] {strides = array<i32>} : memref<64xi32, #tpu.memory_space<vmem>>, vector<16xi32>,
      %get3A_1224 = vector.shape_cast %get3A_1223 : vector<16xi32> to vector<16xi32>
      %mul3A_1225 = arith.constant 4096 : i32
      %mul3A_1226 = vector.broadcast %mul3A_1225 : i32 to vector<16xi32>
      %mul3A_1227 = arith.muli %get3A_1224, %mul3A_1226 : vector<16xi32>
      %swap3A_1228 = arith.constant 48 : index
      %swap3A_1229 = tpu.vector_load %arg18[%swap3A_1228] {strides = array<i32>} : memref<64xi32, #tpu.memory_space<vmem>>, vector<16xi32>,
      %swap3A_1230 = vector.shape_cast %swap3A_1229 : vector<16xi32> to vector<16xi32>
      %swap3A_1231 = vector.shape_cast %mul3A_1227 : vector<16xi32> to vector<16xi32>
      tpu.vector_store %arg18[%swap3A_1228], %swap3A_1231 {strides = array<i32>} : memref<64xi32, #tpu.memory_space<vmem>>, vector<16xi32>,
      "tpu.region"() ({
        %run_scoped3A = tpu.sem_alloc : memref<!tpu.dma_semaphore, #tpu.memory_space<semaphore_mem>>
        %dma_start3A_1280 = tpu.memref_slice %arg5[%mul3A_1191] : memref<1024xi32, #tpu.memory_space<hbm>> -> memref<64xi32, #tpu.memory_space<hbm>>
        %dma_start3A_1281 = tpu.memref_slice %arg5[%mul3A_1191] : memref<1024xi32, #tpu.memory_space<hbm>> -> memref<64xi32, #tpu.memory_space<hbm>>
        tpu.enqueue_dma source(%dma_start3A_1281 : memref<64xi32, #tpu.memory_space<hbm>>) target(%arg17 : memref<64xi32, #tpu.memory_space<vmem>>) target_semaphore(%run_scoped3A : memref<!tpu.dma_semaphore, #tpu.memory_space<semaphore_mem>>)
        %dma_wait3A_1282 = tpu.memref_slice %arg5[%mul3A_1191] : memref<1024xi32, #tpu.memory_space<hbm>> -> memref<64xi32, #tpu.memory_space<hbm>>
        %dma_wait3A_1283 = tpu.memref_slice %arg5[%mul3A_1191] : memref<1024xi32, #tpu.memory_space<hbm>> -> memref<64xi32, #tpu.memory_space<hbm>>
        tpu.wait_dma2 semaphore(%run_scoped3A : memref<!tpu.dma_semaphore, #tpu.memory_space<semaphore_mem>>) src(%dma_wait3A_1283 : memref<64xi32, #tpu.memory_space<hbm>>) dst(%arg17 : memref<64xi32, #tpu.memory_space<vmem>>)
        tpu.yield
      }) : () -> ()
      %get3A_1232 = arith.constant 0 : index
      %get3A_1233 = tpu.vector_load %arg18[%get3A_1232] {strides = array<i32>} : memref<64xi32, #tpu.memory_space<vmem>>, vector<16xi32>,
      %get3A_1234 = vector.shape_cast %get3A_1233 : vector<16xi32> to vector<16xi32>
      %get3A_1235 = arith.constant 0 : index
      %get3A_1236 = tpu.vector_load %arg17[%get3A_1235] {strides = array<i32>} : memref<64xi32, #tpu.memory_space<vmem>>, vector<16xi32>,
      %get3A_1237 = vector.shape_cast %get3A_1236 : vector<16xi32> to vector<16xi32>
      %add3A_1238 = arith.addi %get3A_1234, %get3A_1237 : vector<16xi32>
      %swap3A_1239 = arith.constant 0 : index
      %swap3A_1240 = tpu.vector_load %arg18[%swap3A_1239] {strides = array<i32>} : memref<64xi32, #tpu.memory_space<vmem>>, vector<16xi32>,
      %swap3A_1241 = vector.shape_cast %swap3A_1240 : vector<16xi32> to vector<16xi32>
      %swap3A_1242 = vector.shape_cast %add3A_1238 : vector<16xi32> to vector<16xi32>
      tpu.vector_store %arg18[%swap3A_1239], %swap3A_1242 {strides = array<i32>} : memref<64xi32, #tpu.memory_space<vmem>>, vector<16xi32>,
      %get3A_1243 = arith.constant 16 : index
      %get3A_1244 = tpu.vector_load %arg18[%get3A_1243] {strides = array<i32>} : memref<64xi32, #tpu.memory_space<vmem>>, vector<16xi32>,
      %get3A_1245 = vector.shape_cast %get3A_1244 : vector<16xi32> to vector<16xi32>
      %get3A_1246 = arith.constant 16 : index
      %get3A_1247 = tpu.vector_load %arg17[%get3A_1246] {strides = array<i32>} : memref<64xi32, #tpu.memory_space<vmem>>, vector<16xi32>,
      %get3A_1248 = vector.shape_cast %get3A_1247 : vector<16xi32> to vector<16xi32>
      %add3A_1249 = arith.addi %get3A_1245, %get3A_1248 : vector<16xi32>
      %swap3A_1250 = arith.constant 16 : index
      %swap3A_1251 = tpu.vector_load %arg18[%swap3A_1250] {strides = array<i32>} : memref<64xi32, #tpu.memory_space<vmem>>, vector<16xi32>,
      %swap3A_1252 = vector.shape_cast %swap3A_1251 : vector<16xi32> to vector<16xi32>
      %swap3A_1253 = vector.shape_cast %add3A_1249 : vector<16xi32> to vector<16xi32>
      tpu.vector_store %arg18[%swap3A_1250], %swap3A_1253 {strides = array<i32>} : memref<64xi32, #tpu.memory_space<vmem>>, vector<16xi32>,
      %get3A_1254 = arith.constant 32 : index
      %get3A_1255 = tpu.vector_load %arg18[%get3A_1254] {strides = array<i32>} : memref<64xi32, #tpu.memory_space<vmem>>, vector<16xi32>,
      %get3A_1256 = vector.shape_cast %get3A_1255 : vector<16xi32> to vector<16xi32>
      %get3A_1257 = arith.constant 32 : index
      %get3A_1258 = tpu.vector_load %arg17[%get3A_1257] {strides = array<i32>} : memref<64xi32, #tpu.memory_space<vmem>>, vector<16xi32>,
      %get3A_1259 = vector.shape_cast %get3A_1258 : vector<16xi32> to vector<16xi32>
      %add3A_1260 = arith.addi %get3A_1256, %get3A_1259 : vector<16xi32>
      %swap3A_1261 = arith.constant 32 : index
      %swap3A_1262 = tpu.vector_load %arg18[%swap3A_1261] {strides = array<i32>} : memref<64xi32, #tpu.memory_space<vmem>>, vector<16xi32>,
      %swap3A_1263 = vector.shape_cast %swap3A_1262 : vector<16xi32> to vector<16xi32>
      %swap3A_1264 = vector.shape_cast %add3A_1260 : vector<16xi32> to vector<16xi32>
      tpu.vector_store %arg18[%swap3A_1261], %swap3A_1264 {strides = array<i32>} : memref<64xi32, #tpu.memory_space<vmem>>, vector<16xi32>,
      %get3A_1265 = arith.constant 48 : index
      %get3A_1266 = tpu.vector_load %arg18[%get3A_1265] {strides = array<i32>} : memref<64xi32, #tpu.memory_space<vmem>>, vector<16xi32>,
      %get3A_1267 = vector.shape_cast %get3A_1266 : vector<16xi32> to vector<16xi32>
      %get3A_1268 = arith.constant 48 : index
      %get3A_1269 = tpu.vector_load %arg17[%get3A_1268] {strides = array<i32>} : memref<64xi32, #tpu.memory_space<vmem>>, vector<16xi32>,
      %get3A_1270 = vector.shape_cast %get3A_1269 : vector<16xi32> to vector<16xi32>
      %add3A_1271 = arith.addi %get3A_1267, %get3A_1270 : vector<16xi32>
      %swap3A_1272 = arith.constant 48 : index
      %swap3A_1273 = tpu.vector_load %arg18[%swap3A_1272] {strides = array<i32>} : memref<64xi32, #tpu.memory_space<vmem>>, vector<16xi32>,
      %swap3A_1274 = vector.shape_cast %swap3A_1273 : vector<16xi32> to vector<16xi32>
      %swap3A_1275 = vector.shape_cast %add3A_1271 : vector<16xi32> to vector<16xi32>
      tpu.vector_store %arg18[%swap3A_1272], %swap3A_1275 {strides = array<i32>} : memref<64xi32, #tpu.memory_space<vmem>>, vector<16xi32>,
      %dma_start3A_1276 = arith.constant 0 : i32
      %dma_start3A_1277 = tpu.memref_slice %arg8[%dma_start3A_1276] : memref<16777216xf32, #tpu.memory_space<hbm>> -> memref<16777216xf32, #tpu.memory_space<hbm>>
      tpu.enqueue_indirect_dma source(%arg19 : memref<64xf32, #tpu.memory_space<vmem>>) target(%dma_start3A_1277 : memref<16777216xf32, #tpu.memory_space<hbm>>) offsets(%arg18 : memref<64xi32, #tpu.memory_space<vmem>>) semaphore(%arg20 : memref<!tpu.dma_semaphore, #tpu.memory_space<semaphore_mem>>)
      %dma_wait3A_1278 = arith.constant 0 : i32
      %dma_wait3A_1279 = tpu.memref_slice %arg8[%dma_wait3A_1278] : memref<16777216xf32, #tpu.memory_space<hbm>> -> memref<16777216xf32, #tpu.memory_space<hbm>>
      tpu.wait_indirect_dma semaphore(%arg20 : memref<!tpu.dma_semaphore, #tpu.memory_space<semaphore_mem>>) src(%arg19 : memref<64xf32, #tpu.memory_space<vmem>>) dst(%dma_wait3A_1279 : memref<16777216xf32, #tpu.memory_space<hbm>>)
    } else {
    }
    %eq3A_68 = arith.constant 1 : i32
    %eq3A_69 = arith.cmpi eq, %arg0, %eq3A_68 : i32
    %convert_element_type3A_70 = arith.extui %eq3A_69 : i1 to i32
    %cond3A_71 = arith.constant 0 : i32
    %cond3A_72 = arith.cmpi ne, %convert_element_type3A_70, %cond3A_71 : i32
    scf.if %cond3A_72 {
      %mul3A = arith.constant 1024 : i32
      %mul3A_73 = arith.muli %arg1, %mul3A : i32
      %add3A = arith.constant 0 : i32
      %add3A_74 = arith.addi %mul3A_73, %add3A : i32
      %dma_start3A = arith.constant 0 : i32
      %dma_start3A_75 = arith.constant 0 : i32
      %dma_start3A_76 = tpu.memref_slice %arg14[%dma_start3A, %dma_start3A_75] : memref<8x128xi32, #tpu.memory_space<vmem>> -> memref<1x128xi32, #tpu.memory_space<vmem>>
      %dma_start3A_77 = tpu.memref_squeeze %dma_start3A_76 : memref<1x128xi32, #tpu.memory_space<vmem>> -> memref<128xi32, #tpu.memory_space<vmem>>
      %dma_start3A_78 = tpu.memref_slice %arg6[%add3A_74] : memref<16384xi32, #tpu.memory_space<hbm>> -> memref<128xi32, #tpu.memory_space<hbm>>
      %dma_start3A_79 = arith.constant 0 : i32
      %dma_start3A_80 = tpu.memref_slice %arg14[%dma_start3A, %dma_start3A_79] : memref<8x128xi32, #tpu.memory_space<vmem>> -> memref<1x128xi32, #tpu.memory_space<vmem>>
      %dma_start3A_81 = tpu.memref_squeeze %dma_start3A_80 : memref<1x128xi32, #tpu.memory_space<vmem>> -> memref<128xi32, #tpu.memory_space<vmem>>
      %dma_start3A_82 = tpu.memref_slice %arg6[%add3A_74] : memref<16384xi32, #tpu.memory_space<hbm>> -> memref<128xi32, #tpu.memory_space<hbm>>
      tpu.enqueue_dma source(%dma_start3A_82 : memref<128xi32, #tpu.memory_space<hbm>>) target(%dma_start3A_81 : memref<128xi32, #tpu.memory_space<vmem>>) target_semaphore(%arg20 : memref<!tpu.dma_semaphore, #tpu.memory_space<semaphore_mem>>)
      %add3A_83 = arith.constant 0 : i32
      %add3A_84 = arith.addi %mul3A_73, %add3A_83 : i32
      %dma_start3A_85 = arith.constant 0 : i32
      %dma_start3A_86 = arith.constant 0 : i32
      %dma_start3A_87 = tpu.memref_slice %arg15[%dma_start3A_85, %dma_start3A_86] : memref<8x128xf32, #tpu.memory_space<vmem>> -> memref<1x128xf32, #tpu.memory_space<vmem>>
      %dma_start3A_88 = tpu.memref_squeeze %dma_start3A_87 : memref<1x128xf32, #tpu.memory_space<vmem>> -> memref<128xf32, #tpu.memory_space<vmem>>
      %dma_start3A_89 = tpu.memref_slice %arg7[%add3A_84] : memref<16384xf32, #tpu.memory_space<hbm>> -> memref<128xf32, #tpu.memory_space<hbm>>
      %dma_start3A_90 = arith.constant 0 : i32
      %dma_start3A_91 = tpu.memref_slice %arg15[%dma_start3A_85, %dma_start3A_90] : memref<8x128xf32, #tpu.memory_space<vmem>> -> memref<1x128xf32, #tpu.memory_space<vmem>>
      %dma_start3A_92 = tpu.memref_squeeze %dma_start3A_91 : memref<1x128xf32, #tpu.memory_space<vmem>> -> memref<128xf32, #tpu.memory_space<vmem>>
      %dma_start3A_93 = tpu.memref_slice %arg7[%add3A_84] : memref<16384xf32, #tpu.memory_space<hbm>> -> memref<128xf32, #tpu.memory_space<hbm>>
      tpu.enqueue_dma source(%dma_start3A_93 : memref<128xf32, #tpu.memory_space<hbm>>) target(%dma_start3A_92 : memref<128xf32, #tpu.memory_space<vmem>>) target_semaphore(%arg20 : memref<!tpu.dma_semaphore, #tpu.memory_space<semaphore_mem>>)
      %add3A_94 = arith.constant 128 : i32
      %add3A_95 = arith.addi %mul3A_73, %add3A_94 : i32
      %dma_start3A_96 = arith.constant 1 : i32
      %dma_start3A_97 = arith.constant 0 : i32
      %dma_start3A_98 = tpu.memref_slice %arg14[%dma_start3A_96, %dma_start3A_97] : memref<8x128xi32, #tpu.memory_space<vmem>> -> memref<1x128xi32, #tpu.memory_space<vmem>>
      %dma_start3A_99 = tpu.memref_squeeze %dma_start3A_98 : memref<1x128xi32, #tpu.memory_space<vmem>> -> memref<128xi32, #tpu.memory_space<vmem>>
      %dma_start3A_100 = tpu.memref_slice %arg6[%add3A_95] : memref<16384xi32, #tpu.memory_space<hbm>> -> memref<128xi32, #tpu.memory_space<hbm>>
      %dma_start3A_101 = arith.constant 0 : i32
      %dma_start3A_102 = tpu.memref_slice %arg14[%dma_start3A_96, %dma_start3A_101] : memref<8x128xi32, #tpu.memory_space<vmem>> -> memref<1x128xi32, #tpu.memory_space<vmem>>
      %dma_start3A_103 = tpu.memref_squeeze %dma_start3A_102 : memref<1x128xi32, #tpu.memory_space<vmem>> -> memref<128xi32, #tpu.memory_space<vmem>>
      %dma_start3A_104 = tpu.memref_slice %arg6[%add3A_95] : memref<16384xi32, #tpu.memory_space<hbm>> -> memref<128xi32, #tpu.memory_space<hbm>>
      tpu.enqueue_dma source(%dma_start3A_104 : memref<128xi32, #tpu.memory_space<hbm>>) target(%dma_start3A_103 : memref<128xi32, #tpu.memory_space<vmem>>) target_semaphore(%arg20 : memref<!tpu.dma_semaphore, #tpu.memory_space<semaphore_mem>>)
      %add3A_105 = arith.constant 128 : i32
      %add3A_106 = arith.addi %mul3A_73, %add3A_105 : i32
      %dma_start3A_107 = arith.constant 1 : i32
      %dma_start3A_108 = arith.constant 0 : i32
      %dma_start3A_109 = tpu.memref_slice %arg15[%dma_start3A_107, %dma_start3A_108] : memref<8x128xf32, #tpu.memory_space<vmem>> -> memref<1x128xf32, #tpu.memory_space<vmem>>
      %dma_start3A_110 = tpu.memref_squeeze %dma_start3A_109 : memref<1x128xf32, #tpu.memory_space<vmem>> -> memref<128xf32, #tpu.memory_space<vmem>>
      %dma_start3A_111 = tpu.memref_slice %arg7[%add3A_106] : memref<16384xf32, #tpu.memory_space<hbm>> -> memref<128xf32, #tpu.memory_space<hbm>>
      %dma_start3A_112 = arith.constant 0 : i32
      %dma_start3A_113 = tpu.memref_slice %arg15[%dma_start3A_107, %dma_start3A_112] : memref<8x128xf32, #tpu.memory_space<vmem>> -> memref<1x128xf32, #tpu.memory_space<vmem>>
      %dma_start3A_114 = tpu.memref_squeeze %dma_start3A_113 : memref<1x128xf32, #tpu.memory_space<vmem>> -> memref<128xf32, #tpu.memory_space<vmem>>
      %dma_start3A_115 = tpu.memref_slice %arg7[%add3A_106] : memref<16384xf32, #tpu.memory_space<hbm>> -> memref<128xf32, #tpu.memory_space<hbm>>
      tpu.enqueue_dma source(%dma_start3A_115 : memref<128xf32, #tpu.memory_space<hbm>>) target(%dma_start3A_114 : memref<128xf32, #tpu.memory_space<vmem>>) target_semaphore(%arg20 : memref<!tpu.dma_semaphore, #tpu.memory_space<semaphore_mem>>)
      %add3A_116 = arith.constant 256 : i32
      %add3A_117 = arith.addi %mul3A_73, %add3A_116 : i32
      %dma_start3A_118 = arith.constant 2 : i32
      %dma_start3A_119 = arith.constant 0 : i32
      %dma_start3A_120 = tpu.memref_slice %arg14[%dma_start3A_118, %dma_start3A_119] : memref<8x128xi32, #tpu.memory_space<vmem>> -> memref<1x128xi32, #tpu.memory_space<vmem>>
      %dma_start3A_121 = tpu.memref_squeeze %dma_start3A_120 : memref<1x128xi32, #tpu.memory_space<vmem>> -> memref<128xi32, #tpu.memory_space<vmem>>
      %dma_start3A_122 = tpu.memref_slice %arg6[%add3A_117] : memref<16384xi32, #tpu.memory_space<hbm>> -> memref<128xi32, #tpu.memory_space<hbm>>
      %dma_start3A_123 = arith.constant 0 : i32
      %dma_start3A_124 = tpu.memref_slice %arg14[%dma_start3A_118, %dma_start3A_123] : memref<8x128xi32, #tpu.memory_space<vmem>> -> memref<1x128xi32, #tpu.memory_space<vmem>>
      %dma_start3A_125 = tpu.memref_squeeze %dma_start3A_124 : memref<1x128xi32, #tpu.memory_space<vmem>> -> memref<128xi32, #tpu.memory_space<vmem>>
      %dma_start3A_126 = tpu.memref_slice %arg6[%add3A_117] : memref<16384xi32, #tpu.memory_space<hbm>> -> memref<128xi32, #tpu.memory_space<hbm>>
      tpu.enqueue_dma source(%dma_start3A_126 : memref<128xi32, #tpu.memory_space<hbm>>) target(%dma_start3A_125 : memref<128xi32, #tpu.memory_space<vmem>>) target_semaphore(%arg20 : memref<!tpu.dma_semaphore, #tpu.memory_space<semaphore_mem>>)
      %add3A_127 = arith.constant 256 : i32
      %add3A_128 = arith.addi %mul3A_73, %add3A_127 : i32
      %dma_start3A_129 = arith.constant 2 : i32
      %dma_start3A_130 = arith.constant 0 : i32
      %dma_start3A_131 = tpu.memref_slice %arg15[%dma_start3A_129, %dma_start3A_130] : memref<8x128xf32, #tpu.memory_space<vmem>> -> memref<1x128xf32, #tpu.memory_space<vmem>>
      %dma_start3A_132 = tpu.memref_squeeze %dma_start3A_131 : memref<1x128xf32, #tpu.memory_space<vmem>> -> memref<128xf32, #tpu.memory_space<vmem>>
      %dma_start3A_133 = tpu.memref_slice %arg7[%add3A_128] : memref<16384xf32, #tpu.memory_space<hbm>> -> memref<128xf32, #tpu.memory_space<hbm>>
      %dma_start3A_134 = arith.constant 0 : i32
      %dma_start3A_135 = tpu.memref_slice %arg15[%dma_start3A_129, %dma_start3A_134] : memref<8x128xf32, #tpu.memory_space<vmem>> -> memref<1x128xf32, #tpu.memory_space<vmem>>
      %dma_start3A_136 = tpu.memref_squeeze %dma_start3A_135 : memref<1x128xf32, #tpu.memory_space<vmem>> -> memref<128xf32, #tpu.memory_space<vmem>>
      %dma_start3A_137 = tpu.memref_slice %arg7[%add3A_128] : memref<16384xf32, #tpu.memory_space<hbm>> -> memref<128xf32, #tpu.memory_space<hbm>>
      tpu.enqueue_dma source(%dma_start3A_137 : memref<128xf32, #tpu.memory_space<hbm>>) target(%dma_start3A_136 : memref<128xf32, #tpu.memory_space<vmem>>) target_semaphore(%arg20 : memref<!tpu.dma_semaphore, #tpu.memory_space<semaphore_mem>>)
      %add3A_138 = arith.constant 384 : i32
      %add3A_139 = arith.addi %mul3A_73, %add3A_138 : i32
      %dma_start3A_140 = arith.constant 3 : i32
      %dma_start3A_141 = arith.constant 0 : i32
      %dma_start3A_142 = tpu.memref_slice %arg14[%dma_start3A_140, %dma_start3A_141] : memref<8x128xi32, #tpu.memory_space<vmem>> -> memref<1x128xi32, #tpu.memory_space<vmem>>
      %dma_start3A_143 = tpu.memref_squeeze %dma_start3A_142 : memref<1x128xi32, #tpu.memory_space<vmem>> -> memref<128xi32, #tpu.memory_space<vmem>>
      %dma_start3A_144 = tpu.memref_slice %arg6[%add3A_139] : memref<16384xi32, #tpu.memory_space<hbm>> -> memref<128xi32, #tpu.memory_space<hbm>>
      %dma_start3A_145 = arith.constant 0 : i32
      %dma_start3A_146 = tpu.memref_slice %arg14[%dma_start3A_140, %dma_start3A_145] : memref<8x128xi32, #tpu.memory_space<vmem>> -> memref<1x128xi32, #tpu.memory_space<vmem>>
      %dma_start3A_147 = tpu.memref_squeeze %dma_start3A_146 : memref<1x128xi32, #tpu.memory_space<vmem>> -> memref<128xi32, #tpu.memory_space<vmem>>
      %dma_start3A_148 = tpu.memref_slice %arg6[%add3A_139] : memref<16384xi32, #tpu.memory_space<hbm>> -> memref<128xi32, #tpu.memory_space<hbm>>
      tpu.enqueue_dma source(%dma_start3A_148 : memref<128xi32, #tpu.memory_space<hbm>>) target(%dma_start3A_147 : memref<128xi32, #tpu.memory_space<vmem>>) target_semaphore(%arg20 : memref<!tpu.dma_semaphore, #tpu.memory_space<semaphore_mem>>)
      %add3A_149 = arith.constant 384 : i32
      %add3A_150 = arith.addi %mul3A_73, %add3A_149 : i32
      %dma_start3A_151 = arith.constant 3 : i32
      %dma_start3A_152 = arith.constant 0 : i32
      %dma_start3A_153 = tpu.memref_slice %arg15[%dma_start3A_151, %dma_start3A_152] : memref<8x128xf32, #tpu.memory_space<vmem>> -> memref<1x128xf32, #tpu.memory_space<vmem>>
      %dma_start3A_154 = tpu.memref_squeeze %dma_start3A_153 : memref<1x128xf32, #tpu.memory_space<vmem>> -> memref<128xf32, #tpu.memory_space<vmem>>
      %dma_start3A_155 = tpu.memref_slice %arg7[%add3A_150] : memref<16384xf32, #tpu.memory_space<hbm>> -> memref<128xf32, #tpu.memory_space<hbm>>
      %dma_start3A_156 = arith.constant 0 : i32
      %dma_start3A_157 = tpu.memref_slice %arg15[%dma_start3A_151, %dma_start3A_156] : memref<8x128xf32, #tpu.memory_space<vmem>> -> memref<1x128xf32, #tpu.memory_space<vmem>>
      %dma_start3A_158 = tpu.memref_squeeze %dma_start3A_157 : memref<1x128xf32, #tpu.memory_space<vmem>> -> memref<128xf32, #tpu.memory_space<vmem>>
      %dma_start3A_159 = tpu.memref_slice %arg7[%add3A_150] : memref<16384xf32, #tpu.memory_space<hbm>> -> memref<128xf32, #tpu.memory_space<hbm>>
      tpu.enqueue_dma source(%dma_start3A_159 : memref<128xf32, #tpu.memory_space<hbm>>) target(%dma_start3A_158 : memref<128xf32, #tpu.memory_space<vmem>>) target_semaphore(%arg20 : memref<!tpu.dma_semaphore, #tpu.memory_space<semaphore_mem>>)
      %add3A_160 = arith.constant 512 : i32
      %add3A_161 = arith.addi %mul3A_73, %add3A_160 : i32
      %dma_start3A_162 = arith.constant 4 : i32
      %dma_start3A_163 = arith.constant 0 : i32
      %dma_start3A_164 = tpu.memref_slice %arg14[%dma_start3A_162, %dma_start3A_163] : memref<8x128xi32, #tpu.memory_space<vmem>> -> memref<1x128xi32, #tpu.memory_space<vmem>>
      %dma_start3A_165 = tpu.memref_squeeze %dma_start3A_164 : memref<1x128xi32, #tpu.memory_space<vmem>> -> memref<128xi32, #tpu.memory_space<vmem>>
      %dma_start3A_166 = tpu.memref_slice %arg6[%add3A_161] : memref<16384xi32, #tpu.memory_space<hbm>> -> memref<128xi32, #tpu.memory_space<hbm>>
      %dma_start3A_167 = arith.constant 0 : i32
      %dma_start3A_168 = tpu.memref_slice %arg14[%dma_start3A_162, %dma_start3A_167] : memref<8x128xi32, #tpu.memory_space<vmem>> -> memref<1x128xi32, #tpu.memory_space<vmem>>
      %dma_start3A_169 = tpu.memref_squeeze %dma_start3A_168 : memref<1x128xi32, #tpu.memory_space<vmem>> -> memref<128xi32, #tpu.memory_space<vmem>>
      %dma_start3A_170 = tpu.memref_slice %arg6[%add3A_161] : memref<16384xi32, #tpu.memory_space<hbm>> -> memref<128xi32, #tpu.memory_space<hbm>>
      tpu.enqueue_dma source(%dma_start3A_170 : memref<128xi32, #tpu.memory_space<hbm>>) target(%dma_start3A_169 : memref<128xi32, #tpu.memory_space<vmem>>) target_semaphore(%arg20 : memref<!tpu.dma_semaphore, #tpu.memory_space<semaphore_mem>>)
      %add3A_171 = arith.constant 512 : i32
      %add3A_172 = arith.addi %mul3A_73, %add3A_171 : i32
      %dma_start3A_173 = arith.constant 4 : i32
      %dma_start3A_174 = arith.constant 0 : i32
      %dma_start3A_175 = tpu.memref_slice %arg15[%dma_start3A_173, %dma_start3A_174] : memref<8x128xf32, #tpu.memory_space<vmem>> -> memref<1x128xf32, #tpu.memory_space<vmem>>
      %dma_start3A_176 = tpu.memref_squeeze %dma_start3A_175 : memref<1x128xf32, #tpu.memory_space<vmem>> -> memref<128xf32, #tpu.memory_space<vmem>>
      %dma_start3A_177 = tpu.memref_slice %arg7[%add3A_172] : memref<16384xf32, #tpu.memory_space<hbm>> -> memref<128xf32, #tpu.memory_space<hbm>>
      %dma_start3A_178 = arith.constant 0 : i32
      %dma_start3A_179 = tpu.memref_slice %arg15[%dma_start3A_173, %dma_start3A_178] : memref<8x128xf32, #tpu.memory_space<vmem>> -> memref<1x128xf32, #tpu.memory_space<vmem>>
      %dma_start3A_180 = tpu.memref_squeeze %dma_start3A_179 : memref<1x128xf32, #tpu.memory_space<vmem>> -> memref<128xf32, #tpu.memory_space<vmem>>
      %dma_start3A_181 = tpu.memref_slice %arg7[%add3A_172] : memref<16384xf32, #tpu.memory_space<hbm>> -> memref<128xf32, #tpu.memory_space<hbm>>
      tpu.enqueue_dma source(%dma_start3A_181 : memref<128xf32, #tpu.memory_space<hbm>>) target(%dma_start3A_180 : memref<128xf32, #tpu.memory_space<vmem>>) target_semaphore(%arg20 : memref<!tpu.dma_semaphore, #tpu.memory_space<semaphore_mem>>)
      %add3A_182 = arith.constant 640 : i32
      %add3A_183 = arith.addi %mul3A_73, %add3A_182 : i32
      %dma_start3A_184 = arith.constant 5 : i32
      %dma_start3A_185 = arith.constant 0 : i32
      %dma_start3A_186 = tpu.memref_slice %arg14[%dma_start3A_184, %dma_start3A_185] : memref<8x128xi32, #tpu.memory_space<vmem>> -> memref<1x128xi32, #tpu.memory_space<vmem>>
      %dma_start3A_187 = tpu.memref_squeeze %dma_start3A_186 : memref<1x128xi32, #tpu.memory_space<vmem>> -> memref<128xi32, #tpu.memory_space<vmem>>
      %dma_start3A_188 = tpu.memref_slice %arg6[%add3A_183] : memref<16384xi32, #tpu.memory_space<hbm>> -> memref<128xi32, #tpu.memory_space<hbm>>
      %dma_start3A_189 = arith.constant 0 : i32
      %dma_start3A_190 = tpu.memref_slice %arg14[%dma_start3A_184, %dma_start3A_189] : memref<8x128xi32, #tpu.memory_space<vmem>> -> memref<1x128xi32, #tpu.memory_space<vmem>>
      %dma_start3A_191 = tpu.memref_squeeze %dma_start3A_190 : memref<1x128xi32, #tpu.memory_space<vmem>> -> memref<128xi32, #tpu.memory_space<vmem>>
      %dma_start3A_192 = tpu.memref_slice %arg6[%add3A_183] : memref<16384xi32, #tpu.memory_space<hbm>> -> memref<128xi32, #tpu.memory_space<hbm>>
      tpu.enqueue_dma source(%dma_start3A_192 : memref<128xi32, #tpu.memory_space<hbm>>) target(%dma_start3A_191 : memref<128xi32, #tpu.memory_space<vmem>>) target_semaphore(%arg20 : memref<!tpu.dma_semaphore, #tpu.memory_space<semaphore_mem>>)
      %add3A_193 = arith.constant 640 : i32
      %add3A_194 = arith.addi %mul3A_73, %add3A_193 : i32
      %dma_start3A_195 = arith.constant 5 : i32
      %dma_start3A_196 = arith.constant 0 : i32
      %dma_start3A_197 = tpu.memref_slice %arg15[%dma_start3A_195, %dma_start3A_196] : memref<8x128xf32, #tpu.memory_space<vmem>> -> memref<1x128xf32, #tpu.memory_space<vmem>>
      %dma_start3A_198 = tpu.memref_squeeze %dma_start3A_197 : memref<1x128xf32, #tpu.memory_space<vmem>> -> memref<128xf32, #tpu.memory_space<vmem>>
      %dma_start3A_199 = tpu.memref_slice %arg7[%add3A_194] : memref<16384xf32, #tpu.memory_space<hbm>> -> memref<128xf32, #tpu.memory_space<hbm>>
      %dma_start3A_200 = arith.constant 0 : i32
      %dma_start3A_201 = tpu.memref_slice %arg15[%dma_start3A_195, %dma_start3A_200] : memref<8x128xf32, #tpu.memory_space<vmem>> -> memref<1x128xf32, #tpu.memory_space<vmem>>
      %dma_start3A_202 = tpu.memref_squeeze %dma_start3A_201 : memref<1x128xf32, #tpu.memory_space<vmem>> -> memref<128xf32, #tpu.memory_space<vmem>>
      %dma_start3A_203 = tpu.memref_slice %arg7[%add3A_194] : memref<16384xf32, #tpu.memory_space<hbm>> -> memref<128xf32, #tpu.memory_space<hbm>>
      tpu.enqueue_dma source(%dma_start3A_203 : memref<128xf32, #tpu.memory_space<hbm>>) target(%dma_start3A_202 : memref<128xf32, #tpu.memory_space<vmem>>) target_semaphore(%arg20 : memref<!tpu.dma_semaphore, #tpu.memory_space<semaphore_mem>>)
      %add3A_204 = arith.constant 768 : i32
      %add3A_205 = arith.addi %mul3A_73, %add3A_204 : i32
      %dma_start3A_206 = arith.constant 6 : i32
      %dma_start3A_207 = arith.constant 0 : i32
      %dma_start3A_208 = tpu.memref_slice %arg14[%dma_start3A_206, %dma_start3A_207] : memref<8x128xi32, #tpu.memory_space<vmem>> -> memref<1x128xi32, #tpu.memory_space<vmem>>
      %dma_start3A_209 = tpu.memref_squeeze %dma_start3A_208 : memref<1x128xi32, #tpu.memory_space<vmem>> -> memref<128xi32, #tpu.memory_space<vmem>>
      %dma_start3A_210 = tpu.memref_slice %arg6[%add3A_205] : memref<16384xi32, #tpu.memory_space<hbm>> -> memref<128xi32, #tpu.memory_space<hbm>>
      %dma_start3A_211 = arith.constant 0 : i32
      %dma_start3A_212 = tpu.memref_slice %arg14[%dma_start3A_206, %dma_start3A_211] : memref<8x128xi32, #tpu.memory_space<vmem>> -> memref<1x128xi32, #tpu.memory_space<vmem>>
      %dma_start3A_213 = tpu.memref_squeeze %dma_start3A_212 : memref<1x128xi32, #tpu.memory_space<vmem>> -> memref<128xi32, #tpu.memory_space<vmem>>
      %dma_start3A_214 = tpu.memref_slice %arg6[%add3A_205] : memref<16384xi32, #tpu.memory_space<hbm>> -> memref<128xi32, #tpu.memory_space<hbm>>
      tpu.enqueue_dma source(%dma_start3A_214 : memref<128xi32, #tpu.memory_space<hbm>>) target(%dma_start3A_213 : memref<128xi32, #tpu.memory_space<vmem>>) target_semaphore(%arg20 : memref<!tpu.dma_semaphore, #tpu.memory_space<semaphore_mem>>)
      %add3A_215 = arith.constant 768 : i32
      %add3A_216 = arith.addi %mul3A_73, %add3A_215 : i32
      %dma_start3A_217 = arith.constant 6 : i32
      %dma_start3A_218 = arith.constant 0 : i32
      %dma_start3A_219 = tpu.memref_slice %arg15[%dma_start3A_217, %dma_start3A_218] : memref<8x128xf32, #tpu.memory_space<vmem>> -> memref<1x128xf32, #tpu.memory_space<vmem>>
      %dma_start3A_220 = tpu.memref_squeeze %dma_start3A_219 : memref<1x128xf32, #tpu.memory_space<vmem>> -> memref<128xf32, #tpu.memory_space<vmem>>
      %dma_start3A_221 = tpu.memref_slice %arg7[%add3A_216] : memref<16384xf32, #tpu.memory_space<hbm>> -> memref<128xf32, #tpu.memory_space<hbm>>
      %dma_start3A_222 = arith.constant 0 : i32
      %dma_start3A_223 = tpu.memref_slice %arg15[%dma_start3A_217, %dma_start3A_222] : memref<8x128xf32, #tpu.memory_space<vmem>> -> memref<1x128xf32, #tpu.memory_space<vmem>>
      %dma_start3A_224 = tpu.memref_squeeze %dma_start3A_223 : memref<1x128xf32, #tpu.memory_space<vmem>> -> memref<128xf32, #tpu.memory_space<vmem>>
      %dma_start3A_225 = tpu.memref_slice %arg7[%add3A_216] : memref<16384xf32, #tpu.memory_space<hbm>> -> memref<128xf32, #tpu.memory_space<hbm>>
      tpu.enqueue_dma source(%dma_start3A_225 : memref<128xf32, #tpu.memory_space<hbm>>) target(%dma_start3A_224 : memref<128xf32, #tpu.memory_space<vmem>>) target_semaphore(%arg20 : memref<!tpu.dma_semaphore, #tpu.memory_space<semaphore_mem>>)
      %add3A_226 = arith.constant 896 : i32
      %add3A_227 = arith.addi %mul3A_73, %add3A_226 : i32
      %dma_start3A_228 = arith.constant 7 : i32
      %dma_start3A_229 = arith.constant 0 : i32
      %dma_start3A_230 = tpu.memref_slice %arg14[%dma_start3A_228, %dma_start3A_229] : memref<8x128xi32, #tpu.memory_space<vmem>> -> memref<1x128xi32, #tpu.memory_space<vmem>>
      %dma_start3A_231 = tpu.memref_squeeze %dma_start3A_230 : memref<1x128xi32, #tpu.memory_space<vmem>> -> memref<128xi32, #tpu.memory_space<vmem>>
      %dma_start3A_232 = tpu.memref_slice %arg6[%add3A_227] : memref<16384xi32, #tpu.memory_space<hbm>> -> memref<128xi32, #tpu.memory_space<hbm>>
      %dma_start3A_233 = arith.constant 0 : i32
      %dma_start3A_234 = tpu.memref_slice %arg14[%dma_start3A_228, %dma_start3A_233] : memref<8x128xi32, #tpu.memory_space<vmem>> -> memref<1x128xi32, #tpu.memory_space<vmem>>
      %dma_start3A_235 = tpu.memref_squeeze %dma_start3A_234 : memref<1x128xi32, #tpu.memory_space<vmem>> -> memref<128xi32, #tpu.memory_space<vmem>>
      %dma_start3A_236 = tpu.memref_slice %arg6[%add3A_227] : memref<16384xi32, #tpu.memory_space<hbm>> -> memref<128xi32, #tpu.memory_space<hbm>>
      tpu.enqueue_dma source(%dma_start3A_236 : memref<128xi32, #tpu.memory_space<hbm>>) target(%dma_start3A_235 : memref<128xi32, #tpu.memory_space<vmem>>) target_semaphore(%arg20 : memref<!tpu.dma_semaphore, #tpu.memory_space<semaphore_mem>>)
      %add3A_237 = arith.constant 896 : i32
      %add3A_238 = arith.addi %mul3A_73, %add3A_237 : i32
      %dma_start3A_239 = arith.constant 7 : i32
      %dma_start3A_240 = arith.constant 0 : i32
      %dma_start3A_241 = tpu.memref_slice %arg15[%dma_start3A_239, %dma_start3A_240] : memref<8x128xf32, #tpu.memory_space<vmem>> -> memref<1x128xf32, #tpu.memory_space<vmem>>
      %dma_start3A_242 = tpu.memref_squeeze %dma_start3A_241 : memref<1x128xf32, #tpu.memory_space<vmem>> -> memref<128xf32, #tpu.memory_space<vmem>>
      %dma_start3A_243 = tpu.memref_slice %arg7[%add3A_238] : memref<16384xf32, #tpu.memory_space<hbm>> -> memref<128xf32, #tpu.memory_space<hbm>>
      %dma_start3A_244 = arith.constant 0 : i32
      %dma_start3A_245 = tpu.memref_slice %arg15[%dma_start3A_239, %dma_start3A_244] : memref<8x128xf32, #tpu.memory_space<vmem>> -> memref<1x128xf32, #tpu.memory_space<vmem>>
      %dma_start3A_246 = tpu.memref_squeeze %dma_start3A_245 : memref<1x128xf32, #tpu.memory_space<vmem>> -> memref<128xf32, #tpu.memory_space<vmem>>
      %dma_start3A_247 = tpu.memref_slice %arg7[%add3A_238] : memref<16384xf32, #tpu.memory_space<hbm>> -> memref<128xf32, #tpu.memory_space<hbm>>
      tpu.enqueue_dma source(%dma_start3A_247 : memref<128xf32, #tpu.memory_space<hbm>>) target(%dma_start3A_246 : memref<128xf32, #tpu.memory_space<vmem>>) target_semaphore(%arg20 : memref<!tpu.dma_semaphore, #tpu.memory_space<semaphore_mem>>)
      %dma_wait3A = arith.constant 0 : i32
      %dma_wait3A_248 = arith.constant 0 : i32
      %dma_wait3A_249 = tpu.memref_slice %arg14[%dma_wait3A, %dma_wait3A_248] : memref<8x128xi32, #tpu.memory_space<vmem>> -> memref<1x128xi32, #tpu.memory_space<vmem>>
      %dma_wait3A_250 = tpu.memref_squeeze %dma_wait3A_249 : memref<1x128xi32, #tpu.memory_space<vmem>> -> memref<128xi32, #tpu.memory_space<vmem>>
      %dma_wait3A_251 = tpu.memref_slice %arg6[%add3A_74] : memref<16384xi32, #tpu.memory_space<hbm>> -> memref<128xi32, #tpu.memory_space<hbm>>
      %dma_wait3A_252 = arith.constant 0 : i32
      %dma_wait3A_253 = tpu.memref_slice %arg14[%dma_wait3A, %dma_wait3A_252] : memref<8x128xi32, #tpu.memory_space<vmem>> -> memref<1x128xi32, #tpu.memory_space<vmem>>
      %dma_wait3A_254 = tpu.memref_squeeze %dma_wait3A_253 : memref<1x128xi32, #tpu.memory_space<vmem>> -> memref<128xi32, #tpu.memory_space<vmem>>
      %dma_wait3A_255 = tpu.memref_slice %arg6[%add3A_74] : memref<16384xi32, #tpu.memory_space<hbm>> -> memref<128xi32, #tpu.memory_space<hbm>>
      tpu.wait_dma2 semaphore(%arg20 : memref<!tpu.dma_semaphore, #tpu.memory_space<semaphore_mem>>) src(%dma_wait3A_255 : memref<128xi32, #tpu.memory_space<hbm>>) dst(%dma_wait3A_254 : memref<128xi32, #tpu.memory_space<vmem>>)
      %dma_wait3A_256 = arith.constant 0 : i32
      %dma_wait3A_257 = arith.constant 0 : i32
      %dma_wait3A_258 = tpu.memref_slice %arg15[%dma_wait3A_256, %dma_wait3A_257] : memref<8x128xf32, #tpu.memory_space<vmem>> -> memref<1x128xf32, #tpu.memory_space<vmem>>
      %dma_wait3A_259 = tpu.memref_squeeze %dma_wait3A_258 : memref<1x128xf32, #tpu.memory_space<vmem>> -> memref<128xf32, #tpu.memory_space<vmem>>
      %dma_wait3A_260 = tpu.memref_slice %arg7[%add3A_84] : memref<16384xf32, #tpu.memory_space<hbm>> -> memref<128xf32, #tpu.memory_space<hbm>>
      %dma_wait3A_261 = arith.constant 0 : i32
      %dma_wait3A_262 = tpu.memref_slice %arg15[%dma_wait3A_256, %dma_wait3A_261] : memref<8x128xf32, #tpu.memory_space<vmem>> -> memref<1x128xf32, #tpu.memory_space<vmem>>
      %dma_wait3A_263 = tpu.memref_squeeze %dma_wait3A_262 : memref<1x128xf32, #tpu.memory_space<vmem>> -> memref<128xf32, #tpu.memory_space<vmem>>
      %dma_wait3A_264 = tpu.memref_slice %arg7[%add3A_84] : memref<16384xf32, #tpu.memory_space<hbm>> -> memref<128xf32, #tpu.memory_space<hbm>>
      tpu.wait_dma2 semaphore(%arg20 : memref<!tpu.dma_semaphore, #tpu.memory_space<semaphore_mem>>) src(%dma_wait3A_264 : memref<128xf32, #tpu.memory_space<hbm>>) dst(%dma_wait3A_263 : memref<128xf32, #tpu.memory_space<vmem>>)
      %dma_wait3A_265 = arith.constant 1 : i32
      %dma_wait3A_266 = arith.constant 0 : i32
      %dma_wait3A_267 = tpu.memref_slice %arg14[%dma_wait3A_265, %dma_wait3A_266] : memref<8x128xi32, #tpu.memory_space<vmem>> -> memref<1x128xi32, #tpu.memory_space<vmem>>
      %dma_wait3A_268 = tpu.memref_squeeze %dma_wait3A_267 : memref<1x128xi32, #tpu.memory_space<vmem>> -> memref<128xi32, #tpu.memory_space<vmem>>
      %dma_wait3A_269 = tpu.memref_slice %arg6[%add3A_95] : memref<16384xi32, #tpu.memory_space<hbm>> -> memref<128xi32, #tpu.memory_space<hbm>>
      %dma_wait3A_270 = arith.constant 0 : i32
      %dma_wait3A_271 = tpu.memref_slice %arg14[%dma_wait3A_265, %dma_wait3A_270] : memref<8x128xi32, #tpu.memory_space<vmem>> -> memref<1x128xi32, #tpu.memory_space<vmem>>
      %dma_wait3A_272 = tpu.memref_squeeze %dma_wait3A_271 : memref<1x128xi32, #tpu.memory_space<vmem>> -> memref<128xi32, #tpu.memory_space<vmem>>
      %dma_wait3A_273 = tpu.memref_slice %arg6[%add3A_95] : memref<16384xi32, #tpu.memory_space<hbm>> -> memref<128xi32, #tpu.memory_space<hbm>>
      tpu.wait_dma2 semaphore(%arg20 : memref<!tpu.dma_semaphore, #tpu.memory_space<semaphore_mem>>) src(%dma_wait3A_273 : memref<128xi32, #tpu.memory_space<hbm>>) dst(%dma_wait3A_272 : memref<128xi32, #tpu.memory_space<vmem>>)
      %dma_wait3A_274 = arith.constant 1 : i32
      %dma_wait3A_275 = arith.constant 0 : i32
      %dma_wait3A_276 = tpu.memref_slice %arg15[%dma_wait3A_274, %dma_wait3A_275] : memref<8x128xf32, #tpu.memory_space<vmem>> -> memref<1x128xf32, #tpu.memory_space<vmem>>
      %dma_wait3A_277 = tpu.memref_squeeze %dma_wait3A_276 : memref<1x128xf32, #tpu.memory_space<vmem>> -> memref<128xf32, #tpu.memory_space<vmem>>
      %dma_wait3A_278 = tpu.memref_slice %arg7[%add3A_106] : memref<16384xf32, #tpu.memory_space<hbm>> -> memref<128xf32, #tpu.memory_space<hbm>>
      %dma_wait3A_279 = arith.constant 0 : i32
      %dma_wait3A_280 = tpu.memref_slice %arg15[%dma_wait3A_274, %dma_wait3A_279] : memref<8x128xf32, #tpu.memory_space<vmem>> -> memref<1x128xf32, #tpu.memory_space<vmem>>
      %dma_wait3A_281 = tpu.memref_squeeze %dma_wait3A_280 : memref<1x128xf32, #tpu.memory_space<vmem>> -> memref<128xf32, #tpu.memory_space<vmem>>
      %dma_wait3A_282 = tpu.memref_slice %arg7[%add3A_106] : memref<16384xf32, #tpu.memory_space<hbm>> -> memref<128xf32, #tpu.memory_space<hbm>>
      tpu.wait_dma2 semaphore(%arg20 : memref<!tpu.dma_semaphore, #tpu.memory_space<semaphore_mem>>) src(%dma_wait3A_282 : memref<128xf32, #tpu.memory_space<hbm>>) dst(%dma_wait3A_281 : memref<128xf32, #tpu.memory_space<vmem>>)
      %dma_wait3A_283 = arith.constant 2 : i32
      %dma_wait3A_284 = arith.constant 0 : i32
      %dma_wait3A_285 = tpu.memref_slice %arg14[%dma_wait3A_283, %dma_wait3A_284] : memref<8x128xi32, #tpu.memory_space<vmem>> -> memref<1x128xi32, #tpu.memory_space<vmem>>
      %dma_wait3A_286 = tpu.memref_squeeze %dma_wait3A_285 : memref<1x128xi32, #tpu.memory_space<vmem>> -> memref<128xi32, #tpu.memory_space<vmem>>
      %dma_wait3A_287 = tpu.memref_slice %arg6[%add3A_117] : memref<16384xi32, #tpu.memory_space<hbm>> -> memref<128xi32, #tpu.memory_space<hbm>>
      %dma_wait3A_288 = arith.constant 0 : i32
      %dma_wait3A_289 = tpu.memref_slice %arg14[%dma_wait3A_283, %dma_wait3A_288] : memref<8x128xi32, #tpu.memory_space<vmem>> -> memref<1x128xi32, #tpu.memory_space<vmem>>
      %dma_wait3A_290 = tpu.memref_squeeze %dma_wait3A_289 : memref<1x128xi32, #tpu.memory_space<vmem>> -> memref<128xi32, #tpu.memory_space<vmem>>
      %dma_wait3A_291 = tpu.memref_slice %arg6[%add3A_117] : memref<16384xi32, #tpu.memory_space<hbm>> -> memref<128xi32, #tpu.memory_space<hbm>>
      tpu.wait_dma2 semaphore(%arg20 : memref<!tpu.dma_semaphore, #tpu.memory_space<semaphore_mem>>) src(%dma_wait3A_291 : memref<128xi32, #tpu.memory_space<hbm>>) dst(%dma_wait3A_290 : memref<128xi32, #tpu.memory_space<vmem>>)
      %dma_wait3A_292 = arith.constant 2 : i32
      %dma_wait3A_293 = arith.constant 0 : i32
      %dma_wait3A_294 = tpu.memref_slice %arg15[%dma_wait3A_292, %dma_wait3A_293] : memref<8x128xf32, #tpu.memory_space<vmem>> -> memref<1x128xf32, #tpu.memory_space<vmem>>
      %dma_wait3A_295 = tpu.memref_squeeze %dma_wait3A_294 : memref<1x128xf32, #tpu.memory_space<vmem>> -> memref<128xf32, #tpu.memory_space<vmem>>
      %dma_wait3A_296 = tpu.memref_slice %arg7[%add3A_128] : memref<16384xf32, #tpu.memory_space<hbm>> -> memref<128xf32, #tpu.memory_space<hbm>>
      %dma_wait3A_297 = arith.constant 0 : i32
      %dma_wait3A_298 = tpu.memref_slice %arg15[%dma_wait3A_292, %dma_wait3A_297] : memref<8x128xf32, #tpu.memory_space<vmem>> -> memref<1x128xf32, #tpu.memory_space<vmem>>
      %dma_wait3A_299 = tpu.memref_squeeze %dma_wait3A_298 : memref<1x128xf32, #tpu.memory_space<vmem>> -> memref<128xf32, #tpu.memory_space<vmem>>
      %dma_wait3A_300 = tpu.memref_slice %arg7[%add3A_128] : memref<16384xf32, #tpu.memory_space<hbm>> -> memref<128xf32, #tpu.memory_space<hbm>>
      tpu.wait_dma2 semaphore(%arg20 : memref<!tpu.dma_semaphore, #tpu.memory_space<semaphore_mem>>) src(%dma_wait3A_300 : memref<128xf32, #tpu.memory_space<hbm>>) dst(%dma_wait3A_299 : memref<128xf32, #tpu.memory_space<vmem>>)
      %dma_wait3A_301 = arith.constant 3 : i32
      %dma_wait3A_302 = arith.constant 0 : i32
      %dma_wait3A_303 = tpu.memref_slice %arg14[%dma_wait3A_301, %dma_wait3A_302] : memref<8x128xi32, #tpu.memory_space<vmem>> -> memref<1x128xi32, #tpu.memory_space<vmem>>
      %dma_wait3A_304 = tpu.memref_squeeze %dma_wait3A_303 : memref<1x128xi32, #tpu.memory_space<vmem>> -> memref<128xi32, #tpu.memory_space<vmem>>
      %dma_wait3A_305 = tpu.memref_slice %arg6[%add3A_139] : memref<16384xi32, #tpu.memory_space<hbm>> -> memref<128xi32, #tpu.memory_space<hbm>>
      %dma_wait3A_306 = arith.constant 0 : i32
      %dma_wait3A_307 = tpu.memref_slice %arg14[%dma_wait3A_301, %dma_wait3A_306] : memref<8x128xi32, #tpu.memory_space<vmem>> -> memref<1x128xi32, #tpu.memory_space<vmem>>
      %dma_wait3A_308 = tpu.memref_squeeze %dma_wait3A_307 : memref<1x128xi32, #tpu.memory_space<vmem>> -> memref<128xi32, #tpu.memory_space<vmem>>
      %dma_wait3A_309 = tpu.memref_slice %arg6[%add3A_139] : memref<16384xi32, #tpu.memory_space<hbm>> -> memref<128xi32, #tpu.memory_space<hbm>>
      tpu.wait_dma2 semaphore(%arg20 : memref<!tpu.dma_semaphore, #tpu.memory_space<semaphore_mem>>) src(%dma_wait3A_309 : memref<128xi32, #tpu.memory_space<hbm>>) dst(%dma_wait3A_308 : memref<128xi32, #tpu.memory_space<vmem>>)
      %dma_wait3A_310 = arith.constant 3 : i32
      %dma_wait3A_311 = arith.constant 0 : i32
      %dma_wait3A_312 = tpu.memref_slice %arg15[%dma_wait3A_310, %dma_wait3A_311] : memref<8x128xf32, #tpu.memory_space<vmem>> -> memref<1x128xf32, #tpu.memory_space<vmem>>
      %dma_wait3A_313 = tpu.memref_squeeze %dma_wait3A_312 : memref<1x128xf32, #tpu.memory_space<vmem>> -> memref<128xf32, #tpu.memory_space<vmem>>
      %dma_wait3A_314 = tpu.memref_slice %arg7[%add3A_150] : memref<16384xf32, #tpu.memory_space<hbm>> -> memref<128xf32, #tpu.memory_space<hbm>>
      %dma_wait3A_315 = arith.constant 0 : i32
      %dma_wait3A_316 = tpu.memref_slice %arg15[%dma_wait3A_310, %dma_wait3A_315] : memref<8x128xf32, #tpu.memory_space<vmem>> -> memref<1x128xf32, #tpu.memory_space<vmem>>
      %dma_wait3A_317 = tpu.memref_squeeze %dma_wait3A_316 : memref<1x128xf32, #tpu.memory_space<vmem>> -> memref<128xf32, #tpu.memory_space<vmem>>
      %dma_wait3A_318 = tpu.memref_slice %arg7[%add3A_150] : memref<16384xf32, #tpu.memory_space<hbm>> -> memref<128xf32, #tpu.memory_space<hbm>>
      tpu.wait_dma2 semaphore(%arg20 : memref<!tpu.dma_semaphore, #tpu.memory_space<semaphore_mem>>) src(%dma_wait3A_318 : memref<128xf32, #tpu.memory_space<hbm>>) dst(%dma_wait3A_317 : memref<128xf32, #tpu.memory_space<vmem>>)
      %dma_wait3A_319 = arith.constant 4 : i32
      %dma_wait3A_320 = arith.constant 0 : i32
      %dma_wait3A_321 = tpu.memref_slice %arg14[%dma_wait3A_319, %dma_wait3A_320] : memref<8x128xi32, #tpu.memory_space<vmem>> -> memref<1x128xi32, #tpu.memory_space<vmem>>
      %dma_wait3A_322 = tpu.memref_squeeze %dma_wait3A_321 : memref<1x128xi32, #tpu.memory_space<vmem>> -> memref<128xi32, #tpu.memory_space<vmem>>
      %dma_wait3A_323 = tpu.memref_slice %arg6[%add3A_161] : memref<16384xi32, #tpu.memory_space<hbm>> -> memref<128xi32, #tpu.memory_space<hbm>>
      %dma_wait3A_324 = arith.constant 0 : i32
      %dma_wait3A_325 = tpu.memref_slice %arg14[%dma_wait3A_319, %dma_wait3A_324] : memref<8x128xi32, #tpu.memory_space<vmem>> -> memref<1x128xi32, #tpu.memory_space<vmem>>
      %dma_wait3A_326 = tpu.memref_squeeze %dma_wait3A_325 : memref<1x128xi32, #tpu.memory_space<vmem>> -> memref<128xi32, #tpu.memory_space<vmem>>
      %dma_wait3A_327 = tpu.memref_slice %arg6[%add3A_161] : memref<16384xi32, #tpu.memory_space<hbm>> -> memref<128xi32, #tpu.memory_space<hbm>>
      tpu.wait_dma2 semaphore(%arg20 : memref<!tpu.dma_semaphore, #tpu.memory_space<semaphore_mem>>) src(%dma_wait3A_327 : memref<128xi32, #tpu.memory_space<hbm>>) dst(%dma_wait3A_326 : memref<128xi32, #tpu.memory_space<vmem>>)
      %dma_wait3A_328 = arith.constant 4 : i32
      %dma_wait3A_329 = arith.constant 0 : i32
      %dma_wait3A_330 = tpu.memref_slice %arg15[%dma_wait3A_328, %dma_wait3A_329] : memref<8x128xf32, #tpu.memory_space<vmem>> -> memref<1x128xf32, #tpu.memory_space<vmem>>
      %dma_wait3A_331 = tpu.memref_squeeze %dma_wait3A_330 : memref<1x128xf32, #tpu.memory_space<vmem>> -> memref<128xf32, #tpu.memory_space<vmem>>
      %dma_wait3A_332 = tpu.memref_slice %arg7[%add3A_172] : memref<16384xf32, #tpu.memory_space<hbm>> -> memref<128xf32, #tpu.memory_space<hbm>>
      %dma_wait3A_333 = arith.constant 0 : i32
      %dma_wait3A_334 = tpu.memref_slice %arg15[%dma_wait3A_328, %dma_wait3A_333] : memref<8x128xf32, #tpu.memory_space<vmem>> -> memref<1x128xf32, #tpu.memory_space<vmem>>
      %dma_wait3A_335 = tpu.memref_squeeze %dma_wait3A_334 : memref<1x128xf32, #tpu.memory_space<vmem>> -> memref<128xf32, #tpu.memory_space<vmem>>
      %dma_wait3A_336 = tpu.memref_slice %arg7[%add3A_172] : memref<16384xf32, #tpu.memory_space<hbm>> -> memref<128xf32, #tpu.memory_space<hbm>>
      tpu.wait_dma2 semaphore(%arg20 : memref<!tpu.dma_semaphore, #tpu.memory_space<semaphore_mem>>) src(%dma_wait3A_336 : memref<128xf32, #tpu.memory_space<hbm>>) dst(%dma_wait3A_335 : memref<128xf32, #tpu.memory_space<vmem>>)
      %dma_wait3A_337 = arith.constant 5 : i32
      %dma_wait3A_338 = arith.constant 0 : i32
      %dma_wait3A_339 = tpu.memref_slice %arg14[%dma_wait3A_337, %dma_wait3A_338] : memref<8x128xi32, #tpu.memory_space<vmem>> -> memref<1x128xi32, #tpu.memory_space<vmem>>
      %dma_wait3A_340 = tpu.memref_squeeze %dma_wait3A_339 : memref<1x128xi32, #tpu.memory_space<vmem>> -> memref<128xi32, #tpu.memory_space<vmem>>
      %dma_wait3A_341 = tpu.memref_slice %arg6[%add3A_183] : memref<16384xi32, #tpu.memory_space<hbm>> -> memref<128xi32, #tpu.memory_space<hbm>>
      %dma_wait3A_342 = arith.constant 0 : i32
      %dma_wait3A_343 = tpu.memref_slice %arg14[%dma_wait3A_337, %dma_wait3A_342] : memref<8x128xi32, #tpu.memory_space<vmem>> -> memref<1x128xi32, #tpu.memory_space<vmem>>
      %dma_wait3A_344 = tpu.memref_squeeze %dma_wait3A_343 : memref<1x128xi32, #tpu.memory_space<vmem>> -> memref<128xi32, #tpu.memory_space<vmem>>
      %dma_wait3A_345 = tpu.memref_slice %arg6[%add3A_183] : memref<16384xi32, #tpu.memory_space<hbm>> -> memref<128xi32, #tpu.memory_space<hbm>>
      tpu.wait_dma2 semaphore(%arg20 : memref<!tpu.dma_semaphore, #tpu.memory_space<semaphore_mem>>) src(%dma_wait3A_345 : memref<128xi32, #tpu.memory_space<hbm>>) dst(%dma_wait3A_344 : memref<128xi32, #tpu.memory_space<vmem>>)
      %dma_wait3A_346 = arith.constant 5 : i32
      %dma_wait3A_347 = arith.constant 0 : i32
      %dma_wait3A_348 = tpu.memref_slice %arg15[%dma_wait3A_346, %dma_wait3A_347] : memref<8x128xf32, #tpu.memory_space<vmem>> -> memref<1x128xf32, #tpu.memory_space<vmem>>
      %dma_wait3A_349 = tpu.memref_squeeze %dma_wait3A_348 : memref<1x128xf32, #tpu.memory_space<vmem>> -> memref<128xf32, #tpu.memory_space<vmem>>
      %dma_wait3A_350 = tpu.memref_slice %arg7[%add3A_194] : memref<16384xf32, #tpu.memory_space<hbm>> -> memref<128xf32, #tpu.memory_space<hbm>>
      %dma_wait3A_351 = arith.constant 0 : i32
      %dma_wait3A_352 = tpu.memref_slice %arg15[%dma_wait3A_346, %dma_wait3A_351] : memref<8x128xf32, #tpu.memory_space<vmem>> -> memref<1x128xf32, #tpu.memory_space<vmem>>
      %dma_wait3A_353 = tpu.memref_squeeze %dma_wait3A_352 : memref<1x128xf32, #tpu.memory_space<vmem>> -> memref<128xf32, #tpu.memory_space<vmem>>
      %dma_wait3A_354 = tpu.memref_slice %arg7[%add3A_194] : memref<16384xf32, #tpu.memory_space<hbm>> -> memref<128xf32, #tpu.memory_space<hbm>>
      tpu.wait_dma2 semaphore(%arg20 : memref<!tpu.dma_semaphore, #tpu.memory_space<semaphore_mem>>) src(%dma_wait3A_354 : memref<128xf32, #tpu.memory_space<hbm>>) dst(%dma_wait3A_353 : memref<128xf32, #tpu.memory_space<vmem>>)
      %dma_wait3A_355 = arith.constant 6 : i32
      %dma_wait3A_356 = arith.constant 0 : i32
      %dma_wait3A_357 = tpu.memref_slice %arg14[%dma_wait3A_355, %dma_wait3A_356] : memref<8x128xi32, #tpu.memory_space<vmem>> -> memref<1x128xi32, #tpu.memory_space<vmem>>
      %dma_wait3A_358 = tpu.memref_squeeze %dma_wait3A_357 : memref<1x128xi32, #tpu.memory_space<vmem>> -> memref<128xi32, #tpu.memory_space<vmem>>
      %dma_wait3A_359 = tpu.memref_slice %arg6[%add3A_205] : memref<16384xi32, #tpu.memory_space<hbm>> -> memref<128xi32, #tpu.memory_space<hbm>>
      %dma_wait3A_360 = arith.constant 0 : i32
      %dma_wait3A_361 = tpu.memref_slice %arg14[%dma_wait3A_355, %dma_wait3A_360] : memref<8x128xi32, #tpu.memory_space<vmem>> -> memref<1x128xi32, #tpu.memory_space<vmem>>
      %dma_wait3A_362 = tpu.memref_squeeze %dma_wait3A_361 : memref<1x128xi32, #tpu.memory_space<vmem>> -> memref<128xi32, #tpu.memory_space<vmem>>
      %dma_wait3A_363 = tpu.memref_slice %arg6[%add3A_205] : memref<16384xi32, #tpu.memory_space<hbm>> -> memref<128xi32, #tpu.memory_space<hbm>>
      tpu.wait_dma2 semaphore(%arg20 : memref<!tpu.dma_semaphore, #tpu.memory_space<semaphore_mem>>) src(%dma_wait3A_363 : memref<128xi32, #tpu.memory_space<hbm>>) dst(%dma_wait3A_362 : memref<128xi32, #tpu.memory_space<vmem>>)
      %dma_wait3A_364 = arith.constant 6 : i32
      %dma_wait3A_365 = arith.constant 0 : i32
      %dma_wait3A_366 = tpu.memref_slice %arg15[%dma_wait3A_364, %dma_wait3A_365] : memref<8x128xf32, #tpu.memory_space<vmem>> -> memref<1x128xf32, #tpu.memory_space<vmem>>
      %dma_wait3A_367 = tpu.memref_squeeze %dma_wait3A_366 : memref<1x128xf32, #tpu.memory_space<vmem>> -> memref<128xf32, #tpu.memory_space<vmem>>
      %dma_wait3A_368 = tpu.memref_slice %arg7[%add3A_216] : memref<16384xf32, #tpu.memory_space<hbm>> -> memref<128xf32, #tpu.memory_space<hbm>>
      %dma_wait3A_369 = arith.constant 0 : i32
      %dma_wait3A_370 = tpu.memref_slice %arg15[%dma_wait3A_364, %dma_wait3A_369] : memref<8x128xf32, #tpu.memory_space<vmem>> -> memref<1x128xf32, #tpu.memory_space<vmem>>
      %dma_wait3A_371 = tpu.memref_squeeze %dma_wait3A_370 : memref<1x128xf32, #tpu.memory_space<vmem>> -> memref<128xf32, #tpu.memory_space<vmem>>
      %dma_wait3A_372 = tpu.memref_slice %arg7[%add3A_216] : memref<16384xf32, #tpu.memory_space<hbm>> -> memref<128xf32, #tpu.memory_space<hbm>>
      tpu.wait_dma2 semaphore(%arg20 : memref<!tpu.dma_semaphore, #tpu.memory_space<semaphore_mem>>) src(%dma_wait3A_372 : memref<128xf32, #tpu.memory_space<hbm>>) dst(%dma_wait3A_371 : memref<128xf32, #tpu.memory_space<vmem>>)
      %dma_wait3A_373 = arith.constant 7 : i32
      %dma_wait3A_374 = arith.constant 0 : i32
      %dma_wait3A_375 = tpu.memref_slice %arg14[%dma_wait3A_373, %dma_wait3A_374] : memref<8x128xi32, #tpu.memory_space<vmem>> -> memref<1x128xi32, #tpu.memory_space<vmem>>
      %dma_wait3A_376 = tpu.memref_squeeze %dma_wait3A_375 : memref<1x128xi32, #tpu.memory_space<vmem>> -> memref<128xi32, #tpu.memory_space<vmem>>
      %dma_wait3A_377 = tpu.memref_slice %arg6[%add3A_227] : memref<16384xi32, #tpu.memory_space<hbm>> -> memref<128xi32, #tpu.memory_space<hbm>>
      %dma_wait3A_378 = arith.constant 0 : i32
      %dma_wait3A_379 = tpu.memref_slice %arg14[%dma_wait3A_373, %dma_wait3A_378] : memref<8x128xi32, #tpu.memory_space<vmem>> -> memref<1x128xi32, #tpu.memory_space<vmem>>
      %dma_wait3A_380 = tpu.memref_squeeze %dma_wait3A_379 : memref<1x128xi32, #tpu.memory_space<vmem>> -> memref<128xi32, #tpu.memory_space<vmem>>
      %dma_wait3A_381 = tpu.memref_slice %arg6[%add3A_227] : memref<16384xi32, #tpu.memory_space<hbm>> -> memref<128xi32, #tpu.memory_space<hbm>>
      tpu.wait_dma2 semaphore(%arg20 : memref<!tpu.dma_semaphore, #tpu.memory_space<semaphore_mem>>) src(%dma_wait3A_381 : memref<128xi32, #tpu.memory_space<hbm>>) dst(%dma_wait3A_380 : memref<128xi32, #tpu.memory_space<vmem>>)
      %dma_wait3A_382 = arith.constant 7 : i32
      %dma_wait3A_383 = arith.constant 0 : i32
      %dma_wait3A_384 = tpu.memref_slice %arg15[%dma_wait3A_382, %dma_wait3A_383] : memref<8x128xf32, #tpu.memory_space<vmem>> -> memref<1x128xf32, #tpu.memory_space<vmem>>
      %dma_wait3A_385 = tpu.memref_squeeze %dma_wait3A_384 : memref<1x128xf32, #tpu.memory_space<vmem>> -> memref<128xf32, #tpu.memory_space<vmem>>
      %dma_wait3A_386 = tpu.memref_slice %arg7[%add3A_238] : memref<16384xf32, #tpu.memory_space<hbm>> -> memref<128xf32, #tpu.memory_space<hbm>>
      %dma_wait3A_387 = arith.constant 0 : i32
      %dma_wait3A_388 = tpu.memref_slice %arg15[%dma_wait3A_382, %dma_wait3A_387] : memref<8x128xf32, #tpu.memory_space<vmem>> -> memref<1x128xf32, #tpu.memory_space<vmem>>
      %dma_wait3A_389 = tpu.memref_squeeze %dma_wait3A_388 : memref<1x128xf32, #tpu.memory_space<vmem>> -> memref<128xf32, #tpu.memory_space<vmem>>
      %dma_wait3A_390 = tpu.memref_slice %arg7[%add3A_238] : memref<16384xf32, #tpu.memory_space<hbm>> -> memref<128xf32, #tpu.memory_space<hbm>>
      tpu.wait_dma2 semaphore(%arg20 : memref<!tpu.dma_semaphore, #tpu.memory_space<semaphore_mem>>) src(%dma_wait3A_390 : memref<128xf32, #tpu.memory_space<hbm>>) dst(%dma_wait3A_389 : memref<128xf32, #tpu.memory_space<vmem>>)
      %dma_start3A_391 = arith.constant 0 : i32
      %dma_start3A_392 = arith.constant 0 : i32
      %dma_start3A_393 = arith.constant 0 : i32
      %dma_start3A_394 = tpu.memref_slice %arg15[%dma_start3A_391, %dma_start3A_393] : memref<8x128xf32, #tpu.memory_space<vmem>> -> memref<1x128xf32, #tpu.memory_space<vmem>>
      %dma_start3A_395 = tpu.memref_squeeze %dma_start3A_394 : memref<1x128xf32, #tpu.memory_space<vmem>> -> memref<128xf32, #tpu.memory_space<vmem>>
      %dma_start3A_396 = arith.constant 0 : i32
      %dma_start3A_397 = tpu.memref_slice %arg14[%dma_start3A_392, %dma_start3A_396] : memref<8x128xi32, #tpu.memory_space<vmem>> -> memref<1x128xi32, #tpu.memory_space<vmem>>
      %dma_start3A_398 = tpu.memref_squeeze %dma_start3A_397 : memref<1x128xi32, #tpu.memory_space<vmem>> -> memref<128xi32, #tpu.memory_space<vmem>>
      %dma_start3A_399 = arith.constant 0 : i32
      %dma_start3A_400 = tpu.memref_slice %arg9[%dma_start3A_399] : memref<16777216xf32, #tpu.memory_space<hbm>> -> memref<16777216xf32, #tpu.memory_space<hbm>>
      tpu.enqueue_indirect_dma source(%dma_start3A_395 : memref<128xf32, #tpu.memory_space<vmem>>) target(%dma_start3A_400 : memref<16777216xf32, #tpu.memory_space<hbm>>) offsets(%dma_start3A_398 : memref<128xi32, #tpu.memory_space<vmem>>) semaphore(%arg20 : memref<!tpu.dma_semaphore, #tpu.memory_space<semaphore_mem>>)
      %dma_start3A_401 = arith.constant 1 : i32
      %dma_start3A_402 = arith.constant 1 : i32
      %dma_start3A_403 = arith.constant 0 : i32
      %dma_start3A_404 = tpu.memref_slice %arg15[%dma_start3A_401, %dma_start3A_403] : memref<8x128xf32, #tpu.memory_space<vmem>> -> memref<1x128xf32, #tpu.memory_space<vmem>>
      %dma_start3A_405 = tpu.memref_squeeze %dma_start3A_404 : memref<1x128xf32, #tpu.memory_space<vmem>> -> memref<128xf32, #tpu.memory_space<vmem>>
      %dma_start3A_406 = arith.constant 0 : i32
      %dma_start3A_407 = tpu.memref_slice %arg14[%dma_start3A_402, %dma_start3A_406] : memref<8x128xi32, #tpu.memory_space<vmem>> -> memref<1x128xi32, #tpu.memory_space<vmem>>
      %dma_start3A_408 = tpu.memref_squeeze %dma_start3A_407 : memref<1x128xi32, #tpu.memory_space<vmem>> -> memref<128xi32, #tpu.memory_space<vmem>>
      %dma_start3A_409 = arith.constant 0 : i32
      %dma_start3A_410 = tpu.memref_slice %arg9[%dma_start3A_409] : memref<16777216xf32, #tpu.memory_space<hbm>> -> memref<16777216xf32, #tpu.memory_space<hbm>>
      tpu.enqueue_indirect_dma source(%dma_start3A_405 : memref<128xf32, #tpu.memory_space<vmem>>) target(%dma_start3A_410 : memref<16777216xf32, #tpu.memory_space<hbm>>) offsets(%dma_start3A_408 : memref<128xi32, #tpu.memory_space<vmem>>) semaphore(%arg20 : memref<!tpu.dma_semaphore, #tpu.memory_space<semaphore_mem>>)
      %dma_start3A_411 = arith.constant 2 : i32
      %dma_start3A_412 = arith.constant 2 : i32
      %dma_start3A_413 = arith.constant 0 : i32
      %dma_start3A_414 = tpu.memref_slice %arg15[%dma_start3A_411, %dma_start3A_413] : memref<8x128xf32, #tpu.memory_space<vmem>> -> memref<1x128xf32, #tpu.memory_space<vmem>>
      %dma_start3A_415 = tpu.memref_squeeze %dma_start3A_414 : memref<1x128xf32, #tpu.memory_space<vmem>> -> memref<128xf32, #tpu.memory_space<vmem>>
      %dma_start3A_416 = arith.constant 0 : i32
      %dma_start3A_417 = tpu.memref_slice %arg14[%dma_start3A_412, %dma_start3A_416] : memref<8x128xi32, #tpu.memory_space<vmem>> -> memref<1x128xi32, #tpu.memory_space<vmem>>
      %dma_start3A_418 = tpu.memref_squeeze %dma_start3A_417 : memref<1x128xi32, #tpu.memory_space<vmem>> -> memref<128xi32, #tpu.memory_space<vmem>>
      %dma_start3A_419 = arith.constant 0 : i32
      %dma_start3A_420 = tpu.memref_slice %arg9[%dma_start3A_419] : memref<16777216xf32, #tpu.memory_space<hbm>> -> memref<16777216xf32, #tpu.memory_space<hbm>>
      tpu.enqueue_indirect_dma source(%dma_start3A_415 : memref<128xf32, #tpu.memory_space<vmem>>) target(%dma_start3A_420 : memref<16777216xf32, #tpu.memory_space<hbm>>) offsets(%dma_start3A_418 : memref<128xi32, #tpu.memory_space<vmem>>) semaphore(%arg20 : memref<!tpu.dma_semaphore, #tpu.memory_space<semaphore_mem>>)
      %dma_start3A_421 = arith.constant 3 : i32
      %dma_start3A_422 = arith.constant 3 : i32
      %dma_start3A_423 = arith.constant 0 : i32
      %dma_start3A_424 = tpu.memref_slice %arg15[%dma_start3A_421, %dma_start3A_423] : memref<8x128xf32, #tpu.memory_space<vmem>> -> memref<1x128xf32, #tpu.memory_space<vmem>>
      %dma_start3A_425 = tpu.memref_squeeze %dma_start3A_424 : memref<1x128xf32, #tpu.memory_space<vmem>> -> memref<128xf32, #tpu.memory_space<vmem>>
      %dma_start3A_426 = arith.constant 0 : i32
      %dma_start3A_427 = tpu.memref_slice %arg14[%dma_start3A_422, %dma_start3A_426] : memref<8x128xi32, #tpu.memory_space<vmem>> -> memref<1x128xi32, #tpu.memory_space<vmem>>
      %dma_start3A_428 = tpu.memref_squeeze %dma_start3A_427 : memref<1x128xi32, #tpu.memory_space<vmem>> -> memref<128xi32, #tpu.memory_space<vmem>>
      %dma_start3A_429 = arith.constant 0 : i32
      %dma_start3A_430 = tpu.memref_slice %arg9[%dma_start3A_429] : memref<16777216xf32, #tpu.memory_space<hbm>> -> memref<16777216xf32, #tpu.memory_space<hbm>>
      tpu.enqueue_indirect_dma source(%dma_start3A_425 : memref<128xf32, #tpu.memory_space<vmem>>) target(%dma_start3A_430 : memref<16777216xf32, #tpu.memory_space<hbm>>) offsets(%dma_start3A_428 : memref<128xi32, #tpu.memory_space<vmem>>) semaphore(%arg20 : memref<!tpu.dma_semaphore, #tpu.memory_space<semaphore_mem>>)
      %dma_start3A_431 = arith.constant 4 : i32
      %dma_start3A_432 = arith.constant 4 : i32
      %dma_start3A_433 = arith.constant 0 : i32
      %dma_start3A_434 = tpu.memref_slice %arg15[%dma_start3A_431, %dma_start3A_433] : memref<8x128xf32, #tpu.memory_space<vmem>> -> memref<1x128xf32, #tpu.memory_space<vmem>>
      %dma_start3A_435 = tpu.memref_squeeze %dma_start3A_434 : memref<1x128xf32, #tpu.memory_space<vmem>> -> memref<128xf32, #tpu.memory_space<vmem>>
      %dma_start3A_436 = arith.constant 0 : i32
      %dma_start3A_437 = tpu.memref_slice %arg14[%dma_start3A_432, %dma_start3A_436] : memref<8x128xi32, #tpu.memory_space<vmem>> -> memref<1x128xi32, #tpu.memory_space<vmem>>
      %dma_start3A_438 = tpu.memref_squeeze %dma_start3A_437 : memref<1x128xi32, #tpu.memory_space<vmem>> -> memref<128xi32, #tpu.memory_space<vmem>>
      %dma_start3A_439 = arith.constant 0 : i32
      %dma_start3A_440 = tpu.memref_slice %arg9[%dma_start3A_439] : memref<16777216xf32, #tpu.memory_space<hbm>> -> memref<16777216xf32, #tpu.memory_space<hbm>>
      tpu.enqueue_indirect_dma source(%dma_start3A_435 : memref<128xf32, #tpu.memory_space<vmem>>) target(%dma_start3A_440 : memref<16777216xf32, #tpu.memory_space<hbm>>) offsets(%dma_start3A_438 : memref<128xi32, #tpu.memory_space<vmem>>) semaphore(%arg20 : memref<!tpu.dma_semaphore, #tpu.memory_space<semaphore_mem>>)
      %dma_start3A_441 = arith.constant 5 : i32
      %dma_start3A_442 = arith.constant 5 : i32
      %dma_start3A_443 = arith.constant 0 : i32
      %dma_start3A_444 = tpu.memref_slice %arg15[%dma_start3A_441, %dma_start3A_443] : memref<8x128xf32, #tpu.memory_space<vmem>> -> memref<1x128xf32, #tpu.memory_space<vmem>>
      %dma_start3A_445 = tpu.memref_squeeze %dma_start3A_444 : memref<1x128xf32, #tpu.memory_space<vmem>> -> memref<128xf32, #tpu.memory_space<vmem>>
      %dma_start3A_446 = arith.constant 0 : i32
      %dma_start3A_447 = tpu.memref_slice %arg14[%dma_start3A_442, %dma_start3A_446] : memref<8x128xi32, #tpu.memory_space<vmem>> -> memref<1x128xi32, #tpu.memory_space<vmem>>
      %dma_start3A_448 = tpu.memref_squeeze %dma_start3A_447 : memref<1x128xi32, #tpu.memory_space<vmem>> -> memref<128xi32, #tpu.memory_space<vmem>>
      %dma_start3A_449 = arith.constant 0 : i32
      %dma_start3A_450 = tpu.memref_slice %arg9[%dma_start3A_449] : memref<16777216xf32, #tpu.memory_space<hbm>> -> memref<16777216xf32, #tpu.memory_space<hbm>>
      tpu.enqueue_indirect_dma source(%dma_start3A_445 : memref<128xf32, #tpu.memory_space<vmem>>) target(%dma_start3A_450 : memref<16777216xf32, #tpu.memory_space<hbm>>) offsets(%dma_start3A_448 : memref<128xi32, #tpu.memory_space<vmem>>) semaphore(%arg20 : memref<!tpu.dma_semaphore, #tpu.memory_space<semaphore_mem>>)
      %dma_start3A_451 = arith.constant 6 : i32
      %dma_start3A_452 = arith.constant 6 : i32
      %dma_start3A_453 = arith.constant 0 : i32
      %dma_start3A_454 = tpu.memref_slice %arg15[%dma_start3A_451, %dma_start3A_453] : memref<8x128xf32, #tpu.memory_space<vmem>> -> memref<1x128xf32, #tpu.memory_space<vmem>>
      %dma_start3A_455 = tpu.memref_squeeze %dma_start3A_454 : memref<1x128xf32, #tpu.memory_space<vmem>> -> memref<128xf32, #tpu.memory_space<vmem>>
      %dma_start3A_456 = arith.constant 0 : i32
      %dma_start3A_457 = tpu.memref_slice %arg14[%dma_start3A_452, %dma_start3A_456] : memref<8x128xi32, #tpu.memory_space<vmem>> -> memref<1x128xi32, #tpu.memory_space<vmem>>
      %dma_start3A_458 = tpu.memref_squeeze %dma_start3A_457 : memref<1x128xi32, #tpu.memory_space<vmem>> -> memref<128xi32, #tpu.memory_space<vmem>>
      %dma_start3A_459 = arith.constant 0 : i32
      %dma_start3A_460 = tpu.memref_slice %arg9[%dma_start3A_459] : memref<16777216xf32, #tpu.memory_space<hbm>> -> memref<16777216xf32, #tpu.memory_space<hbm>>
      tpu.enqueue_indirect_dma source(%dma_start3A_455 : memref<128xf32, #tpu.memory_space<vmem>>) target(%dma_start3A_460 : memref<16777216xf32, #tpu.memory_space<hbm>>) offsets(%dma_start3A_458 : memref<128xi32, #tpu.memory_space<vmem>>) semaphore(%arg20 : memref<!tpu.dma_semaphore, #tpu.memory_space<semaphore_mem>>)
      %dma_start3A_461 = arith.constant 7 : i32
      %dma_start3A_462 = arith.constant 7 : i32
      %dma_start3A_463 = arith.constant 0 : i32
      %dma_start3A_464 = tpu.memref_slice %arg15[%dma_start3A_461, %dma_start3A_463] : memref<8x128xf32, #tpu.memory_space<vmem>> -> memref<1x128xf32, #tpu.memory_space<vmem>>
      %dma_start3A_465 = tpu.memref_squeeze %dma_start3A_464 : memref<1x128xf32, #tpu.memory_space<vmem>> -> memref<128xf32, #tpu.memory_space<vmem>>
      %dma_start3A_466 = arith.constant 0 : i32
      %dma_start3A_467 = tpu.memref_slice %arg14[%dma_start3A_462, %dma_start3A_466] : memref<8x128xi32, #tpu.memory_space<vmem>> -> memref<1x128xi32, #tpu.memory_space<vmem>>
      %dma_start3A_468 = tpu.memref_squeeze %dma_start3A_467 : memref<1x128xi32, #tpu.memory_space<vmem>> -> memref<128xi32, #tpu.memory_space<vmem>>
      %dma_start3A_469 = arith.constant 0 : i32
      %dma_start3A_470 = tpu.memref_slice %arg9[%dma_start3A_469] : memref<16777216xf32, #tpu.memory_space<hbm>> -> memref<16777216xf32, #tpu.memory_space<hbm>>
      tpu.enqueue_indirect_dma source(%dma_start3A_465 : memref<128xf32, #tpu.memory_space<vmem>>) target(%dma_start3A_470 : memref<16777216xf32, #tpu.memory_space<hbm>>) offsets(%dma_start3A_468 : memref<128xi32, #tpu.memory_space<vmem>>) semaphore(%arg20 : memref<!tpu.dma_semaphore, #tpu.memory_space<semaphore_mem>>)
      %dma_wait3A_471 = arith.constant 0 : i32
      %dma_wait3A_472 = arith.constant 0 : i32
      %dma_wait3A_473 = arith.constant 0 : i32
      %dma_wait3A_474 = tpu.memref_slice %arg15[%dma_wait3A_471, %dma_wait3A_473] : memref<8x128xf32, #tpu.memory_space<vmem>> -> memref<1x128xf32, #tpu.memory_space<vmem>>
      %dma_wait3A_475 = tpu.memref_squeeze %dma_wait3A_474 : memref<1x128xf32, #tpu.memory_space<vmem>> -> memref<128xf32, #tpu.memory_space<vmem>>
      %dma_wait3A_476 = arith.constant 0 : i32
      %dma_wait3A_477 = tpu.memref_slice %arg14[%dma_wait3A_472, %dma_wait3A_476] : memref<8x128xi32, #tpu.memory_space<vmem>> -> memref<1x128xi32, #tpu.memory_space<vmem>>
      %dma_wait3A_478 = tpu.memref_squeeze %dma_wait3A_477 : memref<1x128xi32, #tpu.memory_space<vmem>> -> memref<128xi32, #tpu.memory_space<vmem>>
      %dma_wait3A_479 = arith.constant 0 : i32
      %dma_wait3A_480 = tpu.memref_slice %arg9[%dma_wait3A_479] : memref<16777216xf32, #tpu.memory_space<hbm>> -> memref<16777216xf32, #tpu.memory_space<hbm>>
      tpu.wait_indirect_dma semaphore(%arg20 : memref<!tpu.dma_semaphore, #tpu.memory_space<semaphore_mem>>) src(%dma_wait3A_475 : memref<128xf32, #tpu.memory_space<vmem>>) dst(%dma_wait3A_480 : memref<16777216xf32, #tpu.memory_space<hbm>>)
      %dma_wait3A_481 = arith.constant 1 : i32
      %dma_wait3A_482 = arith.constant 1 : i32
      %dma_wait3A_483 = arith.constant 0 : i32
      %dma_wait3A_484 = tpu.memref_slice %arg15[%dma_wait3A_481, %dma_wait3A_483] : memref<8x128xf32, #tpu.memory_space<vmem>> -> memref<1x128xf32, #tpu.memory_space<vmem>>
      %dma_wait3A_485 = tpu.memref_squeeze %dma_wait3A_484 : memref<1x128xf32, #tpu.memory_space<vmem>> -> memref<128xf32, #tpu.memory_space<vmem>>
      %dma_wait3A_486 = arith.constant 0 : i32
      %dma_wait3A_487 = tpu.memref_slice %arg14[%dma_wait3A_482, %dma_wait3A_486] : memref<8x128xi32, #tpu.memory_space<vmem>> -> memref<1x128xi32, #tpu.memory_space<vmem>>
      %dma_wait3A_488 = tpu.memref_squeeze %dma_wait3A_487 : memref<1x128xi32, #tpu.memory_space<vmem>> -> memref<128xi32, #tpu.memory_space<vmem>>
      %dma_wait3A_489 = arith.constant 0 : i32
      %dma_wait3A_490 = tpu.memref_slice %arg9[%dma_wait3A_489] : memref<16777216xf32, #tpu.memory_space<hbm>> -> memref<16777216xf32, #tpu.memory_space<hbm>>
      tpu.wait_indirect_dma semaphore(%arg20 : memref<!tpu.dma_semaphore, #tpu.memory_space<semaphore_mem>>) src(%dma_wait3A_485 : memref<128xf32, #tpu.memory_space<vmem>>) dst(%dma_wait3A_490 : memref<16777216xf32, #tpu.memory_space<hbm>>)
      %dma_wait3A_491 = arith.constant 2 : i32
      %dma_wait3A_492 = arith.constant 2 : i32
      %dma_wait3A_493 = arith.constant 0 : i32
      %dma_wait3A_494 = tpu.memref_slice %arg15[%dma_wait3A_491, %dma_wait3A_493] : memref<8x128xf32, #tpu.memory_space<vmem>> -> memref<1x128xf32, #tpu.memory_space<vmem>>
      %dma_wait3A_495 = tpu.memref_squeeze %dma_wait3A_494 : memref<1x128xf32, #tpu.memory_space<vmem>> -> memref<128xf32, #tpu.memory_space<vmem>>
      %dma_wait3A_496 = arith.constant 0 : i32
      %dma_wait3A_497 = tpu.memref_slice %arg14[%dma_wait3A_492, %dma_wait3A_496] : memref<8x128xi32, #tpu.memory_space<vmem>> -> memref<1x128xi32, #tpu.memory_space<vmem>>
      %dma_wait3A_498 = tpu.memref_squeeze %dma_wait3A_497 : memref<1x128xi32, #tpu.memory_space<vmem>> -> memref<128xi32, #tpu.memory_space<vmem>>
      %dma_wait3A_499 = arith.constant 0 : i32
      %dma_wait3A_500 = tpu.memref_slice %arg9[%dma_wait3A_499] : memref<16777216xf32, #tpu.memory_space<hbm>> -> memref<16777216xf32, #tpu.memory_space<hbm>>
      tpu.wait_indirect_dma semaphore(%arg20 : memref<!tpu.dma_semaphore, #tpu.memory_space<semaphore_mem>>) src(%dma_wait3A_495 : memref<128xf32, #tpu.memory_space<vmem>>) dst(%dma_wait3A_500 : memref<16777216xf32, #tpu.memory_space<hbm>>)
      %dma_wait3A_501 = arith.constant 3 : i32
      %dma_wait3A_502 = arith.constant 3 : i32
      %dma_wait3A_503 = arith.constant 0 : i32
      %dma_wait3A_504 = tpu.memref_slice %arg15[%dma_wait3A_501, %dma_wait3A_503] : memref<8x128xf32, #tpu.memory_space<vmem>> -> memref<1x128xf32, #tpu.memory_space<vmem>>
      %dma_wait3A_505 = tpu.memref_squeeze %dma_wait3A_504 : memref<1x128xf32, #tpu.memory_space<vmem>> -> memref<128xf32, #tpu.memory_space<vmem>>
      %dma_wait3A_506 = arith.constant 0 : i32
      %dma_wait3A_507 = tpu.memref_slice %arg14[%dma_wait3A_502, %dma_wait3A_506] : memref<8x128xi32, #tpu.memory_space<vmem>> -> memref<1x128xi32, #tpu.memory_space<vmem>>
      %dma_wait3A_508 = tpu.memref_squeeze %dma_wait3A_507 : memref<1x128xi32, #tpu.memory_space<vmem>> -> memref<128xi32, #tpu.memory_space<vmem>>
      %dma_wait3A_509 = arith.constant 0 : i32
      %dma_wait3A_510 = tpu.memref_slice %arg9[%dma_wait3A_509] : memref<16777216xf32, #tpu.memory_space<hbm>> -> memref<16777216xf32, #tpu.memory_space<hbm>>
      tpu.wait_indirect_dma semaphore(%arg20 : memref<!tpu.dma_semaphore, #tpu.memory_space<semaphore_mem>>) src(%dma_wait3A_505 : memref<128xf32, #tpu.memory_space<vmem>>) dst(%dma_wait3A_510 : memref<16777216xf32, #tpu.memory_space<hbm>>)
      %dma_wait3A_511 = arith.constant 4 : i32
      %dma_wait3A_512 = arith.constant 4 : i32
      %dma_wait3A_513 = arith.constant 0 : i32
      %dma_wait3A_514 = tpu.memref_slice %arg15[%dma_wait3A_511, %dma_wait3A_513] : memref<8x128xf32, #tpu.memory_space<vmem>> -> memref<1x128xf32, #tpu.memory_space<vmem>>
      %dma_wait3A_515 = tpu.memref_squeeze %dma_wait3A_514 : memref<1x128xf32, #tpu.memory_space<vmem>> -> memref<128xf32, #tpu.memory_space<vmem>>
      %dma_wait3A_516 = arith.constant 0 : i32
      %dma_wait3A_517 = tpu.memref_slice %arg14[%dma_wait3A_512, %dma_wait3A_516] : memref<8x128xi32, #tpu.memory_space<vmem>> -> memref<1x128xi32, #tpu.memory_space<vmem>>
      %dma_wait3A_518 = tpu.memref_squeeze %dma_wait3A_517 : memref<1x128xi32, #tpu.memory_space<vmem>> -> memref<128xi32, #tpu.memory_space<vmem>>
      %dma_wait3A_519 = arith.constant 0 : i32
      %dma_wait3A_520 = tpu.memref_slice %arg9[%dma_wait3A_519] : memref<16777216xf32, #tpu.memory_space<hbm>> -> memref<16777216xf32, #tpu.memory_space<hbm>>
      tpu.wait_indirect_dma semaphore(%arg20 : memref<!tpu.dma_semaphore, #tpu.memory_space<semaphore_mem>>) src(%dma_wait3A_515 : memref<128xf32, #tpu.memory_space<vmem>>) dst(%dma_wait3A_520 : memref<16777216xf32, #tpu.memory_space<hbm>>)
      %dma_wait3A_521 = arith.constant 5 : i32
      %dma_wait3A_522 = arith.constant 5 : i32
      %dma_wait3A_523 = arith.constant 0 : i32
      %dma_wait3A_524 = tpu.memref_slice %arg15[%dma_wait3A_521, %dma_wait3A_523] : memref<8x128xf32, #tpu.memory_space<vmem>> -> memref<1x128xf32, #tpu.memory_space<vmem>>
      %dma_wait3A_525 = tpu.memref_squeeze %dma_wait3A_524 : memref<1x128xf32, #tpu.memory_space<vmem>> -> memref<128xf32, #tpu.memory_space<vmem>>
      %dma_wait3A_526 = arith.constant 0 : i32
      %dma_wait3A_527 = tpu.memref_slice %arg14[%dma_wait3A_522, %dma_wait3A_526] : memref<8x128xi32, #tpu.memory_space<vmem>> -> memref<1x128xi32, #tpu.memory_space<vmem>>
      %dma_wait3A_528 = tpu.memref_squeeze %dma_wait3A_527 : memref<1x128xi32, #tpu.memory_space<vmem>> -> memref<128xi32, #tpu.memory_space<vmem>>
      %dma_wait3A_529 = arith.constant 0 : i32
      %dma_wait3A_530 = tpu.memref_slice %arg9[%dma_wait3A_529] : memref<16777216xf32, #tpu.memory_space<hbm>> -> memref<16777216xf32, #tpu.memory_space<hbm>>
      tpu.wait_indirect_dma semaphore(%arg20 : memref<!tpu.dma_semaphore, #tpu.memory_space<semaphore_mem>>) src(%dma_wait3A_525 : memref<128xf32, #tpu.memory_space<vmem>>) dst(%dma_wait3A_530 : memref<16777216xf32, #tpu.memory_space<hbm>>)
      %dma_wait3A_531 = arith.constant 6 : i32
      %dma_wait3A_532 = arith.constant 6 : i32
      %dma_wait3A_533 = arith.constant 0 : i32
      %dma_wait3A_534 = tpu.memref_slice %arg15[%dma_wait3A_531, %dma_wait3A_533] : memref<8x128xf32, #tpu.memory_space<vmem>> -> memref<1x128xf32, #tpu.memory_space<vmem>>
      %dma_wait3A_535 = tpu.memref_squeeze %dma_wait3A_534 : memref<1x128xf32, #tpu.memory_space<vmem>> -> memref<128xf32, #tpu.memory_space<vmem>>
      %dma_wait3A_536 = arith.constant 0 : i32
      %dma_wait3A_537 = tpu.memref_slice %arg14[%dma_wait3A_532, %dma_wait3A_536] : memref<8x128xi32, #tpu.memory_space<vmem>> -> memref<1x128xi32, #tpu.memory_space<vmem>>
      %dma_wait3A_538 = tpu.memref_squeeze %dma_wait3A_537 : memref<1x128xi32, #tpu.memory_space<vmem>> -> memref<128xi32, #tpu.memory_space<vmem>>
      %dma_wait3A_539 = arith.constant 0 : i32
      %dma_wait3A_540 = tpu.memref_slice %arg9[%dma_wait3A_539] : memref<16777216xf32, #tpu.memory_space<hbm>> -> memref<16777216xf32, #tpu.memory_space<hbm>>
      tpu.wait_indirect_dma semaphore(%arg20 : memref<!tpu.dma_semaphore, #tpu.memory_space<semaphore_mem>>) src(%dma_wait3A_535 : memref<128xf32, #tpu.memory_space<vmem>>) dst(%dma_wait3A_540 : memref<16777216xf32, #tpu.memory_space<hbm>>)
      %dma_wait3A_541 = arith.constant 7 : i32
      %dma_wait3A_542 = arith.constant 7 : i32
      %dma_wait3A_543 = arith.constant 0 : i32
      %dma_wait3A_544 = tpu.memref_slice %arg15[%dma_wait3A_541, %dma_wait3A_543] : memref<8x128xf32, #tpu.memory_space<vmem>> -> memref<1x128xf32, #tpu.memory_space<vmem>>
      %dma_wait3A_545 = tpu.memref_squeeze %dma_wait3A_544 : memref<1x128xf32, #tpu.memory_space<vmem>> -> memref<128xf32, #tpu.memory_space<vmem>>
      %dma_wait3A_546 = arith.constant 0 : i32
      %dma_wait3A_547 = tpu.memref_slice %arg14[%dma_wait3A_542, %dma_wait3A_546] : memref<8x128xi32, #tpu.memory_space<vmem>> -> memref<1x128xi32, #tpu.memory_space<vmem>>
      %dma_wait3A_548 = tpu.memref_squeeze %dma_wait3A_547 : memref<1x128xi32, #tpu.memory_space<vmem>> -> memref<128xi32, #tpu.memory_space<vmem>>
      %dma_wait3A_549 = arith.constant 0 : i32
      %dma_wait3A_550 = tpu.memref_slice %arg9[%dma_wait3A_549] : memref<16777216xf32, #tpu.memory_space<hbm>> -> memref<16777216xf32, #tpu.memory_space<hbm>>
      tpu.wait_indirect_dma semaphore(%arg20 : memref<!tpu.dma_semaphore, #tpu.memory_space<semaphore_mem>>) src(%dma_wait3A_545 : memref<128xf32, #tpu.memory_space<vmem>>) dst(%dma_wait3A_550 : memref<16777216xf32, #tpu.memory_space<hbm>>)
    } else {
    }
    return
  }
}

module attributes {stable_mosaic.version = 14 : i64} {
  func.func @_emb_body(%arg0: memref<4096x3xf32, #tpu.memory_space<vmem>>, %arg1: memref<4096x128xf32, #tpu.memory_space<vmem>>) attributes {dimension_semantics = [], scalar_prefetch = 0 : i64, scratch_operands = 0 : i64, tpu.core_type = #tpu.core_type<tc>} {
    %get3A = arith.constant 0 : index
    %get3A_0 = arith.constant 0 : index
    %get3A_1 = vector.load %arg0[%get3A, %get3A_0] : memref<4096x3xf32, #tpu.memory_space<vmem>>, vector<4096x1xf32>
    %get3A_2 = arith.constant 0 : index
    %get3A_3 = arith.constant 1 : index
    %get3A_4 = vector.load %arg0[%get3A_2, %get3A_3] : memref<4096x3xf32, #tpu.memory_space<vmem>>, vector<4096x1xf32>
    %get3A_5 = arith.constant 0 : index
    %get3A_6 = arith.constant 2 : index
    %get3A_7 = vector.load %arg0[%get3A_5, %get3A_6] : memref<4096x3xf32, #tpu.memory_space<vmem>>, vector<4096x1xf32>
    %iota3A = tpu.iota {dimensions = array<i32: 1>} : vector<4096x128xi32>
    %jit3A = arith.constant 21 : i32
    %div3A = vector.broadcast %jit3A : i32 to vector<4096x128xi32>
    %div3A_8 = arith.divsi %iota3A, %div3A : vector<4096x128xi32>
    %sign3A = arith.constant 0 : i32
    %sign3A_9 = vector.broadcast %sign3A : i32 to vector<4096x128xi32>
    %sign3A_10 = arith.cmpi sgt, %iota3A, %sign3A_9 : vector<4096x128xi32>
    %sign3A_11 = arith.extui %sign3A_10 : vector<4096x128xi1> to vector<4096x128xi32>
    %sign3A_12 = arith.constant 0 : i32
    %sign3A_13 = vector.broadcast %sign3A_12 : i32 to vector<4096x128xi32>
    %sign3A_14 = arith.cmpi slt, %iota3A, %sign3A_13 : vector<4096x128xi32>
    %sign3A_15 = arith.extui %sign3A_14 : vector<4096x128xi1> to vector<4096x128xi32>
    %sign3A_16 = arith.subi %sign3A_11, %sign3A_15 : vector<4096x128xi32>
    %sign3A_17 = arith.constant 0 : i32
    %sign3A_18 = arith.cmpi sgt, %jit3A, %sign3A_17 : i32
    %sign3A_19 = arith.extui %sign3A_18 : i1 to i32
    %sign3A_20 = arith.constant 0 : i32
    %sign3A_21 = arith.cmpi slt, %jit3A, %sign3A_20 : i32
    %sign3A_22 = arith.extui %sign3A_21 : i1 to i32
    %sign3A_23 = arith.subi %sign3A_19, %sign3A_22 : i32
    %ne3A = vector.broadcast %sign3A_23 : i32 to vector<4096x128xi32>
    %ne3A_24 = arith.cmpi ne, %sign3A_16, %ne3A : vector<4096x128xi32>
    %rem3A = vector.broadcast %jit3A : i32 to vector<4096x128xi32>
    %rem3A_25 = arith.remsi %iota3A, %rem3A : vector<4096x128xi32>
    %ne3A_26 = arith.constant 0 : i32
    %ne3A_27 = vector.broadcast %ne3A_26 : i32 to vector<4096x128xi32>
    %ne3A_28 = arith.cmpi ne, %rem3A_25, %ne3A_27 : vector<4096x128xi32>
    %and3A = arith.andi %ne3A_24, %ne3A_28 : vector<4096x128xi1>
    %sub3A = arith.constant 1 : i32
    %sub3A_29 = vector.broadcast %sub3A : i32 to vector<4096x128xi32>
    %sub3A_30 = arith.subi %div3A_8, %sub3A_29 : vector<4096x128xi32>
    %select_n3A = arith.select %and3A, %sub3A_30, %div3A_8 : vector<4096x128xi1>, vector<4096x128xi32>
    %mul3A = arith.constant 21 : i32
    %mul3A_31 = vector.broadcast %mul3A : i32 to vector<4096x128xi32>
    %mul3A_32 = arith.muli %select_n3A, %mul3A_31 : vector<4096x128xi32>
    %sub3A_33 = arith.subi %iota3A, %mul3A_32 : vector<4096x128xi32>
    %convert_element_type3A = arith.sitofp %sub3A_33 : vector<4096x128xi32> to vector<4096x128xf32>
    %mul3A_34 = arith.constant -0.460517019 : f32
    %mul3A_35 = vector.broadcast %mul3A_34 : f32 to vector<4096x128xf32>
    %mul3A_36 = arith.mulf %convert_element_type3A, %mul3A_35 : vector<4096x128xf32>
    %exp3A = math.exp %mul3A_36 : vector<4096x128xf32>
    %lt3A = arith.constant 2 : i32
    %lt3A_37 = vector.broadcast %lt3A : i32 to vector<4096x128xi32>
    %lt3A_38 = arith.cmpi slt, %select_n3A, %lt3A_37 : vector<4096x128xi32>
    %lt3A_39 = arith.constant 4 : i32
    %lt3A_40 = vector.broadcast %lt3A_39 : i32 to vector<4096x128xi32>
    %lt3A_41 = arith.cmpi slt, %select_n3A, %lt3A_40 : vector<4096x128xi32>
    %broadcast_in_dim3A = vector.shape_cast %get3A_4 : vector<4096x1xf32> to vector<4096x1xf32>
    %broadcast_in_dim3A_42 = vector.broadcast %broadcast_in_dim3A : vector<4096x1xf32> to vector<4096x128xf32>
    %broadcast_in_dim3A_43 = vector.shape_cast %get3A_7 : vector<4096x1xf32> to vector<4096x1xf32>
    %broadcast_in_dim3A_44 = vector.broadcast %broadcast_in_dim3A_43 : vector<4096x1xf32> to vector<4096x128xf32>
    %select_n3A_45 = arith.select %lt3A_41, %broadcast_in_dim3A_42, %broadcast_in_dim3A_44 : vector<4096x128xi1>, vector<4096x128xf32>
    %broadcast_in_dim3A_46 = vector.shape_cast %get3A_1 : vector<4096x1xf32> to vector<4096x1xf32>
    %broadcast_in_dim3A_47 = vector.broadcast %broadcast_in_dim3A_46 : vector<4096x1xf32> to vector<4096x128xf32>
    %select_n3A_48 = arith.select %lt3A_38, %broadcast_in_dim3A_47, %select_n3A_45 : vector<4096x128xi1>, vector<4096x128xf32>
    %mul3A_49 = arith.mulf %select_n3A_48, %exp3A : vector<4096x128xf32>
    %jit3A_50 = arith.constant 2 : i32
    %eq3A = arith.constant 0 : i32
    %eq3A_51 = arith.cmpi eq, %jit3A_50, %eq3A : i32
    %jit3A_52 = arith.constant 1 : i32
    %select_n3A_53 = arith.select %eq3A_51, %jit3A_52, %jit3A_50 : i32
    %rem3A_54 = vector.broadcast %select_n3A_53 : i32 to vector<4096x128xi32>
    %rem3A_55 = arith.remsi %select_n3A, %rem3A_54 : vector<4096x128xi32>
    %ne3A_56 = arith.constant 0 : i32
    %ne3A_57 = vector.broadcast %ne3A_56 : i32 to vector<4096x128xi32>
    %ne3A_58 = arith.cmpi ne, %rem3A_55, %ne3A_57 : vector<4096x128xi32>
    %lt3A_59 = arith.constant 0 : i32
    %lt3A_60 = vector.broadcast %lt3A_59 : i32 to vector<4096x128xi32>
    %lt3A_61 = arith.cmpi slt, %rem3A_55, %lt3A_60 : vector<4096x128xi32>
    %lt3A_62 = arith.constant 0 : i32
    %lt3A_63 = arith.cmpi slt, %select_n3A_53, %lt3A_62 : i32
    %ne3A_64 = vector.broadcast %lt3A_63 : i1 to vector<4096x128xi1>
    %ne3A_65 = vector.broadcast %ne3A_64 : vector<4096x128xi1> to vector<4096x128xi1>
    %ne3A_66 = arith.xori %lt3A_61, %ne3A_65 : vector<4096x128xi1>
    %and3A_67 = arith.andi %ne3A_66, %ne3A_58 : vector<4096x128xi1>
    %add3A = vector.broadcast %select_n3A_53 : i32 to vector<4096x128xi32>
    %add3A_68 = arith.addi %rem3A_55, %add3A : vector<4096x128xi32>
    %select_n3A_69 = arith.select %and3A_67, %add3A_68, %rem3A_55 : vector<4096x128xi1>, vector<4096x128xi32>
    %eq3A_70 = arith.constant 0 : i32
    %eq3A_71 = vector.broadcast %eq3A_70 : i32 to vector<4096x128xi32>
    %eq3A_72 = arith.cmpi eq, %select_n3A_69, %eq3A_71 : vector<4096x128xi32>
    %sin3A = math.sin %mul3A_49 : vector<4096x128xf32>
    %cos3A = math.cos %mul3A_49 : vector<4096x128xf32>
    %select_n3A_73 = arith.select %eq3A_72, %sin3A, %cos3A : vector<4096x128xi1>, vector<4096x128xf32>
    %lt3A_74 = arith.constant 126 : i32
    %lt3A_75 = vector.broadcast %lt3A_74 : i32 to vector<4096x128xi32>
    %lt3A_76 = arith.cmpi slt, %iota3A, %lt3A_75 : vector<4096x128xi32>
    %jit3A_77 = arith.constant 0.000000e+00 : f32
    %broadcast_in_dim3A_78 = vector.broadcast %jit3A_77 : f32 to vector<4096x128xf32>
    %select_n3A_79 = arith.select %lt3A_76, %select_n3A_73, %broadcast_in_dim3A_78 : vector<4096x128xi1>, vector<4096x128xf32>
    %swap3A = arith.constant 0 : index
    %swap3A_80 = arith.constant 0 : index
    %swap3A_81 = vector.load %arg1[%swap3A, %swap3A_80] : memref<4096x128xf32, #tpu.memory_space<vmem>>, vector<4096x128xf32>
    tpu.vector_store %arg1[%swap3A, %swap3A_80], %select_n3A_79 {strides = array<i32>} : memref<4096x128xf32, #tpu.memory_space<vmem>>, vector<4096x128xf32>,
    return
  }
}

</mosaic_0001>

<sc_bundles>
// kernel: gather_offload_async_start
scs
__scs_entry_jumppad:
0x0: {  	(pc) =	sbr.rel $0x88, $3  }
0x1: {  	(tag) =	ssettag $0x0;
	lr =	simm.s32 $0x1  }
0x2: {  	[smem:$0x3F9A] =	sst lr;
	_ =	strace $0xD0000000  }
0x3: {  	_ = 	snop  }
0x4: {  	_ = 	snop  }
0x5: {  	_ = 	snop  }
0x6: {  	_ = 	snop  }
0x7: {  	_ = 	snop  }
__scs_overlays_trampoline_lowered:
0x8: {  	[smem:$0x3FA9] =	sst s0  }
0x9: {  	[smem:$0x3FAA] =	sst s1  }
0xa: {  	[smem:$0x3FAB] =	sst s2  }
0xb: {  	[smem:$0x3FAC] =	sst s3  }
0xc: {  	[smem:$0x3FAD] =	sst s4  }
0xd: {  	[smem:$0x3FAE] =	sst s5  }
0xe: {  	[smem:$0x3FAF] =	sst s6  }
0xf: {  	[smem:$0x3FB0] =	sst s7  }
0x10: {  	[smem:$0x3FB1] =	sst s8  }
0x11: {  	[smem:$0x3FB2] =	sst s9;
	s0 =	simm.s32 @!p0 $0x0  }
0x12: {  	s1 =	sld [smem:$0x3F98];
	s0 =	simm.s32 @p0 $0x1  }
0x13: {  	[smem:$0x3FB3] =	sst s0;
	s0 =	simm.s32 @!p1 $0x0  }
0x14: {  	s2 =	sld [smem:$0x3F97];
	s0 =	simm.s32 @p1 $0x1  }
0x15: {  	[smem:$0x3FB4] =	sst s0;
	s0 =	simm.s32 @!p2 $0x0  }
0x16: {  	s3 =	sld [smem:$0x3FDB];
	s0 =	simm.s32 @p2 $0x1  }
0x17: {  	s4 =	simm.s32 $0x1BF5;
	[smem:$0x3FB6] =	sst s0  }
0x18: {  	s0 =	sld [smem:$0x3F99];
	_ =	swait.ge [sflag:s4], $0x0  }
0x19: {  	s7 =	sld [smem:$0x3F9A]  }
0x1a: {  	s8 =	sadd.s32 $0xFFFFE003, lr  }
0x1b: {  	s9 =	sadd.s32 $0xFFFFFEF7, lr;
	s5 =	simm.s32 $0xFFFFFFFF;
	p2 =	slt.u32 s8, $0xFFFFF086  }
0x1c: {  	p1 =	slt.u32 s9, $0xF7A;
	s5 =	simm.s32 @!p2 $0x0  }
0x1d: {  	s5 =	simm.s32 @p1 $0x1;
	p0 =	seq.s32 s7, s2  }
0x1e: {  	s7 =	smul.u32 @!p0 $0xF7A, s2;
	p2 =	seq.s32 @!p0 s5, $0x0  }
0x1f: {  	s9 =	smul.u32 $0xF7A, s1;
	s8 =	simm.s32 @!p0 $0x1BF5;
	p2 =	por !p2, p0  }
0x20: {  	[sflag:s8] =	ssyncset.s32 @!p0 $0xFFFFF086;
	s6 =	sadd.s32 @!p0 s3, s7;
	s7 =	simm.s32 @!p0 $0x108  }
0x21: {  	s3 =	sadd.s32 s3, s9;
	s6 =	sadd.s32 @!p0 $0x88, s6;
	s7 =	simm.s32 @p2 $0x1082  }
0x22: {  	[simem:s7], [sflag:s8] =	dma.local @!p0 [hbm:s6], $0xF7A  }
0x23: {  	s9 =	sor.u32 $0xD0000000, s2;
	s6 =	simm.s32 $0x108;
	_ =	swait.ge @!p0 [sflag:s8], $0x0  }
0x24: {  	s3 =	sadd.s32 $0x88, s3;
	s6 =	simm.s32 @!p1 $0x1082;
	[sflag:s4] =	ssyncset.s32 $0xFFFFF086  }
0x25: {  	[simem:s6], [sflag:s4] =	dma.local [hbm:s3], $0xF7A  }
0x26: {  	[smem:$0x3F9A] =	sst s1;
	(tag) =	ssettag s2;
	_ =	strace s9  }
0x27: {  	s1 =	sld [smem:$0x3FAA]  }
0x28: {  	s2 =	sld [smem:$0x3FAB]  }
0x29: {  	s4 =	sld [smem:$0x3FAD]  }
0x2a: {  	p0 =	seq.s32 s5, $0x0;
	s5 =	sld [smem:$0x3FAE]  }
0x2b: {  	s6 =	sld [smem:$0x3FAF]  }
0x2c: {  	s7 =	sld [smem:$0x3FB0]  }
0x2d: {  	s3 =	simm.s32 $0x108;
	s8 =	sld [smem:$0x3FB1]  }
0x2e: {  	s3 =	simm.s32 @!p0 $0x1082;
	s9 =	sld [smem:$0x3FB2]  }
0x2f: {  	lr =	sadd.s32 s0, s3;
	s0 =	sld [smem:$0x3FA9]  }
0x30: {  	s3 =	sld [smem:$0x3FAC]  }
0x31: {  	[smem:$0x3FB5] =	sst s10  }
0x32: {  	s10 =	sld [smem:$0x3FB3];
	_ =	sdelay $0x3  }
0x33: {  	p0 =	seq.s32 s10, $0x1;
	s10 =	sld [smem:$0x3FB5];
	_ =	sdelay $0x3  }
0x34: {  	[smem:$0x3FB5] =	sst s10  }
0x35: {  	s10 =	sld [smem:$0x3FB4];
	_ =	sdelay $0x3  }
0x36: {  	p1 =	seq.s32 s10, $0x1;
	s10 =	sld [smem:$0x3FB5];
	_ =	sdelay $0x3  }
0x37: {  	[smem:$0x3FB5] =	sst s10  }
0x38: {  	s10 =	sld [smem:$0x3FB6]  }
0x39: {  	_ = 	snop;
	(pc) =	sbr.ind lr, $3  }
0x3a: {  	_ = 	snop  }
0x3b: {  	_ = 	snop  }
0x3c: {  	p2 =	seq.s32 s10, $0x1;
	s10 =	sld [smem:$0x3FB5]  }
0x3d: {  	_ =	shalt  }
0x3e: {  	_ =	shalt  }
0x3f: {  	_ =	shalt  }
0x40: {  	_ =	shalt  }
0x41: {  	_ =	shalt  }
0x42: {  	_ =	shalt  }
0x43: {  	_ =	shalt  }
0x44: {  	_ =	shalt  }
0x45: {  	_ =	shalt  }
0x46: {  	_ =	shalt  }
0x47: {  	_ =	shalt  }
0x48: {  	_ =	shalt  }
0x49: {  	_ =	shalt  }
0x4a: {  	_ =	shalt  }
0x4b: {  	_ =	shalt  }
0x4c: {  	_ =	shalt  }
0x4d: {  	_ =	shalt  }
0x4e: {  	_ =	shalt  }
0x4f: {  	_ =	shalt  }
0x50: {  	_ =	shalt  }
0x51: {  	_ =	shalt  }
0x52: {  	_ =	shalt  }
0x53: {  	_ =	shalt  }
0x54: {  	_ =	shalt  }
0x55: {  	_ =	shalt  }
0x56: {  	_ =	shalt  }
0x57: {  	_ =	shalt  }
0x58: {  	_ =	shalt  }
0x59: {  	_ =	shalt  }
0x5a: {  	_ =	shalt  }
0x5b: {  	_ =	shalt  }
0x5c: {  	_ =	shalt  }
0x5d: {  	_ =	shalt  }
0x5e: {  	_ =	shalt  }
0x5f: {  	_ =	shalt  }
0x60: {  	_ =	shalt  }
0x61: {  	_ =	shalt  }
0x62: {  	_ =	shalt  }
0x63: {  	_ =	shalt  }
0x64: {  	_ =	shalt  }
0x65: {  	_ =	shalt  }
0x66: {  	_ =	shalt  }
0x67: {  	_ =	shalt  }
0x68: {  	_ =	shalt  }
0x69: {  	_ =	shalt  }
0x6a: {  	_ =	shalt  }
0x6b: {  	_ =	shalt  }
0x6c: {  	_ =	shalt  }
0x6d: {  	_ =	shalt  }
0x6e: {  	_ =	shalt  }
0x6f: {  	_ =	shalt  }
0x70: {  	_ =	shalt  }
0x71: {  	_ =	shalt  }
0x72: {  	_ =	shalt  }
0x73: {  	_ =	shalt  }
0x74: {  	_ =	shalt  }
0x75: {  	_ =	shalt  }
0x76: {  	_ =	shalt  }
0x77: {  	_ =	shalt  }
0x78: {  	_ =	shalt  }
0x79: {  	_ =	shalt  }
0x7a: {  	_ =	shalt  }
0x7b: {  	_ =	shalt  }
0x7c: {  	_ =	shalt  }
0x7d: {  	_ =	shalt  }
0x7e: {  	_ =	shalt  }
0x7f: {  	_ =	shalt  }
0x80: {  	_ =	shalt  }
0x81: {  	_ =	shalt  }
0x82: {  	_ =	shalt  }
0x83: {  	_ =	shalt  }
0x84: {  	_ =	shalt  }
0x85: {  	_ =	shalt  }
0x86: {  	_ =	shalt  }
0x87: {  	_ =	shalt  }
.Lfunc_end0:
.L_simem_size_0:
called_computation_lowered:
.L_overlay_start_0:
0x88: {  	s2 =	sld [smem:$0x3FD9]  }
0x89: {  	s3 =	sld [smem:$0x3FFE];
	_ =	sdelay $0x1  }
0x8a: {  	s1 =	srdreg.scid  }
0x8b: {  	s0 =	sand.u32 $0x1, s1  }
0x8c: {  	s14 =	sshll.u32 s0, $0xA;
	s2 =	sadd.s32 s3, s2  }
0x8d: {  	s2 =	sadd.s32 s2, s14  }
0x8e: {  	[smem:$0x3FC1] =	sst s2  }
0x8f: {  	_ = 	snop  }
0x90: {  	s2 =	sld [smem:$0x3FD0];
	_ =	sdelay $0x2  }
0x91: {  	s15 =	simm.s32 $0xA;
	s4 =	simm.s32 $0x10  }
0x92: {  	[smem:s4], [sflag:s15] =	dma.local [hbm:s2], $0x1  }
0x93: {  	_ =	swait.eq [sflag:s15], $0x1  }
0x94: {  	[sflag:s15] =	ssyncset.done $0x0  }
0x95: {  	s16 =	sld [smem:$0x11];
	[sflag:s15] =	ssyncadd.s32 $0xFFFFFFFF  }
0x96: {  	s17 =	sld [smem:$0x12];
	(tm) =	ssettm $0x1  }
0x97: {  	s18 =	sld [smem:$0x3FFB];
	_ =	sdelay $0x3  }
0x98: {  	_ =	strace s18  }
0x99: {  	s4 =	sld [smem:$0x3FFC];
	_ =	sdelay $0x3  }
0x9a: {  	_ =	strace s4  }
0x9b: {  	s4 =	sld [smem:$0x3FFD];
	_ =	sdelay $0x3  }
0x9c: {  	_ =	strace s4  }
0x9d: {  	_ =	strace $0x8FFFFFFF  }
0x9e: {  	s19 =	sld [smem:$0x3FDB];
	_ =	sdelay $0x1  }
0x9f: {  	s5 =	simm.s32 $_scs_section_size  }
0xa0: {  	s6 =	simm.s32 $_size__tile_overlayer_lowered;
	s7 =	simm.s32 $_tile_overlayer_lowered  }
0xa1: {  	s22 =	simm.s32 $0x1BFF;
	s21 =	sshll.u32 s7, $0x1;
	s4 =	sadd.s32 s5, s19  }
0xa2: {  	s8 =	simm.s32 $0x0;
	s20 =	sshll.u32 s6, $0x1;
	s6 =	sadd.s32 s21, s4  }
0xa3: {  	[timem:s8], [sflag:s22] =	dma.local [hbm:s6], s20  }
0xa4: {  	_ =	swait.ge [sflag:s22], s20  }
0xa5: {  	s5 =	ssub.s32 $0x0, s20;
	[sflag:s22] =	ssyncset.done $0x0  }
0xa6: {  	[sflag:s22] =	ssyncadd.s32 s5;
	_ =	sdelay $0x1  }
0xa7: {  	s23 =	simm.s32 $0x1B8B  }
0xa8: {  	_ =	swait.ge [sflag:s23], $0x1  }
0xa9: {  	[sflag:s23] =	ssyncset.done $0x0  }
0xaa: {  	s25 =	simm.s32 $0x1B8E;
	s24 =	sld [smem:$0x3FFE];
	[sflag:s23] =	ssyncadd.s32 $0xFFFFFFFF  }
0xab: {  	s26 =	simm.s32 $execute0_lowered;
	[smem:$0x3FD2] =	sst s25  }
0xac: {  	s6 =	sshll.u32 s26, $0x1;
	_ =	strace $0x80000046;
	[dreg:$0x1] =	wrdreg $0xFFFFFFFF  }
0xad: {  	s28 =	simm.s32 $_size_execute0_lowered;
	s4 =	sadd.s32 s4, s6;
	[dreg:$0x0] =	wrdreg $0x0  }
0xae: {  	s6 =	sshll.u32 s28, $0x1;
	[dreg:$0x2] =	wrdreg s4  }
0xaf: {  	[dreg:$0x3] =	wrdreg s6  }
0xb0: {  	[dreg:$0x4] =	wrdreg $0xC0  }
0xb1: {  	_ =	task [dreg:s8], $0x5FFFF  }
0xb2: {  	[dreg:$0x1] =	wrdreg $0xFFFFFFFF  }
0xb3: {  	[dreg:$0x0] =	wrdreg $0x60  }
0xb4: {  	[dreg:$0x2] =	wrdreg s17  }
0xb5: {  	[dreg:$0x3] =	wrdreg s16  }
0xb6: {  	[dreg:$0x4] =	wrdreg s24  }
0xb7: {  	[dreg:$0x5] =	wrdreg $0x9  }
0xb8: {  	_ =	task.clear_ibuf [dreg:s8], $0x6FFFF;
	_ =	strace $0x90000046  }
0xb9: {  	s29 =	simm.s32 $0x9;
	_ =	strace $0x80000048  }
0xba: {  	_ =	swait.ge [sflag:s29], $0x1  }
0xbb: {  	[sflag:s29] =	ssyncadd.s32 $0xFFFFFFFF  }
0xbc: {  	_ =	strace $0x90000048  }
0xbd: {  	_ =	sfence  }
0xbe: {  	s30 =	sld [smem:$0x0];
	_ =	sdelay $0x2  }
0xbf: {  	s31 =	sshll.u32 s1, $0xD;
	s1 =	sshrl.u32 s1, $0x2  }
0xc0: {  	s3 =	sand.u32 $0x4000, s31;
	s1 =	sadd.s32 s1, s30  }
0xc1: {  	s0 =	sor.u32 s3, s0;
	s1 =	sshll.u32 s1, $0x11  }
0xc2: {  	s0 =	sor.u32 s1, s0  }
0xc3: {  	s0 =	sadd.s32 $0x8F2B, s0  }
0xc4: {  	[sflag:s0] =	ssyncadd.remote.s32 $0x1  }
0xc5: {  	_ =	sfence.sel $0xFFFF  }
0xc6: {  	[dreg:$0x0] =	wrdreg $0xFFFFFFFF;
	(pc) =	sbr.abs _section_cstart, $3  }
0xc7: {  	[dreg:$0x1] =	wrdreg $0xFFFFFFFF  }
0xc8: {  	_ =	task.clear_ibuf [dreg:s8], $0x2FFFF;
	_ =	strace $0x9FFFFFFF  }
0xc9: {  	(tm) =	ssettm $0x7FFFFFFF  }
tec
execute0_lowered:
.L_overlay_start_1:
0x0: {  	(tag) =	ssettag $0x1  }
0x1: {  	s1 =	srdreg.scid;
	s2 =	rddreg [dreg:$0x0]  }
0x2: {  	s0 =	stileid.u32;
	s3 =	rddreg [dreg:$0x1]  }
0x3: {  	s4 =	rddreg [dreg:$0x2];
	s6 =	simm.s32 $0x1;
	s1 =	sshll.u32 s1, $0x8  }
0x4: {  	s9 =	simm.s32 $0x1;
	s5 =	sshll.u32 s0, $0x9;
	s1 =	sand.u32 $0x100, s1  }
0x5: {  	s10 =	simm.s32 $0x3;
	s13 =	simm.s32 $0x0;
	s5 =	sor.u32 s5, s1  }
0x6: {  	s12 =	simm.s32 $0x0;
	s1 =	rddreg [dreg:$0x3];
	s8 =	ssub.s32 $0x4000, s5  }
.Ltmp0:
0x7: {  	_ =	strace $0x80000047;
	s7 =	sand.u32 $0x1F00, s8;
	(pc) =	sbr.rel .LBB2_1-.Ltmp0, $4  }
0x8: {  	[sflag:s6] =	ssyncpa.u1 $0x0;
	s11 =	smov.u32 s5;
	p0 =	sne.s32 s7, $0x0  }
0x9: {  	s8 =	sshrl.u32 s8, $0xD;
	s7 =	simm.s32 $0x2;
	s9 =	simm.s32 @!p0 $0x0  }
0xa: {  	[sflag:s7] =	ssyncpa.u1 $0x0;
	p0 =	por $0x0, $0x0;
	s8 =	sadd.s32 s9, s8  }
0xb: {  	vm0 =	vmmov $0xffff;
	[sflag:s10] =	ssyncpa.u1 $0x0;
	s10 =	simm.s32 $0x0;
	s9 =	sadd.s32 $0x1, s8  }
.LBB2_4:
0xc: {  	v2 =	vnsel vm1, $0x0, v2  }
0xd: {  	vm1 =	vgt.s32 v0, $0x0;
	v2 =	vmin.u32 v2, $0x3FFF  }
0xe: {  	v0 =	vnsel vm1, $0x0, v0  }
0xf: {  	v0 =	vmin.u32 v0, $0x3FFF  }
0x10: {  	[tilespmem:s15], [sflag:$0x1] =	stream.indirect_vreg.gather [hbm4b:s2+s10], $0x1, v1, vm0, $0x4038;
	[tilespmem:$0x400] =	vst v63  }
0x11: {  	(ifvalue) =	ssetifvalue $0x7FFFFFFF  }
0x12: {  	[tilespmem:s16], [sflag:$0x1] =	stream.indirect_vreg.gather [hbm4b:s2+s10], $0x1, v2, vm0, $0x4038;
	[tilespmem:$0x400] =	vst v63  }
0x13: {  	s29 =	sadd.s32 $0x10, s16;
	(ifvalue) =	ssetifvalue $0x7FFFFFFF  }
0x14: {  	[tilespmem:s29], [sflag:$0x1] =	stream.indirect_vreg.gather [hbm4b:s2+s10], $0x1, v0, vm0, $0x4038;
	[tilespmem:$0x400] =	vst v63  }
0x15: {  	_ =	swait.ge [sflag:s6], $0x100  }
0x16: {  	s30 =	sshrl.u32 s13, $0x3;
	[sflag:s6] =	ssyncset.done $0x0  }
0x17: {  	s31 =	sand.u32 $0x7, s13;
	s15 =	sadd.s32 s4, s30;
	[sflag:s6] =	ssyncadd.s32 $0xFFFFFF00  }
0x18: {  	[hbm4b:s15+s31] =	stream.linear.scatter [tilespmem:s14], [sflag:$0x3], $0x100, $0x38;
	[tilespmem:$0x400] =	vst v63  }
.LBB2_5:
0x19: {  	s15 =	sadd.s32 $0x2000, s11  }
0x1a: {  	p2 =	sgt.s32 s15, $0x3FFF  }
0x1b: {  	s15 =	smov.u32 @p2 s5;
	p2 =	sne.s32 s12, s9  }
.Ltmp1:
0x1c: {  	p1 =	slt.u32 s12, $0x2;
	(pc) =	sbr.rel @!p2 .LBB2_6-.Ltmp1, $4  }
0x1d: {  	s14 =	simm.s32 @!p1 $0x3  }
0x1e: {  	s16 =	sadd.s32 $0x1, s12;
	_ =	swait.ge @!p1 [sflag:s14], $0x100  }
0x1f: {  	s13 =	smov.u32 s11;
	p0 =	por !p0, !p0;
	[sflag:s14] =	ssyncset.done @!p1 $0x0  }
0x20: {  	s12 =	smov.u32 s16;
	s11 =	smov.u32 s15;
	[sflag:s14] =	ssyncadd.s32 @!p1 $0xFFFFFF00  }
.LBB2_1:
0x21: {  	p1 =	sge.u32 s12, s8  }
0x22: {  	s14 =	sxor.u32 @!p1 $0xFFFFFFFF, s12  }
0x23: {  	s31 =	sadd.s32 $0xFFFFFFFF, s12;
	s15 =	sshrl.u32 @!p1 s11, $0x3;
	s14 =	sshll.u32 @!p1 s14, $0x8  }
0x24: {  	s16 =	sand.u32 @!p1 $0x7, s11;
	s15 =	sadd.s32 @!p1 s3, s15;
	s14 =	sand.u32 @!p1 $0x100, s14  }
0x25: {  	[tilespmem:s14], [sflag:$0x2] =	stream.linear.gather @!p1 [hbm4b:s15+s16], $0x100, $0x38;
	[tilespmem:$0x400] =	vst v63  }
0x26: {  	p1 =	sge.u32 s31, s8  }
.Ltmp2:
0x27: {  	_ = 	snop;
	(pc) =	sbr.rel @p1 .LBB2_5-.Ltmp2, $1  }
0x28: {  	_ =	sdelay $0x3  }
0x29: {  	s14 =	simm.s32 $0x1  }
0x2a: {  	_ =	swait.ge [sflag:s7], $0x100;
	s14 =	simm.s32 @!p0 $0x0  }
0x2b: {  	[sflag:s7] =	ssyncset.done $0x0;
	s14 =	sshll.u32 s14, $0x8  }
0x2c: {  	[sflag:s7] =	ssyncadd.s32 $0xFFFFFF00;
	(ifvalue) =	ssetifvalue $0x7FFFFFFF;
	v0 =	vld.msk [tilespmem:s14+$0x0 ss:$0x1], $0xffff;
	_ =	sdelay $0x4  }
0x2d: {  	s15 =	sadd.s32 $0x10, s14;
	vm1 =	vgt.s32 v0, $0x0  }
0x2e: {  	v2 =	vld.msk [tilespmem:s15+$0x0 ss:$0x1], $0xffff;
	v1 =	vnsel vm1, $0x0, v0  }
0x2f: {  	v1 =	vmin.u32 v1, $0x3FFF;
	_ =	sdelay $0x1  }
0x30: {  	s16 =	sshll.u32 s12, $0x8;
	s18 =	simm.s32 $0x20  }
0x31: {  	s16 =	sand.u32 $0x100, s16;
	s17 =	sadd.s32 $0x10, s15;
	s15 =	sor.u32 $0x200, s14  }
0x32: {  	s14 =	sor.u32 $0x200, s16;
	s16 =	sadd.s32 $0x10, s15;
	v0 =	vld.msk [tilespmem:s17+$0x0 ss:$0x1], $0xffff;
	vm1 =	vgt.s32 v2, $0x0;
	(ifvalue) =	ssetifvalue $0x7FFFFFFF  }
.LBB2_3:
0x33: {  	[tilespmem:s15], [sflag:$0x1] =	stream.indirect_vreg.gather [hbm4b:s2+s10], $0x1, v1, vm0, $0x4038;
	[tilespmem:$0x400] =	vst v63  }
0x34: {  	s18 =	sadd.s32 $0x10, s18  }
0x35: {  	v2 =	vnsel vm1, $0x0, v2;
	p1 =	slt.u32 s18, $0xF0  }
.Ltmp3:
0x36: {  	s15 =	smov.u32 s16;
	v1 =	vmin.u32 v2, $0x3FFF;
	(pc) =	sbr.rel @p1 .LBB2_3-.Ltmp3, $3  }
0x37: {  	_ =	sdelay $0x1  }
0x38: {  	s17 =	sadd.s32 $0x10, s17  }
0x39: {  	vm1 =	vgt.s32 v0, $0x0;
	s16 =	sadd.s32 $0x10, s16;
	v2 =	vmov v0;
	(ifvalue) =	ssetifvalue $0x7FFFFFFF;
	v0 =	vld.msk [tilespmem:s17+$0x0 ss:$0x1], $0xffff  }
.Ltmp4:
0x3a: {  	_ = 	snop;
	(pc) =	sbr.rel .LBB2_4-.Ltmp4, $1  }
0x3b: {  	_ =	sdelay $0x3  }
.LBB2_6:
0x3c: {  	_ =	sfence.sel $0x180000  }
0x3d: {  	s2 =	simm.s32 $0x2;
	[bflag:$0x0] =	sbarrier.arrive $0xFFFF  }
0x3e: {  	s30 =	simm.s32 $0x3;
	[sflag:s2] =	ssyncpa.u1 $0x1  }
0x3f: {  	s31 =	simm.s32 $0x1;
	[sflag:s30] =	ssyncpa.u1 $0x1  }
0x40: {  	[sflag:s31] =	ssyncpa.u1 $0x1  }
0x41: {  	p0 =	sne.s32 s0, $0x0;
	_ =	strace $0x90000047  }
0x42: {  	s0 =	sadd.s32 @!p0 $0x100000, s1;
	[bflag:$0x2] =	sbarrier.arrive $0xFFFF  }
0x43: {  	[sflag:s0] =	ssyncadd.tile.s32 @!p0 $0x1;
	_ =	shalt  }
.Lfunc_end2:
_tile_overlayer_lowered:
.L_overlay_start_2:
0x44: {  	(tag) =	ssettag $0x2  }
0x45: {  	s0 =	rddreg [dreg:$0x0];
	s2 =	stileid.u32  }
0x46: {  	s1 =	rddreg [dreg:$0x1];
	p0 =	sne.s32 s2, $0x0  }
0x47: {  	s3 =	rddreg [dreg:$0x2];
	[bflag:$0x3] =	sbarrier.arrive $0xFFFF;
	s2 =	simm.s32 @!p0 $0x1C01  }
0x48: {  	[timem:s3], [sflag:s2] =	dma.local @!p0 [hbm:s0], s1  }
0x49: {  	s0 =	simm.s32 @!p0 $0x1  }
0x4a: {  	_ =	swait.ge @!p0 [sflag:s0], s1  }
0x4b: {  	s1 =	ssub.s32 @!p0 $0x0, s1;
	[sflag:s0] =	ssyncset.done @!p0 $0x0  }
0x4c: {  	[sflag:s0] =	ssyncadd.s32 @!p0 s1  }
0x4d: {  	[bflag:$0x3] =	sbarrier.arrive $0xFFFF  }
0x4e: {  	_ =	shalt  }

// kernel: kernel.4.cloned.1.call-start
scs
__scs_entry_jumppad:
0x0: {  	(pc) =	sbr.rel $0x88, $3  }
0x1: {  	(tag) =	ssettag $0x0;
	lr =	simm.s32 $0x1  }
0x2: {  	[smem:$0x3F9A] =	sst lr;
	_ =	strace $0xD0000000  }
0x3: {  	_ = 	snop  }
0x4: {  	_ = 	snop  }
0x5: {  	_ = 	snop  }
0x6: {  	_ = 	snop  }
0x7: {  	_ = 	snop  }
__scs_overlays_trampoline_lowered:
0x8: {  	[smem:$0x3FA9] =	sst s0  }
0x9: {  	[smem:$0x3FAA] =	sst s1  }
0xa: {  	[smem:$0x3FAB] =	sst s2  }
0xb: {  	[smem:$0x3FAC] =	sst s3  }
0xc: {  	[smem:$0x3FAD] =	sst s4  }
0xd: {  	[smem:$0x3FAE] =	sst s5  }
0xe: {  	[smem:$0x3FAF] =	sst s6  }
0xf: {  	[smem:$0x3FB0] =	sst s7  }
0x10: {  	[smem:$0x3FB1] =	sst s8  }
0x11: {  	[smem:$0x3FB2] =	sst s9;
	s0 =	simm.s32 @!p0 $0x0  }
0x12: {  	s1 =	sld [smem:$0x3F98];
	s0 =	simm.s32 @p0 $0x1  }
0x13: {  	[smem:$0x3FB3] =	sst s0;
	s0 =	simm.s32 @!p1 $0x0  }
0x14: {  	s2 =	sld [smem:$0x3F97];
	s0 =	simm.s32 @p1 $0x1  }
0x15: {  	[smem:$0x3FB4] =	sst s0;
	s0 =	simm.s32 @!p2 $0x0  }
0x16: {  	s3 =	sld [smem:$0x3FDB];
	s0 =	simm.s32 @p2 $0x1  }
0x17: {  	s4 =	simm.s32 $0x1BF5;
	[smem:$0x3FB6] =	sst s0  }
0x18: {  	s0 =	sld [smem:$0x3F99];
	_ =	swait.ge [sflag:s4], $0x0  }
0x19: {  	s7 =	sld [smem:$0x3F9A]  }
0x1a: {  	s8 =	sadd.s32 $0xFFFFE003, lr  }
0x1b: {  	s9 =	sadd.s32 $0xFFFFFEF7, lr;
	s5 =	simm.s32 $0xFFFFFFFF;
	p2 =	slt.u32 s8, $0xFFFFF086  }
0x1c: {  	p1 =	slt.u32 s9, $0xF7A;
	s5 =	simm.s32 @!p2 $0x0  }
0x1d: {  	s5 =	simm.s32 @p1 $0x1;
	p0 =	seq.s32 s7, s2  }
0x1e: {  	s7 =	smul.u32 @!p0 $0xF7A, s2;
	p2 =	seq.s32 @!p0 s5, $0x0  }
0x1f: {  	s9 =	smul.u32 $0xF7A, s1;
	s8 =	simm.s32 @!p0 $0x1BF5;
	p2 =	por !p2, p0  }
0x20: {  	[sflag:s8] =	ssyncset.s32 @!p0 $0xFFFFF086;
	s6 =	sadd.s32 @!p0 s3, s7;
	s7 =	simm.s32 @!p0 $0x108  }
0x21: {  	s3 =	sadd.s32 s3, s9;
	s6 =	sadd.s32 @!p0 $0x88, s6;
	s7 =	simm.s32 @p2 $0x1082  }
0x22: {  	[simem:s7], [sflag:s8] =	dma.local @!p0 [hbm:s6], $0xF7A  }
0x23: {  	s9 =	sor.u32 $0xD0000000, s2;
	s6 =	simm.s32 $0x108;
	_ =	swait.ge @!p0 [sflag:s8], $0x0  }
0x24: {  	s3 =	sadd.s32 $0x88, s3;
	s6 =	simm.s32 @!p1 $0x1082;
	[sflag:s4] =	ssyncset.s32 $0xFFFFF086  }
0x25: {  	[simem:s6], [sflag:s4] =	dma.local [hbm:s3], $0xF7A  }
0x26: {  	[smem:$0x3F9A] =	sst s1;
	(tag) =	ssettag s2;
	_ =	strace s9  }
0x27: {  	s1 =	sld [smem:$0x3FAA]  }
0x28: {  	s2 =	sld [smem:$0x3FAB]  }
0x29: {  	s4 =	sld [smem:$0x3FAD]  }
0x2a: {  	p0 =	seq.s32 s5, $0x0;
	s5 =	sld [smem:$0x3FAE]  }
0x2b: {  	s6 =	sld [smem:$0x3FAF]  }
0x2c: {  	s7 =	sld [smem:$0x3FB0]  }
0x2d: {  	s3 =	simm.s32 $0x108;
	s8 =	sld [smem:$0x3FB1]  }
0x2e: {  	s3 =	simm.s32 @!p0 $0x1082;
	s9 =	sld [smem:$0x3FB2]  }
0x2f: {  	lr =	sadd.s32 s0, s3;
	s0 =	sld [smem:$0x3FA9]  }
0x30: {  	s3 =	sld [smem:$0x3FAC]  }
0x31: {  	[smem:$0x3FB5] =	sst s10  }
0x32: {  	s10 =	sld [smem:$0x3FB3];
	_ =	sdelay $0x3  }
0x33: {  	p0 =	seq.s32 s10, $0x1;
	s10 =	sld [smem:$0x3FB5];
	_ =	sdelay $0x3  }
0x34: {  	[smem:$0x3FB5] =	sst s10  }
0x35: {  	s10 =	sld [smem:$0x3FB4];
	_ =	sdelay $0x3  }
0x36: {  	p1 =	seq.s32 s10, $0x1;
	s10 =	sld [smem:$0x3FB5];
	_ =	sdelay $0x3  }
0x37: {  	[smem:$0x3FB5] =	sst s10  }
0x38: {  	s10 =	sld [smem:$0x3FB6]  }
0x39: {  	_ = 	snop;
	(pc) =	sbr.ind lr, $3  }
0x3a: {  	_ = 	snop  }
0x3b: {  	_ = 	snop  }
0x3c: {  	p2 =	seq.s32 s10, $0x1;
	s10 =	sld [smem:$0x3FB5]  }
0x3d: {  	_ =	shalt  }
0x3e: {  	_ =	shalt  }
0x3f: {  	_ =	shalt  }
0x40: {  	_ =	shalt  }
0x41: {  	_ =	shalt  }
0x42: {  	_ =	shalt  }
0x43: {  	_ =	shalt  }
0x44: {  	_ =	shalt  }
0x45: {  	_ =	shalt  }
0x46: {  	_ =	shalt  }
0x47: {  	_ =	shalt  }
0x48: {  	_ =	shalt  }
0x49: {  	_ =	shalt  }
0x4a: {  	_ =	shalt  }
0x4b: {  	_ =	shalt  }
0x4c: {  	_ =	shalt  }
0x4d: {  	_ =	shalt  }
0x4e: {  	_ =	shalt  }
0x4f: {  	_ =	shalt  }
0x50: {  	_ =	shalt  }
0x51: {  	_ =	shalt  }
0x52: {  	_ =	shalt  }
0x53: {  	_ =	shalt  }
0x54: {  	_ =	shalt  }
0x55: {  	_ =	shalt  }
0x56: {  	_ =	shalt  }
0x57: {  	_ =	shalt  }
0x58: {  	_ =	shalt  }
0x59: {  	_ =	shalt  }
0x5a: {  	_ =	shalt  }
0x5b: {  	_ =	shalt  }
0x5c: {  	_ =	shalt  }
0x5d: {  	_ =	shalt  }
0x5e: {  	_ =	shalt  }
0x5f: {  	_ =	shalt  }
0x60: {  	_ =	shalt  }
0x61: {  	_ =	shalt  }
0x62: {  	_ =	shalt  }
0x63: {  	_ =	shalt  }
0x64: {  	_ =	shalt  }
0x65: {  	_ =	shalt  }
0x66: {  	_ =	shalt  }
0x67: {  	_ =	shalt  }
0x68: {  	_ =	shalt  }
0x69: {  	_ =	shalt  }
0x6a: {  	_ =	shalt  }
0x6b: {  	_ =	shalt  }
0x6c: {  	_ =	shalt  }
0x6d: {  	_ =	shalt  }
0x6e: {  	_ =	shalt  }
0x6f: {  	_ =	shalt  }
0x70: {  	_ =	shalt  }
0x71: {  	_ =	shalt  }
0x72: {  	_ =	shalt  }
0x73: {  	_ =	shalt  }
0x74: {  	_ =	shalt  }
0x75: {  	_ =	shalt  }
0x76: {  	_ =	shalt  }
0x77: {  	_ =	shalt  }
0x78: {  	_ =	shalt  }
0x79: {  	_ =	shalt  }
0x7a: {  	_ =	shalt  }
0x7b: {  	_ =	shalt  }
0x7c: {  	_ =	shalt  }
0x7d: {  	_ =	shalt  }
0x7e: {  	_ =	shalt  }
0x7f: {  	_ =	shalt  }
0x80: {  	_ =	shalt  }
0x81: {  	_ =	shalt  }
0x82: {  	_ =	shalt  }
0x83: {  	_ =	shalt  }
0x84: {  	_ =	shalt  }
0x85: {  	_ =	shalt  }
0x86: {  	_ =	shalt  }
0x87: {  	_ =	shalt  }
.Lfunc_end0:
.L_simem_size_0:
called_computation.1_lowered:
.L_overlay_start_0:
0x88: {  	s2 =	sld [smem:$0x3FD9]  }
0x89: {  	s3 =	sld [smem:$0x3FFE];
	_ =	sdelay $0x1  }
0x8a: {  	s1 =	srdreg.scid  }
0x8b: {  	s0 =	sand.u32 $0x1, s1  }
0x8c: {  	s14 =	sshll.u32 s0, $0xA;
	s2 =	sadd.s32 s3, s2  }
0x8d: {  	s2 =	sadd.s32 s2, s14  }
0x8e: {  	[smem:$0x3FC1] =	sst s2  }
0x8f: {  	_ = 	snop  }
0x90: {  	s2 =	sld [smem:$0x3FC9]  }
0x91: {  	s15 =	sld [smem:$0x3FD0]  }
0x92: {  	s4 =	sld [smem:$0x3FC8]  }
0x93: {  	s5 =	sld [smem:$0x3FC7]  }
0x94: {  	s7 =	simm.s32 $0xA;
	s8 =	simm.s32 $0x10;
	s6 =	sld [smem:$0x3FC6]  }
0x95: {  	[smem:s8], [sflag:s7] =	dma.local [hbm:s15], $0x1  }
0x96: {  	_ =	swait.eq [sflag:s7], $0x1  }
0x97: {  	[sflag:s7] =	ssyncset.done $0x0  }
0x98: {  	s16 =	sld [smem:$0x10];
	[sflag:s7] =	ssyncadd.s32 $0xFFFFFFFF  }
0x99: {  	s17 =	sld [smem:$0x11];
	(tm) =	ssettm $0x1  }
0x9a: {  	s18 =	sld [smem:$0x3FFB];
	_ =	sdelay $0x3  }
0x9b: {  	_ =	strace s18  }
0x9c: {  	s8 =	sld [smem:$0x3FFC];
	_ =	sdelay $0x3  }
0x9d: {  	_ =	strace s8  }
0x9e: {  	s8 =	sld [smem:$0x3FFD];
	_ =	sdelay $0x3  }
0x9f: {  	_ =	strace s8  }
0xa0: {  	_ =	strace $0x8FFFFFFF  }
0xa1: {  	s19 =	sld [smem:$0x3FDB];
	_ =	sdelay $0x1  }
0xa2: {  	s9 =	simm.s32 $_scs_section_size  }
0xa3: {  	s10 =	simm.s32 $_size__tile_overlayer_lowered;
	s11 =	simm.s32 $_tile_overlayer_lowered  }
0xa4: {  	s22 =	simm.s32 $0x1BFF;
	s21 =	sshll.u32 s11, $0x1;
	s8 =	sadd.s32 s9, s19  }
0xa5: {  	s12 =	simm.s32 $0x0;
	s20 =	sshll.u32 s10, $0x1;
	s10 =	sadd.s32 s21, s8  }
0xa6: {  	[timem:s12], [sflag:s22] =	dma.local [hbm:s10], s20  }
0xa7: {  	_ =	swait.ge [sflag:s22], s20  }
0xa8: {  	s9 =	ssub.s32 $0x0, s20;
	[sflag:s22] =	ssyncset.done $0x0  }
0xa9: {  	[sflag:s22] =	ssyncadd.s32 s9;
	_ =	sdelay $0x1  }
0xaa: {  	s23 =	simm.s32 $0x1B8B  }
0xab: {  	_ =	swait.ge [sflag:s23], $0x1  }
0xac: {  	[sflag:s23] =	ssyncset.done $0x0  }
0xad: {  	s25 =	simm.s32 $0x1B8E;
	s24 =	sld [smem:$0x3FFE];
	[sflag:s23] =	ssyncadd.s32 $0xFFFFFFFF  }
0xae: {  	s26 =	simm.s32 $execute0_lowered;
	[smem:$0x3FD2] =	sst s25  }
0xaf: {  	s10 =	sshll.u32 s26, $0x1;
	_ =	strace $0x80000049;
	[dreg:$0x1] =	wrdreg $0xFFFFFFFF  }
0xb0: {  	s28 =	simm.s32 $_size_execute0_lowered;
	s8 =	sadd.s32 s8, s10;
	[dreg:$0x0] =	wrdreg $0x0  }
0xb1: {  	s10 =	sshll.u32 s28, $0x1;
	[dreg:$0x2] =	wrdreg s8  }
0xb2: {  	[dreg:$0x3] =	wrdreg s10  }
0xb3: {  	[dreg:$0x4] =	wrdreg $0xC0  }
0xb4: {  	_ =	task [dreg:s12], $0x5FFFF  }
0xb5: {  	[dreg:$0x1] =	wrdreg $0xFFFFFFFF  }
0xb6: {  	[dreg:$0x0] =	wrdreg $0x60  }
0xb7: {  	[dreg:$0x2] =	wrdreg s2  }
0xb8: {  	[dreg:$0x3] =	wrdreg s4  }
0xb9: {  	[dreg:$0x4] =	wrdreg s5  }
0xba: {  	[dreg:$0x5] =	wrdreg s6  }
0xbb: {  	[dreg:$0x6] =	wrdreg s16  }
0xbc: {  	[dreg:$0x7] =	wrdreg s24  }
0xbd: {  	[dreg:$0x8] =	wrdreg s17  }
0xbe: {  	[dreg:$0x9] =	wrdreg $0x9  }
0xbf: {  	_ =	task.clear_ibuf [dreg:s12], $0xAFFFF;
	_ =	strace $0x90000049  }
0xc0: {  	s29 =	simm.s32 $0x9;
	_ =	strace $0x8000004B  }
0xc1: {  	_ =	swait.ge [sflag:s29], $0x1  }
0xc2: {  	[sflag:s29] =	ssyncadd.s32 $0xFFFFFFFF  }
0xc3: {  	_ =	strace $0x9000004B  }
0xc4: {  	_ =	sfence  }
0xc5: {  	s30 =	sld [smem:$0x0];
	_ =	sdelay $0x2  }
0xc6: {  	s31 =	sshll.u32 s1, $0xD;
	s1 =	sshrl.u32 s1, $0x2  }
0xc7: {  	s3 =	sand.u32 $0x4000, s31;
	s1 =	sadd.s32 s1, s30  }
0xc8: {  	s0 =	sor.u32 s3, s0;
	s1 =	sshll.u32 s1, $0x11  }
0xc9: {  	s0 =	sor.u32 s1, s0  }
0xca: {  	s0 =	sadd.s32 $0x8F2B, s0  }
0xcb: {  	[sflag:s0] =	ssyncadd.remote.s32 $0x1  }
0xcc: {  	_ =	sfence.sel $0xFFFF  }
0xcd: {  	[dreg:$0x0] =	wrdreg $0xFFFFFFFF;
	(pc) =	sbr.abs _section_cstart, $3  }
0xce: {  	[dreg:$0x1] =	wrdreg $0xFFFFFFFF  }
0xcf: {  	_ =	task.clear_ibuf [dreg:s12], $0x2FFFF;
	_ =	strace $0x9FFFFFFF  }
0xd0: {  	(tm) =	ssettm $0x7FFFFFFF  }
0xd1: {  	_ =	shalt  }
tec
execute0_lowered:
.L_overlay_start_1:
0x0: {  	(tag) =	ssettag $0x1  }
0x1: {  	s0 =	rddreg [dreg:$0x0]  }
0x2: {  	s3 =	rddreg [dreg:$0x1]  }
0x3: {  	s4 =	rddreg [dreg:$0x2]  }
0x4: {  	s5 =	rddreg [dreg:$0x3]  }
0x5: {  	s6 =	rddreg [dreg:$0x4];
	s1 =	srdreg.scid  }
0x6: {  	s7 =	rddreg [dreg:$0x5];
	s13 =	stileid.u32;
	s2 =	simm.s32 $0x0  }
0x7: {  	s8 =	sand.u32 $0x1, s1;
	s1 =	rddreg [dreg:$0x6];
	s11 =	sshll.u32 s13, $0x7  }
0x8: {  	[smem:$0x7FF] =	sst s2;
	s12 =	sadd.s32 s6, s11  }
0x9: {  	s23 =	sadd.s32 s7, s11;
	[dreg:$0x8] =	wrdreg s12  }
0xa: {  	s22 =	sor.u32 $0x10, s11;
	s0 =	sadd.s32 s0, s11;
	[dreg:$0x9] =	wrdreg s23  }
0xb: {  	s25 =	sor.u32 $0x20, s11;
	s24 =	sadd.s32 s6, s22;
	[dreg:$0x17] =	wrdreg s0  }
0xc: {  	s26 =	sor.u32 $0x30, s11;
	s14 =	sadd.s32 s6, s25;
	[dreg:$0xa] =	wrdreg s24  }
0xd: {  	s16 =	sor.u32 $0x40, s11;
	s15 =	sadd.s32 s7, s26;
	[dreg:$0xc] =	wrdreg s14  }
0xe: {  	s17 =	sor.u32 $0x50, s11;
	s18 =	sadd.s32 s6, s16;
	[dreg:$0xf] =	wrdreg s15  }
0xf: {  	s9 =	ssub.s32 $0x2, s8;
	s19 =	sadd.s32 s6, s17;
	[dreg:$0x10] =	wrdreg s18  }
0x10: {  	s10 =	sshrl.u32 s9, $0x1;
	s20 =	sadd.s32 s7, s17;
	[dreg:$0x12] =	wrdreg s19  }
0x11: {  	s9 =	ssub.s32 s9, s10;
	s10 =	sadd.s32 s7, s22;
	[dreg:$0x13] =	wrdreg s20  }
0x12: {  	s21 =	sor.u32 $0x60, s11;
	s14 =	sadd.s32 s6, s26;
	[dreg:$0xb] =	wrdreg s10  }
0x13: {  	s24 =	sadd.s32 s6, s21;
	[dreg:$0xe] =	wrdreg s14  }
0x14: {  	s22 =	sshll.u32 s13, $0x3;
	s10 =	sadd.s32 s7, s25;
	[dreg:$0x16] =	wrdreg s24  }
0x15: {  	s4 =	sadd.s32 s4, s22;
	[dreg:$0xd] =	wrdreg s10  }
0x16: {  	s23 =	sadd.s32 s5, s22;
	[dreg:$0x14] =	wrdreg s4  }
0x17: {  	s26 =	sor.u32 $0x70, s11;
	s25 =	sadd.s32 s3, s11;
	[dreg:$0x15] =	wrdreg s23  }
0x18: {  	s5 =	sadd.s32 s6, s26;
	[dreg:$0x18] =	wrdreg s25  }
0x19: {  	s0 =	sadd.s32 s7, s26;
	s24 =	sadd.s32 $0x800, s7;
	[dreg:$0x1a] =	wrdreg s5  }
0x1a: {  	s6 =	sshll.u32 s13, $0x11;
	s10 =	sadd.s32 s7, s16;
	[dreg:$0x1b] =	wrdreg s0  }
0x1b: {  	s4 =	sadd.s32 s7, s21;
	s25 =	sadd.s32 s24, s6;
	[dreg:$0x11] =	wrdreg s10  }
0x1c: {  	p0 =	sne.s32 s8, $0x0;
	[dreg:$0x19] =	wrdreg s4;
	s7 =	sadd.s32 $0x1000, s25  }
0x1d: {  	s8 =	sadd.s32 $0x2000, s25;
	_ =	strace $0x8000004A;
	[dreg:$0x1c] =	wrdreg s7  }
0x1e: {  	s28 =	smax.u32 s9, $0x1;
	s9 =	sadd.s32 $0x3000, s25;
	[dreg:$0x1d] =	wrdreg s8  }
0x1f: {  	s10 =	sadd.s32 $0x4000, s25;
	[dreg:$0x1e] =	wrdreg s9  }
0x20: {  	s11 =	sadd.s32 $0x5000, s25;
	[dreg:$0x1f] =	wrdreg s10  }
0x21: {  	s12 =	sadd.s32 $0x6000, s25;
	[smem:$0x7C7] =	sst s11  }
0x22: {  	s13 =	sadd.s32 $0x7000, s25;
	[smem:$0x7C8] =	sst s12  }
0x23: {  	s14 =	sadd.s32 $0x8000, s25;
	[smem:$0x7C9] =	sst s13  }
0x24: {  	s15 =	sadd.s32 $0x9000, s25;
	[smem:$0x7CA] =	sst s14  }
0x25: {  	s16 =	sadd.s32 $0xA000, s25;
	[smem:$0x7CB] =	sst s15  }
0x26: {  	s17 =	sadd.s32 $0xB000, s25;
	[smem:$0x7CC] =	sst s16  }
0x27: {  	s18 =	sadd.s32 $0xC000, s25;
	[smem:$0x7CD] =	sst s17  }
0x28: {  	s19 =	sadd.s32 $0xD000, s25;
	[smem:$0x7CE] =	sst s18  }
0x29: {  	s20 =	sadd.s32 $0xE000, s25;
	[smem:$0x7CF] =	sst s19  }
0x2a: {  	s21 =	sadd.s32 $0xF000, s25;
	[smem:$0x7D0] =	sst s20  }
0x2b: {  	s22 =	sadd.s32 $0x10000, s25;
	[smem:$0x7D1] =	sst s21  }
0x2c: {  	s23 =	sadd.s32 $0x11000, s25;
	[smem:$0x7D2] =	sst s22  }
0x2d: {  	s3 =	sadd.s32 $0x12000, s25;
	[smem:$0x7D3] =	sst s23  }
0x2e: {  	s4 =	sadd.s32 $0x13000, s25;
	[smem:$0x7D4] =	sst s3  }
0x2f: {  	s5 =	sadd.s32 $0x14000, s25;
	[smem:$0x7D5] =	sst s4  }
0x30: {  	s26 =	sadd.s32 s1, s6;
	s6 =	sadd.s32 $0x15000, s25;
	[smem:$0x7D6] =	sst s5  }
0x31: {  	[smem:$0x7D7] =	sst s6;
	s7 =	sadd.s32 $0x16000, s25  }
0x32: {  	s8 =	sadd.s32 $0x17000, s25;
	[smem:$0x7D8] =	sst s7  }
0x33: {  	s9 =	sadd.s32 $0x18000, s25;
	[smem:$0x7D9] =	sst s8  }
0x34: {  	s10 =	sadd.s32 $0x19000, s25;
	[smem:$0x7DA] =	sst s9  }
0x35: {  	s11 =	sadd.s32 $0x1A000, s25;
	[smem:$0x7DB] =	sst s10  }
0x36: {  	s12 =	sadd.s32 $0x1B000, s25;
	[smem:$0x7DC] =	sst s11  }
0x37: {  	s13 =	sadd.s32 $0x1C000, s25;
	[smem:$0x7DD] =	sst s12  }
0x38: {  	s14 =	sadd.s32 $0x1D000, s25;
	[smem:$0x7DE] =	sst s13  }
0x39: {  	s15 =	sadd.s32 $0x1E000, s25;
	[smem:$0x7DF] =	sst s14  }
0x3a: {  	s16 =	sadd.s32 $0x1F000, s25;
	[smem:$0x7E0] =	sst s15  }
0x3b: {  	s17 =	sadd.s32 $0x1000, s26;
	[smem:$0x7E1] =	sst s16  }
0x3c: {  	s18 =	sadd.s32 $0x2000, s26;
	[smem:$0x7E2] =	sst s17  }
0x3d: {  	s19 =	sadd.s32 $0x3000, s26;
	[smem:$0x7E3] =	sst s18  }
0x3e: {  	s20 =	sadd.s32 $0x4000, s26;
	[smem:$0x7E4] =	sst s19  }
0x3f: {  	s21 =	sadd.s32 $0x5000, s26;
	[smem:$0x7E5] =	sst s20  }
0x40: {  	s22 =	sadd.s32 $0x6000, s26;
	[smem:$0x7E6] =	sst s21  }
0x41: {  	s23 =	sadd.s32 $0x7000, s26;
	[smem:$0x7E7] =	sst s22  }
0x42: {  	s3 =	sadd.s32 $0x8000, s26;
	[smem:$0x7E8] =	sst s23  }
0x43: {  	s4 =	sadd.s32 $0x9000, s26;
	[smem:$0x7E9] =	sst s3  }
0x44: {  	s5 =	sadd.s32 $0xA000, s26;
	[smem:$0x7EA] =	sst s4  }
0x45: {  	s6 =	sadd.s32 $0xB000, s26;
	[smem:$0x7EB] =	sst s5  }
0x46: {  	[smem:$0x7EC] =	sst s6;
	s7 =	sadd.s32 $0xC000, s26  }
0x47: {  	s8 =	sadd.s32 $0xD000, s26;
	[smem:$0x7ED] =	sst s7  }
0x48: {  	s9 =	sadd.s32 $0xE000, s26;
	[smem:$0x7EE] =	sst s8  }
0x49: {  	s10 =	sadd.s32 $0xF000, s26;
	[smem:$0x7EF] =	sst s9  }
0x4a: {  	s11 =	sadd.s32 $0x10000, s26;
	[smem:$0x7F0] =	sst s10  }
0x4b: {  	s12 =	sadd.s32 $0x11000, s26;
	[smem:$0x7F1] =	sst s11  }
0x4c: {  	s13 =	sadd.s32 $0x12000, s26;
	[smem:$0x7F2] =	sst s12  }
0x4d: {  	s14 =	sadd.s32 $0x13000, s26;
	[smem:$0x7F3] =	sst s13  }
0x4e: {  	s15 =	sadd.s32 $0x14000, s26;
	[smem:$0x7F4] =	sst s14  }
0x4f: {  	s16 =	sadd.s32 $0x15000, s26;
	[smem:$0x7F5] =	sst s15  }
0x50: {  	s17 =	sadd.s32 $0x16000, s26;
	[smem:$0x7F6] =	sst s16  }
0x51: {  	s29 =	simm.s32 $0x8E00;
	s18 =	sadd.s32 $0x17000, s26;
	[smem:$0x7F7] =	sst s17  }
0x52: {  	s30 =	simm.s32 $0x8E80;
	s19 =	sadd.s32 $0x18000, s26;
	[smem:$0x7F8] =	sst s18  }
0x53: {  	s31 =	simm.s32 $0x9280;
	s20 =	sadd.s32 $0x19000, s26;
	[smem:$0x7F9] =	sst s19  }
0x54: {  	s0 =	simm.s32 $0x9300;
	s21 =	sadd.s32 $0x1A000, s26;
	[smem:$0x7FA] =	sst s20  }
0x55: {  	s22 =	sadd.s32 $0x1B000, s26;
	s23 =	sadd.s32 $0x1C000, s26;
	[smem:$0x7FB] =	sst s21  }
0x56: {  	s3 =	simm.s32 $0x9380;
	s6 =	simm.s32 $0x9080;
	[smem:$0x7FC] =	sst s22  }
0x57: {  	[smem:$0x7FD] =	sst s23;
	s7 =	sadd.s32 $0x1D000, s26;
	s8 =	sadd.s32 $0x1E000, s26  }
.Ltmp0:
0x58: {  	s9 =	sadd.s32 $0x1F000, s26;
	s10 =	simm.s32 $0x1;
	(pc) =	sbr.rel .LBB2_1-.Ltmp0, $4  }
0x59: {  	s11 =	simm.s32 $0x2;
	s12 =	simm.s32 $0x80;
	s13 =	simm.s32 $0x9400  }
0x5a: {  	s20 =	simm.s32 $0x8D00;
	s21 =	simm.s32 $0x9100;
	s22 =	simm.s32 $0x8D80  }
0x5b: {  	s23 =	simm.s32 $0x9180;
	s14 =	simm.s32 $0x9200;
	s19 =	simm.s32 $0x8F00  }
0x5c: {  	v0 =	vimm.f32 $0.0e+00;
	v12 =	vimm.f32 $1.000000000e+00;
	s15 =	simm.s32 $0x8F80;
	s16 =	simm.s32 $0x0;
	s18 =	simm.s32 $0x8C80  }
.LBB2_5:
0x5d: {  	[hbm4b:s25+s2] =	stream.linear.scatter [tilespmem:s2], [sflag:$0x1], $0x8000, $0x38;
	[tilespmem:$0x9600] =	vst v63  }
0x5e: {  	s4 =	rddreg [dreg:$0x1c]  }
0x5f: {  	s17 =	rddreg [dreg:$0x1d]  }
0x60: {  	[hbm4b:s4+s2] =	stream.linear.scatter [tilespmem:s2], [sflag:$0x1], $0x8000, $0x38;
	[tilespmem:$0x9600] =	vst v63  }
0x61: {  	s5 =	rddreg [dreg:$0x1e]  }
0x62: {  	[hbm4b:s17+s2] =	stream.linear.scatter [tilespmem:s2], [sflag:$0x1], $0x8000, $0x38;
	[tilespmem:$0x9600] =	vst v63  }
0x63: {  	s17 =	rddreg [dreg:$0x1f]  }
0x64: {  	[hbm4b:s5+s2] =	stream.linear.scatter [tilespmem:s2], [sflag:$0x1], $0x8000, $0x38;
	[tilespmem:$0x9600] =	vst v63  }
0x65: {  	s5 =	sld [smem:$0x7C7]  }
0x66: {  	[hbm4b:s17+s2] =	stream.linear.scatter [tilespmem:s2], [sflag:$0x1], $0x8000, $0x38;
	[tilespmem:$0x9600] =	vst v63  }
0x67: {  	s17 =	sld [smem:$0x7C8]  }
0x68: {  	[hbm4b:s5+s2] =	stream.linear.scatter [tilespmem:s2], [sflag:$0x1], $0x8000, $0x38;
	[tilespmem:$0x9600] =	vst v63  }
0x69: {  	s5 =	sld [smem:$0x7C9]  }
0x6a: {  	[hbm4b:s17+s2] =	stream.linear.scatter [tilespmem:s2], [sflag:$0x1], $0x8000, $0x38;
	[tilespmem:$0x9600] =	vst v63  }
0x6b: {  	_ = 	snop  }
0x6c: {  	[hbm4b:s5+s2] =	stream.linear.scatter [tilespmem:s2], [sflag:$0x1], $0x8000, $0x38;
	[tilespmem:$0x9600] =	vst v63  }
0x6d: {  	_ =	swait.ge [sflag:s10], $0x8000  }
0x6e: {  	[sflag:s10] =	ssyncset.done $0x0  }
0x6f: {  	[sflag:s10] =	ssyncadd.s32 $0xFFFF8000  }
0x70: {  	_ =	swait.ge [sflag:s10], $0x8000  }
0x71: {  	[sflag:s10] =	ssyncset.done $0x0  }
0x72: {  	[sflag:s10] =	ssyncadd.s32 $0xFFFF8000  }
0x73: {  	_ =	swait.ge [sflag:s10], $0x8000  }
0x74: {  	[sflag:s10] =	ssyncset.done $0x0  }
0x75: {  	[sflag:s10] =	ssyncadd.s32 $0xFFFF8000  }
0x76: {  	_ =	swait.ge [sflag:s10], $0x8000  }
0x77: {  	[sflag:s10] =	ssyncset.done $0x0  }
0x78: {  	[sflag:s10] =	ssyncadd.s32 $0xFFFF8000  }
0x79: {  	_ =	swait.ge [sflag:s10], $0x8000  }
0x7a: {  	[sflag:s10] =	ssyncset.done $0x0  }
0x7b: {  	[sflag:s10] =	ssyncadd.s32 $0xFFFF8000  }
0x7c: {  	_ =	swait.ge [sflag:s10], $0x8000  }
0x7d: {  	[sflag:s10] =	ssyncset.done $0x0  }
0x7e: {  	[sflag:s10] =	ssyncadd.s32 $0xFFFF8000  }
0x7f: {  	_ =	swait.ge [sflag:s10], $0x8000  }
0x80: {  	[sflag:s10] =	ssyncset.done $0x0  }
0x81: {  	[sflag:s10] =	ssyncadd.s32 $0xFFFF8000  }
0x82: {  	_ =	swait.ge [sflag:s10], $0x8000  }
0x83: {  	s17 =	sld [smem:$0x7CA]  }
0x84: {  	[sflag:s10] =	ssyncset.done $0x0  }
0x85: {  	s5 =	sld [smem:$0x7CB];
	[sflag:s10] =	ssyncadd.s32 $0xFFFF8000  }
0x86: {  	[hbm4b:s17+s2] =	stream.linear.scatter [tilespmem:s2], [sflag:$0x1], $0x8000, $0x38;
	[tilespmem:$0x9600] =	vst v63  }
0x87: {  	s17 =	sld [smem:$0x7CC]  }
0x88: {  	[hbm4b:s5+s2] =	stream.linear.scatter [tilespmem:s2], [sflag:$0x1], $0x8000, $0x38;
	[tilespmem:$0x9600] =	vst v63  }
0x89: {  	s5 =	sld [smem:$0x7CD]  }
0x8a: {  	[hbm4b:s17+s2] =	stream.linear.scatter [tilespmem:s2], [sflag:$0x1], $0x8000, $0x38;
	[tilespmem:$0x9600] =	vst v63  }
0x8b: {  	s17 =	sld [smem:$0x7CE]  }
0x8c: {  	[hbm4b:s5+s2] =	stream.linear.scatter [tilespmem:s2], [sflag:$0x1], $0x8000, $0x38;
	[tilespmem:$0x9600] =	vst v63  }
0x8d: {  	s5 =	sld [smem:$0x7CF]  }
0x8e: {  	[hbm4b:s17+s2] =	stream.linear.scatter [tilespmem:s2], [sflag:$0x1], $0x8000, $0x38;
	[tilespmem:$0x9600] =	vst v63  }
0x8f: {  	s17 =	sld [smem:$0x7D0]  }
0x90: {  	[hbm4b:s5+s2] =	stream.linear.scatter [tilespmem:s2], [sflag:$0x1], $0x8000, $0x38;
	[tilespmem:$0x9600] =	vst v63  }
0x91: {  	s5 =	sld [smem:$0x7D1]  }
0x92: {  	[hbm4b:s17+s2] =	stream.linear.scatter [tilespmem:s2], [sflag:$0x1], $0x8000, $0x38;
	[tilespmem:$0x9600] =	vst v63  }
0x93: {  	_ = 	snop  }
0x94: {  	[hbm4b:s5+s2] =	stream.linear.scatter [tilespmem:s2], [sflag:$0x1], $0x8000, $0x38;
	[tilespmem:$0x9600] =	vst v63  }
0x95: {  	_ =	swait.ge [sflag:s10], $0x8000  }
0x96: {  	[sflag:s10] =	ssyncset.done $0x0  }
0x97: {  	[sflag:s10] =	ssyncadd.s32 $0xFFFF8000  }
0x98: {  	_ =	swait.ge [sflag:s10], $0x8000  }
0x99: {  	[sflag:s10] =	ssyncset.done $0x0  }
0x9a: {  	[sflag:s10] =	ssyncadd.s32 $0xFFFF8000  }
0x9b: {  	_ =	swait.ge [sflag:s10], $0x8000  }
0x9c: {  	[sflag:s10] =	ssyncset.done $0x0  }
0x9d: {  	[sflag:s10] =	ssyncadd.s32 $0xFFFF8000  }
0x9e: {  	_ =	swait.ge [sflag:s10], $0x8000  }
0x9f: {  	[sflag:s10] =	ssyncset.done $0x0  }
0xa0: {  	[sflag:s10] =	ssyncadd.s32 $0xFFFF8000  }
0xa1: {  	_ =	swait.ge [sflag:s10], $0x8000  }
0xa2: {  	[sflag:s10] =	ssyncset.done $0x0  }
0xa3: {  	[sflag:s10] =	ssyncadd.s32 $0xFFFF8000  }
0xa4: {  	_ =	swait.ge [sflag:s10], $0x8000  }
0xa5: {  	[sflag:s10] =	ssyncset.done $0x0  }
0xa6: {  	[sflag:s10] =	ssyncadd.s32 $0xFFFF8000  }
0xa7: {  	_ =	swait.ge [sflag:s10], $0x8000  }
0xa8: {  	[sflag:s10] =	ssyncset.done $0x0  }
0xa9: {  	[sflag:s10] =	ssyncadd.s32 $0xFFFF8000  }
0xaa: {  	_ =	swait.ge [sflag:s10], $0x8000  }
0xab: {  	s17 =	sld [smem:$0x7D2]  }
0xac: {  	[sflag:s10] =	ssyncset.done $0x0  }
0xad: {  	s5 =	sld [smem:$0x7D3];
	[sflag:s10] =	ssyncadd.s32 $0xFFFF8000  }
0xae: {  	[hbm4b:s17+s2] =	stream.linear.scatter [tilespmem:s2], [sflag:$0x1], $0x8000, $0x38;
	[tilespmem:$0x9600] =	vst v63  }
0xaf: {  	s17 =	sld [smem:$0x7D4]  }
0xb0: {  	[hbm4b:s5+s2] =	stream.linear.scatter [tilespmem:s2], [sflag:$0x1], $0x8000, $0x38;
	[tilespmem:$0x9600] =	vst v63  }
0xb1: {  	s5 =	sld [smem:$0x7D5]  }
0xb2: {  	[hbm4b:s17+s2] =	stream.linear.scatter [tilespmem:s2], [sflag:$0x1], $0x8000, $0x38;
	[tilespmem:$0x9600] =	vst v63  }
0xb3: {  	s17 =	sld [smem:$0x7D6]  }
0xb4: {  	[hbm4b:s5+s2] =	stream.linear.scatter [tilespmem:s2], [sflag:$0x1], $0x8000, $0x38;
	[tilespmem:$0x9600] =	vst v63  }
0xb5: {  	s5 =	sld [smem:$0x7D7]  }
0xb6: {  	[hbm4b:s17+s2] =	stream.linear.scatter [tilespmem:s2], [sflag:$0x1], $0x8000, $0x38;
	[tilespmem:$0x9600] =	vst v63  }
0xb7: {  	s17 =	sld [smem:$0x7D8]  }
0xb8: {  	[hbm4b:s5+s2] =	stream.linear.scatter [tilespmem:s2], [sflag:$0x1], $0x8000, $0x38;
	[tilespmem:$0x9600] =	vst v63  }
0xb9: {  	s5 =	sld [smem:$0x7D9]  }
0xba: {  	[hbm4b:s17+s2] =	stream.linear.scatter [tilespmem:s2], [sflag:$0x1], $0x8000, $0x38;
	[tilespmem:$0x9600] =	vst v63  }
0xbb: {  	_ = 	snop  }
0xbc: {  	[hbm4b:s5+s2] =	stream.linear.scatter [tilespmem:s2], [sflag:$0x1], $0x8000, $0x38;
	[tilespmem:$0x9600] =	vst v63  }
0xbd: {  	_ =	swait.ge [sflag:s10], $0x8000  }
0xbe: {  	[sflag:s10] =	ssyncset.done $0x0  }
0xbf: {  	[sflag:s10] =	ssyncadd.s32 $0xFFFF8000  }
0xc0: {  	_ =	swait.ge [sflag:s10], $0x8000  }
0xc1: {  	[sflag:s10] =	ssyncset.done $0x0  }
0xc2: {  	[sflag:s10] =	ssyncadd.s32 $0xFFFF8000  }
0xc3: {  	_ =	swait.ge [sflag:s10], $0x8000  }
0xc4: {  	[sflag:s10] =	ssyncset.done $0x0  }
0xc5: {  	[sflag:s10] =	ssyncadd.s32 $0xFFFF8000  }
0xc6: {  	_ =	swait.ge [sflag:s10], $0x8000  }
0xc7: {  	[sflag:s10] =	ssyncset.done $0x0  }
0xc8: {  	[sflag:s10] =	ssyncadd.s32 $0xFFFF8000  }
0xc9: {  	_ =	swait.ge [sflag:s10], $0x8000  }
0xca: {  	[sflag:s10] =	ssyncset.done $0x0  }
0xcb: {  	[sflag:s10] =	ssyncadd.s32 $0xFFFF8000  }
0xcc: {  	_ =	swait.ge [sflag:s10], $0x8000  }
0xcd: {  	[sflag:s10] =	ssyncset.done $0x0  }
0xce: {  	[sflag:s10] =	ssyncadd.s32 $0xFFFF8000  }
0xcf: {  	_ =	swait.ge [sflag:s10], $0x8000  }
0xd0: {  	[sflag:s10] =	ssyncset.done $0x0  }
0xd1: {  	[sflag:s10] =	ssyncadd.s32 $0xFFFF8000  }
0xd2: {  	_ =	swait.ge [sflag:s10], $0x8000  }
0xd3: {  	s17 =	sld [smem:$0x7DA]  }
0xd4: {  	[sflag:s10] =	ssyncset.done $0x0  }
0xd5: {  	s5 =	sld [smem:$0x7DB];
	[sflag:s10] =	ssyncadd.s32 $0xFFFF8000  }
0xd6: {  	[hbm4b:s17+s2] =	stream.linear.scatter [tilespmem:s2], [sflag:$0x1], $0x8000, $0x38;
	[tilespmem:$0x9600] =	vst v63  }
0xd7: {  	s17 =	sld [smem:$0x7DC]  }
0xd8: {  	[hbm4b:s5+s2] =	stream.linear.scatter [tilespmem:s2], [sflag:$0x1], $0x8000, $0x38;
	[tilespmem:$0x9600] =	vst v63  }
0xd9: {  	s5 =	sld [smem:$0x7DD]  }
0xda: {  	[hbm4b:s17+s2] =	stream.linear.scatter [tilespmem:s2], [sflag:$0x1], $0x8000, $0x38;
	[tilespmem:$0x9600] =	vst v63  }
0xdb: {  	s17 =	sld [smem:$0x7DE]  }
0xdc: {  	[hbm4b:s5+s2] =	stream.linear.scatter [tilespmem:s2], [sflag:$0x1], $0x8000, $0x38;
	[tilespmem:$0x9600] =	vst v63  }
0xdd: {  	s5 =	sld [smem:$0x7DF]  }
0xde: {  	[hbm4b:s17+s2] =	stream.linear.scatter [tilespmem:s2], [sflag:$0x1], $0x8000, $0x38;
	[tilespmem:$0x9600] =	vst v63  }
0xdf: {  	s17 =	sld [smem:$0x7E0]  }
0xe0: {  	[hbm4b:s5+s2] =	stream.linear.scatter [tilespmem:s2], [sflag:$0x1], $0x8000, $0x38;
	[tilespmem:$0x9600] =	vst v63  }
0xe1: {  	s5 =	sld [smem:$0x7E1]  }
0xe2: {  	[hbm4b:s17+s2] =	stream.linear.scatter [tilespmem:s2], [sflag:$0x1], $0x8000, $0x38;
	[tilespmem:$0x9600] =	vst v63  }
0xe3: {  	_ = 	snop  }
0xe4: {  	[hbm4b:s5+s2] =	stream.linear.scatter [tilespmem:s2], [sflag:$0x1], $0x8000, $0x38;
	[tilespmem:$0x9600] =	vst v63  }
0xe5: {  	_ =	swait.ge [sflag:s10], $0x8000  }
0xe6: {  	[sflag:s10] =	ssyncset.done $0x0  }
0xe7: {  	[sflag:s10] =	ssyncadd.s32 $0xFFFF8000  }
0xe8: {  	_ =	swait.ge [sflag:s10], $0x8000  }
0xe9: {  	[sflag:s10] =	ssyncset.done $0x0  }
0xea: {  	[sflag:s10] =	ssyncadd.s32 $0xFFFF8000  }
0xeb: {  	_ =	swait.ge [sflag:s10], $0x8000  }
0xec: {  	[sflag:s10] =	ssyncset.done $0x0  }
0xed: {  	[sflag:s10] =	ssyncadd.s32 $0xFFFF8000  }
0xee: {  	_ =	swait.ge [sflag:s10], $0x8000  }
0xef: {  	[sflag:s10] =	ssyncset.done $0x0  }
0xf0: {  	[sflag:s10] =	ssyncadd.s32 $0xFFFF8000  }
0xf1: {  	_ =	swait.ge [sflag:s10], $0x8000  }
0xf2: {  	[sflag:s10] =	ssyncset.done $0x0  }
0xf3: {  	[sflag:s10] =	ssyncadd.s32 $0xFFFF8000  }
0xf4: {  	_ =	swait.ge [sflag:s10], $0x8000  }
0xf5: {  	[sflag:s10] =	ssyncset.done $0x0  }
0xf6: {  	[sflag:s10] =	ssyncadd.s32 $0xFFFF8000  }
0xf7: {  	_ =	swait.ge [sflag:s10], $0x8000  }
0xf8: {  	[sflag:s10] =	ssyncset.done $0x0  }
0xf9: {  	[sflag:s10] =	ssyncadd.s32 $0xFFFF8000  }
0xfa: {  	_ =	swait.ge [sflag:s10], $0x8000  }
0xfb: {  	[sflag:s10] =	ssyncset.done $0x0  }
0xfc: {  	[sflag:s10] =	ssyncadd.s32 $0xFFFF8000  }
0xfd: {  	[bflag:$0x0] =	sbarrier.arrive $0xFFFF  }
0xfe: {  	s5 =	simm.s32 $0x8C00;
	s17 =	rddreg [dreg:$0x8]  }
0xff: {  	[tilespmem:s5], [sflag:$0x1] =	stream.linear.gather [hbm4b:s17+s2], $0x80, $0x38;
	[tilespmem:$0x9600] =	vst v63  }
0x100: {  	s4 =	rddreg [dreg:$0x9];
	s17 =	simm.s32 $0x9000  }
0x101: {  	[tilespmem:s17], [sflag:$0x1] =	stream.linear.gather [hbm4b:s4+s2], $0x80, $0x38;
	[tilespmem:$0x9600] =	vst v63  }
0x102: {  	s4 =	rddreg [dreg:$0xa]  }
0x103: {  	[tilespmem:s18], [sflag:$0x1] =	stream.linear.gather [hbm4b:s4+s2], $0x80, $0x38;
	[tilespmem:$0x9600] =	vst v63  }
0x104: {  	s4 =	rddreg [dreg:$0xb]  }
0x105: {  	[tilespmem:s6], [sflag:$0x1] =	stream.linear.gather [hbm4b:s4+s2], $0x80, $0x38;
	[tilespmem:$0x9600] =	vst v63  }
0x106: {  	s4 =	rddreg [dreg:$0xc]  }
0x107: {  	[tilespmem:s20], [sflag:$0x1] =	stream.linear.gather [hbm4b:s4+s2], $0x80, $0x38;
	[tilespmem:$0x9600] =	vst v63  }
0x108: {  	s4 =	rddreg [dreg:$0xd]  }
0x109: {  	[tilespmem:s21], [sflag:$0x1] =	stream.linear.gather [hbm4b:s4+s2], $0x80, $0x38;
	[tilespmem:$0x9600] =	vst v63  }
0x10a: {  	s4 =	rddreg [dreg:$0xe]  }
0x10b: {  	[tilespmem:s22], [sflag:$0x1] =	stream.linear.gather [hbm4b:s4+s2], $0x80, $0x38;
	[tilespmem:$0x9600] =	vst v63  }
0x10c: {  	s4 =	rddreg [dreg:$0xf]  }
0x10d: {  	[tilespmem:s23], [sflag:$0x1] =	stream.linear.gather [hbm4b:s4+s2], $0x80, $0x38;
	[tilespmem:$0x9600] =	vst v63  }
0x10e: {  	s4 =	rddreg [dreg:$0x10]  }
0x10f: {  	[tilespmem:s29], [sflag:$0x1] =	stream.linear.gather [hbm4b:s4+s2], $0x80, $0x38;
	[tilespmem:$0x9600] =	vst v63  }
0x110: {  	s4 =	rddreg [dreg:$0x11]  }
0x111: {  	[tilespmem:s14], [sflag:$0x1] =	stream.linear.gather [hbm4b:s4+s2], $0x80, $0x38;
	[tilespmem:$0x9600] =	vst v63  }
0x112: {  	s4 =	rddreg [dreg:$0x12]  }
0x113: {  	[tilespmem:s30], [sflag:$0x1] =	stream.linear.gather [hbm4b:s4+s2], $0x80, $0x38;
	[tilespmem:$0x9600] =	vst v63  }
0x114: {  	s4 =	rddreg [dreg:$0x13]  }
0x115: {  	[tilespmem:s31], [sflag:$0x1] =	stream.linear.gather [hbm4b:s4+s2], $0x80, $0x38;
	[tilespmem:$0x9600] =	vst v63  }
0x116: {  	s4 =	rddreg [dreg:$0x16]  }
0x117: {  	[tilespmem:s19], [sflag:$0x1] =	stream.linear.gather [hbm4b:s4+s2], $0x80, $0x38;
	[tilespmem:$0x9600] =	vst v63  }
0x118: {  	s4 =	rddreg [dreg:$0x19]  }
0x119: {  	[tilespmem:s0], [sflag:$0x1] =	stream.linear.gather [hbm4b:s4+s2], $0x80, $0x38;
	[tilespmem:$0x9600] =	vst v63  }
0x11a: {  	s4 =	rddreg [dreg:$0x1a]  }
0x11b: {  	[tilespmem:s15], [sflag:$0x1] =	stream.linear.gather [hbm4b:s4+s2], $0x80, $0x38;
	[tilespmem:$0x9600] =	vst v63  }
0x11c: {  	s4 =	rddreg [dreg:$0x1b]  }
0x11d: {  	[tilespmem:s3], [sflag:$0x1] =	stream.linear.gather [hbm4b:s4+s2], $0x80, $0x38;
	[tilespmem:$0x9600] =	vst v63  }
0x11e: {  	_ =	swait.ge [sflag:s10], $0x80  }
0x11f: {  	[sflag:s10] =	ssyncset.done $0x0  }
0x120: {  	[sflag:s10] =	ssyncadd.s32 $0xFFFFFF80  }
0x121: {  	_ =	swait.ge [sflag:s10], $0x80  }
0x122: {  	[sflag:s10] =	ssyncset.done $0x0  }
0x123: {  	[sflag:s10] =	ssyncadd.s32 $0xFFFFFF80  }
0x124: {  	_ =	swait.ge [sflag:s10], $0x80  }
0x125: {  	[sflag:s10] =	ssyncset.done $0x0  }
0x126: {  	[sflag:s10] =	ssyncadd.s32 $0xFFFFFF80  }
0x127: {  	_ =	swait.ge [sflag:s10], $0x80  }
0x128: {  	[sflag:s10] =	ssyncset.done $0x0  }
0x129: {  	[sflag:s10] =	ssyncadd.s32 $0xFFFFFF80  }
0x12a: {  	_ =	swait.ge [sflag:s10], $0x80  }
0x12b: {  	[sflag:s10] =	ssyncset.done $0x0  }
0x12c: {  	[sflag:s10] =	ssyncadd.s32 $0xFFFFFF80  }
0x12d: {  	_ =	swait.ge [sflag:s10], $0x80  }
0x12e: {  	[sflag:s10] =	ssyncset.done $0x0  }
0x12f: {  	[sflag:s10] =	ssyncadd.s32 $0xFFFFFF80  }
0x130: {  	_ =	swait.ge [sflag:s10], $0x80  }
0x131: {  	[sflag:s10] =	ssyncset.done $0x0  }
0x132: {  	[sflag:s10] =	ssyncadd.s32 $0xFFFFFF80  }
0x133: {  	_ =	swait.ge [sflag:s10], $0x80  }
0x134: {  	[sflag:s10] =	ssyncset.done $0x0  }
0x135: {  	[sflag:s10] =	ssyncadd.s32 $0xFFFFFF80  }
0x136: {  	_ =	swait.ge [sflag:s10], $0x80  }
0x137: {  	[sflag:s10] =	ssyncset.done $0x0  }
0x138: {  	[sflag:s10] =	ssyncadd.s32 $0xFFFFFF80  }
0x139: {  	_ =	swait.ge [sflag:s10], $0x80  }
0x13a: {  	[sflag:s10] =	ssyncset.done $0x0  }
0x13b: {  	[sflag:s10] =	ssyncadd.s32 $0xFFFFFF80  }
0x13c: {  	_ =	swait.ge [sflag:s10], $0x80  }
0x13d: {  	[sflag:s10] =	ssyncset.done $0x0  }
0x13e: {  	[sflag:s10] =	ssyncadd.s32 $0xFFFFFF80  }
0x13f: {  	_ =	swait.ge [sflag:s10], $0x80  }
0x140: {  	[sflag:s10] =	ssyncset.done $0x0  }
0x141: {  	[sflag:s10] =	ssyncadd.s32 $0xFFFFFF80  }
0x142: {  	_ =	swait.ge [sflag:s10], $0x80  }
0x143: {  	[sflag:s10] =	ssyncset.done $0x0  }
0x144: {  	[sflag:s10] =	ssyncadd.s32 $0xFFFFFF80  }
0x145: {  	_ =	swait.ge [sflag:s10], $0x80  }
0x146: {  	[sflag:s10] =	ssyncset.done $0x0  }
0x147: {  	[sflag:s10] =	ssyncadd.s32 $0xFFFFFF80  }
0x148: {  	_ =	swait.ge [sflag:s10], $0x80  }
0x149: {  	[sflag:s10] =	ssyncset.done $0x0  }
0x14a: {  	[sflag:s10] =	ssyncadd.s32 $0xFFFFFF80  }
0x14b: {  	_ =	swait.ge [sflag:s10], $0x80  }
0x14c: {  	[sflag:s10] =	ssyncset.done $0x0  }
0x14d: {  	[sflag:s10] =	ssyncadd.s32 $0xFFFFFF80  }
0x14e: {  	[hbm4b:s24+s12] =	stream.indirect.scatter [tilespmem:s17], [sflag:$0x1], $0x1, s5, s12, $0xb8;
	[tilespmem:$0x9600] =	vst v63  }
0x14f: {  	_ = 	snop  }
0x150: {  	[hbm4b:s24+s12] =	stream.indirect.scatter [tilespmem:s6], [sflag:$0x1], $0x1, s18, s12, $0xb8;
	[tilespmem:$0x9600] =	vst v63  }
0x151: {  	_ = 	snop  }
0x152: {  	[hbm4b:s24+s12] =	stream.indirect.scatter [tilespmem:s21], [sflag:$0x1], $0x1, s20, s12, $0xb8;
	[tilespmem:$0x9600] =	vst v63  }
0x153: {  	_ = 	snop  }
0x154: {  	[hbm4b:s24+s12] =	stream.indirect.scatter [tilespmem:s23], [sflag:$0x1], $0x1, s22, s12, $0xb8;
	[tilespmem:$0x9600] =	vst v63  }
0x155: {  	_ = 	snop  }
0x156: {  	[hbm4b:s24+s12] =	stream.indirect.scatter [tilespmem:s14], [sflag:$0x1], $0x1, s29, s12, $0xb8;
	[tilespmem:$0x9600] =	vst v63  }
0x157: {  	_ = 	snop  }
0x158: {  	[hbm4b:s24+s12] =	stream.indirect.scatter [tilespmem:s31], [sflag:$0x1], $0x1, s30, s12, $0xb8;
	[tilespmem:$0x9600] =	vst v63  }
0x159: {  	_ = 	snop  }
0x15a: {  	[hbm4b:s24+s12] =	stream.indirect.scatter [tilespmem:s0], [sflag:$0x1], $0x1, s19, s12, $0xb8;
	[tilespmem:$0x9600] =	vst v63  }
0x15b: {  	_ = 	snop  }
0x15c: {  	[hbm4b:s24+s12] =	stream.indirect.scatter [tilespmem:s3], [sflag:$0x1], $0x1, s15, s12, $0xb8;
	[tilespmem:$0x9600] =	vst v63  }
0x15d: {  	_ =	swait.ge [sflag:s10], $0x80  }
0x15e: {  	[sflag:s10] =	ssyncset.done $0x0  }
0x15f: {  	[sflag:s10] =	ssyncadd.s32 $0xFFFFFF80  }
0x160: {  	_ =	swait.ge [sflag:s10], $0x80  }
0x161: {  	[sflag:s10] =	ssyncset.done $0x0  }
0x162: {  	[sflag:s10] =	ssyncadd.s32 $0xFFFFFF80  }
0x163: {  	_ =	swait.ge [sflag:s10], $0x80  }
0x164: {  	[sflag:s10] =	ssyncset.done $0x0  }
0x165: {  	[sflag:s10] =	ssyncadd.s32 $0xFFFFFF80  }
0x166: {  	_ =	swait.ge [sflag:s10], $0x80  }
0x167: {  	[sflag:s10] =	ssyncset.done $0x0  }
0x168: {  	[sflag:s10] =	ssyncadd.s32 $0xFFFFFF80  }
0x169: {  	_ =	swait.ge [sflag:s10], $0x80  }
0x16a: {  	[sflag:s10] =	ssyncset.done $0x0  }
0x16b: {  	[sflag:s10] =	ssyncadd.s32 $0xFFFFFF80  }
0x16c: {  	_ =	swait.ge [sflag:s10], $0x80  }
0x16d: {  	[sflag:s10] =	ssyncset.done $0x0  }
0x16e: {  	[sflag:s10] =	ssyncadd.s32 $0xFFFFFF80  }
0x16f: {  	_ =	swait.ge [sflag:s10], $0x80  }
0x170: {  	[sflag:s10] =	ssyncset.done $0x0  }
0x171: {  	[sflag:s10] =	ssyncadd.s32 $0xFFFFFF80  }
0x172: {  	_ =	swait.ge [sflag:s10], $0x80  }
0x173: {  	[sflag:s10] =	ssyncset.done $0x0  }
0x174: {  	[sflag:s10] =	ssyncadd.s32 $0xFFFFFF80  }
.LBB2_6:
0x175: {  	s16 =	sadd.s32 $0x1, s16  }
0x176: {  	p1 =	sne.s32 s16, s28  }
.Ltmp1:
0x177: {  	_ = 	snop;
	(pc) =	sbr.rel @!p1 .LBB2_7-.Ltmp1, $1  }
0x178: {  	_ =	sdelay $0x3  }
.LBB2_1:
0x179: {  	s4 =	simm.s32 $0x40;
	s17 =	simm.s32 $0x0  }
.LBB2_2:
0x17a: {  	p1 =	sne.s32 s4, $0x1FFC0;
	[tilespmem:s17+$0x0] =	vst v0;
	s17 =	smov.u32 s4;
	s4 =	sadd.s32 $0x40, s4  }
.Ltmp2:
0x17b: {  	(pc) =	sbr.rel @p1 .LBB2_2-.Ltmp2, $2  }
0x17c: {  	_ =	sdelay $0x2  }
0x17d: {  	s17 =	sshra.s32 s17, $0x2  }
0x17e: {  	[tilespmem:s17+$0x0] =	vst v0  }
0x17f: {  	[tilespmem:$0x9400] =	vst v12  }
0x180: {  	[tilespmem:$0x9410] =	vst v12  }
0x181: {  	[tilespmem:$0x9420] =	vst v12  }
0x182: {  	[tilespmem:$0x9430] =	vst v12  }
0x183: {  	[tilespmem:$0x9440] =	vst v12  }
0x184: {  	[tilespmem:$0x9450] =	vst v12  }
0x185: {  	[tilespmem:$0x9460] =	vst v12  }
.Ltmp3:
0x186: {  	[tilespmem:$0x9470] =	vst v12;
	(pc) =	sbr.rel @p0 .LBB2_5-.Ltmp3, $4  }
0x187: {  	[tilespmem:$0x9580] =	vst v12  }
0x188: {  	[tilespmem:$0x9590] =	vst v12  }
0x189: {  	[tilespmem:$0x95A0] =	vst v12  }
0x18a: {  	[tilespmem:$0x95B0] =	vst v12  }
0x18b: {  	s4 =	sld [smem:$0x7E2]  }
0x18c: {  	[hbm4b:s26+s2] =	stream.linear.scatter [tilespmem:s2], [sflag:$0x1], $0x8000, $0x38;
	[tilespmem:$0x9600] =	vst v63  }
0x18d: {  	s17 =	sld [smem:$0x7E3]  }
0x18e: {  	[hbm4b:s4+s2] =	stream.linear.scatter [tilespmem:s2], [sflag:$0x1], $0x8000, $0x38;
	[tilespmem:$0x9600] =	vst v63  }
0x18f: {  	s5 =	sld [smem:$0x7E4]  }
0x190: {  	[hbm4b:s17+s2] =	stream.linear.scatter [tilespmem:s2], [sflag:$0x1], $0x8000, $0x38;
	[tilespmem:$0x9600] =	vst v63  }
0x191: {  	s17 =	sld [smem:$0x7E5]  }
0x192: {  	[hbm4b:s5+s2] =	stream.linear.scatter [tilespmem:s2], [sflag:$0x1], $0x8000, $0x38;
	[tilespmem:$0x9600] =	vst v63  }
0x193: {  	s5 =	sld [smem:$0x7E6]  }
0x194: {  	[hbm4b:s17+s2] =	stream.linear.scatter [tilespmem:s2], [sflag:$0x1], $0x8000, $0x38;
	[tilespmem:$0x9600] =	vst v63  }
0x195: {  	s17 =	sld [smem:$0x7E7]  }
0x196: {  	[hbm4b:s5+s2] =	stream.linear.scatter [tilespmem:s2], [sflag:$0x1], $0x8000, $0x38;
	[tilespmem:$0x9600] =	vst v63  }
0x197: {  	s5 =	sld [smem:$0x7E8]  }
0x198: {  	[hbm4b:s17+s2] =	stream.linear.scatter [tilespmem:s2], [sflag:$0x1], $0x8000, $0x38;
	[tilespmem:$0x9600] =	vst v63  }
0x199: {  	_ = 	snop  }
0x19a: {  	[hbm4b:s5+s2] =	stream.linear.scatter [tilespmem:s2], [sflag:$0x1], $0x8000, $0x38;
	[tilespmem:$0x9600] =	vst v63  }
0x19b: {  	_ =	swait.ge [sflag:s10], $0x8000  }
0x19c: {  	[sflag:s10] =	ssyncset.done $0x0  }
0x19d: {  	[sflag:s10] =	ssyncadd.s32 $0xFFFF8000  }
0x19e: {  	_ =	swait.ge [sflag:s10], $0x8000  }
0x19f: {  	[sflag:s10] =	ssyncset.done $0x0  }
0x1a0: {  	[sflag:s10] =	ssyncadd.s32 $0xFFFF8000  }
0x1a1: {  	_ =	swait.ge [sflag:s10], $0x8000  }
0x1a2: {  	[sflag:s10] =	ssyncset.done $0x0  }
0x1a3: {  	[sflag:s10] =	ssyncadd.s32 $0xFFFF8000  }
0x1a4: {  	_ =	swait.ge [sflag:s10], $0x8000  }
0x1a5: {  	[sflag:s10] =	ssyncset.done $0x0  }
0x1a6: {  	[sflag:s10] =	ssyncadd.s32 $0xFFFF8000  }
0x1a7: {  	_ =	swait.ge [sflag:s10], $0x8000  }
0x1a8: {  	[sflag:s10] =	ssyncset.done $0x0  }
0x1a9: {  	[sflag:s10] =	ssyncadd.s32 $0xFFFF8000  }
0x1aa: {  	_ =	swait.ge [sflag:s10], $0x8000  }
0x1ab: {  	[sflag:s10] =	ssyncset.done $0x0  }
0x1ac: {  	[sflag:s10] =	ssyncadd.s32 $0xFFFF8000  }
0x1ad: {  	_ =	swait.ge [sflag:s10], $0x8000  }
0x1ae: {  	[sflag:s10] =	ssyncset.done $0x0  }
0x1af: {  	[sflag:s10] =	ssyncadd.s32 $0xFFFF8000  }
0x1b0: {  	_ =	swait.ge [sflag:s10], $0x8000  }
0x1b1: {  	s17 =	sld [smem:$0x7E9]  }
0x1b2: {  	[sflag:s10] =	ssyncset.done $0x0  }
0x1b3: {  	s5 =	sld [smem:$0x7EA];
	[sflag:s10] =	ssyncadd.s32 $0xFFFF8000  }
0x1b4: {  	[hbm4b:s17+s2] =	stream.linear.scatter [tilespmem:s2], [sflag:$0x1], $0x8000, $0x38;
	[tilespmem:$0x9600] =	vst v63  }
0x1b5: {  	s17 =	sld [smem:$0x7EB]  }
0x1b6: {  	[hbm4b:s5+s2] =	stream.linear.scatter [tilespmem:s2], [sflag:$0x1], $0x8000, $0x38;
	[tilespmem:$0x9600] =	vst v63  }
0x1b7: {  	s5 =	sld [smem:$0x7EC]  }
0x1b8: {  	[hbm4b:s17+s2] =	stream.linear.scatter [tilespmem:s2], [sflag:$0x1], $0x8000, $0x38;
	[tilespmem:$0x9600] =	vst v63  }
0x1b9: {  	s17 =	sld [smem:$0x7ED]  }
0x1ba: {  	[hbm4b:s5+s2] =	stream.linear.scatter [tilespmem:s2], [sflag:$0x1], $0x8000, $0x38;
	[tilespmem:$0x9600] =	vst v63  }
0x1bb: {  	s5 =	sld [smem:$0x7EE]  }
0x1bc: {  	[hbm4b:s17+s2] =	stream.linear.scatter [tilespmem:s2], [sflag:$0x1], $0x8000, $0x38;
	[tilespmem:$0x9600] =	vst v63  }
0x1bd: {  	s17 =	sld [smem:$0x7EF]  }
0x1be: {  	[hbm4b:s5+s2] =	stream.linear.scatter [tilespmem:s2], [sflag:$0x1], $0x8000, $0x38;
	[tilespmem:$0x9600] =	vst v63  }
0x1bf: {  	s5 =	sld [smem:$0x7F0]  }
0x1c0: {  	[hbm4b:s17+s2] =	stream.linear.scatter [tilespmem:s2], [sflag:$0x1], $0x8000, $0x38;
	[tilespmem:$0x9600] =	vst v63  }
0x1c1: {  	_ = 	snop  }
0x1c2: {  	[hbm4b:s5+s2] =	stream.linear.scatter [tilespmem:s2], [sflag:$0x1], $0x8000, $0x38;
	[tilespmem:$0x9600] =	vst v63  }
0x1c3: {  	_ =	swait.ge [sflag:s10], $0x8000  }
0x1c4: {  	[sflag:s10] =	ssyncset.done $0x0  }
0x1c5: {  	[sflag:s10] =	ssyncadd.s32 $0xFFFF8000  }
0x1c6: {  	_ =	swait.ge [sflag:s10], $0x8000  }
0x1c7: {  	[sflag:s10] =	ssyncset.done $0x0  }
0x1c8: {  	[sflag:s10] =	ssyncadd.s32 $0xFFFF8000  }
0x1c9: {  	_ =	swait.ge [sflag:s10], $0x8000  }
0x1ca: {  	[sflag:s10] =	ssyncset.done $0x0  }
0x1cb: {  	[sflag:s10] =	ssyncadd.s32 $0xFFFF8000  }
0x1cc: {  	_ =	swait.ge [sflag:s10], $0x8000  }
0x1cd: {  	[sflag:s10] =	ssyncset.done $0x0  }
0x1ce: {  	[sflag:s10] =	ssyncadd.s32 $0xFFFF8000  }
0x1cf: {  	_ =	swait.ge [sflag:s10], $0x8000  }
0x1d0: {  	[sflag:s10] =	ssyncset.done $0x0  }
0x1d1: {  	[sflag:s10] =	ssyncadd.s32 $0xFFFF8000  }
0x1d2: {  	_ =	swait.ge [sflag:s10], $0x8000  }
0x1d3: {  	[sflag:s10] =	ssyncset.done $0x0  }
0x1d4: {  	[sflag:s10] =	ssyncadd.s32 $0xFFFF8000  }
0x1d5: {  	_ =	swait.ge [sflag:s10], $0x8000  }
0x1d6: {  	[sflag:s10] =	ssyncset.done $0x0  }
0x1d7: {  	[sflag:s10] =	ssyncadd.s32 $0xFFFF8000  }
0x1d8: {  	_ =	swait.ge [sflag:s10], $0x8000  }
0x1d9: {  	s17 =	sld [smem:$0x7F1]  }
0x1da: {  	[sflag:s10] =	ssyncset.done $0x0  }
0x1db: {  	s5 =	sld [smem:$0x7F2];
	[sflag:s10] =	ssyncadd.s32 $0xFFFF8000  }
0x1dc: {  	[hbm4b:s17+s2] =	stream.linear.scatter [tilespmem:s2], [sflag:$0x1], $0x8000, $0x38;
	[tilespmem:$0x9600] =	vst v63  }
0x1dd: {  	s17 =	sld [smem:$0x7F3]  }
0x1de: {  	[hbm4b:s5+s2] =	stream.linear.scatter [tilespmem:s2], [sflag:$0x1], $0x8000, $0x38;
	[tilespmem:$0x9600] =	vst v63  }
0x1df: {  	s5 =	sld [smem:$0x7F4]  }
0x1e0: {  	[hbm4b:s17+s2] =	stream.linear.scatter [tilespmem:s2], [sflag:$0x1], $0x8000, $0x38;
	[tilespmem:$0x9600] =	vst v63  }
0x1e1: {  	s17 =	sld [smem:$0x7F5]  }
0x1e2: {  	[hbm4b:s5+s2] =	stream.linear.scatter [tilespmem:s2], [sflag:$0x1], $0x8000, $0x38;
	[tilespmem:$0x9600] =	vst v63  }
0x1e3: {  	s5 =	sld [smem:$0x7F6]  }
0x1e4: {  	[hbm4b:s17+s2] =	stream.linear.scatter [tilespmem:s2], [sflag:$0x1], $0x8000, $0x38;
	[tilespmem:$0x9600] =	vst v63  }
0x1e5: {  	s17 =	sld [smem:$0x7F7]  }
0x1e6: {  	[hbm4b:s5+s2] =	stream.linear.scatter [tilespmem:s2], [sflag:$0x1], $0x8000, $0x38;
	[tilespmem:$0x9600] =	vst v63  }
0x1e7: {  	s5 =	sld [smem:$0x7F8]  }
0x1e8: {  	[hbm4b:s17+s2] =	stream.linear.scatter [tilespmem:s2], [sflag:$0x1], $0x8000, $0x38;
	[tilespmem:$0x9600] =	vst v63  }
0x1e9: {  	_ = 	snop  }
0x1ea: {  	[hbm4b:s5+s2] =	stream.linear.scatter [tilespmem:s2], [sflag:$0x1], $0x8000, $0x38;
	[tilespmem:$0x9600] =	vst v63  }
0x1eb: {  	_ =	swait.ge [sflag:s10], $0x8000  }
0x1ec: {  	[sflag:s10] =	ssyncset.done $0x0  }
0x1ed: {  	[sflag:s10] =	ssyncadd.s32 $0xFFFF8000  }
0x1ee: {  	_ =	swait.ge [sflag:s10], $0x8000  }
0x1ef: {  	[sflag:s10] =	ssyncset.done $0x0  }
0x1f0: {  	[sflag:s10] =	ssyncadd.s32 $0xFFFF8000  }
0x1f1: {  	_ =	swait.ge [sflag:s10], $0x8000  }
0x1f2: {  	[sflag:s10] =	ssyncset.done $0x0  }
0x1f3: {  	[sflag:s10] =	ssyncadd.s32 $0xFFFF8000  }
0x1f4: {  	_ =	swait.ge [sflag:s10], $0x8000  }
0x1f5: {  	[sflag:s10] =	ssyncset.done $0x0  }
0x1f6: {  	[sflag:s10] =	ssyncadd.s32 $0xFFFF8000  }
0x1f7: {  	_ =	swait.ge [sflag:s10], $0x8000  }
0x1f8: {  	[sflag:s10] =	ssyncset.done $0x0  }
0x1f9: {  	[sflag:s10] =	ssyncadd.s32 $0xFFFF8000  }
0x1fa: {  	_ =	swait.ge [sflag:s10], $0x8000  }
0x1fb: {  	[sflag:s10] =	ssyncset.done $0x0  }
0x1fc: {  	[sflag:s10] =	ssyncadd.s32 $0xFFFF8000  }
0x1fd: {  	_ =	swait.ge [sflag:s10], $0x8000  }
0x1fe: {  	[sflag:s10] =	ssyncset.done $0x0  }
0x1ff: {  	[sflag:s10] =	ssyncadd.s32 $0xFFFF8000  }
0x200: {  	_ =	swait.ge [sflag:s10], $0x8000  }
0x201: {  	s17 =	sld [smem:$0x7F9]  }
0x202: {  	[sflag:s10] =	ssyncset.done $0x0  }
0x203: {  	s5 =	sld [smem:$0x7FA];
	[sflag:s10] =	ssyncadd.s32 $0xFFFF8000  }
0x204: {  	[hbm4b:s17+s2] =	stream.linear.scatter [tilespmem:s2], [sflag:$0x1], $0x8000, $0x38;
	[tilespmem:$0x9600] =	vst v63  }
0x205: {  	s17 =	sld [smem:$0x7FB]  }
0x206: {  	[hbm4b:s5+s2] =	stream.linear.scatter [tilespmem:s2], [sflag:$0x1], $0x8000, $0x38;
	[tilespmem:$0x9600] =	vst v63  }
0x207: {  	s5 =	sld [smem:$0x7FC]  }
0x208: {  	[hbm4b:s17+s2] =	stream.linear.scatter [tilespmem:s2], [sflag:$0x1], $0x8000, $0x38;
	[tilespmem:$0x9600] =	vst v63  }
0x209: {  	s17 =	sld [smem:$0x7FD]  }
0x20a: {  	[hbm4b:s5+s2] =	stream.linear.scatter [tilespmem:s2], [sflag:$0x1], $0x8000, $0x38;
	[tilespmem:$0x9600] =	vst v63  }
0x20b: {  	_ = 	snop  }
0x20c: {  	[hbm4b:s17+s2] =	stream.linear.scatter [tilespmem:s2], [sflag:$0x1], $0x8000, $0x38;
	[tilespmem:$0x9600] =	vst v63  }
0x20d: {  	_ = 	snop  }
0x20e: {  	[hbm4b:s7+s2] =	stream.linear.scatter [tilespmem:s2], [sflag:$0x1], $0x8000, $0x38;
	[tilespmem:$0x9600] =	vst v63  }
0x20f: {  	_ = 	snop  }
0x210: {  	[hbm4b:s8+s2] =	stream.linear.scatter [tilespmem:s2], [sflag:$0x1], $0x8000, $0x38;
	[tilespmem:$0x9600] =	vst v63  }
0x211: {  	_ = 	snop  }
0x212: {  	[hbm4b:s9+s2] =	stream.linear.scatter [tilespmem:s2], [sflag:$0x1], $0x8000, $0x38;
	[tilespmem:$0x9600] =	vst v63  }
0x213: {  	_ =	swait.ge [sflag:s10], $0x8000  }
0x214: {  	[sflag:s10] =	ssyncset.done $0x0  }
0x215: {  	[sflag:s10] =	ssyncadd.s32 $0xFFFF8000  }
0x216: {  	_ =	swait.ge [sflag:s10], $0x8000  }
0x217: {  	[sflag:s10] =	ssyncset.done $0x0  }
0x218: {  	[sflag:s10] =	ssyncadd.s32 $0xFFFF8000  }
0x219: {  	_ =	swait.ge [sflag:s10], $0x8000  }
0x21a: {  	[sflag:s10] =	ssyncset.done $0x0  }
0x21b: {  	[sflag:s10] =	ssyncadd.s32 $0xFFFF8000  }
0x21c: {  	_ =	swait.ge [sflag:s10], $0x8000  }
0x21d: {  	[sflag:s10] =	ssyncset.done $0x0  }
0x21e: {  	[sflag:s10] =	ssyncadd.s32 $0xFFFF8000  }
0x21f: {  	_ =	swait.ge [sflag:s10], $0x8000  }
0x220: {  	[sflag:s10] =	ssyncset.done $0x0  }
0x221: {  	[sflag:s10] =	ssyncadd.s32 $0xFFFF8000  }
0x222: {  	_ =	swait.ge [sflag:s10], $0x8000  }
0x223: {  	[sflag:s10] =	ssyncset.done $0x0  }
0x224: {  	[sflag:s10] =	ssyncadd.s32 $0xFFFF8000  }
0x225: {  	_ =	swait.ge [sflag:s10], $0x8000  }
0x226: {  	[sflag:s10] =	ssyncset.done $0x0  }
0x227: {  	[sflag:s10] =	ssyncadd.s32 $0xFFFF8000  }
0x228: {  	_ =	swait.ge [sflag:s10], $0x8000  }
0x229: {  	[sflag:s10] =	ssyncset.done $0x0  }
0x22a: {  	[sflag:s10] =	ssyncadd.s32 $0xFFFF8000  }
0x22b: {  	[bflag:$0x0] =	sbarrier.arrive $0xFFFF  }
0x22c: {  	s17 =	simm.s32 $0x8000;
	s5 =	rddreg [dreg:$0x17]  }
0x22d: {  	[tilespmem:s17], [sflag:$0x2] =	stream.linear.gather [hbm4b:s5+s2], $0x400, $0x38;
	[tilespmem:$0x9600] =	vst v63  }
0x22e: {  	_ =	swait.ge [sflag:s11], $0x400  }
0x22f: {  	[sflag:s11] =	ssyncset.done $0x0  }
0x230: {  	s5 =	simm.s32 $0x8400;
	s17 =	rddreg [dreg:$0x18];
	[sflag:s11] =	ssyncadd.s32 $0xFFFFFC00  }
0x231: {  	[tilespmem:s5], [sflag:$0x2] =	stream.linear.gather [hbm4b:s17+s2], $0x400, $0x38;
	[tilespmem:$0x9600] =	vst v63  }
0x232: {  	_ =	swait.ge [sflag:s11], $0x400  }
0x233: {  	[sflag:s11] =	ssyncset.done $0x0  }
0x234: {  	[sflag:s11] =	ssyncadd.s32 $0xFFFFFC00  }
0x235: {  	v3 =	vld [tilespmem:$0x8000]  }
0x236: {  	v4 =	vld [tilespmem:$0x8400]  }
0x237: {  	v9 =	vld [tilespmem:$0x8010]  }
0x238: {  	v10 =	vld [tilespmem:$0x8410]  }
0x239: {  	v13 =	vld [tilespmem:$0x8020]  }
0x23a: {  	v14 =	vld [tilespmem:$0x8420]  }
0x23b: {  	v15 =	vld [tilespmem:$0x8030]  }
0x23c: {  	v16 =	vld [tilespmem:$0x8430]  }
0x23d: {  	v17 =	vld [tilespmem:$0x8040]  }
0x23e: {  	v18 =	vld [tilespmem:$0x8440]  }
0x23f: {  	v19 =	vld [tilespmem:$0x8050]  }
0x240: {  	v20 =	vld [tilespmem:$0x8450]  }
0x241: {  	v21 =	vld [tilespmem:$0x8060]  }
0x242: {  	v22 =	vld [tilespmem:$0x8460]  }
0x243: {  	v23 =	vld [tilespmem:$0x8070]  }
0x244: {  	v24 =	vld [tilespmem:$0x8470]  }
0x245: {  	v25 =	vld [tilespmem:$0x8080]  }
0x246: {  	v26 =	vld [tilespmem:$0x8480]  }
0x247: {  	v27 =	vld [tilespmem:$0x8090]  }
0x248: {  	v28 =	vld [tilespmem:$0x8490]  }
0x249: {  	v1 =	vld [tilespmem:$0x85E0]  }
0x24a: {  	v29 =	vld [tilespmem:$0x80A0]  }
0x24b: {  	v30 =	vld [tilespmem:$0x84A0]  }
0x24c: {  	v31 =	vld [tilespmem:$0x80B0]  }
0x24d: {  	v32 =	vld [tilespmem:$0x84B0]  }
0x24e: {  	[tilespmem:$0x1FF90] =	vst v1;
	v1 =	vld [tilespmem:$0x81F0]  }
0x24f: {  	v33 =	vld [tilespmem:$0x80C0]  }
0x250: {  	v34 =	vld [tilespmem:$0x84C0]  }
0x251: {  	v35 =	vld [tilespmem:$0x80D0]  }
0x252: {  	v36 =	vld [tilespmem:$0x84D0]  }
0x253: {  	[tilespmem:$0x1FFA0] =	vst v1;
	v1 =	vld [tilespmem:$0x85F0]  }
0x254: {  	v37 =	vld [tilespmem:$0x80E0]  }
0x255: {  	v38 =	vld [tilespmem:$0x84E0]  }
0x256: {  	v39 =	vld [tilespmem:$0x80F0]  }
0x257: {  	v40 =	vld [tilespmem:$0x84F0]  }
0x258: {  	[tilespmem:$0x1FFB0] =	vst v1;
	v1 =	vld [tilespmem:$0x8200]  }
0x259: {  	v41 =	vld [tilespmem:$0x8100]  }
0x25a: {  	v42 =	vld [tilespmem:$0x8500]  }
0x25b: {  	v43 =	vld [tilespmem:$0x8110]  }
0x25c: {  	v44 =	vld [tilespmem:$0x8510]  }
0x25d: {  	[tilespmem:$0x1FFC0] =	vst v1;
	v1 =	vld [tilespmem:$0x8600]  }
0x25e: {  	v45 =	vld [tilespmem:$0x8120]  }
0x25f: {  	v46 =	vld [tilespmem:$0x8520]  }
0x260: {  	v47 =	vld [tilespmem:$0x8130]  }
0x261: {  	v48 =	vld [tilespmem:$0x8530]  }
0x262: {  	[tilespmem:$0x1FFD0] =	vst v1;
	v1 =	vld [tilespmem:$0x8210]  }
0x263: {  	v49 =	vld [tilespmem:$0x8140]  }
0x264: {  	v50 =	vld [tilespmem:$0x8540]  }
0x265: {  	v51 =	vld [tilespmem:$0x8150]  }
0x266: {  	v52 =	vld [tilespmem:$0x8550]  }
0x267: {  	[tilespmem:$0x1FFE0] =	vst v1;
	v1 =	vld [tilespmem:$0x8610]  }
0x268: {  	v53 =	vld [tilespmem:$0x8160]  }
0x269: {  	v54 =	vld [tilespmem:$0x8560]  }
0x26a: {  	v55 =	vld [tilespmem:$0x8170]  }
0x26b: {  	v56 =	vld [tilespmem:$0x8570]  }
0x26c: {  	v57 =	vld [tilespmem:$0x8180];
	[tilespmem:$0x1FFF0] =	vst v1;
	v1 =	vshll.u32 v3, $0xC  }
0x26d: {  	v58 =	vld [tilespmem:$0x8580];
	v9 =	vshll.u32 v9, $0xC;
	v1 =	vadd.s32 v4, v1  }
0x26e: {  	v59 =	vld [tilespmem:$0x8190];
	[tilespmem:$0x8800] =	vst v1;
	v1 =	vadd.s32 v10, v9;
	v10 =	vshll.u32 v13, $0xC  }
0x26f: {  	v60 =	vld [tilespmem:$0x8590];
	v13 =	vshll.u32 v15, $0xC;
	[tilespmem:$0x8810] =	vst v1;
	v1 =	vadd.s32 v14, v10  }
0x270: {  	v61 =	vld [tilespmem:$0x81A0];
	[tilespmem:$0x8820] =	vst v1;
	v1 =	vadd.s32 v16, v13;
	v13 =	vshll.u32 v17, $0xC  }
0x271: {  	v62 =	vld [tilespmem:$0x85A0];
	[tilespmem:$0x8830] =	vst v1;
	v1 =	vadd.s32 v18, v13;
	v13 =	vshll.u32 v19, $0xC  }
0x272: {  	v63 =	vld [tilespmem:$0x81B0];
	[tilespmem:$0x8840] =	vst v1;
	v1 =	vadd.s32 v20, v13;
	v13 =	vshll.u32 v21, $0xC  }
0x273: {  	v2 =	vld [tilespmem:$0x85B0];
	[tilespmem:$0x8850] =	vst v1;
	v1 =	vadd.s32 v22, v13;
	v13 =	vshll.u32 v23, $0xC  }
0x274: {  	v5 =	vld [tilespmem:$0x81C0];
	[tilespmem:$0x8860] =	vst v1;
	v1 =	vadd.s32 v24, v13;
	v13 =	vshll.u32 v25, $0xC  }
0x275: {  	v6 =	vld [tilespmem:$0x85C0];
	[tilespmem:$0x8870] =	vst v1;
	v1 =	vadd.s32 v26, v13;
	v13 =	vshll.u32 v27, $0xC  }
0x276: {  	v7 =	vld [tilespmem:$0x81D0];
	[tilespmem:$0x8880] =	vst v1;
	v1 =	vadd.s32 v28, v13;
	v13 =	vshll.u32 v29, $0xC  }
0x277: {  	v8 =	vld [tilespmem:$0x85D0];
	[tilespmem:$0x8890] =	vst v1;
	v1 =	vadd.s32 v30, v13;
	v13 =	vshll.u32 v31, $0xC  }
0x278: {  	v11 =	vld [tilespmem:$0x81E0];
	[tilespmem:$0x88A0] =	vst v1;
	v1 =	vadd.s32 v32, v13;
	v13 =	vshll.u32 v33, $0xC  }
0x279: {  	v3 =	vld [tilespmem:$0x8220];
	[tilespmem:$0x88B0] =	vst v1;
	v1 =	vadd.s32 v34, v13;
	v13 =	vshll.u32 v35, $0xC  }
0x27a: {  	v4 =	vld [tilespmem:$0x8620];
	[tilespmem:$0x88C0] =	vst v1;
	v1 =	vadd.s32 v36, v13;
	v13 =	vshll.u32 v37, $0xC  }
0x27b: {  	v9 =	vld [tilespmem:$0x8230];
	[tilespmem:$0x88D0] =	vst v1;
	v1 =	vadd.s32 v38, v13;
	v13 =	vshll.u32 v39, $0xC  }
0x27c: {  	v15 =	vld [tilespmem:$0x8640];
	[tilespmem:$0x88E0] =	vst v1;
	v1 =	vadd.s32 v40, v13;
	v13 =	vshll.u32 v41, $0xC  }
0x27d: {  	v10 =	vld [tilespmem:$0x8630];
	[tilespmem:$0x88F0] =	vst v1;
	v1 =	vadd.s32 v42, v13;
	v13 =	vshll.u32 v43, $0xC  }
0x27e: {  	v14 =	vld [tilespmem:$0x8240];
	[tilespmem:$0x8900] =	vst v1;
	v1 =	vadd.s32 v44, v13;
	v13 =	vshll.u32 v45, $0xC  }
0x27f: {  	v16 =	vld [tilespmem:$0x8250];
	[tilespmem:$0x8910] =	vst v1;
	v1 =	vadd.s32 v46, v13;
	v13 =	vshll.u32 v47, $0xC  }
0x280: {  	v17 =	vld [tilespmem:$0x8650];
	[tilespmem:$0x8920] =	vst v1;
	v1 =	vadd.s32 v48, v13;
	v13 =	vshll.u32 v49, $0xC  }
0x281: {  	v18 =	vld [tilespmem:$0x8260];
	[tilespmem:$0x8930] =	vst v1;
	v1 =	vadd.s32 v50, v13;
	v13 =	vshll.u32 v51, $0xC  }
0x282: {  	v19 =	vld [tilespmem:$0x8660];
	[tilespmem:$0x8940] =	vst v1;
	v1 =	vadd.s32 v52, v13;
	v13 =	vshll.u32 v53, $0xC  }
0x283: {  	v20 =	vld [tilespmem:$0x8270];
	[tilespmem:$0x8950] =	vst v1;
	v1 =	vadd.s32 v54, v13;
	v13 =	vshll.u32 v55, $0xC  }
0x284: {  	v21 =	vld [tilespmem:$0x8670];
	[tilespmem:$0x8960] =	vst v1;
	v1 =	vadd.s32 v56, v13;
	v13 =	vshll.u32 v57, $0xC  }
0x285: {  	v22 =	vld [tilespmem:$0x8280];
	[tilespmem:$0x8970] =	vst v1;
	v1 =	vadd.s32 v58, v13;
	v13 =	vshll.u32 v59, $0xC  }
0x286: {  	v23 =	vld [tilespmem:$0x8680];
	[tilespmem:$0x8980] =	vst v1;
	v1 =	vadd.s32 v60, v13;
	v13 =	vshll.u32 v61, $0xC  }
0x287: {  	v24 =	vld [tilespmem:$0x8290];
	[tilespmem:$0x8990] =	vst v1;
	v1 =	vadd.s32 v62, v13;
	v13 =	vshll.u32 v63, $0xC  }
0x288: {  	v25 =	vld [tilespmem:$0x8690];
	[tilespmem:$0x89A0] =	vst v1;
	v1 =	vadd.s32 v2, v13;
	v2 =	vshll.u32 v5, $0xC  }
0x289: {  	v26 =	vld [tilespmem:$0x82A0];
	[tilespmem:$0x89B0] =	vst v1;
	v1 =	vadd.s32 v6, v2;
	v2 =	vshll.u32 v7, $0xC  }
0x28a: {  	v38 =	vld [tilespmem:$0x8340];
	[tilespmem:$0x89C0] =	vst v1;
	v1 =	vadd.s32 v8, v2  }
0x28b: {  	[tilespmem:$0x89D0] =	vst v1;
	v1 =	vld [tilespmem:$0x1FF90]  }
0x28c: {  	v39 =	vld [tilespmem:$0x8740]  }
0x28d: {  	v40 =	vld [tilespmem:$0x8360]  }
0x28e: {  	v41 =	vld [tilespmem:$0x8760]  }
0x28f: {  	v43 =	vld [tilespmem:$0x86A0];
	v2 =	vshll.u32 v11, $0xC  }
0x290: {  	v1 =	vadd.s32 v1, v2;
	v2 =	vld [tilespmem:$0x1FFA0]  }
0x291: {  	[tilespmem:$0x89E0] =	vst v1;
	v1 =	vld [tilespmem:$0x1FFB0]  }
0x292: {  	v42 =	vld [tilespmem:$0x8370]  }
0x293: {  	v45 =	vld [tilespmem:$0x82B0]  }
0x294: {  	v44 =	vld [tilespmem:$0x8380]  }
0x295: {  	v47 =	vld [tilespmem:$0x86B0];
	v2 =	vshll.u32 v2, $0xC  }
0x296: {  	v1 =	vadd.s32 v1, v2;
	v2 =	vld [tilespmem:$0x1FFC0]  }
0x297: {  	[tilespmem:$0x89F0] =	vst v1;
	v1 =	vld [tilespmem:$0x1FFD0]  }
0x298: {  	v46 =	vld [tilespmem:$0x8390]  }
0x299: {  	v49 =	vld [tilespmem:$0x82C0]  }
0x29a: {  	v48 =	vld [tilespmem:$0x83A0]  }
0x29b: {  	v51 =	vld [tilespmem:$0x86C0];
	v2 =	vshll.u32 v2, $0xC  }
0x29c: {  	v1 =	vadd.s32 v1, v2;
	v2 =	vld [tilespmem:$0x1FFE0]  }
0x29d: {  	[tilespmem:$0x8A00] =	vst v1;
	v1 =	vld [tilespmem:$0x1FFF0]  }
0x29e: {  	v50 =	vld [tilespmem:$0x83B0]  }
0x29f: {  	v52 =	vld [tilespmem:$0x82D0]  }
0x2a0: {  	v53 =	vld [tilespmem:$0x86D0]  }
0x2a1: {  	v54 =	vld [tilespmem:$0x82E0];
	v2 =	vshll.u32 v2, $0xC  }
0x2a2: {  	v55 =	vld [tilespmem:$0x86E0];
	v1 =	vadd.s32 v1, v2;
	v2 =	vshll.u32 v3, $0xC  }
0x2a3: {  	v56 =	vld [tilespmem:$0x82F0];
	[tilespmem:$0x8A10] =	vst v1;
	v1 =	vadd.s32 v4, v2;
	v2 =	vshll.u32 v9, $0xC  }
0x2a4: {  	v57 =	vld [tilespmem:$0x86F0];
	[tilespmem:$0x8A20] =	vst v1;
	v1 =	vadd.s32 v10, v2;
	v2 =	vshll.u32 v14, $0xC  }
0x2a5: {  	v58 =	vld [tilespmem:$0x8300];
	[tilespmem:$0x8A30] =	vst v1;
	v1 =	vadd.s32 v15, v2;
	v2 =	vshll.u32 v16, $0xC  }
0x2a6: {  	v59 =	vld [tilespmem:$0x8700];
	[tilespmem:$0x8A40] =	vst v1;
	v1 =	vadd.s32 v17, v2;
	v2 =	vshll.u32 v18, $0xC  }
0x2a7: {  	v60 =	vld [tilespmem:$0x8310];
	[tilespmem:$0x8A50] =	vst v1;
	v1 =	vadd.s32 v19, v2;
	v2 =	vshll.u32 v20, $0xC  }
0x2a8: {  	v61 =	vld [tilespmem:$0x8710];
	[tilespmem:$0x8A60] =	vst v1;
	v1 =	vadd.s32 v21, v2;
	v2 =	vshll.u32 v22, $0xC  }
0x2a9: {  	v62 =	vld [tilespmem:$0x8320];
	[tilespmem:$0x8A70] =	vst v1;
	v1 =	vadd.s32 v23, v2;
	v2 =	vshll.u32 v24, $0xC  }
0x2aa: {  	v63 =	vld [tilespmem:$0x8730];
	[tilespmem:$0x8A80] =	vst v1;
	v1 =	vadd.s32 v25, v2;
	v2 =	vshll.u32 v26, $0xC  }
0x2ab: {  	v13 =	vld [tilespmem:$0x8720];
	[tilespmem:$0x8A90] =	vst v1;
	v1 =	vadd.s32 v43, v2;
	v2 =	vshll.u32 v45, $0xC  }
0x2ac: {  	v3 =	vld [tilespmem:$0x8330];
	[tilespmem:$0x8AA0] =	vst v1;
	v1 =	vadd.s32 v47, v2;
	v2 =	vshll.u32 v49, $0xC  }
0x2ad: {  	v14 =	vld [tilespmem:$0x8350];
	[tilespmem:$0x8AB0] =	vst v1;
	v1 =	vadd.s32 v51, v2;
	v2 =	vshll.u32 v52, $0xC  }
0x2ae: {  	v15 =	vld [tilespmem:$0x8750];
	[tilespmem:$0x8AC0] =	vst v1;
	v1 =	vadd.s32 v53, v2;
	v2 =	vshll.u32 v54, $0xC  }
0x2af: {  	v43 =	vld [tilespmem:$0x8770];
	[tilespmem:$0x8AD0] =	vst v1;
	v1 =	vadd.s32 v55, v2;
	v2 =	vshll.u32 v56, $0xC  }
0x2b0: {  	v45 =	vld [tilespmem:$0x8780];
	[tilespmem:$0x8AE0] =	vst v1;
	v1 =	vadd.s32 v57, v2;
	v2 =	vshll.u32 v58, $0xC  }
0x2b1: {  	v47 =	vld [tilespmem:$0x8790];
	[tilespmem:$0x8AF0] =	vst v1;
	v1 =	vadd.s32 v59, v2;
	v2 =	vshll.u32 v60, $0xC  }
0x2b2: {  	v49 =	vld [tilespmem:$0x87A0];
	[tilespmem:$0x8B00] =	vst v1;
	v1 =	vadd.s32 v61, v2;
	v2 =	vshll.u32 v62, $0xC  }
0x2b3: {  	v51 =	vld [tilespmem:$0x83C0];
	[tilespmem:$0x8B10] =	vst v1;
	v1 =	vadd.s32 v13, v2;
	v2 =	vshll.u32 v3, $0xC  }
0x2b4: {  	v52 =	vld [tilespmem:$0x87C0];
	[tilespmem:$0x8B20] =	vst v1;
	v1 =	vadd.s32 v63, v2;
	v2 =	vshll.u32 v38, $0xC  }
0x2b5: {  	v53 =	vld [tilespmem:$0x83D0];
	[tilespmem:$0x8B30] =	vst v1;
	v1 =	vadd.s32 v39, v2;
	v2 =	vshll.u32 v14, $0xC  }
0x2b6: {  	v54 =	vld [tilespmem:$0x87D0];
	[tilespmem:$0x8B40] =	vst v1;
	v1 =	vadd.s32 v15, v2;
	v2 =	vshll.u32 v40, $0xC  }
0x2b7: {  	v3 =	vld [tilespmem:$0x87B0];
	[tilespmem:$0x8B50] =	vst v1;
	v1 =	vadd.s32 v41, v2;
	v2 =	vshll.u32 v42, $0xC  }
0x2b8: {  	v55 =	vld [tilespmem:$0x83E0];
	[tilespmem:$0x8B60] =	vst v1;
	v1 =	vadd.s32 v43, v2;
	v2 =	vshll.u32 v44, $0xC  }
0x2b9: {  	v56 =	vld [tilespmem:$0x83F0];
	[tilespmem:$0x8B70] =	vst v1;
	v1 =	vadd.s32 v45, v2;
	v2 =	vshll.u32 v46, $0xC  }
0x2ba: {  	v13 =	vld [tilespmem:$0x87E0];
	[tilespmem:$0x8B80] =	vst v1;
	v1 =	vadd.s32 v47, v2;
	v2 =	vshll.u32 v48, $0xC  }
0x2bb: {  	v57 =	vld [tilespmem:$0x87F0];
	[tilespmem:$0x8B90] =	vst v1;
	v1 =	vadd.s32 v49, v2;
	v2 =	vshll.u32 v50, $0xC  }
0x2bc: {  	[tilespmem:$0x8BA0] =	vst v1;
	v1 =	vadd.s32 v3, v2;
	v2 =	vshll.u32 v51, $0xC  }
0x2bd: {  	[tilespmem:$0x8BB0] =	vst v1;
	v1 =	vadd.s32 v52, v2;
	v2 =	vshll.u32 v53, $0xC  }
0x2be: {  	[tilespmem:$0x8BC0] =	vst v1;
	v1 =	vadd.s32 v54, v2;
	v2 =	vshll.u32 v55, $0xC  }
0x2bf: {  	[tilespmem:$0x8BD0] =	vst v1;
	v1 =	vadd.s32 v13, v2;
	v2 =	vshll.u32 v56, $0xC  }
0x2c0: {  	[tilespmem:$0x8BE0] =	vst v1;
	v1 =	vadd.s32 v57, v2  }
0x2c1: {  	s5 =	simm.s32 $0x8800;
	[tilespmem:$0x8BF0] =	vst v1  }
0x2c2: {  	[hbm4b:s1+s12] =	stream.indirect.scatter [tilespmem:s13], [sflag:$0x1], $0x1, s5, s12, $0xb8;
	[tilespmem:$0x9600] =	vst v63  }
0x2c3: {  	s17 =	simm.s32 $0x8880  }
0x2c4: {  	[hbm4b:s1+s12] =	stream.indirect.scatter [tilespmem:s13], [sflag:$0x1], $0x1, s17, s12, $0xb8;
	[tilespmem:$0x9600] =	vst v63  }
0x2c5: {  	s5 =	simm.s32 $0x8900  }
0x2c6: {  	[hbm4b:s1+s12] =	stream.indirect.scatter [tilespmem:s13], [sflag:$0x1], $0x1, s5, s12, $0xb8;
	[tilespmem:$0x9600] =	vst v63  }
0x2c7: {  	s17 =	simm.s32 $0x8980  }
0x2c8: {  	[hbm4b:s1+s12] =	stream.indirect.scatter [tilespmem:s13], [sflag:$0x1], $0x1, s17, s12, $0xb8;
	[tilespmem:$0x9600] =	vst v63  }
0x2c9: {  	s5 =	simm.s32 $0x8A00  }
0x2ca: {  	[hbm4b:s1+s12] =	stream.indirect.scatter [tilespmem:s13], [sflag:$0x1], $0x1, s5, s12, $0xb8;
	[tilespmem:$0x9600] =	vst v63  }
0x2cb: {  	s17 =	simm.s32 $0x8A80  }
0x2cc: {  	[hbm4b:s1+s12] =	stream.indirect.scatter [tilespmem:s13], [sflag:$0x1], $0x1, s17, s12, $0xb8;
	[tilespmem:$0x9600] =	vst v63  }
0x2cd: {  	s5 =	simm.s32 $0x8B00  }
0x2ce: {  	[hbm4b:s1+s12] =	stream.indirect.scatter [tilespmem:s13], [sflag:$0x1], $0x1, s5, s12, $0xb8;
	[tilespmem:$0x9600] =	vst v63  }
0x2cf: {  	s17 =	simm.s32 $0x8B80  }
0x2d0: {  	[hbm4b:s1+s12] =	stream.indirect.scatter [tilespmem:s13], [sflag:$0x1], $0x1, s17, s12, $0xb8;
	[tilespmem:$0x9600] =	vst v63  }
0x2d1: {  	_ =	swait.ge [sflag:s10], $0x80  }
0x2d2: {  	[sflag:s10] =	ssyncset.done $0x0  }
0x2d3: {  	[sflag:s10] =	ssyncadd.s32 $0xFFFFFF80  }
0x2d4: {  	_ =	swait.ge [sflag:s10], $0x80  }
0x2d5: {  	[sflag:s10] =	ssyncset.done $0x0  }
0x2d6: {  	[sflag:s10] =	ssyncadd.s32 $0xFFFFFF80  }
0x2d7: {  	_ =	swait.ge [sflag:s10], $0x80  }
0x2d8: {  	[sflag:s10] =	ssyncset.done $0x0  }
0x2d9: {  	[sflag:s10] =	ssyncadd.s32 $0xFFFFFF80  }
0x2da: {  	_ =	swait.ge [sflag:s10], $0x80  }
0x2db: {  	[sflag:s10] =	ssyncset.done $0x0  }
0x2dc: {  	[sflag:s10] =	ssyncadd.s32 $0xFFFFFF80  }
0x2dd: {  	_ =	swait.ge [sflag:s10], $0x80  }
0x2de: {  	[sflag:s10] =	ssyncset.done $0x0  }
0x2df: {  	[sflag:s10] =	ssyncadd.s32 $0xFFFFFF80  }
0x2e0: {  	_ =	swait.ge [sflag:s10], $0x80  }
0x2e1: {  	[sflag:s10] =	ssyncset.done $0x0  }
0x2e2: {  	[sflag:s10] =	ssyncadd.s32 $0xFFFFFF80  }
0x2e3: {  	_ =	swait.ge [sflag:s10], $0x80  }
0x2e4: {  	[sflag:s10] =	ssyncset.done $0x0  }
0x2e5: {  	[sflag:s10] =	ssyncadd.s32 $0xFFFFFF80  }
0x2e6: {  	_ =	swait.ge [sflag:s10], $0x80  }
0x2e7: {  	[sflag:s10] =	ssyncset.done $0x0  }
0x2e8: {  	s17 =	simm.s32 $0x9480;
	s5 =	rddreg [dreg:$0x14];
	[sflag:s10] =	ssyncadd.s32 $0xFFFFFF80  }
0x2e9: {  	[tilespmem:s17], [sflag:$0x2] =	stream.linear.gather [hbm4b:s5+s2], $0x40, $0x38;
	[tilespmem:$0x9600] =	vst v63  }
0x2ea: {  	_ =	swait.ge [sflag:s11], $0x40  }
0x2eb: {  	[sflag:s11] =	ssyncset.done $0x0  }
0x2ec: {  	[sflag:s11] =	ssyncadd.s32 $0xFFFFFFC0  }
0x2ed: {  	v1 =	vld [tilespmem:$0x9480]  }
0x2ee: {  	v2 =	vld [tilespmem:$0x9490]  }
0x2ef: {  	v3 =	vld [tilespmem:$0x94A0]  }
0x2f0: {  	v58 =	vld [tilespmem:$0x94B0];
	_ =	sdelay $0x1  }
0x2f1: {  	v1 =	vshll.u32 v1, $0xC  }
0x2f2: {  	[tilespmem:$0x9500] =	vst v1;
	v1 =	vshll.u32 v2, $0xC  }
0x2f3: {  	[tilespmem:$0x9510] =	vst v1;
	v1 =	vshll.u32 v3, $0xC  }
0x2f4: {  	[tilespmem:$0x9520] =	vst v1;
	v1 =	vshll.u32 v58, $0xC  }
0x2f5: {  	s5 =	rddreg [dreg:$0x15];
	[tilespmem:$0x9530] =	vst v1  }
0x2f6: {  	[tilespmem:s17], [sflag:$0x2] =	stream.linear.gather [hbm4b:s5+s2], $0x40, $0x38;
	[tilespmem:$0x9600] =	vst v63  }
0x2f7: {  	_ =	swait.ge [sflag:s11], $0x40  }
0x2f8: {  	[sflag:s11] =	ssyncset.done $0x0  }
0x2f9: {  	[sflag:s11] =	ssyncadd.s32 $0xFFFFFFC0  }
0x2fa: {  	v1 =	vld [tilespmem:$0x9500]  }
0x2fb: {  	v2 =	vld [tilespmem:$0x9480]  }
0x2fc: {  	v3 =	vld [tilespmem:$0x9510]  }
0x2fd: {  	v59 =	vld [tilespmem:$0x9490]  }
0x2fe: {  	v60 =	vld [tilespmem:$0x9520]  }
0x2ff: {  	v61 =	vld [tilespmem:$0x94A0]  }
0x300: {  	v62 =	vld [tilespmem:$0x9530]  }
0x301: {  	v63 =	vld [tilespmem:$0x94B0];
	_ =	sdelay $0x1  }
0x302: {  	v1 =	vadd.s32 v1, v2  }
0x303: {  	[tilespmem:$0x9500] =	vst v1;
	v1 =	vadd.s32 v3, v59  }
0x304: {  	[tilespmem:$0x9510] =	vst v1;
	v1 =	vadd.s32 v60, v61  }
0x305: {  	s4 =	simm.s32 $0x40;
	[tilespmem:$0x9520] =	vst v1;
	v1 =	vadd.s32 v62, v63  }
.Ltmp4:
0x306: {  	s17 =	simm.s32 $0x9500;
	s5 =	simm.s32 $0x9580;
	[tilespmem:$0x9530] =	vst v1;
	(pc) =	sbr.rel .LBB2_6-.Ltmp4, $4  }
0x307: {  	[hbm4b:s1+s4] =	stream.indirect.scatter [tilespmem:s5], [sflag:$0x1], $0x1, s17, s4, $0xb8;
	[tilespmem:$0x9600] =	vst v63  }
0x308: {  	_ =	swait.ge [sflag:s10], $0x40  }
0x309: {  	[sflag:s10] =	ssyncset.done $0x0  }
0x30a: {  	[sflag:s10] =	ssyncadd.s32 $0xFFFFFFC0  }
.LBB2_7:
0x30b: {  	_ =	sfence.sel $0x180000  }
0x30c: {  	[bflag:$0x0] =	sbarrier.arrive $0xFFFF  }
0x30d: {  	_ =	strace $0x9000004A  }
0x30e: {  	s0 =	stileid.u32;
	[bflag:$0x2] =	sbarrier.arrive $0xFFFF  }
0x30f: {  	p0 =	sne.s32 s0, $0x0;
	s0 =	rddreg [dreg:$0x7]  }
0x310: {  	s0 =	sadd.s32 @!p0 $0x100000, s0  }
0x311: {  	[sflag:s0] =	ssyncadd.tile.s32 @!p0 $0x1;
	_ =	shalt  }
.Lfunc_end2:
_tile_overlayer_lowered:
.L_overlay_start_2:
0x312: {  	(tag) =	ssettag $0x2  }
0x313: {  	s0 =	rddreg [dreg:$0x0];
	s2 =	stileid.u32  }
0x314: {  	s1 =	rddreg [dreg:$0x1];
	p0 =	sne.s32 s2, $0x0  }
0x315: {  	s3 =	rddreg [dreg:$0x2];
	[bflag:$0x3] =	sbarrier.arrive $0xFFFF;
	s2 =	simm.s32 @!p0 $0x1C02  }
0x316: {  	[timem:s3], [sflag:s2] =	dma.local @!p0 [hbm:s0], s1  }
0x317: {  	s0 =	simm.s32 @!p0 $0x2  }
0x318: {  	_ =	swait.ge @!p0 [sflag:s0], s1  }
0x319: {  	s1 =	ssub.s32 @!p0 $0x0, s1;
	[sflag:s0] =	ssyncset.done @!p0 $0x0  }
0x31a: {  	[sflag:s0] =	ssyncadd.s32 @!p0 s1  }
0x31b: {  	[bflag:$0x3] =	sbarrier.arrive $0xFFFF  }
0x31c: {  	_ =	shalt  }

</sc_bundles>
